<compile_context>
chip_gen: v7x
topology: tpu7x:2x2x1
jax: 0.10.2.dev20260603
libtpu: 0.0.44.dev20260713+nightly
codegen_flags: <defaults>
</compile_context>

<pallas_src>
import functools

import jax
import jax.numpy as jnp
from jax import lax
from jax.experimental import pallas as pl
from jax.experimental.pallas import tpu as pltpu
from jax.experimental.pallas import tpu_sc as plsc

N = 10000
E = 320000
D = 128
R = 4
H = 64
LD = 32

NC = 2
NS = 16
ECA = 100
RA = E // ECA
CPTA = 200
CPTA2 = 104
RPA = NS * CPTA
GA = 8
ECD = 128
RD = E // ECD
CPTD = 160
RPD = NS * CPTD
ZR = 200
NZC = N // ZR
NP = 10240


def _sc_mesh():
    return plsc.VectorSubcoreMesh(
        core_axis_name="c", subcore_axis_name="s", num_cores=NC, num_subcores=NS
    )


def _zero_acc(s, zrows, acc):
    for j in range(4):
        idx = s + NS * j

        @pl.when(idx < NZC)
        def _():
            pltpu.sync_copy(zrows, acc.at[pl.ds(idx * ZR, ZR)])


def _write_out(s, acc, outh):
    for j in range(4):
        idx = s + NS * j

        @pl.when(idx < NZC)
        def _():
            pltpu.sync_copy(acc.at[pl.ds(idx * ZR, ZR)], outh.at[pl.ds(idx * ZR, ZR)])


def _agg_loop(nck, tilebase, xh, src2d, dst2d, srcb, dstb, rows, acc,
              isem, gsem, ssem):

    def idx_start(g, p):
        base = tilebase + g * GA
        pltpu.async_copy(src2d.at[pl.ds(base, GA)], srcb.at[p], isem.at[p])
        pltpu.async_copy(dst2d.at[pl.ds(base, GA)], dstb.at[p], isem.at[p])

    def idx_wait(g, p):
        base = tilebase + g * GA
        pltpu.make_async_copy(src2d.at[pl.ds(base, GA)], srcb.at[p], isem.at[p]).wait()
        pltpu.make_async_copy(dst2d.at[pl.ds(base, GA)], dstb.at[p], isem.at[p]).wait()

    def g_start(m):
        p = jnp.bitwise_and(lax.shift_right_logical(m, 3), 1)
        j = jnp.bitwise_and(m, GA - 1)
        b = lax.rem(m, 3)
        pltpu.async_copy(xh.at[srcb.at[p, j]], rows.at[b], gsem.at[b])

    def g_wait(m):
        p = jnp.bitwise_and(lax.shift_right_logical(m, 3), 1)
        j = jnp.bitwise_and(m, GA - 1)
        b = lax.rem(m, 3)
        pltpu.make_async_copy(xh.at[srcb.at[p, j]], rows.at[b], gsem.at[b]).wait()

    def s_start(m):
        p = jnp.bitwise_and(lax.shift_right_logical(m, 3), 1)
        j = jnp.bitwise_and(m, GA - 1)
        b = lax.rem(m, 3)
        pltpu.async_copy(rows.at[b], acc.at[dstb.at[p, j]], ssem.at[b], add=True)

    def s_wait(m):
        p = jnp.bitwise_and(lax.shift_right_logical(m, 3), 1)
        j = jnp.bitwise_and(m, GA - 1)
        b = lax.rem(m, 3)
        pltpu.make_async_copy(rows.at[b], acc.at[dstb.at[p, j]], ssem.at[b]).wait()

    idx_start(0, 0)
    idx_wait(0, 0)
    pl.when(nck > 0)(lambda: g_start(0))

    def body(k, carry):
        j = jnp.bitwise_and(k, GA - 1)
        g = lax.shift_right_logical(k, 3)
        p = jnp.bitwise_and(g, 1)

        pl.when(jnp.logical_and(j == 2, (g + 1) * GA < nck))(
            lambda: idx_start(g + 1, 1 - p)
        )
        pl.when(jnp.logical_and(j == GA - 1, k + 1 < nck))(
            lambda: idx_wait(g + 1, 1 - p)
        )

        @pl.when(k + 1 < nck)
        def _():
            pl.when(k >= 2)(lambda: s_wait(k - 2))
            g_start(k + 1)

        g_wait(k)
        s_start(k)
        return carry

    lax.fori_loop(0, nck, body, None)
    for d in (3, 2, 1):
        pl.when(nck >= d)(lambda d=d: s_wait(nck - d))


def _agg_scratch(fw):
    return [
        pltpu.VMEM((2, GA, ECA), jnp.int32),
        pltpu.VMEM((2, GA, ECA), jnp.int32),
        pltpu.VMEM((3, ECA, fw), jnp.float32),
        pltpu.VMEM_SHARED((N, fw), jnp.float32),
        pltpu.SemaphoreType.DMA((2,)),
        pltpu.SemaphoreType.DMA((3,)),
        pltpu.SemaphoreType.DMA((3,)),
    ]


def _make_agg_esplit(fw=D, tc_tiling=True):

    @functools.partial(
        pl.kernel,
        out_type=(
            jax.ShapeDtypeStruct((N, fw), jnp.float32),
            jax.ShapeDtypeStruct((N, fw), jnp.float32),
        ),
        mesh=_sc_mesh(),
        scratch_types=_agg_scratch(fw),
        compiler_params=pltpu.CompilerParams(use_tc_tiling_on_sc=tc_tiling),
    )
    def agg(x, src2d, dst2d, zrows, out0, out1, srcb, dstb, rows, acc, isem, gsem, ssem):
        c = lax.axis_index("c")
        s = lax.axis_index("s")
        w = c * NS + s

        _zero_acc(s, zrows, acc)
        nck = jnp.clip(RA - w * CPTA2, 0, CPTA2)

        plsc.subcore_barrier()
        _agg_loop(nck, w * CPTA2, x, src2d, dst2d, srcb, dstb, rows, acc,
                  isem, gsem, ssem)
        plsc.subcore_barrier()

        pl.when(c == 0)(lambda: _write_out(s, acc, out0))
        pl.when(c == 1)(lambda: _write_out(s, acc, out1))

    return agg


def _make_agg_fsplit():

    @functools.partial(
        pl.kernel,
        out_type=(
            jax.ShapeDtypeStruct((N, D), jnp.float32),
            jax.ShapeDtypeStruct((N, D), jnp.float32),
        ),
        mesh=_sc_mesh(),
        scratch_types=_agg_scratch(D),
    )
    def agg(x0, x1, src2d, dst2d, zrows, out0, out1, srcb, dstb, rows, acc,
            isem, gsem, ssem):
        c = lax.axis_index("c")
        s = lax.axis_index("s")

        _zero_acc(s, zrows, acc)
        nck = jnp.clip(RA - s * CPTA, 0, CPTA)

        plsc.subcore_barrier()

        def run(xh, outh):
            _agg_loop(nck, s * CPTA, xh, src2d, dst2d, srcb, dstb, rows, acc,
                      isem, gsem, ssem)
            plsc.subcore_barrier()
            _write_out(s, acc, outh)

        pl.when(c == 0)(lambda: run(x0, out0))
        pl.when(c == 1)(lambda: run(x1, out1))

    return agg


def _make_deg():

    @functools.partial(
        pl.kernel,
        out_type=jax.ShapeDtypeStruct((NC * NS * NP,), jnp.float32),
        mesh=_sc_mesh(),
        scratch_types=[
            pltpu.VMEM((CPTD, ECD), jnp.int32),
            pltpu.VMEM((NP,), jnp.float32),
            pltpu.SemaphoreType.DMA((2,)),
        ],
        compiler_params=pltpu.CompilerParams(needs_layout_passes=False),
    )
    def deg(idx2d, zflat, out, idxb, counts, dsem):
        c = lax.axis_index("c")
        s = lax.axis_index("s")
        w = c * NS + s

        pltpu.async_copy(zflat, counts, dsem.at[0]).wait()
        pltpu.async_copy(
            idx2d.at[pl.ds(c * RPD + s * CPTD, CPTD)], idxb, dsem.at[1]
        ).wait()
        nck = jnp.clip(RD - s * CPTD, 0, CPTD)

        ones16 = jnp.full((16,), 1.0, jnp.float32)

        def body(k, carry):
            for j in range(ECD // 16):
                v = idxb[k, pl.ds(j * 16, 16)]
                plsc.addupdate_scatter(counts, [v], ones16)
            return carry

        lax.fori_loop(0, nck, body, None)

        pltpu.async_copy(counts, out.at[pl.ds(w * NP, NP)], dsem.at[0]).wait()

    return deg


def _dot(a, b):
    return jnp.dot(a, b, preferred_element_type=jnp.float32)


def _tc_call(body, out_shapes):
    return pl.pallas_call(
        body,
        out_shape=tuple(jax.ShapeDtypeStruct(s, jnp.float32) for s in out_shapes),
    )


BR = 2000


def _rb_spec(shape):
    if shape[0] == N:
        nd = len(shape)
        return pl.BlockSpec((BR,) + shape[1:], lambda i: (i,) + (0,) * (nd - 1))
    return pl.BlockSpec(shape, lambda i: (0,) * len(shape))


def _tc_rowblock(body, in_shapes, out_shapes):
    return pl.pallas_call(
        body,
        grid=(N // BR,),
        in_specs=[_rb_spec(s) for s in in_shapes],
        out_specs=tuple(_rb_spec(s) for s in out_shapes),
        out_shape=tuple(jax.ShapeDtypeStruct(s, jnp.float32) for s in out_shapes),
    )


def _degsum_body(csr, cdr, gs_r, gd_r):
    gs_r[...] = jnp.sum(csr[...], axis=0)
    gd_r[...] = jnp.sum(cdr[...], axis=0)


def _prep_body(dsr, ddr, xr, inv_s_r, inv_d_r, xs_r):
    ds = dsr[...]
    dd = ddr[...]
    inv_s = jnp.where(ds > 0, lax.rsqrt(jnp.maximum(ds, 1.0)), 0.0)
    inv_d = jnp.where(dd > 0, lax.rsqrt(jnp.maximum(dd, 1.0)), 0.0)
    inv_s_r[...] = inv_s
    inv_d_r[...] = inv_d
    xs_r[...] = xr[...] * inv_s


def _mix1_body(p0r, p1r, invdr, invsr, wr, g0r, g1r):
    y = (p0r[...] + p1r[...]) * invdr[...]
    g = jnp.tanh(_dot(y, wr[...])) * invsr[...]
    g0r[...] = g[:, :D]
    g1r[...] = g[:, D:]


def _mix2_body(y0r, y1r, invdr, invsr, w2r, wcr, qr):
    y = jnp.concatenate([y0r[...], y1r[...]], axis=1) * invdr[...]
    z = jnp.tanh(_dot(y, w2r[...])) * invsr[...]
    qr[...] = _dot(z, wcr[...])


def _fin_body(y0r, y1r, invdr, zmr, zvr):
    yw = (y0r[...] + y1r[...]) * invdr[...]
    p = yw[:, :LD]
    nrm = jnp.sqrt(jnp.sum(p * p, axis=1, keepdims=True))
    zmr[...] = p / (1e-4 + nrm)
    v = yw[:, LD:LD + 1]
    zvr[...] = jnp.log1p(jnp.exp(-jnp.abs(v))) + jnp.maximum(v, 0.0) + 1.0


@jax.jit
def kernel(x, edge_index, Ws1, Ws2, Wm, Ws):
    ei = edge_index.astype(jnp.int32)
    eia = jnp.concatenate([ei, jnp.zeros((2, RPA * ECA - E), jnp.int32)], axis=1)
    src2d = eia[0].reshape(RPA, ECA)
    dst2d = eia[1].reshape(RPA, ECA)
    eid = jnp.concatenate([ei, jnp.zeros((2, RPD * ECD - E), jnp.int32)], axis=1)
    src2d_d = eid[0].reshape(RPD, ECD)
    dst2d_d = eid[1].reshape(RPD, ECD)

    w1cat = jnp.concatenate(Ws1, axis=1)
    w2bd = jnp.zeros((R * H, R * H), jnp.float32)
    for r in range(R):
        w2bd = w2bd.at[r * H:(r + 1) * H, r * H:(r + 1) * H].set(Ws2[r])
    wcat = jnp.zeros((R * H, 48), jnp.float32)
    wcat = wcat.at[:, :LD].set(Wm).at[:, LD].set(Ws[:, 0])

    zflat = jnp.zeros((NP,), jnp.float32)
    z128 = jnp.zeros((ZR, D), jnp.float32)
    z48 = jnp.zeros((ZR, 48), jnp.float32)

    idx2d = jnp.concatenate([src2d_d, dst2d_d], axis=0)
    cnt = _make_deg()(idx2d, zflat).reshape(NC, NS, NP // D, D)
    grid_s, grid_d = _tc_call(_degsum_body, [(NP // D, D), (NP // D, D)])(
        cnt[0], cnt[1]
    )
    deg_s = grid_s.reshape(-1)[:N].reshape(N, 1)
    deg_d = grid_d.reshape(-1)[:N].reshape(N, 1)

    inv_s, inv_d, xs = _tc_rowblock(
        _prep_body, [(N, 1), (N, 1), (N, D)], [(N, 1), (N, 1), (N, D)]
    )(deg_s, deg_d, x)

    p0, p1 = _make_agg_esplit()(xs, src2d, dst2d, z128)

    g0, g1 = _tc_rowblock(
        _mix1_body,
        [(N, D), (N, D), (N, 1), (N, 1), (D, R * H)],
        [(N, D), (N, D)],
    )(p0, p1, inv_d, inv_s, w1cat)

    y20, y21 = _make_agg_fsplit()(g0, g1, src2d, dst2d, z128)

    qp = _tc_rowblock(
        _mix2_body,
        [(N, D), (N, D), (N, 1), (N, 1), (R * H, R * H), (R * H, 48)],
        [(N, 48)],
    )(y20, y21, inv_d, inv_s, w2bd, wcat)[0]

    y3a, y3b = _make_agg_esplit(48, False)(qp, src2d, dst2d, z48)

    z_mean, z_var = _tc_rowblock(
        _fin_body,
        [(N, 48), (N, 48), (N, 1)],
        [(N, LD), (N, 1)],
    )(y3a, y3b, inv_d)

    return z_mean, z_mean, z_var

# --- scband reference (transcript-rebuilt; emitter-appended) ---
"""Pipeline reference for scband-mixture-of-s-gcns-1056561954830 (READ-ONLY COPY).

The authoritative reference and input builder live on the scoring server;
editing this copy changes nothing except your own understanding.
"""

import jax, jax.numpy as jnp
import numpy as np

N = 10000
E = 320000
D = 128
R = 4
H = 64
LD = 32


def _degrees(src, dst, n):
    ones = jnp.ones((src.shape[0],), jnp.float32)
    deg_src = jax.ops.segment_sum(ones, src, num_segments=n)
    deg_dst = jax.ops.segment_sum(ones, dst, num_segments=n)
    inv_sqrt_src = jnp.where(deg_src > 0, 1.0 / jnp.sqrt(jnp.maximum(deg_src, 1.0)), 0.0)
    inv_sqrt_dst = jnp.where(deg_dst > 0, 1.0 / jnp.sqrt(jnp.maximum(deg_dst, 1.0)), 0.0)
    return inv_sqrt_src, inv_sqrt_dst


def graph_conv(x, W, src, dst, inv_sqrt_src, inv_sqrt_dst, n):
    # DGL GraphConv, norm='both', weight=True, bias=False:
    # h = D_dst^{-1/2} A (D_src^{-1/2} x W)
    h = x * inv_sqrt_src[:, None]
    h = h @ W
    msg = jnp.take(h, src, axis=0)
    out = jax.ops.segment_sum(msg, dst, num_segments=n)
    out = out * inv_sqrt_dst[:, None]
    return out


def setup_inputs(seed: int = 0) -> dict:
    key = jax.random.key(seed)
    ks = jax.random.split(key, 16)
    x = jax.random.normal(ks[0], (N, D), dtype=jnp.float32)
    edge_index = jax.random.randint(ks[1], (2, E), 0, N, dtype=jnp.int64)
    Ws1 = [jax.random.normal(ks[2 + i], (D, H), dtype=jnp.float32) / np.sqrt(D) for i in range(R)]
    Ws2 = [jax.random.normal(ks[6 + i], (H, H), dtype=jnp.float32) / np.sqrt(H) for i in range(R)]
    Wm = jax.random.normal(ks[10], (R * H, LD), dtype=jnp.float32) / np.sqrt(R * H)
    Ws = jax.random.normal(ks[11], (R * H, 1), dtype=jnp.float32) / np.sqrt(R * H)
    return {"x": x, "edge_index": edge_index, "Ws1": Ws1, "Ws2": Ws2, "Wm": Wm, "Ws": Ws}


def reference(x, edge_index, Ws1, Ws2, Wm, Ws):
    src = edge_index[0]
    dst = edge_index[1]
    inv_s, inv_d = _degrees(src, dst, N)
    Z = []
    for r in range(R):
        h = jnp.tanh(graph_conv(x, Ws1[r], src, dst, inv_s, inv_d, N))
        h = jnp.tanh(graph_conv(h, Ws2[r], src, dst, inv_s, inv_d, N))
        Z.append(h)
    Z = jnp.concatenate(Z, axis=1)
    z_mean = graph_conv(Z, Wm, src, dst, inv_s, inv_d, N)
    z_mean = z_mean / (0.0001 + jnp.linalg.norm(z_mean, axis=-1, keepdims=True))
    z_var = jax.nn.softplus(graph_conv(Z, Ws, src, dst, inv_s, inv_d, N)) + 1.0
    # vMF rsample replaced by deterministic mode (mean direction) for reproducibility
    z = z_mean
    return (z, z_mean, z_var)

if __name__ == "__main__":
    import jax
    _d = setup_inputs()
    print(jax.jit(kernel)(*tuple(_d.values())))

</pallas_src>

<mosaic_0001>
#map = affine_map<(d0, d1) -> (0, 0)>
module attributes {stable_mosaic.version = 14 : i64} {
  func.func @agg(%arg0: i32, %arg1: i32, %arg2: memref<10000x128xf32, #tpu.memory_space<hbm>>, %arg3: memref<10000x128xf32, #tpu.memory_space<hbm>>, %arg4: memref<3200x100xi32, #tpu.memory_space<hbm>>, %arg5: memref<3200x100xi32, #tpu.memory_space<hbm>>, %arg6: memref<200x128xf32, #tpu.memory_space<hbm>>, %arg7: memref<10000x128xf32, #tpu.memory_space<hbm>>, %arg8: memref<10000x128xf32, #tpu.memory_space<hbm>>, %arg9: memref<2x8x100xi32, #tpu.memory_space<vmem>>, %arg10: memref<2x8x100xi32, #tpu.memory_space<vmem>>, %arg11: memref<3x100x128xf32, #tpu.memory_space<vmem>>, %arg12: memref<10000x128xf32, #tpu.memory_space<vmem_shared>>, %arg13: memref<2x!tpu.dma_semaphore, #tpu.memory_space<semaphore_mem>>, %arg14: memref<3x!tpu.dma_semaphore, #tpu.memory_space<semaphore_mem>>, %arg15: memref<3x!tpu.dma_semaphore, #tpu.memory_space<semaphore_mem>>) attributes {dimension_semantics = [#tpu.dimension_semantics<core_parallel>, #tpu.dimension_semantics<subcore_parallel>], iteration_bounds = array<i64: 2, 16>, scalar_prefetch = 0 : i64, scratch_operands = 7 : i64, tpu.core_type = #tpu.core_type<sc_vector_subcore>, window_params = [{transform_indices = #map}, {transform_indices = #map}, {transform_indices = #map}, {transform_indices = #map}, {transform_indices = #map}, {transform_indices = #map}, {transform_indices = #map}]} {
    %add3A = arith.constant 0 : i32
    %add3A_0 = arith.addi %arg1, %add3A : i32
    %lt3A = arith.constant 50 : i32
    %lt3A_1 = arith.cmpi slt, %add3A_0, %lt3A : i32
    %convert_element_type3A = arith.extui %lt3A_1 : i1 to i32
    %cond3A = arith.constant 0 : i32
    %cond3A_2 = arith.cmpi ne, %convert_element_type3A, %cond3A : i32
    scf.if %cond3A_2 {
      %mul3A_36 = arith.constant 200 : i32
      %mul3A_37 = arith.muli %add3A_0, %mul3A_36 : i32
      "tpu.region"() ({
        %run_scoped3A = tpu.sem_alloc : memref<!tpu.dma_semaphore, #tpu.memory_space<semaphore_mem>>
        %dma_start3A = arith.constant 0 : i32
        %dma_start3A_38 = tpu.memref_slice %arg12[%mul3A_37, %dma_start3A] : memref<10000x128xf32, #tpu.memory_space<vmem_shared>> -> memref<200x128xf32, #tpu.memory_space<vmem_shared>>
        tpu.enqueue_dma source(%arg6 : memref<200x128xf32, #tpu.memory_space<hbm>>) target(%dma_start3A_38 : memref<200x128xf32, #tpu.memory_space<vmem_shared>>) target_semaphore(%run_scoped3A : memref<!tpu.dma_semaphore, #tpu.memory_space<semaphore_mem>>)
        %dma_wait3A = arith.constant 0 : i32
        %dma_wait3A_39 = tpu.memref_slice %arg12[%mul3A_37, %dma_wait3A] : memref<10000x128xf32, #tpu.memory_space<vmem_shared>> -> memref<200x128xf32, #tpu.memory_space<vmem_shared>>
        tpu.wait_dma2 semaphore(%run_scoped3A : memref<!tpu.dma_semaphore, #tpu.memory_space<semaphore_mem>>) src(%arg6 : memref<200x128xf32, #tpu.memory_space<hbm>>) dst(%dma_wait3A_39 : memref<200x128xf32, #tpu.memory_space<vmem_shared>>)
        tpu.yield
      }) : () -> ()
    } else {
    }
    %add3A_3 = arith.constant 16 : i32
    %add3A_4 = arith.addi %arg1, %add3A_3 : i32
    %lt3A_5 = arith.constant 50 : i32
    %lt3A_6 = arith.cmpi slt, %add3A_4, %lt3A_5 : i32
    %convert_element_type3A_7 = arith.extui %lt3A_6 : i1 to i32
    %cond3A_8 = arith.constant 0 : i32
    %cond3A_9 = arith.cmpi ne, %convert_element_type3A_7, %cond3A_8 : i32
    scf.if %cond3A_9 {
      %mul3A_36 = arith.constant 200 : i32
      %mul3A_37 = arith.muli %add3A_4, %mul3A_36 : i32
      "tpu.region"() ({
        %run_scoped3A = tpu.sem_alloc : memref<!tpu.dma_semaphore, #tpu.memory_space<semaphore_mem>>
        %dma_start3A = arith.constant 0 : i32
        %dma_start3A_38 = tpu.memref_slice %arg12[%mul3A_37, %dma_start3A] : memref<10000x128xf32, #tpu.memory_space<vmem_shared>> -> memref<200x128xf32, #tpu.memory_space<vmem_shared>>
        tpu.enqueue_dma source(%arg6 : memref<200x128xf32, #tpu.memory_space<hbm>>) target(%dma_start3A_38 : memref<200x128xf32, #tpu.memory_space<vmem_shared>>) target_semaphore(%run_scoped3A : memref<!tpu.dma_semaphore, #tpu.memory_space<semaphore_mem>>)
        %dma_wait3A = arith.constant 0 : i32
        %dma_wait3A_39 = tpu.memref_slice %arg12[%mul3A_37, %dma_wait3A] : memref<10000x128xf32, #tpu.memory_space<vmem_shared>> -> memref<200x128xf32, #tpu.memory_space<vmem_shared>>
        tpu.wait_dma2 semaphore(%run_scoped3A : memref<!tpu.dma_semaphore, #tpu.memory_space<semaphore_mem>>) src(%arg6 : memref<200x128xf32, #tpu.memory_space<hbm>>) dst(%dma_wait3A_39 : memref<200x128xf32, #tpu.memory_space<vmem_shared>>)
        tpu.yield
      }) : () -> ()
    } else {
    }
    %add3A_10 = arith.constant 32 : i32
    %add3A_11 = arith.addi %arg1, %add3A_10 : i32
    %lt3A_12 = arith.constant 50 : i32
    %lt3A_13 = arith.cmpi slt, %add3A_11, %lt3A_12 : i32
    %convert_element_type3A_14 = arith.extui %lt3A_13 : i1 to i32
    %cond3A_15 = arith.constant 0 : i32
    %cond3A_16 = arith.cmpi ne, %convert_element_type3A_14, %cond3A_15 : i32
    scf.if %cond3A_16 {
      %mul3A_36 = arith.constant 200 : i32
      %mul3A_37 = arith.muli %add3A_11, %mul3A_36 : i32
      "tpu.region"() ({
        %run_scoped3A = tpu.sem_alloc : memref<!tpu.dma_semaphore, #tpu.memory_space<semaphore_mem>>
        %dma_start3A = arith.constant 0 : i32
        %dma_start3A_38 = tpu.memref_slice %arg12[%mul3A_37, %dma_start3A] : memref<10000x128xf32, #tpu.memory_space<vmem_shared>> -> memref<200x128xf32, #tpu.memory_space<vmem_shared>>
        tpu.enqueue_dma source(%arg6 : memref<200x128xf32, #tpu.memory_space<hbm>>) target(%dma_start3A_38 : memref<200x128xf32, #tpu.memory_space<vmem_shared>>) target_semaphore(%run_scoped3A : memref<!tpu.dma_semaphore, #tpu.memory_space<semaphore_mem>>)
        %dma_wait3A = arith.constant 0 : i32
        %dma_wait3A_39 = tpu.memref_slice %arg12[%mul3A_37, %dma_wait3A] : memref<10000x128xf32, #tpu.memory_space<vmem_shared>> -> memref<200x128xf32, #tpu.memory_space<vmem_shared>>
        tpu.wait_dma2 semaphore(%run_scoped3A : memref<!tpu.dma_semaphore, #tpu.memory_space<semaphore_mem>>) src(%arg6 : memref<200x128xf32, #tpu.memory_space<hbm>>) dst(%dma_wait3A_39 : memref<200x128xf32, #tpu.memory_space<vmem_shared>>)
        tpu.yield
      }) : () -> ()
    } else {
    }
    %add3A_17 = arith.constant 48 : i32
    %add3A_18 = arith.addi %arg1, %add3A_17 : i32
    %lt3A_19 = arith.constant 50 : i32
    %lt3A_20 = arith.cmpi slt, %add3A_18, %lt3A_19 : i32
    %convert_element_type3A_21 = arith.extui %lt3A_20 : i1 to i32
    %cond3A_22 = arith.constant 0 : i32
    %cond3A_23 = arith.cmpi ne, %convert_element_type3A_21, %cond3A_22 : i32
    scf.if %cond3A_23 {
      %mul3A_36 = arith.constant 200 : i32
      %mul3A_37 = arith.muli %add3A_18, %mul3A_36 : i32
      "tpu.region"() ({
        %run_scoped3A = tpu.sem_alloc : memref<!tpu.dma_semaphore, #tpu.memory_space<semaphore_mem>>
        %dma_start3A = arith.constant 0 : i32
        %dma_start3A_38 = tpu.memref_slice %arg12[%mul3A_37, %dma_start3A] : memref<10000x128xf32, #tpu.memory_space<vmem_shared>> -> memref<200x128xf32, #tpu.memory_space<vmem_shared>>
        tpu.enqueue_dma source(%arg6 : memref<200x128xf32, #tpu.memory_space<hbm>>) target(%dma_start3A_38 : memref<200x128xf32, #tpu.memory_space<vmem_shared>>) target_semaphore(%run_scoped3A : memref<!tpu.dma_semaphore, #tpu.memory_space<semaphore_mem>>)
        %dma_wait3A = arith.constant 0 : i32
        %dma_wait3A_39 = tpu.memref_slice %arg12[%mul3A_37, %dma_wait3A] : memref<10000x128xf32, #tpu.memory_space<vmem_shared>> -> memref<200x128xf32, #tpu.memory_space<vmem_shared>>
        tpu.wait_dma2 semaphore(%run_scoped3A : memref<!tpu.dma_semaphore, #tpu.memory_space<semaphore_mem>>) src(%arg6 : memref<200x128xf32, #tpu.memory_space<hbm>>) dst(%dma_wait3A_39 : memref<200x128xf32, #tpu.memory_space<vmem_shared>>)
        tpu.yield
      }) : () -> ()
    } else {
    }
    %mul3A = arith.constant 200 : i32
    %mul3A_24 = arith.muli %arg1, %mul3A : i32
    %sub3A = arith.constant 3200 : i32
    %sub3A_25 = arith.subi %sub3A, %mul3A_24 : i32
    %jit3A = arith.constant 0 : i32
    %jit3A_26 = arith.constant 200 : i32
    %max3A = arith.maxsi %jit3A, %sub3A_25 : i32
    %min3A = arith.minsi %jit3A_26, %max3A : i32
    %barrier3A = arith.constant 0 : index
    tpu.barrier barrier_id(%barrier3A)
    %eq3A = arith.constant 0 : i32
    %eq3A_27 = arith.cmpi eq, %arg0, %eq3A : i32
    %convert_element_type3A_28 = arith.extui %eq3A_27 : i1 to i32
    %cond3A_29 = arith.constant 0 : i32
    %cond3A_30 = arith.cmpi ne, %convert_element_type3A_28, %cond3A_29 : i32
    scf.if %cond3A_30 {
      %mul3A_36 = arith.constant 200 : i32
      %mul3A_37 = arith.muli %arg1, %mul3A_36 : i32
      %add3A_38 = arith.constant 0 : i32
      %add3A_39 = arith.addi %mul3A_37, %add3A_38 : i32
      %dma_start3A = arith.constant 0 : i32
      %dma_start3A_40 = arith.constant 0 : i32
      %dma_start3A_41 = arith.constant 0 : i32
      %dma_start3A_42 = arith.constant 0 : i32
      %dma_start3A_43 = tpu.memref_slice %arg9[%dma_start3A, %dma_start3A_41, %dma_start3A_42] : memref<2x8x100xi32, #tpu.memory_space<vmem>> -> memref<1x8x100xi32, #tpu.memory_space<vmem>>
      %dma_start3A_44 = tpu.memref_squeeze %dma_start3A_43 : memref<1x8x100xi32, #tpu.memory_space<vmem>> -> memref<8x100xi32, #tpu.memory_space<vmem>>
      %dma_start3A_45 = arith.constant 0 : i32
      %dma_start3A_46 = tpu.memref_slice %arg4[%add3A_39, %dma_start3A_45] : memref<3200x100xi32, #tpu.memory_space<hbm>> -> memref<8x100xi32, #tpu.memory_space<hbm>>
      %dma_start3A_47 = tpu.memref_slice %arg13[%dma_start3A_40] : memref<2x!tpu.dma_semaphore, #tpu.memory_space<semaphore_mem>> -> memref<1x!tpu.dma_semaphore, #tpu.memory_space<semaphore_mem>>
      %dma_start3A_48 = tpu.memref_squeeze %dma_start3A_47 : memref<1x!tpu.dma_semaphore, #tpu.memory_space<semaphore_mem>> -> memref<!tpu.dma_semaphore, #tpu.memory_space<semaphore_mem>>
      %dma_start3A_49 = arith.constant 0 : i32
      %dma_start3A_50 = arith.constant 0 : i32
      %dma_start3A_51 = tpu.memref_slice %arg9[%dma_start3A, %dma_start3A_49, %dma_start3A_50] : memref<2x8x100xi32, #tpu.memory_space<vmem>> -> memref<1x8x100xi32, #tpu.memory_space<vmem>>
      %dma_start3A_52 = tpu.memref_squeeze %dma_start3A_51 : memref<1x8x100xi32, #tpu.memory_space<vmem>> -> memref<8x100xi32, #tpu.memory_space<vmem>>
      %dma_start3A_53 = arith.constant 0 : i32
      %dma_start3A_54 = tpu.memref_slice %arg4[%add3A_39, %dma_start3A_53] : memref<3200x100xi32, #tpu.memory_space<hbm>> -> memref<8x100xi32, #tpu.memory_space<hbm>>
      tpu.enqueue_dma source(%dma_start3A_54 : memref<8x100xi32, #tpu.memory_space<hbm>>) target(%dma_start3A_52 : memref<8x100xi32, #tpu.memory_space<vmem>>) target_semaphore(%dma_start3A_48 : memref<!tpu.dma_semaphore, #tpu.memory_space<semaphore_mem>>)
      %dma_start3A_55 = arith.constant 0 : i32
      %dma_start3A_56 = arith.constant 0 : i32
      %dma_start3A_57 = arith.constant 0 : i32
      %dma_start3A_58 = arith.constant 0 : i32
      %dma_start3A_59 = tpu.memref_slice %arg10[%dma_start3A_55, %dma_start3A_57, %dma_start3A_58] : memref<2x8x100xi32, #tpu.memory_space<vmem>> -> memref<1x8x100xi32, #tpu.memory_space<vmem>>
      %dma_start3A_60 = tpu.memref_squeeze %dma_start3A_59 : memref<1x8x100xi32, #tpu.memory_space<vmem>> -> memref<8x100xi32, #tpu.memory_space<vmem>>
      %dma_start3A_61 = arith.constant 0 : i32
      %dma_start3A_62 = tpu.memref_slice %arg5[%add3A_39, %dma_start3A_61] : memref<3200x100xi32, #tpu.memory_space<hbm>> -> memref<8x100xi32, #tpu.memory_space<hbm>>
      %dma_start3A_63 = tpu.memref_slice %arg13[%dma_start3A_56] : memref<2x!tpu.dma_semaphore, #tpu.memory_space<semaphore_mem>> -> memref<1x!tpu.dma_semaphore, #tpu.memory_space<semaphore_mem>>
      %dma_start3A_64 = tpu.memref_squeeze %dma_start3A_63 : memref<1x!tpu.dma_semaphore, #tpu.memory_space<semaphore_mem>> -> memref<!tpu.dma_semaphore, #tpu.memory_space<semaphore_mem>>
      %dma_start3A_65 = arith.constant 0 : i32
      %dma_start3A_66 = arith.constant 0 : i32
      %dma_start3A_67 = tpu.memref_slice %arg10[%dma_start3A_55, %dma_start3A_65, %dma_start3A_66] : memref<2x8x100xi32, #tpu.memory_space<vmem>> -> memref<1x8x100xi32, #tpu.memory_space<vmem>>
      %dma_start3A_68 = tpu.memref_squeeze %dma_start3A_67 : memref<1x8x100xi32, #tpu.memory_space<vmem>> -> memref<8x100xi32, #tpu.memory_space<vmem>>
      %dma_start3A_69 = arith.constant 0 : i32
      %dma_start3A_70 = tpu.memref_slice %arg5[%add3A_39, %dma_start3A_69] : memref<3200x100xi32, #tpu.memory_space<hbm>> -> memref<8x100xi32, #tpu.memory_space<hbm>>
      tpu.enqueue_dma source(%dma_start3A_70 : memref<8x100xi32, #tpu.memory_space<hbm>>) target(%dma_start3A_68 : memref<8x100xi32, #tpu.memory_space<vmem>>) target_semaphore(%dma_start3A_64 : memref<!tpu.dma_semaphore, #tpu.memory_space<semaphore_mem>>)
      %add3A_71 = arith.constant 0 : i32
      %add3A_72 = arith.addi %mul3A_37, %add3A_71 : i32
      %dma_wait3A = arith.constant 0 : i32
      %dma_wait3A_73 = arith.constant 0 : i32
      %dma_wait3A_74 = arith.constant 0 : i32
      %dma_wait3A_75 = arith.constant 0 : i32
      %dma_wait3A_76 = tpu.memref_slice %arg9[%dma_wait3A, %dma_wait3A_74, %dma_wait3A_75] : memref<2x8x100xi32, #tpu.memory_space<vmem>> -> memref<1x8x100xi32, #tpu.memory_space<vmem>>
      %dma_wait3A_77 = tpu.memref_squeeze %dma_wait3A_76 : memref<1x8x100xi32, #tpu.memory_space<vmem>> -> memref<8x100xi32, #tpu.memory_space<vmem>>
      %dma_wait3A_78 = arith.constant 0 : i32
      %dma_wait3A_79 = tpu.memref_slice %arg4[%add3A_72, %dma_wait3A_78] : memref<3200x100xi32, #tpu.memory_space<hbm>> -> memref<8x100xi32, #tpu.memory_space<hbm>>
      %dma_wait3A_80 = tpu.memref_slice %arg13[%dma_wait3A_73] : memref<2x!tpu.dma_semaphore, #tpu.memory_space<semaphore_mem>> -> memref<1x!tpu.dma_semaphore, #tpu.memory_space<semaphore_mem>>
      %dma_wait3A_81 = tpu.memref_squeeze %dma_wait3A_80 : memref<1x!tpu.dma_semaphore, #tpu.memory_space<semaphore_mem>> -> memref<!tpu.dma_semaphore, #tpu.memory_space<semaphore_mem>>
      %dma_wait3A_82 = arith.constant 0 : i32
      %dma_wait3A_83 = arith.constant 0 : i32
      %dma_wait3A_84 = tpu.memref_slice %arg9[%dma_wait3A, %dma_wait3A_82, %dma_wait3A_83] : memref<2x8x100xi32, #tpu.memory_space<vmem>> -> memref<1x8x100xi32, #tpu.memory_space<vmem>>
      %dma_wait3A_85 = tpu.memref_squeeze %dma_wait3A_84 : memref<1x8x100xi32, #tpu.memory_space<vmem>> -> memref<8x100xi32, #tpu.memory_space<vmem>>
      %dma_wait3A_86 = arith.constant 0 : i32
      %dma_wait3A_87 = tpu.memref_slice %arg4[%add3A_72, %dma_wait3A_86] : memref<3200x100xi32, #tpu.memory_space<hbm>> -> memref<8x100xi32, #tpu.memory_space<hbm>>
      tpu.wait_dma2 semaphore(%dma_wait3A_81 : memref<!tpu.dma_semaphore, #tpu.memory_space<semaphore_mem>>) src(%dma_wait3A_87 : memref<8x100xi32, #tpu.memory_space<hbm>>) dst(%dma_wait3A_85 : memref<8x100xi32, #tpu.memory_space<vmem>>)
      %dma_wait3A_88 = arith.constant 0 : i32
      %dma_wait3A_89 = arith.constant 0 : i32
      %dma_wait3A_90 = arith.constant 0 : i32
      %dma_wait3A_91 = arith.constant 0 : i32
      %dma_wait3A_92 = tpu.memref_slice %arg10[%dma_wait3A_88, %dma_wait3A_90, %dma_wait3A_91] : memref<2x8x100xi32, #tpu.memory_space<vmem>> -> memref<1x8x100xi32, #tpu.memory_space<vmem>>
      %dma_wait3A_93 = tpu.memref_squeeze %dma_wait3A_92 : memref<1x8x100xi32, #tpu.memory_space<vmem>> -> memref<8x100xi32, #tpu.memory_space<vmem>>
      %dma_wait3A_94 = arith.constant 0 : i32
      %dma_wait3A_95 = tpu.memref_slice %arg5[%add3A_72, %dma_wait3A_94] : memref<3200x100xi32, #tpu.memory_space<hbm>> -> memref<8x100xi32, #tpu.memory_space<hbm>>
      %dma_wait3A_96 = tpu.memref_slice %arg13[%dma_wait3A_89] : memref<2x!tpu.dma_semaphore, #tpu.memory_space<semaphore_mem>> -> memref<1x!tpu.dma_semaphore, #tpu.memory_space<semaphore_mem>>
      %dma_wait3A_97 = tpu.memref_squeeze %dma_wait3A_96 : memref<1x!tpu.dma_semaphore, #tpu.memory_space<semaphore_mem>> -> memref<!tpu.dma_semaphore, #tpu.memory_space<semaphore_mem>>
      %dma_wait3A_98 = arith.constant 0 : i32
      %dma_wait3A_99 = arith.constant 0 : i32
      %dma_wait3A_100 = tpu.memref_slice %arg10[%dma_wait3A_88, %dma_wait3A_98, %dma_wait3A_99] : memref<2x8x100xi32, #tpu.memory_space<vmem>> -> memref<1x8x100xi32, #tpu.memory_space<vmem>>
      %dma_wait3A_101 = tpu.memref_squeeze %dma_wait3A_100 : memref<1x8x100xi32, #tpu.memory_space<vmem>> -> memref<8x100xi32, #tpu.memory_space<vmem>>
      %dma_wait3A_102 = arith.constant 0 : i32
      %dma_wait3A_103 = tpu.memref_slice %arg5[%add3A_72, %dma_wait3A_102] : memref<3200x100xi32, #tpu.memory_space<hbm>> -> memref<8x100xi32, #tpu.memory_space<hbm>>
      tpu.wait_dma2 semaphore(%dma_wait3A_97 : memref<!tpu.dma_semaphore, #tpu.memory_space<semaphore_mem>>) src(%dma_wait3A_103 : memref<8x100xi32, #tpu.memory_space<hbm>>) dst(%dma_wait3A_101 : memref<8x100xi32, #tpu.memory_space<vmem>>)
      %gt3A = arith.constant 0 : i32
      %gt3A_104 = arith.cmpi sgt, %min3A, %gt3A : i32
      %convert_element_type3A_105 = arith.extui %gt3A_104 : i1 to i32
      %cond3A_106 = arith.constant 0 : i32
      %cond3A_107 = arith.cmpi ne, %convert_element_type3A_105, %cond3A_106 : i32
      scf.if %cond3A_107 {
        %shift_right_logical3A = arith.constant 0 : i32
        %shift_right_logical3A_159 = arith.constant 3 : i32
        %shift_right_logical3A_160 = arith.shrui %shift_right_logical3A, %shift_right_logical3A_159 : i32
        %and3A = arith.constant 1 : i32
        %and3A_161 = arith.andi %shift_right_logical3A_160, %and3A : i32
        %and3A_162 = arith.constant 0 : i32
        %and3A_163 = arith.constant 7 : i32
        %and3A_164 = arith.andi %and3A_162, %and3A_163 : i32
        %rem3A = arith.constant 0 : i32
        %rem3A_165 = arith.constant 3 : i32
        %rem3A_166 = arith.remsi %rem3A, %rem3A_165 : i32
        %dma_start3A_167 = arith.constant 0 : i32
        %dma_start3A_168 = arith.constant 0 : i32
        %dma_start3A_169 = tpu.memref_slice %arg11[%rem3A_166, %dma_start3A_167, %dma_start3A_168] : memref<3x100x128xf32, #tpu.memory_space<vmem>> -> memref<1x100x128xf32, #tpu.memory_space<vmem>>
        %dma_start3A_170 = tpu.memref_squeeze %dma_start3A_169 : memref<1x100x128xf32, #tpu.memory_space<vmem>> -> memref<100x128xf32, #tpu.memory_space<vmem>>
        %dma_start3A_171 = arith.constant 0 : i32
        %dma_start3A_172 = tpu.memref_slice %arg9[%and3A_161, %and3A_164, %dma_start3A_171] : memref<2x8x100xi32, #tpu.memory_space<vmem>> -> memref<1x1x100xi32, #tpu.memory_space<vmem>>
        %dma_start3A_173 = tpu.memref_squeeze %dma_start3A_172 : memref<1x1x100xi32, #tpu.memory_space<vmem>> -> memref<100xi32, #tpu.memory_space<vmem>>
        %dma_start3A_174 = arith.constant 0 : i32
        %dma_start3A_175 = arith.constant 0 : i32
        %dma_start3A_176 = tpu.memref_slice %arg2[%dma_start3A_174, %dma_start3A_175] : memref<10000x128xf32, #tpu.memory_space<hbm>> -> memref<10000x128xf32, #tpu.memory_space<hbm>>
        %dma_start3A_177 = tpu.memref_slice %arg14[%rem3A_166] : memref<3x!tpu.dma_semaphore, #tpu.memory_space<semaphore_mem>> -> memref<1x!tpu.dma_semaphore, #tpu.memory_space<semaphore_mem>>
        %dma_start3A_178 = tpu.memref_squeeze %dma_start3A_177 : memref<1x!tpu.dma_semaphore, #tpu.memory_space<semaphore_mem>> -> memref<!tpu.dma_semaphore, #tpu.memory_space<semaphore_mem>>
        tpu.enqueue_indirect_dma source(%dma_start3A_176 : memref<10000x128xf32, #tpu.memory_space<hbm>>) target(%dma_start3A_170 : memref<100x128xf32, #tpu.memory_space<vmem>>) offsets(%dma_start3A_173 : memref<100xi32, #tpu.memory_space<vmem>>) semaphore(%dma_start3A_178 : memref<!tpu.dma_semaphore, #tpu.memory_space<semaphore_mem>>)
      } else {
      }
      %while3A = arith.constant 0 : i32
      %while3A_108 = arith.subi %min3A, %while3A : i32
      %while3A_109 = arith.addi %while3A, %while3A_108 : i32
      %while3A_110 = arith.constant 1 : i32
      %while3A_111 = arith.divsi %while3A_108, %while3A_110 : i32
      %while3A_112 = arith.muli %while3A_111, %while3A_110 : i32
      %while3A_113 = arith.addi %while3A, %while3A_112 : i32
      %while3A_114 = arith.constant 1 : i32
      scf.for %while3A_159 = %while3A to %while3A_113 step %while3A_114  : i32 {
        %and3A = arith.constant 7 : i32
        %and3A_160 = arith.andi %while3A_159, %and3A : i32
        %shift_right_logical3A = arith.constant 3 : i32
        %shift_right_logical3A_161 = arith.shrui %while3A_159, %shift_right_logical3A : i32
        %and3A_162 = arith.constant 1 : i32
        %and3A_163 = arith.andi %shift_right_logical3A_161, %and3A_162 : i32
        %eq3A_164 = arith.constant 2 : i32
        %eq3A_165 = arith.cmpi eq, %and3A_160, %eq3A_164 : i32
        %add3A_166 = arith.constant 1 : i32
        %add3A_167 = arith.addi %shift_right_logical3A_161, %add3A_166 : i32
        %mul3A_168 = arith.constant 8 : i32
        %mul3A_169 = arith.muli %add3A_167, %mul3A_168 : i32
        %lt3A_170 = arith.cmpi slt, %mul3A_169, %min3A : i32
        %and3A_171 = arith.andi %eq3A_165, %lt3A_170 : i1
        %convert_element_type3A_172 = arith.extui %and3A_171 : i1 to i32
        %cond3A_173 = arith.constant 0 : i32
        %cond3A_174 = arith.cmpi ne, %convert_element_type3A_172, %cond3A_173 : i32
        scf.if %cond3A_174 {
          %add3A_229 = arith.constant 1 : i32
          %add3A_230 = arith.addi %shift_right_logical3A_161, %add3A_229 : i32
          %sub3A_231 = arith.constant 1 : i32
          %sub3A_232 = arith.subi %sub3A_231, %and3A_163 : i32
          %mul3A_233 = arith.constant 8 : i32
          %mul3A_234 = arith.muli %add3A_230, %mul3A_233 : i32
          %add3A_235 = arith.addi %mul3A_37, %mul3A_234 : i32
          %dma_start3A_236 = arith.constant 0 : i32
          %dma_start3A_237 = arith.constant 0 : i32
          %dma_start3A_238 = tpu.memref_slice %arg9[%sub3A_232, %dma_start3A_236, %dma_start3A_237] : memref<2x8x100xi32, #tpu.memory_space<vmem>> -> memref<1x8x100xi32, #tpu.memory_space<vmem>>
          %dma_start3A_239 = tpu.memref_squeeze %dma_start3A_238 : memref<1x8x100xi32, #tpu.memory_space<vmem>> -> memref<8x100xi32, #tpu.memory_space<vmem>>
          %dma_start3A_240 = arith.constant 0 : i32
          %dma_start3A_241 = tpu.memref_slice %arg4[%add3A_235, %dma_start3A_240] : memref<3200x100xi32, #tpu.memory_space<hbm>> -> memref<8x100xi32, #tpu.memory_space<hbm>>
          %dma_start3A_242 = tpu.memref_slice %arg13[%sub3A_232] : memref<2x!tpu.dma_semaphore, #tpu.memory_space<semaphore_mem>> -> memref<1x!tpu.dma_semaphore, #tpu.memory_space<semaphore_mem>>
          %dma_start3A_243 = tpu.memref_squeeze %dma_start3A_242 : memref<1x!tpu.dma_semaphore, #tpu.memory_space<semaphore_mem>> -> memref<!tpu.dma_semaphore, #tpu.memory_space<semaphore_mem>>
          %dma_start3A_244 = arith.constant 0 : i32
          %dma_start3A_245 = arith.constant 0 : i32
          %dma_start3A_246 = tpu.memref_slice %arg9[%sub3A_232, %dma_start3A_244, %dma_start3A_245] : memref<2x8x100xi32, #tpu.memory_space<vmem>> -> memref<1x8x100xi32, #tpu.memory_space<vmem>>
          %dma_start3A_247 = tpu.memref_squeeze %dma_start3A_246 : memref<1x8x100xi32, #tpu.memory_space<vmem>> -> memref<8x100xi32, #tpu.memory_space<vmem>>
          %dma_start3A_248 = arith.constant 0 : i32
          %dma_start3A_249 = tpu.memref_slice %arg4[%add3A_235, %dma_start3A_248] : memref<3200x100xi32, #tpu.memory_space<hbm>> -> memref<8x100xi32, #tpu.memory_space<hbm>>
          tpu.enqueue_dma source(%dma_start3A_249 : memref<8x100xi32, #tpu.memory_space<hbm>>) target(%dma_start3A_247 : memref<8x100xi32, #tpu.memory_space<vmem>>) target_semaphore(%dma_start3A_243 : memref<!tpu.dma_semaphore, #tpu.memory_space<semaphore_mem>>)
          %dma_start3A_250 = arith.constant 0 : i32
          %dma_start3A_251 = arith.constant 0 : i32
          %dma_start3A_252 = tpu.memref_slice %arg10[%sub3A_232, %dma_start3A_250, %dma_start3A_251] : memref<2x8x100xi32, #tpu.memory_space<vmem>> -> memref<1x8x100xi32, #tpu.memory_space<vmem>>
          %dma_start3A_253 = tpu.memref_squeeze %dma_start3A_252 : memref<1x8x100xi32, #tpu.memory_space<vmem>> -> memref<8x100xi32, #tpu.memory_space<vmem>>
          %dma_start3A_254 = arith.constant 0 : i32
          %dma_start3A_255 = tpu.memref_slice %arg5[%add3A_235, %dma_start3A_254] : memref<3200x100xi32, #tpu.memory_space<hbm>> -> memref<8x100xi32, #tpu.memory_space<hbm>>
          %dma_start3A_256 = tpu.memref_slice %arg13[%sub3A_232] : memref<2x!tpu.dma_semaphore, #tpu.memory_space<semaphore_mem>> -> memref<1x!tpu.dma_semaphore, #tpu.memory_space<semaphore_mem>>
          %dma_start3A_257 = tpu.memref_squeeze %dma_start3A_256 : memref<1x!tpu.dma_semaphore, #tpu.memory_space<semaphore_mem>> -> memref<!tpu.dma_semaphore, #tpu.memory_space<semaphore_mem>>
          %dma_start3A_258 = arith.constant 0 : i32
          %dma_start3A_259 = arith.constant 0 : i32
          %dma_start3A_260 = tpu.memref_slice %arg10[%sub3A_232, %dma_start3A_258, %dma_start3A_259] : memref<2x8x100xi32, #tpu.memory_space<vmem>> -> memref<1x8x100xi32, #tpu.memory_space<vmem>>
          %dma_start3A_261 = tpu.memref_squeeze %dma_start3A_260 : memref<1x8x100xi32, #tpu.memory_space<vmem>> -> memref<8x100xi32, #tpu.memory_space<vmem>>
          %dma_start3A_262 = arith.constant 0 : i32
          %dma_start3A_263 = tpu.memref_slice %arg5[%add3A_235, %dma_start3A_262] : memref<3200x100xi32, #tpu.memory_space<hbm>> -> memref<8x100xi32, #tpu.memory_space<hbm>>
          tpu.enqueue_dma source(%dma_start3A_263 : memref<8x100xi32, #tpu.memory_space<hbm>>) target(%dma_start3A_261 : memref<8x100xi32, #tpu.memory_space<vmem>>) target_semaphore(%dma_start3A_257 : memref<!tpu.dma_semaphore, #tpu.memory_space<semaphore_mem>>)
        } else {
        }
        %eq3A_175 = arith.constant 7 : i32
        %eq3A_176 = arith.cmpi eq, %and3A_160, %eq3A_175 : i32
        %add3A_177 = arith.constant 1 : i32
        %add3A_178 = arith.addi %while3A_159, %add3A_177 : i32
        %lt3A_179 = arith.cmpi slt, %add3A_178, %min3A : i32
        %and3A_180 = arith.andi %eq3A_176, %lt3A_179 : i1
        %convert_element_type3A_181 = arith.extui %and3A_180 : i1 to i32
        %cond3A_182 = arith.constant 0 : i32
        %cond3A_183 = arith.cmpi ne, %convert_element_type3A_181, %cond3A_182 : i32
        scf.if %cond3A_183 {
          %add3A_229 = arith.constant 1 : i32
          %add3A_230 = arith.addi %shift_right_logical3A_161, %add3A_229 : i32
          %sub3A_231 = arith.constant 1 : i32
          %sub3A_232 = arith.subi %sub3A_231, %and3A_163 : i32
          %mul3A_233 = arith.constant 8 : i32
          %mul3A_234 = arith.muli %add3A_230, %mul3A_233 : i32
          %add3A_235 = arith.addi %mul3A_37, %mul3A_234 : i32
          %dma_wait3A_236 = arith.constant 0 : i32
          %dma_wait3A_237 = arith.constant 0 : i32
          %dma_wait3A_238 = tpu.memref_slice %arg9[%sub3A_232, %dma_wait3A_236, %dma_wait3A_237] : memref<2x8x100xi32, #tpu.memory_space<vmem>> -> memref<1x8x100xi32, #tpu.memory_space<vmem>>
          %dma_wait3A_239 = tpu.memref_squeeze %dma_wait3A_238 : memref<1x8x100xi32, #tpu.memory_space<vmem>> -> memref<8x100xi32, #tpu.memory_space<vmem>>
          %dma_wait3A_240 = arith.constant 0 : i32
          %dma_wait3A_241 = tpu.memref_slice %arg4[%add3A_235, %dma_wait3A_240] : memref<3200x100xi32, #tpu.memory_space<hbm>> -> memref<8x100xi32, #tpu.memory_space<hbm>>
          %dma_wait3A_242 = tpu.memref_slice %arg13[%sub3A_232] : memref<2x!tpu.dma_semaphore, #tpu.memory_space<semaphore_mem>> -> memref<1x!tpu.dma_semaphore, #tpu.memory_space<semaphore_mem>>
          %dma_wait3A_243 = tpu.memref_squeeze %dma_wait3A_242 : memref<1x!tpu.dma_semaphore, #tpu.memory_space<semaphore_mem>> -> memref<!tpu.dma_semaphore, #tpu.memory_space<semaphore_mem>>
          %dma_wait3A_244 = arith.constant 0 : i32
          %dma_wait3A_245 = arith.constant 0 : i32
          %dma_wait3A_246 = tpu.memref_slice %arg9[%sub3A_232, %dma_wait3A_244, %dma_wait3A_245] : memref<2x8x100xi32, #tpu.memory_space<vmem>> -> memref<1x8x100xi32, #tpu.memory_space<vmem>>
          %dma_wait3A_247 = tpu.memref_squeeze %dma_wait3A_246 : memref<1x8x100xi32, #tpu.memory_space<vmem>> -> memref<8x100xi32, #tpu.memory_space<vmem>>
          %dma_wait3A_248 = arith.constant 0 : i32
          %dma_wait3A_249 = tpu.memref_slice %arg4[%add3A_235, %dma_wait3A_248] : memref<3200x100xi32, #tpu.memory_space<hbm>> -> memref<8x100xi32, #tpu.memory_space<hbm>>
          tpu.wait_dma2 semaphore(%dma_wait3A_243 : memref<!tpu.dma_semaphore, #tpu.memory_space<semaphore_mem>>) src(%dma_wait3A_249 : memref<8x100xi32, #tpu.memory_space<hbm>>) dst(%dma_wait3A_247 : memref<8x100xi32, #tpu.memory_space<vmem>>)
          %dma_wait3A_250 = arith.constant 0 : i32
          %dma_wait3A_251 = arith.constant 0 : i32
          %dma_wait3A_252 = tpu.memref_slice %arg10[%sub3A_232, %dma_wait3A_250, %dma_wait3A_251] : memref<2x8x100xi32, #tpu.memory_space<vmem>> -> memref<1x8x100xi32, #tpu.memory_space<vmem>>
          %dma_wait3A_253 = tpu.memref_squeeze %dma_wait3A_252 : memref<1x8x100xi32, #tpu.memory_space<vmem>> -> memref<8x100xi32, #tpu.memory_space<vmem>>
          %dma_wait3A_254 = arith.constant 0 : i32
          %dma_wait3A_255 = tpu.memref_slice %arg5[%add3A_235, %dma_wait3A_254] : memref<3200x100xi32, #tpu.memory_space<hbm>> -> memref<8x100xi32, #tpu.memory_space<hbm>>
          %dma_wait3A_256 = tpu.memref_slice %arg13[%sub3A_232] : memref<2x!tpu.dma_semaphore, #tpu.memory_space<semaphore_mem>> -> memref<1x!tpu.dma_semaphore, #tpu.memory_space<semaphore_mem>>
          %dma_wait3A_257 = tpu.memref_squeeze %dma_wait3A_256 : memref<1x!tpu.dma_semaphore, #tpu.memory_space<semaphore_mem>> -> memref<!tpu.dma_semaphore, #tpu.memory_space<semaphore_mem>>
          %dma_wait3A_258 = arith.constant 0 : i32
          %dma_wait3A_259 = arith.constant 0 : i32
          %dma_wait3A_260 = tpu.memref_slice %arg10[%sub3A_232, %dma_wait3A_258, %dma_wait3A_259] : memref<2x8x100xi32, #tpu.memory_space<vmem>> -> memref<1x8x100xi32, #tpu.memory_space<vmem>>
          %dma_wait3A_261 = tpu.memref_squeeze %dma_wait3A_260 : memref<1x8x100xi32, #tpu.memory_space<vmem>> -> memref<8x100xi32, #tpu.memory_space<vmem>>
          %dma_wait3A_262 = arith.constant 0 : i32
          %dma_wait3A_263 = tpu.memref_slice %arg5[%add3A_235, %dma_wait3A_262] : memref<3200x100xi32, #tpu.memory_space<hbm>> -> memref<8x100xi32, #tpu.memory_space<hbm>>
          tpu.wait_dma2 semaphore(%dma_wait3A_257 : memref<!tpu.dma_semaphore, #tpu.memory_space<semaphore_mem>>) src(%dma_wait3A_263 : memref<8x100xi32, #tpu.memory_space<hbm>>) dst(%dma_wait3A_261 : memref<8x100xi32, #tpu.memory_space<vmem>>)
        } else {
        }
        %add3A_184 = arith.constant 1 : i32
        %add3A_185 = arith.addi %while3A_159, %add3A_184 : i32
        %lt3A_186 = arith.cmpi slt, %add3A_185, %min3A : i32
        %convert_element_type3A_187 = arith.extui %lt3A_186 : i1 to i32
        %cond3A_188 = arith.constant 0 : i32
        %cond3A_189 = arith.cmpi ne, %convert_element_type3A_187, %cond3A_188 : i32
        scf.if %cond3A_189 {
          %ge3A_229 = arith.constant 2 : i32
          %ge3A_230 = arith.cmpi sge, %while3A_159, %ge3A_229 : i32
          %convert_element_type3A_231 = arith.extui %ge3A_230 : i1 to i32
          %cond3A_232 = arith.constant 0 : i32
          %cond3A_233 = arith.cmpi ne, %convert_element_type3A_231, %cond3A_232 : i32
          scf.if %cond3A_233 {
            %sub3A_256 = arith.constant 2 : i32
            %sub3A_257 = arith.subi %while3A_159, %sub3A_256 : i32
            %shift_right_logical3A_258 = arith.constant 3 : i32
            %shift_right_logical3A_259 = arith.shrui %sub3A_257, %shift_right_logical3A_258 : i32
            %and3A_260 = arith.constant 1 : i32
            %and3A_261 = arith.andi %shift_right_logical3A_259, %and3A_260 : i32
            %and3A_262 = arith.constant 7 : i32
            %and3A_263 = arith.andi %sub3A_257, %and3A_262 : i32
            %rem3A_264 = arith.constant 3 : i32
            %rem3A_265 = arith.remsi %sub3A_257, %rem3A_264 : i32
            %dma_wait3A_266 = arith.constant 0 : i32
            %dma_wait3A_267 = arith.constant 0 : i32
            %dma_wait3A_268 = tpu.memref_slice %arg11[%rem3A_265, %dma_wait3A_266, %dma_wait3A_267] : memref<3x100x128xf32, #tpu.memory_space<vmem>> -> memref<1x100x128xf32, #tpu.memory_space<vmem>>
            %dma_wait3A_269 = tpu.memref_squeeze %dma_wait3A_268 : memref<1x100x128xf32, #tpu.memory_space<vmem>> -> memref<100x128xf32, #tpu.memory_space<vmem>>
            %dma_wait3A_270 = arith.constant 0 : i32
            %dma_wait3A_271 = tpu.memref_slice %arg10[%and3A_261, %and3A_263, %dma_wait3A_270] : memref<2x8x100xi32, #tpu.memory_space<vmem>> -> memref<1x1x100xi32, #tpu.memory_space<vmem>>
            %dma_wait3A_272 = tpu.memref_squeeze %dma_wait3A_271 : memref<1x1x100xi32, #tpu.memory_space<vmem>> -> memref<100xi32, #tpu.memory_space<vmem>>
            %dma_wait3A_273 = arith.constant 0 : i32
            %dma_wait3A_274 = arith.constant 0 : i32
            %dma_wait3A_275 = tpu.memref_slice %arg12[%dma_wait3A_273, %dma_wait3A_274] : memref<10000x128xf32, #tpu.memory_space<vmem_shared>> -> memref<10000x128xf32, #tpu.memory_space<vmem_shared>>
            %dma_wait3A_276 = tpu.memref_slice %arg15[%rem3A_265] : memref<3x!tpu.dma_semaphore, #tpu.memory_space<semaphore_mem>> -> memref<1x!tpu.dma_semaphore, #tpu.memory_space<semaphore_mem>>
            %dma_wait3A_277 = tpu.memref_squeeze %dma_wait3A_276 : memref<1x!tpu.dma_semaphore, #tpu.memory_space<semaphore_mem>> -> memref<!tpu.dma_semaphore, #tpu.memory_space<semaphore_mem>>
            tpu.wait_indirect_dma semaphore(%dma_wait3A_277 : memref<!tpu.dma_semaphore, #tpu.memory_space<semaphore_mem>>) src(%dma_wait3A_269 : memref<100x128xf32, #tpu.memory_space<vmem>>) dst(%dma_wait3A_275 : memref<10000x128xf32, #tpu.memory_space<vmem_shared>>)
          } else {
          }
          %add3A_234 = arith.constant 1 : i32
          %add3A_235 = arith.addi %while3A_159, %add3A_234 : i32
          %shift_right_logical3A_236 = arith.constant 3 : i32
          %shift_right_logical3A_237 = arith.shrui %add3A_235, %shift_right_logical3A_236 : i32
          %and3A_238 = arith.constant 1 : i32
          %and3A_239 = arith.andi %shift_right_logical3A_237, %and3A_238 : i32
          %and3A_240 = arith.constant 7 : i32
          %and3A_241 = arith.andi %add3A_235, %and3A_240 : i32
          %rem3A_242 = arith.constant 3 : i32
          %rem3A_243 = arith.remsi %add3A_235, %rem3A_242 : i32
          %dma_start3A_244 = arith.constant 0 : i32
          %dma_start3A_245 = arith.constant 0 : i32
          %dma_start3A_246 = tpu.memref_slice %arg11[%rem3A_243, %dma_start3A_244, %dma_start3A_245] : memref<3x100x128xf32, #tpu.memory_space<vmem>> -> memref<1x100x128xf32, #tpu.memory_space<vmem>>
          %dma_start3A_247 = tpu.memref_squeeze %dma_start3A_246 : memref<1x100x128xf32, #tpu.memory_space<vmem>> -> memref<100x128xf32, #tpu.memory_space<vmem>>
          %dma_start3A_248 = arith.constant 0 : i32
          %dma_start3A_249 = tpu.memref_slice %arg9[%and3A_239, %and3A_241, %dma_start3A_248] : memref<2x8x100xi32, #tpu.memory_space<vmem>> -> memref<1x1x100xi32, #tpu.memory_space<vmem>>
          %dma_start3A_250 = tpu.memref_squeeze %dma_start3A_249 : memref<1x1x100xi32, #tpu.memory_space<vmem>> -> memref<100xi32, #tpu.memory_space<vmem>>
          %dma_start3A_251 = arith.constant 0 : i32
          %dma_start3A_252 = arith.constant 0 : i32
          %dma_start3A_253 = tpu.memref_slice %arg2[%dma_start3A_251, %dma_start3A_252] : memref<10000x128xf32, #tpu.memory_space<hbm>> -> memref<10000x128xf32, #tpu.memory_space<hbm>>
          %dma_start3A_254 = tpu.memref_slice %arg14[%rem3A_243] : memref<3x!tpu.dma_semaphore, #tpu.memory_space<semaphore_mem>> -> memref<1x!tpu.dma_semaphore, #tpu.memory_space<semaphore_mem>>
          %dma_start3A_255 = tpu.memref_squeeze %dma_start3A_254 : memref<1x!tpu.dma_semaphore, #tpu.memory_space<semaphore_mem>> -> memref<!tpu.dma_semaphore, #tpu.memory_space<semaphore_mem>>
          tpu.enqueue_indirect_dma source(%dma_start3A_253 : memref<10000x128xf32, #tpu.memory_space<hbm>>) target(%dma_start3A_247 : memref<100x128xf32, #tpu.memory_space<vmem>>) offsets(%dma_start3A_250 : memref<100xi32, #tpu.memory_space<vmem>>) semaphore(%dma_start3A_255 : memref<!tpu.dma_semaphore, #tpu.memory_space<semaphore_mem>>)
        } else {
        }
        %shift_right_logical3A_190 = arith.constant 3 : i32
        %shift_right_logical3A_191 = arith.shrui %while3A_159, %shift_right_logical3A_190 : i32
        %and3A_192 = arith.constant 1 : i32
        %and3A_193 = arith.andi %shift_right_logical3A_191, %and3A_192 : i32
        %and3A_194 = arith.constant 7 : i32
        %and3A_195 = arith.andi %while3A_159, %and3A_194 : i32
        %rem3A = arith.constant 3 : i32
        %rem3A_196 = arith.remsi %while3A_159, %rem3A : i32
        %dma_wait3A_197 = arith.constant 0 : i32
        %dma_wait3A_198 = arith.constant 0 : i32
        %dma_wait3A_199 = tpu.memref_slice %arg11[%rem3A_196, %dma_wait3A_197, %dma_wait3A_198] : memref<3x100x128xf32, #tpu.memory_space<vmem>> -> memref<1x100x128xf32, #tpu.memory_space<vmem>>
        %dma_wait3A_200 = tpu.memref_squeeze %dma_wait3A_199 : memref<1x100x128xf32, #tpu.memory_space<vmem>> -> memref<100x128xf32, #tpu.memory_space<vmem>>
        %dma_wait3A_201 = arith.constant 0 : i32
        %dma_wait3A_202 = tpu.memref_slice %arg9[%and3A_193, %and3A_195, %dma_wait3A_201] : memref<2x8x100xi32, #tpu.memory_space<vmem>> -> memref<1x1x100xi32, #tpu.memory_space<vmem>>
        %dma_wait3A_203 = tpu.memref_squeeze %dma_wait3A_202 : memref<1x1x100xi32, #tpu.memory_space<vmem>> -> memref<100xi32, #tpu.memory_space<vmem>>
        %dma_wait3A_204 = arith.constant 0 : i32
        %dma_wait3A_205 = arith.constant 0 : i32
        %dma_wait3A_206 = tpu.memref_slice %arg2[%dma_wait3A_204, %dma_wait3A_205] : memref<10000x128xf32, #tpu.memory_space<hbm>> -> memref<10000x128xf32, #tpu.memory_space<hbm>>
        %dma_wait3A_207 = tpu.memref_slice %arg14[%rem3A_196] : memref<3x!tpu.dma_semaphore, #tpu.memory_space<semaphore_mem>> -> memref<1x!tpu.dma_semaphore, #tpu.memory_space<semaphore_mem>>
        %dma_wait3A_208 = tpu.memref_squeeze %dma_wait3A_207 : memref<1x!tpu.dma_semaphore, #tpu.memory_space<semaphore_mem>> -> memref<!tpu.dma_semaphore, #tpu.memory_space<semaphore_mem>>
        tpu.wait_indirect_dma semaphore(%dma_wait3A_208 : memref<!tpu.dma_semaphore, #tpu.memory_space<semaphore_mem>>) src(%dma_wait3A_206 : memref<10000x128xf32, #tpu.memory_space<hbm>>) dst(%dma_wait3A_200 : memref<100x128xf32, #tpu.memory_space<vmem>>)
        %shift_right_logical3A_209 = arith.constant 3 : i32
        %shift_right_logical3A_210 = arith.shrui %while3A_159, %shift_right_logical3A_209 : i32
        %and3A_211 = arith.constant 1 : i32
        %and3A_212 = arith.andi %shift_right_logical3A_210, %and3A_211 : i32
        %and3A_213 = arith.constant 7 : i32
        %and3A_214 = arith.andi %while3A_159, %and3A_213 : i32
        %rem3A_215 = arith.constant 3 : i32
        %rem3A_216 = arith.remsi %while3A_159, %rem3A_215 : i32
        %dma_start3A_217 = arith.constant 0 : i32
        %dma_start3A_218 = arith.constant 0 : i32
        %dma_start3A_219 = tpu.memref_slice %arg11[%rem3A_216, %dma_start3A_217, %dma_start3A_218] : memref<3x100x128xf32, #tpu.memory_space<vmem>> -> memref<1x100x128xf32, #tpu.memory_space<vmem>>
        %dma_start3A_220 = tpu.memref_squeeze %dma_start3A_219 : memref<1x100x128xf32, #tpu.memory_space<vmem>> -> memref<100x128xf32, #tpu.memory_space<vmem>>
        %dma_start3A_221 = arith.constant 0 : i32
        %dma_start3A_222 = tpu.memref_slice %arg10[%and3A_212, %and3A_214, %dma_start3A_221] : memref<2x8x100xi32, #tpu.memory_space<vmem>> -> memref<1x1x100xi32, #tpu.memory_space<vmem>>
        %dma_start3A_223 = tpu.memref_squeeze %dma_start3A_222 : memref<1x1x100xi32, #tpu.memory_space<vmem>> -> memref<100xi32, #tpu.memory_space<vmem>>
        %dma_start3A_224 = arith.constant 0 : i32
        %dma_start3A_225 = arith.constant 0 : i32
        %dma_start3A_226 = tpu.memref_slice %arg12[%dma_start3A_224, %dma_start3A_225] : memref<10000x128xf32, #tpu.memory_space<vmem_shared>> -> memref<10000x128xf32, #tpu.memory_space<vmem_shared>>
        %dma_start3A_227 = tpu.memref_slice %arg15[%rem3A_216] : memref<3x!tpu.dma_semaphore, #tpu.memory_space<semaphore_mem>> -> memref<1x!tpu.dma_semaphore, #tpu.memory_space<semaphore_mem>>
        %dma_start3A_228 = tpu.memref_squeeze %dma_start3A_227 : memref<1x!tpu.dma_semaphore, #tpu.memory_space<semaphore_mem>> -> memref<!tpu.dma_semaphore, #tpu.memory_space<semaphore_mem>>
        tpu.enqueue_indirect_dma source(%dma_start3A_220 : memref<100x128xf32, #tpu.memory_space<vmem>>) target(%dma_start3A_226 : memref<10000x128xf32, #tpu.memory_space<vmem_shared>>) offsets(%dma_start3A_223 : memref<100xi32, #tpu.memory_space<vmem>>) semaphore(%dma_start3A_228 : memref<!tpu.dma_semaphore, #tpu.memory_space<semaphore_mem>>) {add = true}
      }
      %while3A_115 = arith.constant 1 : i32
      scf.for %while3A_159 = %while3A_113 to %while3A_109 step %while3A_115  : i32 {
        %and3A = arith.constant 7 : i32
        %and3A_160 = arith.andi %while3A_159, %and3A : i32
        %shift_right_logical3A = arith.constant 3 : i32
        %shift_right_logical3A_161 = arith.shrui %while3A_159, %shift_right_logical3A : i32
        %and3A_162 = arith.constant 1 : i32
        %and3A_163 = arith.andi %shift_right_logical3A_161, %and3A_162 : i32
        %eq3A_164 = arith.constant 2 : i32
        %eq3A_165 = arith.cmpi eq, %and3A_160, %eq3A_164 : i32
        %add3A_166 = arith.constant 1 : i32
        %add3A_167 = arith.addi %shift_right_logical3A_161, %add3A_166 : i32
        %mul3A_168 = arith.constant 8 : i32
        %mul3A_169 = arith.muli %add3A_167, %mul3A_168 : i32
        %lt3A_170 = arith.cmpi slt, %mul3A_169, %min3A : i32
        %and3A_171 = arith.andi %eq3A_165, %lt3A_170 : i1
        %convert_element_type3A_172 = arith.extui %and3A_171 : i1 to i32
        %cond3A_173 = arith.constant 0 : i32
        %cond3A_174 = arith.cmpi ne, %convert_element_type3A_172, %cond3A_173 : i32
        scf.if %cond3A_174 {
          %add3A_229 = arith.constant 1 : i32
          %add3A_230 = arith.addi %shift_right_logical3A_161, %add3A_229 : i32
          %sub3A_231 = arith.constant 1 : i32
          %sub3A_232 = arith.subi %sub3A_231, %and3A_163 : i32
          %mul3A_233 = arith.constant 8 : i32
          %mul3A_234 = arith.muli %add3A_230, %mul3A_233 : i32
          %add3A_235 = arith.addi %mul3A_37, %mul3A_234 : i32
          %dma_start3A_236 = arith.constant 0 : i32
          %dma_start3A_237 = arith.constant 0 : i32
          %dma_start3A_238 = tpu.memref_slice %arg9[%sub3A_232, %dma_start3A_236, %dma_start3A_237] : memref<2x8x100xi32, #tpu.memory_space<vmem>> -> memref<1x8x100xi32, #tpu.memory_space<vmem>>
          %dma_start3A_239 = tpu.memref_squeeze %dma_start3A_238 : memref<1x8x100xi32, #tpu.memory_space<vmem>> -> memref<8x100xi32, #tpu.memory_space<vmem>>
          %dma_start3A_240 = arith.constant 0 : i32
          %dma_start3A_241 = tpu.memref_slice %arg4[%add3A_235, %dma_start3A_240] : memref<3200x100xi32, #tpu.memory_space<hbm>> -> memref<8x100xi32, #tpu.memory_space<hbm>>
          %dma_start3A_242 = tpu.memref_slice %arg13[%sub3A_232] : memref<2x!tpu.dma_semaphore, #tpu.memory_space<semaphore_mem>> -> memref<1x!tpu.dma_semaphore, #tpu.memory_space<semaphore_mem>>
          %dma_start3A_243 = tpu.memref_squeeze %dma_start3A_242 : memref<1x!tpu.dma_semaphore, #tpu.memory_space<semaphore_mem>> -> memref<!tpu.dma_semaphore, #tpu.memory_space<semaphore_mem>>
          %dma_start3A_244 = arith.constant 0 : i32
          %dma_start3A_245 = arith.constant 0 : i32
          %dma_start3A_246 = tpu.memref_slice %arg9[%sub3A_232, %dma_start3A_244, %dma_start3A_245] : memref<2x8x100xi32, #tpu.memory_space<vmem>> -> memref<1x8x100xi32, #tpu.memory_space<vmem>>
          %dma_start3A_247 = tpu.memref_squeeze %dma_start3A_246 : memref<1x8x100xi32, #tpu.memory_space<vmem>> -> memref<8x100xi32, #tpu.memory_space<vmem>>
          %dma_start3A_248 = arith.constant 0 : i32
          %dma_start3A_249 = tpu.memref_slice %arg4[%add3A_235, %dma_start3A_248] : memref<3200x100xi32, #tpu.memory_space<hbm>> -> memref<8x100xi32, #tpu.memory_space<hbm>>
          tpu.enqueue_dma source(%dma_start3A_249 : memref<8x100xi32, #tpu.memory_space<hbm>>) target(%dma_start3A_247 : memref<8x100xi32, #tpu.memory_space<vmem>>) target_semaphore(%dma_start3A_243 : memref<!tpu.dma_semaphore, #tpu.memory_space<semaphore_mem>>)
          %dma_start3A_250 = arith.constant 0 : i32
          %dma_start3A_251 = arith.constant 0 : i32
          %dma_start3A_252 = tpu.memref_slice %arg10[%sub3A_232, %dma_start3A_250, %dma_start3A_251] : memref<2x8x100xi32, #tpu.memory_space<vmem>> -> memref<1x8x100xi32, #tpu.memory_space<vmem>>
          %dma_start3A_253 = tpu.memref_squeeze %dma_start3A_252 : memref<1x8x100xi32, #tpu.memory_space<vmem>> -> memref<8x100xi32, #tpu.memory_space<vmem>>
          %dma_start3A_254 = arith.constant 0 : i32
          %dma_start3A_255 = tpu.memref_slice %arg5[%add3A_235, %dma_start3A_254] : memref<3200x100xi32, #tpu.memory_space<hbm>> -> memref<8x100xi32, #tpu.memory_space<hbm>>
          %dma_start3A_256 = tpu.memref_slice %arg13[%sub3A_232] : memref<2x!tpu.dma_semaphore, #tpu.memory_space<semaphore_mem>> -> memref<1x!tpu.dma_semaphore, #tpu.memory_space<semaphore_mem>>
          %dma_start3A_257 = tpu.memref_squeeze %dma_start3A_256 : memref<1x!tpu.dma_semaphore, #tpu.memory_space<semaphore_mem>> -> memref<!tpu.dma_semaphore, #tpu.memory_space<semaphore_mem>>
          %dma_start3A_258 = arith.constant 0 : i32
          %dma_start3A_259 = arith.constant 0 : i32
          %dma_start3A_260 = tpu.memref_slice %arg10[%sub3A_232, %dma_start3A_258, %dma_start3A_259] : memref<2x8x100xi32, #tpu.memory_space<vmem>> -> memref<1x8x100xi32, #tpu.memory_space<vmem>>
          %dma_start3A_261 = tpu.memref_squeeze %dma_start3A_260 : memref<1x8x100xi32, #tpu.memory_space<vmem>> -> memref<8x100xi32, #tpu.memory_space<vmem>>
          %dma_start3A_262 = arith.constant 0 : i32
          %dma_start3A_263 = tpu.memref_slice %arg5[%add3A_235, %dma_start3A_262] : memref<3200x100xi32, #tpu.memory_space<hbm>> -> memref<8x100xi32, #tpu.memory_space<hbm>>
          tpu.enqueue_dma source(%dma_start3A_263 : memref<8x100xi32, #tpu.memory_space<hbm>>) target(%dma_start3A_261 : memref<8x100xi32, #tpu.memory_space<vmem>>) target_semaphore(%dma_start3A_257 : memref<!tpu.dma_semaphore, #tpu.memory_space<semaphore_mem>>)
        } else {
        }
        %eq3A_175 = arith.constant 7 : i32
        %eq3A_176 = arith.cmpi eq, %and3A_160, %eq3A_175 : i32
        %add3A_177 = arith.constant 1 : i32
        %add3A_178 = arith.addi %while3A_159, %add3A_177 : i32
        %lt3A_179 = arith.cmpi slt, %add3A_178, %min3A : i32
        %and3A_180 = arith.andi %eq3A_176, %lt3A_179 : i1
        %convert_element_type3A_181 = arith.extui %and3A_180 : i1 to i32
        %cond3A_182 = arith.constant 0 : i32
        %cond3A_183 = arith.cmpi ne, %convert_element_type3A_181, %cond3A_182 : i32
        scf.if %cond3A_183 {
          %add3A_229 = arith.constant 1 : i32
          %add3A_230 = arith.addi %shift_right_logical3A_161, %add3A_229 : i32
          %sub3A_231 = arith.constant 1 : i32
          %sub3A_232 = arith.subi %sub3A_231, %and3A_163 : i32
          %mul3A_233 = arith.constant 8 : i32
          %mul3A_234 = arith.muli %add3A_230, %mul3A_233 : i32
          %add3A_235 = arith.addi %mul3A_37, %mul3A_234 : i32
          %dma_wait3A_236 = arith.constant 0 : i32
          %dma_wait3A_237 = arith.constant 0 : i32
          %dma_wait3A_238 = tpu.memref_slice %arg9[%sub3A_232, %dma_wait3A_236, %dma_wait3A_237] : memref<2x8x100xi32, #tpu.memory_space<vmem>> -> memref<1x8x100xi32, #tpu.memory_space<vmem>>
          %dma_wait3A_239 = tpu.memref_squeeze %dma_wait3A_238 : memref<1x8x100xi32, #tpu.memory_space<vmem>> -> memref<8x100xi32, #tpu.memory_space<vmem>>
          %dma_wait3A_240 = arith.constant 0 : i32
          %dma_wait3A_241 = tpu.memref_slice %arg4[%add3A_235, %dma_wait3A_240] : memref<3200x100xi32, #tpu.memory_space<hbm>> -> memref<8x100xi32, #tpu.memory_space<hbm>>
          %dma_wait3A_242 = tpu.memref_slice %arg13[%sub3A_232] : memref<2x!tpu.dma_semaphore, #tpu.memory_space<semaphore_mem>> -> memref<1x!tpu.dma_semaphore, #tpu.memory_space<semaphore_mem>>
          %dma_wait3A_243 = tpu.memref_squeeze %dma_wait3A_242 : memref<1x!tpu.dma_semaphore, #tpu.memory_space<semaphore_mem>> -> memref<!tpu.dma_semaphore, #tpu.memory_space<semaphore_mem>>
          %dma_wait3A_244 = arith.constant 0 : i32
          %dma_wait3A_245 = arith.constant 0 : i32
          %dma_wait3A_246 = tpu.memref_slice %arg9[%sub3A_232, %dma_wait3A_244, %dma_wait3A_245] : memref<2x8x100xi32, #tpu.memory_space<vmem>> -> memref<1x8x100xi32, #tpu.memory_space<vmem>>
          %dma_wait3A_247 = tpu.memref_squeeze %dma_wait3A_246 : memref<1x8x100xi32, #tpu.memory_space<vmem>> -> memref<8x100xi32, #tpu.memory_space<vmem>>
          %dma_wait3A_248 = arith.constant 0 : i32
          %dma_wait3A_249 = tpu.memref_slice %arg4[%add3A_235, %dma_wait3A_248] : memref<3200x100xi32, #tpu.memory_space<hbm>> -> memref<8x100xi32, #tpu.memory_space<hbm>>
          tpu.wait_dma2 semaphore(%dma_wait3A_243 : memref<!tpu.dma_semaphore, #tpu.memory_space<semaphore_mem>>) src(%dma_wait3A_249 : memref<8x100xi32, #tpu.memory_space<hbm>>) dst(%dma_wait3A_247 : memref<8x100xi32, #tpu.memory_space<vmem>>)
          %dma_wait3A_250 = arith.constant 0 : i32
          %dma_wait3A_251 = arith.constant 0 : i32
          %dma_wait3A_252 = tpu.memref_slice %arg10[%sub3A_232, %dma_wait3A_250, %dma_wait3A_251] : memref<2x8x100xi32, #tpu.memory_space<vmem>> -> memref<1x8x100xi32, #tpu.memory_space<vmem>>
          %dma_wait3A_253 = tpu.memref_squeeze %dma_wait3A_252 : memref<1x8x100xi32, #tpu.memory_space<vmem>> -> memref<8x100xi32, #tpu.memory_space<vmem>>
          %dma_wait3A_254 = arith.constant 0 : i32
          %dma_wait3A_255 = tpu.memref_slice %arg5[%add3A_235, %dma_wait3A_254] : memref<3200x100xi32, #tpu.memory_space<hbm>> -> memref<8x100xi32, #tpu.memory_space<hbm>>
          %dma_wait3A_256 = tpu.memref_slice %arg13[%sub3A_232] : memref<2x!tpu.dma_semaphore, #tpu.memory_space<semaphore_mem>> -> memref<1x!tpu.dma_semaphore, #tpu.memory_space<semaphore_mem>>
          %dma_wait3A_257 = tpu.memref_squeeze %dma_wait3A_256 : memref<1x!tpu.dma_semaphore, #tpu.memory_space<semaphore_mem>> -> memref<!tpu.dma_semaphore, #tpu.memory_space<semaphore_mem>>
          %dma_wait3A_258 = arith.constant 0 : i32
          %dma_wait3A_259 = arith.constant 0 : i32
          %dma_wait3A_260 = tpu.memref_slice %arg10[%sub3A_232, %dma_wait3A_258, %dma_wait3A_259] : memref<2x8x100xi32, #tpu.memory_space<vmem>> -> memref<1x8x100xi32, #tpu.memory_space<vmem>>
          %dma_wait3A_261 = tpu.memref_squeeze %dma_wait3A_260 : memref<1x8x100xi32, #tpu.memory_space<vmem>> -> memref<8x100xi32, #tpu.memory_space<vmem>>
          %dma_wait3A_262 = arith.constant 0 : i32
          %dma_wait3A_263 = tpu.memref_slice %arg5[%add3A_235, %dma_wait3A_262] : memref<3200x100xi32, #tpu.memory_space<hbm>> -> memref<8x100xi32, #tpu.memory_space<hbm>>
          tpu.wait_dma2 semaphore(%dma_wait3A_257 : memref<!tpu.dma_semaphore, #tpu.memory_space<semaphore_mem>>) src(%dma_wait3A_263 : memref<8x100xi32, #tpu.memory_space<hbm>>) dst(%dma_wait3A_261 : memref<8x100xi32, #tpu.memory_space<vmem>>)
        } else {
        }
        %add3A_184 = arith.constant 1 : i32
        %add3A_185 = arith.addi %while3A_159, %add3A_184 : i32
        %lt3A_186 = arith.cmpi slt, %add3A_185, %min3A : i32
        %convert_element_type3A_187 = arith.extui %lt3A_186 : i1 to i32
        %cond3A_188 = arith.constant 0 : i32
        %cond3A_189 = arith.cmpi ne, %convert_element_type3A_187, %cond3A_188 : i32
        scf.if %cond3A_189 {
          %ge3A_229 = arith.constant 2 : i32
          %ge3A_230 = arith.cmpi sge, %while3A_159, %ge3A_229 : i32
          %convert_element_type3A_231 = arith.extui %ge3A_230 : i1 to i32
          %cond3A_232 = arith.constant 0 : i32
          %cond3A_233 = arith.cmpi ne, %convert_element_type3A_231, %cond3A_232 : i32
          scf.if %cond3A_233 {
            %sub3A_256 = arith.constant 2 : i32
            %sub3A_257 = arith.subi %while3A_159, %sub3A_256 : i32
            %shift_right_logical3A_258 = arith.constant 3 : i32
            %shift_right_logical3A_259 = arith.shrui %sub3A_257, %shift_right_logical3A_258 : i32
            %and3A_260 = arith.constant 1 : i32
            %and3A_261 = arith.andi %shift_right_logical3A_259, %and3A_260 : i32
            %and3A_262 = arith.constant 7 : i32
            %and3A_263 = arith.andi %sub3A_257, %and3A_262 : i32
            %rem3A_264 = arith.constant 3 : i32
            %rem3A_265 = arith.remsi %sub3A_257, %rem3A_264 : i32
            %dma_wait3A_266 = arith.constant 0 : i32
            %dma_wait3A_267 = arith.constant 0 : i32
            %dma_wait3A_268 = tpu.memref_slice %arg11[%rem3A_265, %dma_wait3A_266, %dma_wait3A_267] : memref<3x100x128xf32, #tpu.memory_space<vmem>> -> memref<1x100x128xf32, #tpu.memory_space<vmem>>
            %dma_wait3A_269 = tpu.memref_squeeze %dma_wait3A_268 : memref<1x100x128xf32, #tpu.memory_space<vmem>> -> memref<100x128xf32, #tpu.memory_space<vmem>>
            %dma_wait3A_270 = arith.constant 0 : i32
            %dma_wait3A_271 = tpu.memref_slice %arg10[%and3A_261, %and3A_263, %dma_wait3A_270] : memref<2x8x100xi32, #tpu.memory_space<vmem>> -> memref<1x1x100xi32, #tpu.memory_space<vmem>>
            %dma_wait3A_272 = tpu.memref_squeeze %dma_wait3A_271 : memref<1x1x100xi32, #tpu.memory_space<vmem>> -> memref<100xi32, #tpu.memory_space<vmem>>
            %dma_wait3A_273 = arith.constant 0 : i32
            %dma_wait3A_274 = arith.constant 0 : i32
            %dma_wait3A_275 = tpu.memref_slice %arg12[%dma_wait3A_273, %dma_wait3A_274] : memref<10000x128xf32, #tpu.memory_space<vmem_shared>> -> memref<10000x128xf32, #tpu.memory_space<vmem_shared>>
            %dma_wait3A_276 = tpu.memref_slice %arg15[%rem3A_265] : memref<3x!tpu.dma_semaphore, #tpu.memory_space<semaphore_mem>> -> memref<1x!tpu.dma_semaphore, #tpu.memory_space<semaphore_mem>>
            %dma_wait3A_277 = tpu.memref_squeeze %dma_wait3A_276 : memref<1x!tpu.dma_semaphore, #tpu.memory_space<semaphore_mem>> -> memref<!tpu.dma_semaphore, #tpu.memory_space<semaphore_mem>>
            tpu.wait_indirect_dma semaphore(%dma_wait3A_277 : memref<!tpu.dma_semaphore, #tpu.memory_space<semaphore_mem>>) src(%dma_wait3A_269 : memref<100x128xf32, #tpu.memory_space<vmem>>) dst(%dma_wait3A_275 : memref<10000x128xf32, #tpu.memory_space<vmem_shared>>)
          } else {
          }
          %add3A_234 = arith.constant 1 : i32
          %add3A_235 = arith.addi %while3A_159, %add3A_234 : i32
          %shift_right_logical3A_236 = arith.constant 3 : i32
          %shift_right_logical3A_237 = arith.shrui %add3A_235, %shift_right_logical3A_236 : i32
          %and3A_238 = arith.constant 1 : i32
          %and3A_239 = arith.andi %shift_right_logical3A_237, %and3A_238 : i32
          %and3A_240 = arith.constant 7 : i32
          %and3A_241 = arith.andi %add3A_235, %and3A_240 : i32
          %rem3A_242 = arith.constant 3 : i32
          %rem3A_243 = arith.remsi %add3A_235, %rem3A_242 : i32
          %dma_start3A_244 = arith.constant 0 : i32
          %dma_start3A_245 = arith.constant 0 : i32
          %dma_start3A_246 = tpu.memref_slice %arg11[%rem3A_243, %dma_start3A_244, %dma_start3A_245] : memref<3x100x128xf32, #tpu.memory_space<vmem>> -> memref<1x100x128xf32, #tpu.memory_space<vmem>>
          %dma_start3A_247 = tpu.memref_squeeze %dma_start3A_246 : memref<1x100x128xf32, #tpu.memory_space<vmem>> -> memref<100x128xf32, #tpu.memory_space<vmem>>
          %dma_start3A_248 = arith.constant 0 : i32
          %dma_start3A_249 = tpu.memref_slice %arg9[%and3A_239, %and3A_241, %dma_start3A_248] : memref<2x8x100xi32, #tpu.memory_space<vmem>> -> memref<1x1x100xi32, #tpu.memory_space<vmem>>
          %dma_start3A_250 = tpu.memref_squeeze %dma_start3A_249 : memref<1x1x100xi32, #tpu.memory_space<vmem>> -> memref<100xi32, #tpu.memory_space<vmem>>
          %dma_start3A_251 = arith.constant 0 : i32
          %dma_start3A_252 = arith.constant 0 : i32
          %dma_start3A_253 = tpu.memref_slice %arg2[%dma_start3A_251, %dma_start3A_252] : memref<10000x128xf32, #tpu.memory_space<hbm>> -> memref<10000x128xf32, #tpu.memory_space<hbm>>
          %dma_start3A_254 = tpu.memref_slice %arg14[%rem3A_243] : memref<3x!tpu.dma_semaphore, #tpu.memory_space<semaphore_mem>> -> memref<1x!tpu.dma_semaphore, #tpu.memory_space<semaphore_mem>>
          %dma_start3A_255 = tpu.memref_squeeze %dma_start3A_254 : memref<1x!tpu.dma_semaphore, #tpu.memory_space<semaphore_mem>> -> memref<!tpu.dma_semaphore, #tpu.memory_space<semaphore_mem>>
          tpu.enqueue_indirect_dma source(%dma_start3A_253 : memref<10000x128xf32, #tpu.memory_space<hbm>>) target(%dma_start3A_247 : memref<100x128xf32, #tpu.memory_space<vmem>>) offsets(%dma_start3A_250 : memref<100xi32, #tpu.memory_space<vmem>>) semaphore(%dma_start3A_255 : memref<!tpu.dma_semaphore, #tpu.memory_space<semaphore_mem>>)
        } else {
        }
        %shift_right_logical3A_190 = arith.constant 3 : i32
        %shift_right_logical3A_191 = arith.shrui %while3A_159, %shift_right_logical3A_190 : i32
        %and3A_192 = arith.constant 1 : i32
        %and3A_193 = arith.andi %shift_right_logical3A_191, %and3A_192 : i32
        %and3A_194 = arith.constant 7 : i32
        %and3A_195 = arith.andi %while3A_159, %and3A_194 : i32
        %rem3A = arith.constant 3 : i32
        %rem3A_196 = arith.remsi %while3A_159, %rem3A : i32
        %dma_wait3A_197 = arith.constant 0 : i32
        %dma_wait3A_198 = arith.constant 0 : i32
        %dma_wait3A_199 = tpu.memref_slice %arg11[%rem3A_196, %dma_wait3A_197, %dma_wait3A_198] : memref<3x100x128xf32, #tpu.memory_space<vmem>> -> memref<1x100x128xf32, #tpu.memory_space<vmem>>
        %dma_wait3A_200 = tpu.memref_squeeze %dma_wait3A_199 : memref<1x100x128xf32, #tpu.memory_space<vmem>> -> memref<100x128xf32, #tpu.memory_space<vmem>>
        %dma_wait3A_201 = arith.constant 0 : i32
        %dma_wait3A_202 = tpu.memref_slice %arg9[%and3A_193, %and3A_195, %dma_wait3A_201] : memref<2x8x100xi32, #tpu.memory_space<vmem>> -> memref<1x1x100xi32, #tpu.memory_space<vmem>>
        %dma_wait3A_203 = tpu.memref_squeeze %dma_wait3A_202 : memref<1x1x100xi32, #tpu.memory_space<vmem>> -> memref<100xi32, #tpu.memory_space<vmem>>
        %dma_wait3A_204 = arith.constant 0 : i32
        %dma_wait3A_205 = arith.constant 0 : i32
        %dma_wait3A_206 = tpu.memref_slice %arg2[%dma_wait3A_204, %dma_wait3A_205] : memref<10000x128xf32, #tpu.memory_space<hbm>> -> memref<10000x128xf32, #tpu.memory_space<hbm>>
        %dma_wait3A_207 = tpu.memref_slice %arg14[%rem3A_196] : memref<3x!tpu.dma_semaphore, #tpu.memory_space<semaphore_mem>> -> memref<1x!tpu.dma_semaphore, #tpu.memory_space<semaphore_mem>>
        %dma_wait3A_208 = tpu.memref_squeeze %dma_wait3A_207 : memref<1x!tpu.dma_semaphore, #tpu.memory_space<semaphore_mem>> -> memref<!tpu.dma_semaphore, #tpu.memory_space<semaphore_mem>>
        tpu.wait_indirect_dma semaphore(%dma_wait3A_208 : memref<!tpu.dma_semaphore, #tpu.memory_space<semaphore_mem>>) src(%dma_wait3A_206 : memref<10000x128xf32, #tpu.memory_space<hbm>>) dst(%dma_wait3A_200 : memref<100x128xf32, #tpu.memory_space<vmem>>)
        %shift_right_logical3A_209 = arith.constant 3 : i32
        %shift_right_logical3A_210 = arith.shrui %while3A_159, %shift_right_logical3A_209 : i32
        %and3A_211 = arith.constant 1 : i32
        %and3A_212 = arith.andi %shift_right_logical3A_210, %and3A_211 : i32
        %and3A_213 = arith.constant 7 : i32
        %and3A_214 = arith.andi %while3A_159, %and3A_213 : i32
        %rem3A_215 = arith.constant 3 : i32
        %rem3A_216 = arith.remsi %while3A_159, %rem3A_215 : i32
        %dma_start3A_217 = arith.constant 0 : i32
        %dma_start3A_218 = arith.constant 0 : i32
        %dma_start3A_219 = tpu.memref_slice %arg11[%rem3A_216, %dma_start3A_217, %dma_start3A_218] : memref<3x100x128xf32, #tpu.memory_space<vmem>> -> memref<1x100x128xf32, #tpu.memory_space<vmem>>
        %dma_start3A_220 = tpu.memref_squeeze %dma_start3A_219 : memref<1x100x128xf32, #tpu.memory_space<vmem>> -> memref<100x128xf32, #tpu.memory_space<vmem>>
        %dma_start3A_221 = arith.constant 0 : i32
        %dma_start3A_222 = tpu.memref_slice %arg10[%and3A_212, %and3A_214, %dma_start3A_221] : memref<2x8x100xi32, #tpu.memory_space<vmem>> -> memref<1x1x100xi32, #tpu.memory_space<vmem>>
        %dma_start3A_223 = tpu.memref_squeeze %dma_start3A_222 : memref<1x1x100xi32, #tpu.memory_space<vmem>> -> memref<100xi32, #tpu.memory_space<vmem>>
        %dma_start3A_224 = arith.constant 0 : i32
        %dma_start3A_225 = arith.constant 0 : i32
        %dma_start3A_226 = tpu.memref_slice %arg12[%dma_start3A_224, %dma_start3A_225] : memref<10000x128xf32, #tpu.memory_space<vmem_shared>> -> memref<10000x128xf32, #tpu.memory_space<vmem_shared>>
        %dma_start3A_227 = tpu.memref_slice %arg15[%rem3A_216] : memref<3x!tpu.dma_semaphore, #tpu.memory_space<semaphore_mem>> -> memref<1x!tpu.dma_semaphore, #tpu.memory_space<semaphore_mem>>
        %dma_start3A_228 = tpu.memref_squeeze %dma_start3A_227 : memref<1x!tpu.dma_semaphore, #tpu.memory_space<semaphore_mem>> -> memref<!tpu.dma_semaphore, #tpu.memory_space<semaphore_mem>>
        tpu.enqueue_indirect_dma source(%dma_start3A_220 : memref<100x128xf32, #tpu.memory_space<vmem>>) target(%dma_start3A_226 : memref<10000x128xf32, #tpu.memory_space<vmem_shared>>) offsets(%dma_start3A_223 : memref<100xi32, #tpu.memory_space<vmem>>) semaphore(%dma_start3A_228 : memref<!tpu.dma_semaphore, #tpu.memory_space<semaphore_mem>>) {add = true}
      }
      %ge3A = arith.constant 3 : i32
      %ge3A_116 = arith.cmpi sge, %min3A, %ge3A : i32
      %convert_element_type3A_117 = arith.extui %ge3A_116 : i1 to i32
      %cond3A_118 = arith.constant 0 : i32
      %cond3A_119 = arith.cmpi ne, %convert_element_type3A_117, %cond3A_118 : i32
      scf.if %cond3A_119 {
        %sub3A_159 = arith.constant 3 : i32
        %sub3A_160 = arith.subi %min3A, %sub3A_159 : i32
        %shift_right_logical3A = arith.constant 3 : i32
        %shift_right_logical3A_161 = arith.shrui %sub3A_160, %shift_right_logical3A : i32
        %and3A = arith.constant 1 : i32
        %and3A_162 = arith.andi %shift_right_logical3A_161, %and3A : i32
        %and3A_163 = arith.constant 7 : i32
        %and3A_164 = arith.andi %sub3A_160, %and3A_163 : i32
        %rem3A = arith.constant 3 : i32
        %rem3A_165 = arith.remsi %sub3A_160, %rem3A : i32
        %dma_wait3A_166 = arith.constant 0 : i32
        %dma_wait3A_167 = arith.constant 0 : i32
        %dma_wait3A_168 = tpu.memref_slice %arg11[%rem3A_165, %dma_wait3A_166, %dma_wait3A_167] : memref<3x100x128xf32, #tpu.memory_space<vmem>> -> memref<1x100x128xf32, #tpu.memory_space<vmem>>
        %dma_wait3A_169 = tpu.memref_squeeze %dma_wait3A_168 : memref<1x100x128xf32, #tpu.memory_space<vmem>> -> memref<100x128xf32, #tpu.memory_space<vmem>>
        %dma_wait3A_170 = arith.constant 0 : i32
        %dma_wait3A_171 = tpu.memref_slice %arg10[%and3A_162, %and3A_164, %dma_wait3A_170] : memref<2x8x100xi32, #tpu.memory_space<vmem>> -> memref<1x1x100xi32, #tpu.memory_space<vmem>>
        %dma_wait3A_172 = tpu.memref_squeeze %dma_wait3A_171 : memref<1x1x100xi32, #tpu.memory_space<vmem>> -> memref<100xi32, #tpu.memory_space<vmem>>
        %dma_wait3A_173 = arith.constant 0 : i32
        %dma_wait3A_174 = arith.constant 0 : i32
        %dma_wait3A_175 = tpu.memref_slice %arg12[%dma_wait3A_173, %dma_wait3A_174] : memref<10000x128xf32, #tpu.memory_space<vmem_shared>> -> memref<10000x128xf32, #tpu.memory_space<vmem_shared>>
        %dma_wait3A_176 = tpu.memref_slice %arg15[%rem3A_165] : memref<3x!tpu.dma_semaphore, #tpu.memory_space<semaphore_mem>> -> memref<1x!tpu.dma_semaphore, #tpu.memory_space<semaphore_mem>>
        %dma_wait3A_177 = tpu.memref_squeeze %dma_wait3A_176 : memref<1x!tpu.dma_semaphore, #tpu.memory_space<semaphore_mem>> -> memref<!tpu.dma_semaphore, #tpu.memory_space<semaphore_mem>>
        tpu.wait_indirect_dma semaphore(%dma_wait3A_177 : memref<!tpu.dma_semaphore, #tpu.memory_space<semaphore_mem>>) src(%dma_wait3A_169 : memref<100x128xf32, #tpu.memory_space<vmem>>) dst(%dma_wait3A_175 : memref<10000x128xf32, #tpu.memory_space<vmem_shared>>)
      } else {
      }
      %ge3A_120 = arith.constant 2 : i32
      %ge3A_121 = arith.cmpi sge, %min3A, %ge3A_120 : i32
      %convert_element_type3A_122 = arith.extui %ge3A_121 : i1 to i32
      %cond3A_123 = arith.constant 0 : i32
      %cond3A_124 = arith.cmpi ne, %convert_element_type3A_122, %cond3A_123 : i32
      scf.if %cond3A_124 {
        %sub3A_159 = arith.constant 2 : i32
        %sub3A_160 = arith.subi %min3A, %sub3A_159 : i32
        %shift_right_logical3A = arith.constant 3 : i32
        %shift_right_logical3A_161 = arith.shrui %sub3A_160, %shift_right_logical3A : i32
        %and3A = arith.constant 1 : i32
        %and3A_162 = arith.andi %shift_right_logical3A_161, %and3A : i32
        %and3A_163 = arith.constant 7 : i32
        %and3A_164 = arith.andi %sub3A_160, %and3A_163 : i32
        %rem3A = arith.constant 3 : i32
        %rem3A_165 = arith.remsi %sub3A_160, %rem3A : i32
        %dma_wait3A_166 = arith.constant 0 : i32
        %dma_wait3A_167 = arith.constant 0 : i32
        %dma_wait3A_168 = tpu.memref_slice %arg11[%rem3A_165, %dma_wait3A_166, %dma_wait3A_167] : memref<3x100x128xf32, #tpu.memory_space<vmem>> -> memref<1x100x128xf32, #tpu.memory_space<vmem>>
        %dma_wait3A_169 = tpu.memref_squeeze %dma_wait3A_168 : memref<1x100x128xf32, #tpu.memory_space<vmem>> -> memref<100x128xf32, #tpu.memory_space<vmem>>
        %dma_wait3A_170 = arith.constant 0 : i32
        %dma_wait3A_171 = tpu.memref_slice %arg10[%and3A_162, %and3A_164, %dma_wait3A_170] : memref<2x8x100xi32, #tpu.memory_space<vmem>> -> memref<1x1x100xi32, #tpu.memory_space<vmem>>
        %dma_wait3A_172 = tpu.memref_squeeze %dma_wait3A_171 : memref<1x1x100xi32, #tpu.memory_space<vmem>> -> memref<100xi32, #tpu.memory_space<vmem>>
        %dma_wait3A_173 = arith.constant 0 : i32
        %dma_wait3A_174 = arith.constant 0 : i32
        %dma_wait3A_175 = tpu.memref_slice %arg12[%dma_wait3A_173, %dma_wait3A_174] : memref<10000x128xf32, #tpu.memory_space<vmem_shared>> -> memref<10000x128xf32, #tpu.memory_space<vmem_shared>>
        %dma_wait3A_176 = tpu.memref_slice %arg15[%rem3A_165] : memref<3x!tpu.dma_semaphore, #tpu.memory_space<semaphore_mem>> -> memref<1x!tpu.dma_semaphore, #tpu.memory_space<semaphore_mem>>
        %dma_wait3A_177 = tpu.memref_squeeze %dma_wait3A_176 : memref<1x!tpu.dma_semaphore, #tpu.memory_space<semaphore_mem>> -> memref<!tpu.dma_semaphore, #tpu.memory_space<semaphore_mem>>
        tpu.wait_indirect_dma semaphore(%dma_wait3A_177 : memref<!tpu.dma_semaphore, #tpu.memory_space<semaphore_mem>>) src(%dma_wait3A_169 : memref<100x128xf32, #tpu.memory_space<vmem>>) dst(%dma_wait3A_175 : memref<10000x128xf32, #tpu.memory_space<vmem_shared>>)
      } else {
      }
      %ge3A_125 = arith.constant 1 : i32
      %ge3A_126 = arith.cmpi sge, %min3A, %ge3A_125 : i32
      %convert_element_type3A_127 = arith.extui %ge3A_126 : i1 to i32
      %cond3A_128 = arith.constant 0 : i32
      %cond3A_129 = arith.cmpi ne, %convert_element_type3A_127, %cond3A_128 : i32
      scf.if %cond3A_129 {
        %sub3A_159 = arith.constant 1 : i32
        %sub3A_160 = arith.subi %min3A, %sub3A_159 : i32
        %shift_right_logical3A = arith.constant 3 : i32
        %shift_right_logical3A_161 = arith.shrui %sub3A_160, %shift_right_logical3A : i32
        %and3A = arith.constant 1 : i32
        %and3A_162 = arith.andi %shift_right_logical3A_161, %and3A : i32
        %and3A_163 = arith.constant 7 : i32
        %and3A_164 = arith.andi %sub3A_160, %and3A_163 : i32
        %rem3A = arith.constant 3 : i32
        %rem3A_165 = arith.remsi %sub3A_160, %rem3A : i32
        %dma_wait3A_166 = arith.constant 0 : i32
        %dma_wait3A_167 = arith.constant 0 : i32
        %dma_wait3A_168 = tpu.memref_slice %arg11[%rem3A_165, %dma_wait3A_166, %dma_wait3A_167] : memref<3x100x128xf32, #tpu.memory_space<vmem>> -> memref<1x100x128xf32, #tpu.memory_space<vmem>>
        %dma_wait3A_169 = tpu.memref_squeeze %dma_wait3A_168 : memref<1x100x128xf32, #tpu.memory_space<vmem>> -> memref<100x128xf32, #tpu.memory_space<vmem>>
        %dma_wait3A_170 = arith.constant 0 : i32
        %dma_wait3A_171 = tpu.memref_slice %arg10[%and3A_162, %and3A_164, %dma_wait3A_170] : memref<2x8x100xi32, #tpu.memory_space<vmem>> -> memref<1x1x100xi32, #tpu.memory_space<vmem>>
        %dma_wait3A_172 = tpu.memref_squeeze %dma_wait3A_171 : memref<1x1x100xi32, #tpu.memory_space<vmem>> -> memref<100xi32, #tpu.memory_space<vmem>>
        %dma_wait3A_173 = arith.constant 0 : i32
        %dma_wait3A_174 = arith.constant 0 : i32
        %dma_wait3A_175 = tpu.memref_slice %arg12[%dma_wait3A_173, %dma_wait3A_174] : memref<10000x128xf32, #tpu.memory_space<vmem_shared>> -> memref<10000x128xf32, #tpu.memory_space<vmem_shared>>
        %dma_wait3A_176 = tpu.memref_slice %arg15[%rem3A_165] : memref<3x!tpu.dma_semaphore, #tpu.memory_space<semaphore_mem>> -> memref<1x!tpu.dma_semaphore, #tpu.memory_space<semaphore_mem>>
        %dma_wait3A_177 = tpu.memref_squeeze %dma_wait3A_176 : memref<1x!tpu.dma_semaphore, #tpu.memory_space<semaphore_mem>> -> memref<!tpu.dma_semaphore, #tpu.memory_space<semaphore_mem>>
        tpu.wait_indirect_dma semaphore(%dma_wait3A_177 : memref<!tpu.dma_semaphore, #tpu.memory_space<semaphore_mem>>) src(%dma_wait3A_169 : memref<100x128xf32, #tpu.memory_space<vmem>>) dst(%dma_wait3A_175 : memref<10000x128xf32, #tpu.memory_space<vmem_shared>>)
      } else {
      }
      %barrier3A_130 = arith.constant 0 : index
      tpu.barrier barrier_id(%barrier3A_130)
      %add3A_131 = arith.constant 0 : i32
      %add3A_132 = arith.addi %arg1, %add3A_131 : i32
      %lt3A_133 = arith.constant 50 : i32
      %lt3A_134 = arith.cmpi slt, %add3A_132, %lt3A_133 : i32
      %convert_element_type3A_135 = arith.extui %lt3A_134 : i1 to i32
      %cond3A_136 = arith.constant 0 : i32
      %cond3A_137 = arith.cmpi ne, %convert_element_type3A_135, %cond3A_136 : i32
      scf.if %cond3A_137 {
        %mul3A_159 = arith.constant 200 : i32
        %mul3A_160 = arith.muli %add3A_132, %mul3A_159 : i32
        %mul3A_161 = arith.constant 200 : i32
        %mul3A_162 = arith.muli %add3A_132, %mul3A_161 : i32
        "tpu.region"() ({
          %run_scoped3A = tpu.sem_alloc : memref<!tpu.dma_semaphore, #tpu.memory_space<semaphore_mem>>
          %dma_start3A_163 = arith.constant 0 : i32
          %dma_start3A_164 = tpu.memref_slice %arg7[%mul3A_162, %dma_start3A_163] : memref<10000x128xf32, #tpu.memory_space<hbm>> -> memref<200x128xf32, #tpu.memory_space<hbm>>
          %dma_start3A_165 = arith.constant 0 : i32
          %dma_start3A_166 = tpu.memref_slice %arg12[%mul3A_160, %dma_start3A_165] : memref<10000x128xf32, #tpu.memory_space<vmem_shared>> -> memref<200x128xf32, #tpu.memory_space<vmem_shared>>
          tpu.enqueue_dma source(%dma_start3A_166 : memref<200x128xf32, #tpu.memory_space<vmem_shared>>) target(%dma_start3A_164 : memref<200x128xf32, #tpu.memory_space<hbm>>) target_semaphore(%run_scoped3A : memref<!tpu.dma_semaphore, #tpu.memory_space<semaphore_mem>>)
          %dma_wait3A_167 = arith.constant 0 : i32
          %dma_wait3A_168 = tpu.memref_slice %arg7[%mul3A_162, %dma_wait3A_167] : memref<10000x128xf32, #tpu.memory_space<hbm>> -> memref<200x128xf32, #tpu.memory_space<hbm>>
          %dma_wait3A_169 = arith.constant 0 : i32
          %dma_wait3A_170 = tpu.memref_slice %arg12[%mul3A_160, %dma_wait3A_169] : memref<10000x128xf32, #tpu.memory_space<vmem_shared>> -> memref<200x128xf32, #tpu.memory_space<vmem_shared>>
          tpu.wait_dma2 semaphore(%run_scoped3A : memref<!tpu.dma_semaphore, #tpu.memory_space<semaphore_mem>>) src(%dma_wait3A_170 : memref<200x128xf32, #tpu.memory_space<vmem_shared>>) dst(%dma_wait3A_168 : memref<200x128xf32, #tpu.memory_space<hbm>>)
          tpu.yield
        }) : () -> ()
      } else {
      }
      %add3A_138 = arith.constant 16 : i32
      %add3A_139 = arith.addi %arg1, %add3A_138 : i32
      %lt3A_140 = arith.constant 50 : i32
      %lt3A_141 = arith.cmpi slt, %add3A_139, %lt3A_140 : i32
      %convert_element_type3A_142 = arith.extui %lt3A_141 : i1 to i32
      %cond3A_143 = arith.constant 0 : i32
      %cond3A_144 = arith.cmpi ne, %convert_element_type3A_142, %cond3A_143 : i32
      scf.if %cond3A_144 {
        %mul3A_159 = arith.constant 200 : i32
        %mul3A_160 = arith.muli %add3A_139, %mul3A_159 : i32
        %mul3A_161 = arith.constant 200 : i32
        %mul3A_162 = arith.muli %add3A_139, %mul3A_161 : i32
        "tpu.region"() ({
          %run_scoped3A = tpu.sem_alloc : memref<!tpu.dma_semaphore, #tpu.memory_space<semaphore_mem>>
          %dma_start3A_163 = arith.constant 0 : i32
          %dma_start3A_164 = tpu.memref_slice %arg7[%mul3A_162, %dma_start3A_163] : memref<10000x128xf32, #tpu.memory_space<hbm>> -> memref<200x128xf32, #tpu.memory_space<hbm>>
          %dma_start3A_165 = arith.constant 0 : i32
          %dma_start3A_166 = tpu.memref_slice %arg12[%mul3A_160, %dma_start3A_165] : memref<10000x128xf32, #tpu.memory_space<vmem_shared>> -> memref<200x128xf32, #tpu.memory_space<vmem_shared>>
          tpu.enqueue_dma source(%dma_start3A_166 : memref<200x128xf32, #tpu.memory_space<vmem_shared>>) target(%dma_start3A_164 : memref<200x128xf32, #tpu.memory_space<hbm>>) target_semaphore(%run_scoped3A : memref<!tpu.dma_semaphore, #tpu.memory_space<semaphore_mem>>)
          %dma_wait3A_167 = arith.constant 0 : i32
          %dma_wait3A_168 = tpu.memref_slice %arg7[%mul3A_162, %dma_wait3A_167] : memref<10000x128xf32, #tpu.memory_space<hbm>> -> memref<200x128xf32, #tpu.memory_space<hbm>>
          %dma_wait3A_169 = arith.constant 0 : i32
          %dma_wait3A_170 = tpu.memref_slice %arg12[%mul3A_160, %dma_wait3A_169] : memref<10000x128xf32, #tpu.memory_space<vmem_shared>> -> memref<200x128xf32, #tpu.memory_space<vmem_shared>>
          tpu.wait_dma2 semaphore(%run_scoped3A : memref<!tpu.dma_semaphore, #tpu.memory_space<semaphore_mem>>) src(%dma_wait3A_170 : memref<200x128xf32, #tpu.memory_space<vmem_shared>>) dst(%dma_wait3A_168 : memref<200x128xf32, #tpu.memory_space<hbm>>)
          tpu.yield
        }) : () -> ()
      } else {
      }
      %add3A_145 = arith.constant 32 : i32
      %add3A_146 = arith.addi %arg1, %add3A_145 : i32
      %lt3A_147 = arith.constant 50 : i32
      %lt3A_148 = arith.cmpi slt, %add3A_146, %lt3A_147 : i32
      %convert_element_type3A_149 = arith.extui %lt3A_148 : i1 to i32
      %cond3A_150 = arith.constant 0 : i32
      %cond3A_151 = arith.cmpi ne, %convert_element_type3A_149, %cond3A_150 : i32
      scf.if %cond3A_151 {
        %mul3A_159 = arith.constant 200 : i32
        %mul3A_160 = arith.muli %add3A_146, %mul3A_159 : i32
        %mul3A_161 = arith.constant 200 : i32
        %mul3A_162 = arith.muli %add3A_146, %mul3A_161 : i32
        "tpu.region"() ({
          %run_scoped3A = tpu.sem_alloc : memref<!tpu.dma_semaphore, #tpu.memory_space<semaphore_mem>>
          %dma_start3A_163 = arith.constant 0 : i32
          %dma_start3A_164 = tpu.memref_slice %arg7[%mul3A_162, %dma_start3A_163] : memref<10000x128xf32, #tpu.memory_space<hbm>> -> memref<200x128xf32, #tpu.memory_space<hbm>>
          %dma_start3A_165 = arith.constant 0 : i32
          %dma_start3A_166 = tpu.memref_slice %arg12[%mul3A_160, %dma_start3A_165] : memref<10000x128xf32, #tpu.memory_space<vmem_shared>> -> memref<200x128xf32, #tpu.memory_space<vmem_shared>>
          tpu.enqueue_dma source(%dma_start3A_166 : memref<200x128xf32, #tpu.memory_space<vmem_shared>>) target(%dma_start3A_164 : memref<200x128xf32, #tpu.memory_space<hbm>>) target_semaphore(%run_scoped3A : memref<!tpu.dma_semaphore, #tpu.memory_space<semaphore_mem>>)
          %dma_wait3A_167 = arith.constant 0 : i32
          %dma_wait3A_168 = tpu.memref_slice %arg7[%mul3A_162, %dma_wait3A_167] : memref<10000x128xf32, #tpu.memory_space<hbm>> -> memref<200x128xf32, #tpu.memory_space<hbm>>
          %dma_wait3A_169 = arith.constant 0 : i32
          %dma_wait3A_170 = tpu.memref_slice %arg12[%mul3A_160, %dma_wait3A_169] : memref<10000x128xf32, #tpu.memory_space<vmem_shared>> -> memref<200x128xf32, #tpu.memory_space<vmem_shared>>
          tpu.wait_dma2 semaphore(%run_scoped3A : memref<!tpu.dma_semaphore, #tpu.memory_space<semaphore_mem>>) src(%dma_wait3A_170 : memref<200x128xf32, #tpu.memory_space<vmem_shared>>) dst(%dma_wait3A_168 : memref<200x128xf32, #tpu.memory_space<hbm>>)
          tpu.yield
        }) : () -> ()
      } else {
      }
      %add3A_152 = arith.constant 48 : i32
      %add3A_153 = arith.addi %arg1, %add3A_152 : i32
      %lt3A_154 = arith.constant 50 : i32
      %lt3A_155 = arith.cmpi slt, %add3A_153, %lt3A_154 : i32
      %convert_element_type3A_156 = arith.extui %lt3A_155 : i1 to i32
      %cond3A_157 = arith.constant 0 : i32
      %cond3A_158 = arith.cmpi ne, %convert_element_type3A_156, %cond3A_157 : i32
      scf.if %cond3A_158 {
        %mul3A_159 = arith.constant 200 : i32
        %mul3A_160 = arith.muli %add3A_153, %mul3A_159 : i32
        %mul3A_161 = arith.constant 200 : i32
        %mul3A_162 = arith.muli %add3A_153, %mul3A_161 : i32
        "tpu.region"() ({
          %run_scoped3A = tpu.sem_alloc : memref<!tpu.dma_semaphore, #tpu.memory_space<semaphore_mem>>
          %dma_start3A_163 = arith.constant 0 : i32
          %dma_start3A_164 = tpu.memref_slice %arg7[%mul3A_162, %dma_start3A_163] : memref<10000x128xf32, #tpu.memory_space<hbm>> -> memref<200x128xf32, #tpu.memory_space<hbm>>
          %dma_start3A_165 = arith.constant 0 : i32
          %dma_start3A_166 = tpu.memref_slice %arg12[%mul3A_160, %dma_start3A_165] : memref<10000x128xf32, #tpu.memory_space<vmem_shared>> -> memref<200x128xf32, #tpu.memory_space<vmem_shared>>
          tpu.enqueue_dma source(%dma_start3A_166 : memref<200x128xf32, #tpu.memory_space<vmem_shared>>) target(%dma_start3A_164 : memref<200x128xf32, #tpu.memory_space<hbm>>) target_semaphore(%run_scoped3A : memref<!tpu.dma_semaphore, #tpu.memory_space<semaphore_mem>>)
          %dma_wait3A_167 = arith.constant 0 : i32
          %dma_wait3A_168 = tpu.memref_slice %arg7[%mul3A_162, %dma_wait3A_167] : memref<10000x128xf32, #tpu.memory_space<hbm>> -> memref<200x128xf32, #tpu.memory_space<hbm>>
          %dma_wait3A_169 = arith.constant 0 : i32
          %dma_wait3A_170 = tpu.memref_slice %arg12[%mul3A_160, %dma_wait3A_169] : memref<10000x128xf32, #tpu.memory_space<vmem_shared>> -> memref<200x128xf32, #tpu.memory_space<vmem_shared>>
          tpu.wait_dma2 semaphore(%run_scoped3A : memref<!tpu.dma_semaphore, #tpu.memory_space<semaphore_mem>>) src(%dma_wait3A_170 : memref<200x128xf32, #tpu.memory_space<vmem_shared>>) dst(%dma_wait3A_168 : memref<200x128xf32, #tpu.memory_space<hbm>>)
          tpu.yield
        }) : () -> ()
      } else {
      }
    } else {
    }
    %eq3A_31 = arith.constant 1 : i32
    %eq3A_32 = arith.cmpi eq, %arg0, %eq3A_31 : i32
    %convert_element_type3A_33 = arith.extui %eq3A_32 : i1 to i32
    %cond3A_34 = arith.constant 0 : i32
    %cond3A_35 = arith.cmpi ne, %convert_element_type3A_33, %cond3A_34 : i32
    scf.if %cond3A_35 {
      %mul3A_36 = arith.constant 200 : i32
      %mul3A_37 = arith.muli %arg1, %mul3A_36 : i32
      %add3A_38 = arith.constant 0 : i32
      %add3A_39 = arith.addi %mul3A_37, %add3A_38 : i32
      %dma_start3A = arith.constant 0 : i32
      %dma_start3A_40 = arith.constant 0 : i32
      %dma_start3A_41 = arith.constant 0 : i32
      %dma_start3A_42 = arith.constant 0 : i32
      %dma_start3A_43 = tpu.memref_slice %arg9[%dma_start3A, %dma_start3A_41, %dma_start3A_42] : memref<2x8x100xi32, #tpu.memory_space<vmem>> -> memref<1x8x100xi32, #tpu.memory_space<vmem>>
      %dma_start3A_44 = tpu.memref_squeeze %dma_start3A_43 : memref<1x8x100xi32, #tpu.memory_space<vmem>> -> memref<8x100xi32, #tpu.memory_space<vmem>>
      %dma_start3A_45 = arith.constant 0 : i32
      %dma_start3A_46 = tpu.memref_slice %arg4[%add3A_39, %dma_start3A_45] : memref<3200x100xi32, #tpu.memory_space<hbm>> -> memref<8x100xi32, #tpu.memory_space<hbm>>
      %dma_start3A_47 = tpu.memref_slice %arg13[%dma_start3A_40] : memref<2x!tpu.dma_semaphore, #tpu.memory_space<semaphore_mem>> -> memref<1x!tpu.dma_semaphore, #tpu.memory_space<semaphore_mem>>
      %dma_start3A_48 = tpu.memref_squeeze %dma_start3A_47 : memref<1x!tpu.dma_semaphore, #tpu.memory_space<semaphore_mem>> -> memref<!tpu.dma_semaphore, #tpu.memory_space<semaphore_mem>>
      %dma_start3A_49 = arith.constant 0 : i32
      %dma_start3A_50 = arith.constant 0 : i32
      %dma_start3A_51 = tpu.memref_slice %arg9[%dma_start3A, %dma_start3A_49, %dma_start3A_50] : memref<2x8x100xi32, #tpu.memory_space<vmem>> -> memref<1x8x100xi32, #tpu.memory_space<vmem>>
      %dma_start3A_52 = tpu.memref_squeeze %dma_start3A_51 : memref<1x8x100xi32, #tpu.memory_space<vmem>> -> memref<8x100xi32, #tpu.memory_space<vmem>>
      %dma_start3A_53 = arith.constant 0 : i32
      %dma_start3A_54 = tpu.memref_slice %arg4[%add3A_39, %dma_start3A_53] : memref<3200x100xi32, #tpu.memory_space<hbm>> -> memref<8x100xi32, #tpu.memory_space<hbm>>
      tpu.enqueue_dma source(%dma_start3A_54 : memref<8x100xi32, #tpu.memory_space<hbm>>) target(%dma_start3A_52 : memref<8x100xi32, #tpu.memory_space<vmem>>) target_semaphore(%dma_start3A_48 : memref<!tpu.dma_semaphore, #tpu.memory_space<semaphore_mem>>)
      %dma_start3A_55 = arith.constant 0 : i32
      %dma_start3A_56 = arith.constant 0 : i32
      %dma_start3A_57 = arith.constant 0 : i32
      %dma_start3A_58 = arith.constant 0 : i32
      %dma_start3A_59 = tpu.memref_slice %arg10[%dma_start3A_55, %dma_start3A_57, %dma_start3A_58] : memref<2x8x100xi32, #tpu.memory_space<vmem>> -> memref<1x8x100xi32, #tpu.memory_space<vmem>>
      %dma_start3A_60 = tpu.memref_squeeze %dma_start3A_59 : memref<1x8x100xi32, #tpu.memory_space<vmem>> -> memref<8x100xi32, #tpu.memory_space<vmem>>
      %dma_start3A_61 = arith.constant 0 : i32
      %dma_start3A_62 = tpu.memref_slice %arg5[%add3A_39, %dma_start3A_61] : memref<3200x100xi32, #tpu.memory_space<hbm>> -> memref<8x100xi32, #tpu.memory_space<hbm>>
      %dma_start3A_63 = tpu.memref_slice %arg13[%dma_start3A_56] : memref<2x!tpu.dma_semaphore, #tpu.memory_space<semaphore_mem>> -> memref<1x!tpu.dma_semaphore, #tpu.memory_space<semaphore_mem>>
      %dma_start3A_64 = tpu.memref_squeeze %dma_start3A_63 : memref<1x!tpu.dma_semaphore, #tpu.memory_space<semaphore_mem>> -> memref<!tpu.dma_semaphore, #tpu.memory_space<semaphore_mem>>
      %dma_start3A_65 = arith.constant 0 : i32
      %dma_start3A_66 = arith.constant 0 : i32
      %dma_start3A_67 = tpu.memref_slice %arg10[%dma_start3A_55, %dma_start3A_65, %dma_start3A_66] : memref<2x8x100xi32, #tpu.memory_space<vmem>> -> memref<1x8x100xi32, #tpu.memory_space<vmem>>
      %dma_start3A_68 = tpu.memref_squeeze %dma_start3A_67 : memref<1x8x100xi32, #tpu.memory_space<vmem>> -> memref<8x100xi32, #tpu.memory_space<vmem>>
      %dma_start3A_69 = arith.constant 0 : i32
      %dma_start3A_70 = tpu.memref_slice %arg5[%add3A_39, %dma_start3A_69] : memref<3200x100xi32, #tpu.memory_space<hbm>> -> memref<8x100xi32, #tpu.memory_space<hbm>>
      tpu.enqueue_dma source(%dma_start3A_70 : memref<8x100xi32, #tpu.memory_space<hbm>>) target(%dma_start3A_68 : memref<8x100xi32, #tpu.memory_space<vmem>>) target_semaphore(%dma_start3A_64 : memref<!tpu.dma_semaphore, #tpu.memory_space<semaphore_mem>>)
      %add3A_71 = arith.constant 0 : i32
      %add3A_72 = arith.addi %mul3A_37, %add3A_71 : i32
      %dma_wait3A = arith.constant 0 : i32
      %dma_wait3A_73 = arith.constant 0 : i32
      %dma_wait3A_74 = arith.constant 0 : i32
      %dma_wait3A_75 = arith.constant 0 : i32
      %dma_wait3A_76 = tpu.memref_slice %arg9[%dma_wait3A, %dma_wait3A_74, %dma_wait3A_75] : memref<2x8x100xi32, #tpu.memory_space<vmem>> -> memref<1x8x100xi32, #tpu.memory_space<vmem>>
      %dma_wait3A_77 = tpu.memref_squeeze %dma_wait3A_76 : memref<1x8x100xi32, #tpu.memory_space<vmem>> -> memref<8x100xi32, #tpu.memory_space<vmem>>
      %dma_wait3A_78 = arith.constant 0 : i32
      %dma_wait3A_79 = tpu.memref_slice %arg4[%add3A_72, %dma_wait3A_78] : memref<3200x100xi32, #tpu.memory_space<hbm>> -> memref<8x100xi32, #tpu.memory_space<hbm>>
      %dma_wait3A_80 = tpu.memref_slice %arg13[%dma_wait3A_73] : memref<2x!tpu.dma_semaphore, #tpu.memory_space<semaphore_mem>> -> memref<1x!tpu.dma_semaphore, #tpu.memory_space<semaphore_mem>>
      %dma_wait3A_81 = tpu.memref_squeeze %dma_wait3A_80 : memref<1x!tpu.dma_semaphore, #tpu.memory_space<semaphore_mem>> -> memref<!tpu.dma_semaphore, #tpu.memory_space<semaphore_mem>>
      %dma_wait3A_82 = arith.constant 0 : i32
      %dma_wait3A_83 = arith.constant 0 : i32
      %dma_wait3A_84 = tpu.memref_slice %arg9[%dma_wait3A, %dma_wait3A_82, %dma_wait3A_83] : memref<2x8x100xi32, #tpu.memory_space<vmem>> -> memref<1x8x100xi32, #tpu.memory_space<vmem>>
      %dma_wait3A_85 = tpu.memref_squeeze %dma_wait3A_84 : memref<1x8x100xi32, #tpu.memory_space<vmem>> -> memref<8x100xi32, #tpu.memory_space<vmem>>
      %dma_wait3A_86 = arith.constant 0 : i32
      %dma_wait3A_87 = tpu.memref_slice %arg4[%add3A_72, %dma_wait3A_86] : memref<3200x100xi32, #tpu.memory_space<hbm>> -> memref<8x100xi32, #tpu.memory_space<hbm>>
      tpu.wait_dma2 semaphore(%dma_wait3A_81 : memref<!tpu.dma_semaphore, #tpu.memory_space<semaphore_mem>>) src(%dma_wait3A_87 : memref<8x100xi32, #tpu.memory_space<hbm>>) dst(%dma_wait3A_85 : memref<8x100xi32, #tpu.memory_space<vmem>>)
      %dma_wait3A_88 = arith.constant 0 : i32
      %dma_wait3A_89 = arith.constant 0 : i32
      %dma_wait3A_90 = arith.constant 0 : i32
      %dma_wait3A_91 = arith.constant 0 : i32
      %dma_wait3A_92 = tpu.memref_slice %arg10[%dma_wait3A_88, %dma_wait3A_90, %dma_wait3A_91] : memref<2x8x100xi32, #tpu.memory_space<vmem>> -> memref<1x8x100xi32, #tpu.memory_space<vmem>>
      %dma_wait3A_93 = tpu.memref_squeeze %dma_wait3A_92 : memref<1x8x100xi32, #tpu.memory_space<vmem>> -> memref<8x100xi32, #tpu.memory_space<vmem>>
      %dma_wait3A_94 = arith.constant 0 : i32
      %dma_wait3A_95 = tpu.memref_slice %arg5[%add3A_72, %dma_wait3A_94] : memref<3200x100xi32, #tpu.memory_space<hbm>> -> memref<8x100xi32, #tpu.memory_space<hbm>>
      %dma_wait3A_96 = tpu.memref_slice %arg13[%dma_wait3A_89] : memref<2x!tpu.dma_semaphore, #tpu.memory_space<semaphore_mem>> -> memref<1x!tpu.dma_semaphore, #tpu.memory_space<semaphore_mem>>
      %dma_wait3A_97 = tpu.memref_squeeze %dma_wait3A_96 : memref<1x!tpu.dma_semaphore, #tpu.memory_space<semaphore_mem>> -> memref<!tpu.dma_semaphore, #tpu.memory_space<semaphore_mem>>
      %dma_wait3A_98 = arith.constant 0 : i32
      %dma_wait3A_99 = arith.constant 0 : i32
      %dma_wait3A_100 = tpu.memref_slice %arg10[%dma_wait3A_88, %dma_wait3A_98, %dma_wait3A_99] : memref<2x8x100xi32, #tpu.memory_space<vmem>> -> memref<1x8x100xi32, #tpu.memory_space<vmem>>
      %dma_wait3A_101 = tpu.memref_squeeze %dma_wait3A_100 : memref<1x8x100xi32, #tpu.memory_space<vmem>> -> memref<8x100xi32, #tpu.memory_space<vmem>>
      %dma_wait3A_102 = arith.constant 0 : i32
      %dma_wait3A_103 = tpu.memref_slice %arg5[%add3A_72, %dma_wait3A_102] : memref<3200x100xi32, #tpu.memory_space<hbm>> -> memref<8x100xi32, #tpu.memory_space<hbm>>
      tpu.wait_dma2 semaphore(%dma_wait3A_97 : memref<!tpu.dma_semaphore, #tpu.memory_space<semaphore_mem>>) src(%dma_wait3A_103 : memref<8x100xi32, #tpu.memory_space<hbm>>) dst(%dma_wait3A_101 : memref<8x100xi32, #tpu.memory_space<vmem>>)
      %gt3A = arith.constant 0 : i32
      %gt3A_104 = arith.cmpi sgt, %min3A, %gt3A : i32
      %convert_element_type3A_105 = arith.extui %gt3A_104 : i1 to i32
      %cond3A_106 = arith.constant 0 : i32
      %cond3A_107 = arith.cmpi ne, %convert_element_type3A_105, %cond3A_106 : i32
      scf.if %cond3A_107 {
        %shift_right_logical3A = arith.constant 0 : i32
        %shift_right_logical3A_159 = arith.constant 3 : i32
        %shift_right_logical3A_160 = arith.shrui %shift_right_logical3A, %shift_right_logical3A_159 : i32
        %and3A = arith.constant 1 : i32
        %and3A_161 = arith.andi %shift_right_logical3A_160, %and3A : i32
        %and3A_162 = arith.constant 0 : i32
        %and3A_163 = arith.constant 7 : i32
        %and3A_164 = arith.andi %and3A_162, %and3A_163 : i32
        %rem3A = arith.constant 0 : i32
        %rem3A_165 = arith.constant 3 : i32
        %rem3A_166 = arith.remsi %rem3A, %rem3A_165 : i32
        %dma_start3A_167 = arith.constant 0 : i32
        %dma_start3A_168 = arith.constant 0 : i32
        %dma_start3A_169 = tpu.memref_slice %arg11[%rem3A_166, %dma_start3A_167, %dma_start3A_168] : memref<3x100x128xf32, #tpu.memory_space<vmem>> -> memref<1x100x128xf32, #tpu.memory_space<vmem>>
        %dma_start3A_170 = tpu.memref_squeeze %dma_start3A_169 : memref<1x100x128xf32, #tpu.memory_space<vmem>> -> memref<100x128xf32, #tpu.memory_space<vmem>>
        %dma_start3A_171 = arith.constant 0 : i32
        %dma_start3A_172 = tpu.memref_slice %arg9[%and3A_161, %and3A_164, %dma_start3A_171] : memref<2x8x100xi32, #tpu.memory_space<vmem>> -> memref<1x1x100xi32, #tpu.memory_space<vmem>>
        %dma_start3A_173 = tpu.memref_squeeze %dma_start3A_172 : memref<1x1x100xi32, #tpu.memory_space<vmem>> -> memref<100xi32, #tpu.memory_space<vmem>>
        %dma_start3A_174 = arith.constant 0 : i32
        %dma_start3A_175 = arith.constant 0 : i32
        %dma_start3A_176 = tpu.memref_slice %arg3[%dma_start3A_174, %dma_start3A_175] : memref<10000x128xf32, #tpu.memory_space<hbm>> -> memref<10000x128xf32, #tpu.memory_space<hbm>>
        %dma_start3A_177 = tpu.memref_slice %arg14[%rem3A_166] : memref<3x!tpu.dma_semaphore, #tpu.memory_space<semaphore_mem>> -> memref<1x!tpu.dma_semaphore, #tpu.memory_space<semaphore_mem>>
        %dma_start3A_178 = tpu.memref_squeeze %dma_start3A_177 : memref<1x!tpu.dma_semaphore, #tpu.memory_space<semaphore_mem>> -> memref<!tpu.dma_semaphore, #tpu.memory_space<semaphore_mem>>
        tpu.enqueue_indirect_dma source(%dma_start3A_176 : memref<10000x128xf32, #tpu.memory_space<hbm>>) target(%dma_start3A_170 : memref<100x128xf32, #tpu.memory_space<vmem>>) offsets(%dma_start3A_173 : memref<100xi32, #tpu.memory_space<vmem>>) semaphore(%dma_start3A_178 : memref<!tpu.dma_semaphore, #tpu.memory_space<semaphore_mem>>)
      } else {
      }
      %while3A = arith.constant 0 : i32
      %while3A_108 = arith.subi %min3A, %while3A : i32
      %while3A_109 = arith.addi %while3A, %while3A_108 : i32
      %while3A_110 = arith.constant 1 : i32
      %while3A_111 = arith.divsi %while3A_108, %while3A_110 : i32
      %while3A_112 = arith.muli %while3A_111, %while3A_110 : i32
      %while3A_113 = arith.addi %while3A, %while3A_112 : i32
      %while3A_114 = arith.constant 1 : i32
      scf.for %while3A_159 = %while3A to %while3A_113 step %while3A_114  : i32 {
        %and3A = arith.constant 7 : i32
        %and3A_160 = arith.andi %while3A_159, %and3A : i32
        %shift_right_logical3A = arith.constant 3 : i32
        %shift_right_logical3A_161 = arith.shrui %while3A_159, %shift_right_logical3A : i32
        %and3A_162 = arith.constant 1 : i32
        %and3A_163 = arith.andi %shift_right_logical3A_161, %and3A_162 : i32
        %eq3A_164 = arith.constant 2 : i32
        %eq3A_165 = arith.cmpi eq, %and3A_160, %eq3A_164 : i32
        %add3A_166 = arith.constant 1 : i32
        %add3A_167 = arith.addi %shift_right_logical3A_161, %add3A_166 : i32
        %mul3A_168 = arith.constant 8 : i32
        %mul3A_169 = arith.muli %add3A_167, %mul3A_168 : i32
        %lt3A_170 = arith.cmpi slt, %mul3A_169, %min3A : i32
        %and3A_171 = arith.andi %eq3A_165, %lt3A_170 : i1
        %convert_element_type3A_172 = arith.extui %and3A_171 : i1 to i32
        %cond3A_173 = arith.constant 0 : i32
        %cond3A_174 = arith.cmpi ne, %convert_element_type3A_172, %cond3A_173 : i32
        scf.if %cond3A_174 {
          %add3A_229 = arith.constant 1 : i32
          %add3A_230 = arith.addi %shift_right_logical3A_161, %add3A_229 : i32
          %sub3A_231 = arith.constant 1 : i32
          %sub3A_232 = arith.subi %sub3A_231, %and3A_163 : i32
          %mul3A_233 = arith.constant 8 : i32
          %mul3A_234 = arith.muli %add3A_230, %mul3A_233 : i32
          %add3A_235 = arith.addi %mul3A_37, %mul3A_234 : i32
          %dma_start3A_236 = arith.constant 0 : i32
          %dma_start3A_237 = arith.constant 0 : i32
          %dma_start3A_238 = tpu.memref_slice %arg9[%sub3A_232, %dma_start3A_236, %dma_start3A_237] : memref<2x8x100xi32, #tpu.memory_space<vmem>> -> memref<1x8x100xi32, #tpu.memory_space<vmem>>
          %dma_start3A_239 = tpu.memref_squeeze %dma_start3A_238 : memref<1x8x100xi32, #tpu.memory_space<vmem>> -> memref<8x100xi32, #tpu.memory_space<vmem>>
          %dma_start3A_240 = arith.constant 0 : i32
          %dma_start3A_241 = tpu.memref_slice %arg4[%add3A_235, %dma_start3A_240] : memref<3200x100xi32, #tpu.memory_space<hbm>> -> memref<8x100xi32, #tpu.memory_space<hbm>>
          %dma_start3A_242 = tpu.memref_slice %arg13[%sub3A_232] : memref<2x!tpu.dma_semaphore, #tpu.memory_space<semaphore_mem>> -> memref<1x!tpu.dma_semaphore, #tpu.memory_space<semaphore_mem>>
          %dma_start3A_243 = tpu.memref_squeeze %dma_start3A_242 : memref<1x!tpu.dma_semaphore, #tpu.memory_space<semaphore_mem>> -> memref<!tpu.dma_semaphore, #tpu.memory_space<semaphore_mem>>
          %dma_start3A_244 = arith.constant 0 : i32
          %dma_start3A_245 = arith.constant 0 : i32
          %dma_start3A_246 = tpu.memref_slice %arg9[%sub3A_232, %dma_start3A_244, %dma_start3A_245] : memref<2x8x100xi32, #tpu.memory_space<vmem>> -> memref<1x8x100xi32, #tpu.memory_space<vmem>>
          %dma_start3A_247 = tpu.memref_squeeze %dma_start3A_246 : memref<1x8x100xi32, #tpu.memory_space<vmem>> -> memref<8x100xi32, #tpu.memory_space<vmem>>
          %dma_start3A_248 = arith.constant 0 : i32
          %dma_start3A_249 = tpu.memref_slice %arg4[%add3A_235, %dma_start3A_248] : memref<3200x100xi32, #tpu.memory_space<hbm>> -> memref<8x100xi32, #tpu.memory_space<hbm>>
          tpu.enqueue_dma source(%dma_start3A_249 : memref<8x100xi32, #tpu.memory_space<hbm>>) target(%dma_start3A_247 : memref<8x100xi32, #tpu.memory_space<vmem>>) target_semaphore(%dma_start3A_243 : memref<!tpu.dma_semaphore, #tpu.memory_space<semaphore_mem>>)
          %dma_start3A_250 = arith.constant 0 : i32
          %dma_start3A_251 = arith.constant 0 : i32
          %dma_start3A_252 = tpu.memref_slice %arg10[%sub3A_232, %dma_start3A_250, %dma_start3A_251] : memref<2x8x100xi32, #tpu.memory_space<vmem>> -> memref<1x8x100xi32, #tpu.memory_space<vmem>>
          %dma_start3A_253 = tpu.memref_squeeze %dma_start3A_252 : memref<1x8x100xi32, #tpu.memory_space<vmem>> -> memref<8x100xi32, #tpu.memory_space<vmem>>
          %dma_start3A_254 = arith.constant 0 : i32
          %dma_start3A_255 = tpu.memref_slice %arg5[%add3A_235, %dma_start3A_254] : memref<3200x100xi32, #tpu.memory_space<hbm>> -> memref<8x100xi32, #tpu.memory_space<hbm>>
          %dma_start3A_256 = tpu.memref_slice %arg13[%sub3A_232] : memref<2x!tpu.dma_semaphore, #tpu.memory_space<semaphore_mem>> -> memref<1x!tpu.dma_semaphore, #tpu.memory_space<semaphore_mem>>
          %dma_start3A_257 = tpu.memref_squeeze %dma_start3A_256 : memref<1x!tpu.dma_semaphore, #tpu.memory_space<semaphore_mem>> -> memref<!tpu.dma_semaphore, #tpu.memory_space<semaphore_mem>>
          %dma_start3A_258 = arith.constant 0 : i32
          %dma_start3A_259 = arith.constant 0 : i32
          %dma_start3A_260 = tpu.memref_slice %arg10[%sub3A_232, %dma_start3A_258, %dma_start3A_259] : memref<2x8x100xi32, #tpu.memory_space<vmem>> -> memref<1x8x100xi32, #tpu.memory_space<vmem>>
          %dma_start3A_261 = tpu.memref_squeeze %dma_start3A_260 : memref<1x8x100xi32, #tpu.memory_space<vmem>> -> memref<8x100xi32, #tpu.memory_space<vmem>>
          %dma_start3A_262 = arith.constant 0 : i32
          %dma_start3A_263 = tpu.memref_slice %arg5[%add3A_235, %dma_start3A_262] : memref<3200x100xi32, #tpu.memory_space<hbm>> -> memref<8x100xi32, #tpu.memory_space<hbm>>
          tpu.enqueue_dma source(%dma_start3A_263 : memref<8x100xi32, #tpu.memory_space<hbm>>) target(%dma_start3A_261 : memref<8x100xi32, #tpu.memory_space<vmem>>) target_semaphore(%dma_start3A_257 : memref<!tpu.dma_semaphore, #tpu.memory_space<semaphore_mem>>)
        } else {
        }
        %eq3A_175 = arith.constant 7 : i32
        %eq3A_176 = arith.cmpi eq, %and3A_160, %eq3A_175 : i32
        %add3A_177 = arith.constant 1 : i32
        %add3A_178 = arith.addi %while3A_159, %add3A_177 : i32
        %lt3A_179 = arith.cmpi slt, %add3A_178, %min3A : i32
        %and3A_180 = arith.andi %eq3A_176, %lt3A_179 : i1
        %convert_element_type3A_181 = arith.extui %and3A_180 : i1 to i32
        %cond3A_182 = arith.constant 0 : i32
        %cond3A_183 = arith.cmpi ne, %convert_element_type3A_181, %cond3A_182 : i32
        scf.if %cond3A_183 {
          %add3A_229 = arith.constant 1 : i32
          %add3A_230 = arith.addi %shift_right_logical3A_161, %add3A_229 : i32
          %sub3A_231 = arith.constant 1 : i32
          %sub3A_232 = arith.subi %sub3A_231, %and3A_163 : i32
          %mul3A_233 = arith.constant 8 : i32
          %mul3A_234 = arith.muli %add3A_230, %mul3A_233 : i32
          %add3A_235 = arith.addi %mul3A_37, %mul3A_234 : i32
          %dma_wait3A_236 = arith.constant 0 : i32
          %dma_wait3A_237 = arith.constant 0 : i32
          %dma_wait3A_238 = tpu.memref_slice %arg9[%sub3A_232, %dma_wait3A_236, %dma_wait3A_237] : memref<2x8x100xi32, #tpu.memory_space<vmem>> -> memref<1x8x100xi32, #tpu.memory_space<vmem>>
          %dma_wait3A_239 = tpu.memref_squeeze %dma_wait3A_238 : memref<1x8x100xi32, #tpu.memory_space<vmem>> -> memref<8x100xi32, #tpu.memory_space<vmem>>
          %dma_wait3A_240 = arith.constant 0 : i32
          %dma_wait3A_241 = tpu.memref_slice %arg4[%add3A_235, %dma_wait3A_240] : memref<3200x100xi32, #tpu.memory_space<hbm>> -> memref<8x100xi32, #tpu.memory_space<hbm>>
          %dma_wait3A_242 = tpu.memref_slice %arg13[%sub3A_232] : memref<2x!tpu.dma_semaphore, #tpu.memory_space<semaphore_mem>> -> memref<1x!tpu.dma_semaphore, #tpu.memory_space<semaphore_mem>>
          %dma_wait3A_243 = tpu.memref_squeeze %dma_wait3A_242 : memref<1x!tpu.dma_semaphore, #tpu.memory_space<semaphore_mem>> -> memref<!tpu.dma_semaphore, #tpu.memory_space<semaphore_mem>>
          %dma_wait3A_244 = arith.constant 0 : i32
          %dma_wait3A_245 = arith.constant 0 : i32
          %dma_wait3A_246 = tpu.memref_slice %arg9[%sub3A_232, %dma_wait3A_244, %dma_wait3A_245] : memref<2x8x100xi32, #tpu.memory_space<vmem>> -> memref<1x8x100xi32, #tpu.memory_space<vmem>>
          %dma_wait3A_247 = tpu.memref_squeeze %dma_wait3A_246 : memref<1x8x100xi32, #tpu.memory_space<vmem>> -> memref<8x100xi32, #tpu.memory_space<vmem>>
          %dma_wait3A_248 = arith.constant 0 : i32
          %dma_wait3A_249 = tpu.memref_slice %arg4[%add3A_235, %dma_wait3A_248] : memref<3200x100xi32, #tpu.memory_space<hbm>> -> memref<8x100xi32, #tpu.memory_space<hbm>>
          tpu.wait_dma2 semaphore(%dma_wait3A_243 : memref<!tpu.dma_semaphore, #tpu.memory_space<semaphore_mem>>) src(%dma_wait3A_249 : memref<8x100xi32, #tpu.memory_space<hbm>>) dst(%dma_wait3A_247 : memref<8x100xi32, #tpu.memory_space<vmem>>)
          %dma_wait3A_250 = arith.constant 0 : i32
          %dma_wait3A_251 = arith.constant 0 : i32
          %dma_wait3A_252 = tpu.memref_slice %arg10[%sub3A_232, %dma_wait3A_250, %dma_wait3A_251] : memref<2x8x100xi32, #tpu.memory_space<vmem>> -> memref<1x8x100xi32, #tpu.memory_space<vmem>>
          %dma_wait3A_253 = tpu.memref_squeeze %dma_wait3A_252 : memref<1x8x100xi32, #tpu.memory_space<vmem>> -> memref<8x100xi32, #tpu.memory_space<vmem>>
          %dma_wait3A_254 = arith.constant 0 : i32
          %dma_wait3A_255 = tpu.memref_slice %arg5[%add3A_235, %dma_wait3A_254] : memref<3200x100xi32, #tpu.memory_space<hbm>> -> memref<8x100xi32, #tpu.memory_space<hbm>>
          %dma_wait3A_256 = tpu.memref_slice %arg13[%sub3A_232] : memref<2x!tpu.dma_semaphore, #tpu.memory_space<semaphore_mem>> -> memref<1x!tpu.dma_semaphore, #tpu.memory_space<semaphore_mem>>
          %dma_wait3A_257 = tpu.memref_squeeze %dma_wait3A_256 : memref<1x!tpu.dma_semaphore, #tpu.memory_space<semaphore_mem>> -> memref<!tpu.dma_semaphore, #tpu.memory_space<semaphore_mem>>
          %dma_wait3A_258 = arith.constant 0 : i32
          %dma_wait3A_259 = arith.constant 0 : i32
          %dma_wait3A_260 = tpu.memref_slice %arg10[%sub3A_232, %dma_wait3A_258, %dma_wait3A_259] : memref<2x8x100xi32, #tpu.memory_space<vmem>> -> memref<1x8x100xi32, #tpu.memory_space<vmem>>
          %dma_wait3A_261 = tpu.memref_squeeze %dma_wait3A_260 : memref<1x8x100xi32, #tpu.memory_space<vmem>> -> memref<8x100xi32, #tpu.memory_space<vmem>>
          %dma_wait3A_262 = arith.constant 0 : i32
          %dma_wait3A_263 = tpu.memref_slice %arg5[%add3A_235, %dma_wait3A_262] : memref<3200x100xi32, #tpu.memory_space<hbm>> -> memref<8x100xi32, #tpu.memory_space<hbm>>
          tpu.wait_dma2 semaphore(%dma_wait3A_257 : memref<!tpu.dma_semaphore, #tpu.memory_space<semaphore_mem>>) src(%dma_wait3A_263 : memref<8x100xi32, #tpu.memory_space<hbm>>) dst(%dma_wait3A_261 : memref<8x100xi32, #tpu.memory_space<vmem>>)
        } else {
        }
        %add3A_184 = arith.constant 1 : i32
        %add3A_185 = arith.addi %while3A_159, %add3A_184 : i32
        %lt3A_186 = arith.cmpi slt, %add3A_185, %min3A : i32
        %convert_element_type3A_187 = arith.extui %lt3A_186 : i1 to i32
        %cond3A_188 = arith.constant 0 : i32
        %cond3A_189 = arith.cmpi ne, %convert_element_type3A_187, %cond3A_188 : i32
        scf.if %cond3A_189 {
          %ge3A_229 = arith.constant 2 : i32
          %ge3A_230 = arith.cmpi sge, %while3A_159, %ge3A_229 : i32
          %convert_element_type3A_231 = arith.extui %ge3A_230 : i1 to i32
          %cond3A_232 = arith.constant 0 : i32
          %cond3A_233 = arith.cmpi ne, %convert_element_type3A_231, %cond3A_232 : i32
          scf.if %cond3A_233 {
            %sub3A_256 = arith.constant 2 : i32
            %sub3A_257 = arith.subi %while3A_159, %sub3A_256 : i32
            %shift_right_logical3A_258 = arith.constant 3 : i32
            %shift_right_logical3A_259 = arith.shrui %sub3A_257, %shift_right_logical3A_258 : i32
            %and3A_260 = arith.constant 1 : i32
            %and3A_261 = arith.andi %shift_right_logical3A_259, %and3A_260 : i32
            %and3A_262 = arith.constant 7 : i32
            %and3A_263 = arith.andi %sub3A_257, %and3A_262 : i32
            %rem3A_264 = arith.constant 3 : i32
            %rem3A_265 = arith.remsi %sub3A_257, %rem3A_264 : i32
            %dma_wait3A_266 = arith.constant 0 : i32
            %dma_wait3A_267 = arith.constant 0 : i32
            %dma_wait3A_268 = tpu.memref_slice %arg11[%rem3A_265, %dma_wait3A_266, %dma_wait3A_267] : memref<3x100x128xf32, #tpu.memory_space<vmem>> -> memref<1x100x128xf32, #tpu.memory_space<vmem>>
            %dma_wait3A_269 = tpu.memref_squeeze %dma_wait3A_268 : memref<1x100x128xf32, #tpu.memory_space<vmem>> -> memref<100x128xf32, #tpu.memory_space<vmem>>
            %dma_wait3A_270 = arith.constant 0 : i32
            %dma_wait3A_271 = tpu.memref_slice %arg10[%and3A_261, %and3A_263, %dma_wait3A_270] : memref<2x8x100xi32, #tpu.memory_space<vmem>> -> memref<1x1x100xi32, #tpu.memory_space<vmem>>
            %dma_wait3A_272 = tpu.memref_squeeze %dma_wait3A_271 : memref<1x1x100xi32, #tpu.memory_space<vmem>> -> memref<100xi32, #tpu.memory_space<vmem>>
            %dma_wait3A_273 = arith.constant 0 : i32
            %dma_wait3A_274 = arith.constant 0 : i32
            %dma_wait3A_275 = tpu.memref_slice %arg12[%dma_wait3A_273, %dma_wait3A_274] : memref<10000x128xf32, #tpu.memory_space<vmem_shared>> -> memref<10000x128xf32, #tpu.memory_space<vmem_shared>>
            %dma_wait3A_276 = tpu.memref_slice %arg15[%rem3A_265] : memref<3x!tpu.dma_semaphore, #tpu.memory_space<semaphore_mem>> -> memref<1x!tpu.dma_semaphore, #tpu.memory_space<semaphore_mem>>
            %dma_wait3A_277 = tpu.memref_squeeze %dma_wait3A_276 : memref<1x!tpu.dma_semaphore, #tpu.memory_space<semaphore_mem>> -> memref<!tpu.dma_semaphore, #tpu.memory_space<semaphore_mem>>
            tpu.wait_indirect_dma semaphore(%dma_wait3A_277 : memref<!tpu.dma_semaphore, #tpu.memory_space<semaphore_mem>>) src(%dma_wait3A_269 : memref<100x128xf32, #tpu.memory_space<vmem>>) dst(%dma_wait3A_275 : memref<10000x128xf32, #tpu.memory_space<vmem_shared>>)
          } else {
          }
          %add3A_234 = arith.constant 1 : i32
          %add3A_235 = arith.addi %while3A_159, %add3A_234 : i32
          %shift_right_logical3A_236 = arith.constant 3 : i32
          %shift_right_logical3A_237 = arith.shrui %add3A_235, %shift_right_logical3A_236 : i32
          %and3A_238 = arith.constant 1 : i32
          %and3A_239 = arith.andi %shift_right_logical3A_237, %and3A_238 : i32
          %and3A_240 = arith.constant 7 : i32
          %and3A_241 = arith.andi %add3A_235, %and3A_240 : i32
          %rem3A_242 = arith.constant 3 : i32
          %rem3A_243 = arith.remsi %add3A_235, %rem3A_242 : i32
          %dma_start3A_244 = arith.constant 0 : i32
          %dma_start3A_245 = arith.constant 0 : i32
          %dma_start3A_246 = tpu.memref_slice %arg11[%rem3A_243, %dma_start3A_244, %dma_start3A_245] : memref<3x100x128xf32, #tpu.memory_space<vmem>> -> memref<1x100x128xf32, #tpu.memory_space<vmem>>
          %dma_start3A_247 = tpu.memref_squeeze %dma_start3A_246 : memref<1x100x128xf32, #tpu.memory_space<vmem>> -> memref<100x128xf32, #tpu.memory_space<vmem>>
          %dma_start3A_248 = arith.constant 0 : i32
          %dma_start3A_249 = tpu.memref_slice %arg9[%and3A_239, %and3A_241, %dma_start3A_248] : memref<2x8x100xi32, #tpu.memory_space<vmem>> -> memref<1x1x100xi32, #tpu.memory_space<vmem>>
          %dma_start3A_250 = tpu.memref_squeeze %dma_start3A_249 : memref<1x1x100xi32, #tpu.memory_space<vmem>> -> memref<100xi32, #tpu.memory_space<vmem>>
          %dma_start3A_251 = arith.constant 0 : i32
          %dma_start3A_252 = arith.constant 0 : i32
          %dma_start3A_253 = tpu.memref_slice %arg3[%dma_start3A_251, %dma_start3A_252] : memref<10000x128xf32, #tpu.memory_space<hbm>> -> memref<10000x128xf32, #tpu.memory_space<hbm>>
          %dma_start3A_254 = tpu.memref_slice %arg14[%rem3A_243] : memref<3x!tpu.dma_semaphore, #tpu.memory_space<semaphore_mem>> -> memref<1x!tpu.dma_semaphore, #tpu.memory_space<semaphore_mem>>
          %dma_start3A_255 = tpu.memref_squeeze %dma_start3A_254 : memref<1x!tpu.dma_semaphore, #tpu.memory_space<semaphore_mem>> -> memref<!tpu.dma_semaphore, #tpu.memory_space<semaphore_mem>>
          tpu.enqueue_indirect_dma source(%dma_start3A_253 : memref<10000x128xf32, #tpu.memory_space<hbm>>) target(%dma_start3A_247 : memref<100x128xf32, #tpu.memory_space<vmem>>) offsets(%dma_start3A_250 : memref<100xi32, #tpu.memory_space<vmem>>) semaphore(%dma_start3A_255 : memref<!tpu.dma_semaphore, #tpu.memory_space<semaphore_mem>>)
        } else {
        }
        %shift_right_logical3A_190 = arith.constant 3 : i32
        %shift_right_logical3A_191 = arith.shrui %while3A_159, %shift_right_logical3A_190 : i32
        %and3A_192 = arith.constant 1 : i32
        %and3A_193 = arith.andi %shift_right_logical3A_191, %and3A_192 : i32
        %and3A_194 = arith.constant 7 : i32
        %and3A_195 = arith.andi %while3A_159, %and3A_194 : i32
        %rem3A = arith.constant 3 : i32
        %rem3A_196 = arith.remsi %while3A_159, %rem3A : i32
        %dma_wait3A_197 = arith.constant 0 : i32
        %dma_wait3A_198 = arith.constant 0 : i32
        %dma_wait3A_199 = tpu.memref_slice %arg11[%rem3A_196, %dma_wait3A_197, %dma_wait3A_198] : memref<3x100x128xf32, #tpu.memory_space<vmem>> -> memref<1x100x128xf32, #tpu.memory_space<vmem>>
        %dma_wait3A_200 = tpu.memref_squeeze %dma_wait3A_199 : memref<1x100x128xf32, #tpu.memory_space<vmem>> -> memref<100x128xf32, #tpu.memory_space<vmem>>
        %dma_wait3A_201 = arith.constant 0 : i32
        %dma_wait3A_202 = tpu.memref_slice %arg9[%and3A_193, %and3A_195, %dma_wait3A_201] : memref<2x8x100xi32, #tpu.memory_space<vmem>> -> memref<1x1x100xi32, #tpu.memory_space<vmem>>
        %dma_wait3A_203 = tpu.memref_squeeze %dma_wait3A_202 : memref<1x1x100xi32, #tpu.memory_space<vmem>> -> memref<100xi32, #tpu.memory_space<vmem>>
        %dma_wait3A_204 = arith.constant 0 : i32
        %dma_wait3A_205 = arith.constant 0 : i32
        %dma_wait3A_206 = tpu.memref_slice %arg3[%dma_wait3A_204, %dma_wait3A_205] : memref<10000x128xf32, #tpu.memory_space<hbm>> -> memref<10000x128xf32, #tpu.memory_space<hbm>>
        %dma_wait3A_207 = tpu.memref_slice %arg14[%rem3A_196] : memref<3x!tpu.dma_semaphore, #tpu.memory_space<semaphore_mem>> -> memref<1x!tpu.dma_semaphore, #tpu.memory_space<semaphore_mem>>
        %dma_wait3A_208 = tpu.memref_squeeze %dma_wait3A_207 : memref<1x!tpu.dma_semaphore, #tpu.memory_space<semaphore_mem>> -> memref<!tpu.dma_semaphore, #tpu.memory_space<semaphore_mem>>
        tpu.wait_indirect_dma semaphore(%dma_wait3A_208 : memref<!tpu.dma_semaphore, #tpu.memory_space<semaphore_mem>>) src(%dma_wait3A_206 : memref<10000x128xf32, #tpu.memory_space<hbm>>) dst(%dma_wait3A_200 : memref<100x128xf32, #tpu.memory_space<vmem>>)
        %shift_right_logical3A_209 = arith.constant 3 : i32
        %shift_right_logical3A_210 = arith.shrui %while3A_159, %shift_right_logical3A_209 : i32
        %and3A_211 = arith.constant 1 : i32
        %and3A_212 = arith.andi %shift_right_logical3A_210, %and3A_211 : i32
        %and3A_213 = arith.constant 7 : i32
        %and3A_214 = arith.andi %while3A_159, %and3A_213 : i32
        %rem3A_215 = arith.constant 3 : i32
        %rem3A_216 = arith.remsi %while3A_159, %rem3A_215 : i32
        %dma_start3A_217 = arith.constant 0 : i32
        %dma_start3A_218 = arith.constant 0 : i32
        %dma_start3A_219 = tpu.memref_slice %arg11[%rem3A_216, %dma_start3A_217, %dma_start3A_218] : memref<3x100x128xf32, #tpu.memory_space<vmem>> -> memref<1x100x128xf32, #tpu.memory_space<vmem>>
        %dma_start3A_220 = tpu.memref_squeeze %dma_start3A_219 : memref<1x100x128xf32, #tpu.memory_space<vmem>> -> memref<100x128xf32, #tpu.memory_space<vmem>>
        %dma_start3A_221 = arith.constant 0 : i32
        %dma_start3A_222 = tpu.memref_slice %arg10[%and3A_212, %and3A_214, %dma_start3A_221] : memref<2x8x100xi32, #tpu.memory_space<vmem>> -> memref<1x1x100xi32, #tpu.memory_space<vmem>>
        %dma_start3A_223 = tpu.memref_squeeze %dma_start3A_222 : memref<1x1x100xi32, #tpu.memory_space<vmem>> -> memref<100xi32, #tpu.memory_space<vmem>>
        %dma_start3A_224 = arith.constant 0 : i32
        %dma_start3A_225 = arith.constant 0 : i32
        %dma_start3A_226 = tpu.memref_slice %arg12[%dma_start3A_224, %dma_start3A_225] : memref<10000x128xf32, #tpu.memory_space<vmem_shared>> -> memref<10000x128xf32, #tpu.memory_space<vmem_shared>>
        %dma_start3A_227 = tpu.memref_slice %arg15[%rem3A_216] : memref<3x!tpu.dma_semaphore, #tpu.memory_space<semaphore_mem>> -> memref<1x!tpu.dma_semaphore, #tpu.memory_space<semaphore_mem>>
        %dma_start3A_228 = tpu.memref_squeeze %dma_start3A_227 : memref<1x!tpu.dma_semaphore, #tpu.memory_space<semaphore_mem>> -> memref<!tpu.dma_semaphore, #tpu.memory_space<semaphore_mem>>
        tpu.enqueue_indirect_dma source(%dma_start3A_220 : memref<100x128xf32, #tpu.memory_space<vmem>>) target(%dma_start3A_226 : memref<10000x128xf32, #tpu.memory_space<vmem_shared>>) offsets(%dma_start3A_223 : memref<100xi32, #tpu.memory_space<vmem>>) semaphore(%dma_start3A_228 : memref<!tpu.dma_semaphore, #tpu.memory_space<semaphore_mem>>) {add = true}
      }
      %while3A_115 = arith.constant 1 : i32
      scf.for %while3A_159 = %while3A_113 to %while3A_109 step %while3A_115  : i32 {
        %and3A = arith.constant 7 : i32
        %and3A_160 = arith.andi %while3A_159, %and3A : i32
        %shift_right_logical3A = arith.constant 3 : i32
        %shift_right_logical3A_161 = arith.shrui %while3A_159, %shift_right_logical3A : i32
        %and3A_162 = arith.constant 1 : i32
        %and3A_163 = arith.andi %shift_right_logical3A_161, %and3A_162 : i32
        %eq3A_164 = arith.constant 2 : i32
        %eq3A_165 = arith.cmpi eq, %and3A_160, %eq3A_164 : i32
        %add3A_166 = arith.constant 1 : i32
        %add3A_167 = arith.addi %shift_right_logical3A_161, %add3A_166 : i32
        %mul3A_168 = arith.constant 8 : i32
        %mul3A_169 = arith.muli %add3A_167, %mul3A_168 : i32
        %lt3A_170 = arith.cmpi slt, %mul3A_169, %min3A : i32
        %and3A_171 = arith.andi %eq3A_165, %lt3A_170 : i1
        %convert_element_type3A_172 = arith.extui %and3A_171 : i1 to i32
        %cond3A_173 = arith.constant 0 : i32
        %cond3A_174 = arith.cmpi ne, %convert_element_type3A_172, %cond3A_173 : i32
        scf.if %cond3A_174 {
          %add3A_229 = arith.constant 1 : i32
          %add3A_230 = arith.addi %shift_right_logical3A_161, %add3A_229 : i32
          %sub3A_231 = arith.constant 1 : i32
          %sub3A_232 = arith.subi %sub3A_231, %and3A_163 : i32
          %mul3A_233 = arith.constant 8 : i32
          %mul3A_234 = arith.muli %add3A_230, %mul3A_233 : i32
          %add3A_235 = arith.addi %mul3A_37, %mul3A_234 : i32
          %dma_start3A_236 = arith.constant 0 : i32
          %dma_start3A_237 = arith.constant 0 : i32
          %dma_start3A_238 = tpu.memref_slice %arg9[%sub3A_232, %dma_start3A_236, %dma_start3A_237] : memref<2x8x100xi32, #tpu.memory_space<vmem>> -> memref<1x8x100xi32, #tpu.memory_space<vmem>>
          %dma_start3A_239 = tpu.memref_squeeze %dma_start3A_238 : memref<1x8x100xi32, #tpu.memory_space<vmem>> -> memref<8x100xi32, #tpu.memory_space<vmem>>
          %dma_start3A_240 = arith.constant 0 : i32
          %dma_start3A_241 = tpu.memref_slice %arg4[%add3A_235, %dma_start3A_240] : memref<3200x100xi32, #tpu.memory_space<hbm>> -> memref<8x100xi32, #tpu.memory_space<hbm>>
          %dma_start3A_242 = tpu.memref_slice %arg13[%sub3A_232] : memref<2x!tpu.dma_semaphore, #tpu.memory_space<semaphore_mem>> -> memref<1x!tpu.dma_semaphore, #tpu.memory_space<semaphore_mem>>
          %dma_start3A_243 = tpu.memref_squeeze %dma_start3A_242 : memref<1x!tpu.dma_semaphore, #tpu.memory_space<semaphore_mem>> -> memref<!tpu.dma_semaphore, #tpu.memory_space<semaphore_mem>>
          %dma_start3A_244 = arith.constant 0 : i32
          %dma_start3A_245 = arith.constant 0 : i32
          %dma_start3A_246 = tpu.memref_slice %arg9[%sub3A_232, %dma_start3A_244, %dma_start3A_245] : memref<2x8x100xi32, #tpu.memory_space<vmem>> -> memref<1x8x100xi32, #tpu.memory_space<vmem>>
          %dma_start3A_247 = tpu.memref_squeeze %dma_start3A_246 : memref<1x8x100xi32, #tpu.memory_space<vmem>> -> memref<8x100xi32, #tpu.memory_space<vmem>>
          %dma_start3A_248 = arith.constant 0 : i32
          %dma_start3A_249 = tpu.memref_slice %arg4[%add3A_235, %dma_start3A_248] : memref<3200x100xi32, #tpu.memory_space<hbm>> -> memref<8x100xi32, #tpu.memory_space<hbm>>
          tpu.enqueue_dma source(%dma_start3A_249 : memref<8x100xi32, #tpu.memory_space<hbm>>) target(%dma_start3A_247 : memref<8x100xi32, #tpu.memory_space<vmem>>) target_semaphore(%dma_start3A_243 : memref<!tpu.dma_semaphore, #tpu.memory_space<semaphore_mem>>)
          %dma_start3A_250 = arith.constant 0 : i32
          %dma_start3A_251 = arith.constant 0 : i32
          %dma_start3A_252 = tpu.memref_slice %arg10[%sub3A_232, %dma_start3A_250, %dma_start3A_251] : memref<2x8x100xi32, #tpu.memory_space<vmem>> -> memref<1x8x100xi32, #tpu.memory_space<vmem>>
          %dma_start3A_253 = tpu.memref_squeeze %dma_start3A_252 : memref<1x8x100xi32, #tpu.memory_space<vmem>> -> memref<8x100xi32, #tpu.memory_space<vmem>>
          %dma_start3A_254 = arith.constant 0 : i32
          %dma_start3A_255 = tpu.memref_slice %arg5[%add3A_235, %dma_start3A_254] : memref<3200x100xi32, #tpu.memory_space<hbm>> -> memref<8x100xi32, #tpu.memory_space<hbm>>
          %dma_start3A_256 = tpu.memref_slice %arg13[%sub3A_232] : memref<2x!tpu.dma_semaphore, #tpu.memory_space<semaphore_mem>> -> memref<1x!tpu.dma_semaphore, #tpu.memory_space<semaphore_mem>>
          %dma_start3A_257 = tpu.memref_squeeze %dma_start3A_256 : memref<1x!tpu.dma_semaphore, #tpu.memory_space<semaphore_mem>> -> memref<!tpu.dma_semaphore, #tpu.memory_space<semaphore_mem>>
          %dma_start3A_258 = arith.constant 0 : i32
          %dma_start3A_259 = arith.constant 0 : i32
          %dma_start3A_260 = tpu.memref_slice %arg10[%sub3A_232, %dma_start3A_258, %dma_start3A_259] : memref<2x8x100xi32, #tpu.memory_space<vmem>> -> memref<1x8x100xi32, #tpu.memory_space<vmem>>
          %dma_start3A_261 = tpu.memref_squeeze %dma_start3A_260 : memref<1x8x100xi32, #tpu.memory_space<vmem>> -> memref<8x100xi32, #tpu.memory_space<vmem>>
          %dma_start3A_262 = arith.constant 0 : i32
          %dma_start3A_263 = tpu.memref_slice %arg5[%add3A_235, %dma_start3A_262] : memref<3200x100xi32, #tpu.memory_space<hbm>> -> memref<8x100xi32, #tpu.memory_space<hbm>>
          tpu.enqueue_dma source(%dma_start3A_263 : memref<8x100xi32, #tpu.memory_space<hbm>>) target(%dma_start3A_261 : memref<8x100xi32, #tpu.memory_space<vmem>>) target_semaphore(%dma_start3A_257 : memref<!tpu.dma_semaphore, #tpu.memory_space<semaphore_mem>>)
        } else {
        }
        %eq3A_175 = arith.constant 7 : i32
        %eq3A_176 = arith.cmpi eq, %and3A_160, %eq3A_175 : i32
        %add3A_177 = arith.constant 1 : i32
        %add3A_178 = arith.addi %while3A_159, %add3A_177 : i32
        %lt3A_179 = arith.cmpi slt, %add3A_178, %min3A : i32
        %and3A_180 = arith.andi %eq3A_176, %lt3A_179 : i1
        %convert_element_type3A_181 = arith.extui %and3A_180 : i1 to i32
        %cond3A_182 = arith.constant 0 : i32
        %cond3A_183 = arith.cmpi ne, %convert_element_type3A_181, %cond3A_182 : i32
        scf.if %cond3A_183 {
          %add3A_229 = arith.constant 1 : i32
          %add3A_230 = arith.addi %shift_right_logical3A_161, %add3A_229 : i32
          %sub3A_231 = arith.constant 1 : i32
          %sub3A_232 = arith.subi %sub3A_231, %and3A_163 : i32
          %mul3A_233 = arith.constant 8 : i32
          %mul3A_234 = arith.muli %add3A_230, %mul3A_233 : i32
          %add3A_235 = arith.addi %mul3A_37, %mul3A_234 : i32
          %dma_wait3A_236 = arith.constant 0 : i32
          %dma_wait3A_237 = arith.constant 0 : i32
          %dma_wait3A_238 = tpu.memref_slice %arg9[%sub3A_232, %dma_wait3A_236, %dma_wait3A_237] : memref<2x8x100xi32, #tpu.memory_space<vmem>> -> memref<1x8x100xi32, #tpu.memory_space<vmem>>
          %dma_wait3A_239 = tpu.memref_squeeze %dma_wait3A_238 : memref<1x8x100xi32, #tpu.memory_space<vmem>> -> memref<8x100xi32, #tpu.memory_space<vmem>>
          %dma_wait3A_240 = arith.constant 0 : i32
          %dma_wait3A_241 = tpu.memref_slice %arg4[%add3A_235, %dma_wait3A_240] : memref<3200x100xi32, #tpu.memory_space<hbm>> -> memref<8x100xi32, #tpu.memory_space<hbm>>
          %dma_wait3A_242 = tpu.memref_slice %arg13[%sub3A_232] : memref<2x!tpu.dma_semaphore, #tpu.memory_space<semaphore_mem>> -> memref<1x!tpu.dma_semaphore, #tpu.memory_space<semaphore_mem>>
          %dma_wait3A_243 = tpu.memref_squeeze %dma_wait3A_242 : memref<1x!tpu.dma_semaphore, #tpu.memory_space<semaphore_mem>> -> memref<!tpu.dma_semaphore, #tpu.memory_space<semaphore_mem>>
          %dma_wait3A_244 = arith.constant 0 : i32
          %dma_wait3A_245 = arith.constant 0 : i32
          %dma_wait3A_246 = tpu.memref_slice %arg9[%sub3A_232, %dma_wait3A_244, %dma_wait3A_245] : memref<2x8x100xi32, #tpu.memory_space<vmem>> -> memref<1x8x100xi32, #tpu.memory_space<vmem>>
          %dma_wait3A_247 = tpu.memref_squeeze %dma_wait3A_246 : memref<1x8x100xi32, #tpu.memory_space<vmem>> -> memref<8x100xi32, #tpu.memory_space<vmem>>
          %dma_wait3A_248 = arith.constant 0 : i32
          %dma_wait3A_249 = tpu.memref_slice %arg4[%add3A_235, %dma_wait3A_248] : memref<3200x100xi32, #tpu.memory_space<hbm>> -> memref<8x100xi32, #tpu.memory_space<hbm>>
          tpu.wait_dma2 semaphore(%dma_wait3A_243 : memref<!tpu.dma_semaphore, #tpu.memory_space<semaphore_mem>>) src(%dma_wait3A_249 : memref<8x100xi32, #tpu.memory_space<hbm>>) dst(%dma_wait3A_247 : memref<8x100xi32, #tpu.memory_space<vmem>>)
          %dma_wait3A_250 = arith.constant 0 : i32
          %dma_wait3A_251 = arith.constant 0 : i32
          %dma_wait3A_252 = tpu.memref_slice %arg10[%sub3A_232, %dma_wait3A_250, %dma_wait3A_251] : memref<2x8x100xi32, #tpu.memory_space<vmem>> -> memref<1x8x100xi32, #tpu.memory_space<vmem>>
          %dma_wait3A_253 = tpu.memref_squeeze %dma_wait3A_252 : memref<1x8x100xi32, #tpu.memory_space<vmem>> -> memref<8x100xi32, #tpu.memory_space<vmem>>
          %dma_wait3A_254 = arith.constant 0 : i32
          %dma_wait3A_255 = tpu.memref_slice %arg5[%add3A_235, %dma_wait3A_254] : memref<3200x100xi32, #tpu.memory_space<hbm>> -> memref<8x100xi32, #tpu.memory_space<hbm>>
          %dma_wait3A_256 = tpu.memref_slice %arg13[%sub3A_232] : memref<2x!tpu.dma_semaphore, #tpu.memory_space<semaphore_mem>> -> memref<1x!tpu.dma_semaphore, #tpu.memory_space<semaphore_mem>>
          %dma_wait3A_257 = tpu.memref_squeeze %dma_wait3A_256 : memref<1x!tpu.dma_semaphore, #tpu.memory_space<semaphore_mem>> -> memref<!tpu.dma_semaphore, #tpu.memory_space<semaphore_mem>>
          %dma_wait3A_258 = arith.constant 0 : i32
          %dma_wait3A_259 = arith.constant 0 : i32
          %dma_wait3A_260 = tpu.memref_slice %arg10[%sub3A_232, %dma_wait3A_258, %dma_wait3A_259] : memref<2x8x100xi32, #tpu.memory_space<vmem>> -> memref<1x8x100xi32, #tpu.memory_space<vmem>>
          %dma_wait3A_261 = tpu.memref_squeeze %dma_wait3A_260 : memref<1x8x100xi32, #tpu.memory_space<vmem>> -> memref<8x100xi32, #tpu.memory_space<vmem>>
          %dma_wait3A_262 = arith.constant 0 : i32
          %dma_wait3A_263 = tpu.memref_slice %arg5[%add3A_235, %dma_wait3A_262] : memref<3200x100xi32, #tpu.memory_space<hbm>> -> memref<8x100xi32, #tpu.memory_space<hbm>>
          tpu.wait_dma2 semaphore(%dma_wait3A_257 : memref<!tpu.dma_semaphore, #tpu.memory_space<semaphore_mem>>) src(%dma_wait3A_263 : memref<8x100xi32, #tpu.memory_space<hbm>>) dst(%dma_wait3A_261 : memref<8x100xi32, #tpu.memory_space<vmem>>)
        } else {
        }
        %add3A_184 = arith.constant 1 : i32
        %add3A_185 = arith.addi %while3A_159, %add3A_184 : i32
        %lt3A_186 = arith.cmpi slt, %add3A_185, %min3A : i32
        %convert_element_type3A_187 = arith.extui %lt3A_186 : i1 to i32
        %cond3A_188 = arith.constant 0 : i32
        %cond3A_189 = arith.cmpi ne, %convert_element_type3A_187, %cond3A_188 : i32
        scf.if %cond3A_189 {
          %ge3A_229 = arith.constant 2 : i32
          %ge3A_230 = arith.cmpi sge, %while3A_159, %ge3A_229 : i32
          %convert_element_type3A_231 = arith.extui %ge3A_230 : i1 to i32
          %cond3A_232 = arith.constant 0 : i32
          %cond3A_233 = arith.cmpi ne, %convert_element_type3A_231, %cond3A_232 : i32
          scf.if %cond3A_233 {
            %sub3A_256 = arith.constant 2 : i32
            %sub3A_257 = arith.subi %while3A_159, %sub3A_256 : i32
            %shift_right_logical3A_258 = arith.constant 3 : i32
            %shift_right_logical3A_259 = arith.shrui %sub3A_257, %shift_right_logical3A_258 : i32
            %and3A_260 = arith.constant 1 : i32
            %and3A_261 = arith.andi %shift_right_logical3A_259, %and3A_260 : i32
            %and3A_262 = arith.constant 7 : i32
            %and3A_263 = arith.andi %sub3A_257, %and3A_262 : i32
            %rem3A_264 = arith.constant 3 : i32
            %rem3A_265 = arith.remsi %sub3A_257, %rem3A_264 : i32
            %dma_wait3A_266 = arith.constant 0 : i32
            %dma_wait3A_267 = arith.constant 0 : i32
            %dma_wait3A_268 = tpu.memref_slice %arg11[%rem3A_265, %dma_wait3A_266, %dma_wait3A_267] : memref<3x100x128xf32, #tpu.memory_space<vmem>> -> memref<1x100x128xf32, #tpu.memory_space<vmem>>
            %dma_wait3A_269 = tpu.memref_squeeze %dma_wait3A_268 : memref<1x100x128xf32, #tpu.memory_space<vmem>> -> memref<100x128xf32, #tpu.memory_space<vmem>>
            %dma_wait3A_270 = arith.constant 0 : i32
            %dma_wait3A_271 = tpu.memref_slice %arg10[%and3A_261, %and3A_263, %dma_wait3A_270] : memref<2x8x100xi32, #tpu.memory_space<vmem>> -> memref<1x1x100xi32, #tpu.memory_space<vmem>>
            %dma_wait3A_272 = tpu.memref_squeeze %dma_wait3A_271 : memref<1x1x100xi32, #tpu.memory_space<vmem>> -> memref<100xi32, #tpu.memory_space<vmem>>
            %dma_wait3A_273 = arith.constant 0 : i32
            %dma_wait3A_274 = arith.constant 0 : i32
            %dma_wait3A_275 = tpu.memref_slice %arg12[%dma_wait3A_273, %dma_wait3A_274] : memref<10000x128xf32, #tpu.memory_space<vmem_shared>> -> memref<10000x128xf32, #tpu.memory_space<vmem_shared>>
            %dma_wait3A_276 = tpu.memref_slice %arg15[%rem3A_265] : memref<3x!tpu.dma_semaphore, #tpu.memory_space<semaphore_mem>> -> memref<1x!tpu.dma_semaphore, #tpu.memory_space<semaphore_mem>>
            %dma_wait3A_277 = tpu.memref_squeeze %dma_wait3A_276 : memref<1x!tpu.dma_semaphore, #tpu.memory_space<semaphore_mem>> -> memref<!tpu.dma_semaphore, #tpu.memory_space<semaphore_mem>>
            tpu.wait_indirect_dma semaphore(%dma_wait3A_277 : memref<!tpu.dma_semaphore, #tpu.memory_space<semaphore_mem>>) src(%dma_wait3A_269 : memref<100x128xf32, #tpu.memory_space<vmem>>) dst(%dma_wait3A_275 : memref<10000x128xf32, #tpu.memory_space<vmem_shared>>)
          } else {
          }
          %add3A_234 = arith.constant 1 : i32
          %add3A_235 = arith.addi %while3A_159, %add3A_234 : i32
          %shift_right_logical3A_236 = arith.constant 3 : i32
          %shift_right_logical3A_237 = arith.shrui %add3A_235, %shift_right_logical3A_236 : i32
          %and3A_238 = arith.constant 1 : i32
          %and3A_239 = arith.andi %shift_right_logical3A_237, %and3A_238 : i32
          %and3A_240 = arith.constant 7 : i32
          %and3A_241 = arith.andi %add3A_235, %and3A_240 : i32
          %rem3A_242 = arith.constant 3 : i32
          %rem3A_243 = arith.remsi %add3A_235, %rem3A_242 : i32
          %dma_start3A_244 = arith.constant 0 : i32
          %dma_start3A_245 = arith.constant 0 : i32
          %dma_start3A_246 = tpu.memref_slice %arg11[%rem3A_243, %dma_start3A_244, %dma_start3A_245] : memref<3x100x128xf32, #tpu.memory_space<vmem>> -> memref<1x100x128xf32, #tpu.memory_space<vmem>>
          %dma_start3A_247 = tpu.memref_squeeze %dma_start3A_246 : memref<1x100x128xf32, #tpu.memory_space<vmem>> -> memref<100x128xf32, #tpu.memory_space<vmem>>
          %dma_start3A_248 = arith.constant 0 : i32
          %dma_start3A_249 = tpu.memref_slice %arg9[%and3A_239, %and3A_241, %dma_start3A_248] : memref<2x8x100xi32, #tpu.memory_space<vmem>> -> memref<1x1x100xi32, #tpu.memory_space<vmem>>
          %dma_start3A_250 = tpu.memref_squeeze %dma_start3A_249 : memref<1x1x100xi32, #tpu.memory_space<vmem>> -> memref<100xi32, #tpu.memory_space<vmem>>
          %dma_start3A_251 = arith.constant 0 : i32
          %dma_start3A_252 = arith.constant 0 : i32
          %dma_start3A_253 = tpu.memref_slice %arg3[%dma_start3A_251, %dma_start3A_252] : memref<10000x128xf32, #tpu.memory_space<hbm>> -> memref<10000x128xf32, #tpu.memory_space<hbm>>
          %dma_start3A_254 = tpu.memref_slice %arg14[%rem3A_243] : memref<3x!tpu.dma_semaphore, #tpu.memory_space<semaphore_mem>> -> memref<1x!tpu.dma_semaphore, #tpu.memory_space<semaphore_mem>>
          %dma_start3A_255 = tpu.memref_squeeze %dma_start3A_254 : memref<1x!tpu.dma_semaphore, #tpu.memory_space<semaphore_mem>> -> memref<!tpu.dma_semaphore, #tpu.memory_space<semaphore_mem>>
          tpu.enqueue_indirect_dma source(%dma_start3A_253 : memref<10000x128xf32, #tpu.memory_space<hbm>>) target(%dma_start3A_247 : memref<100x128xf32, #tpu.memory_space<vmem>>) offsets(%dma_start3A_250 : memref<100xi32, #tpu.memory_space<vmem>>) semaphore(%dma_start3A_255 : memref<!tpu.dma_semaphore, #tpu.memory_space<semaphore_mem>>)
        } else {
        }
        %shift_right_logical3A_190 = arith.constant 3 : i32
        %shift_right_logical3A_191 = arith.shrui %while3A_159, %shift_right_logical3A_190 : i32
        %and3A_192 = arith.constant 1 : i32
        %and3A_193 = arith.andi %shift_right_logical3A_191, %and3A_192 : i32
        %and3A_194 = arith.constant 7 : i32
        %and3A_195 = arith.andi %while3A_159, %and3A_194 : i32
        %rem3A = arith.constant 3 : i32
        %rem3A_196 = arith.remsi %while3A_159, %rem3A : i32
        %dma_wait3A_197 = arith.constant 0 : i32
        %dma_wait3A_198 = arith.constant 0 : i32
        %dma_wait3A_199 = tpu.memref_slice %arg11[%rem3A_196, %dma_wait3A_197, %dma_wait3A_198] : memref<3x100x128xf32, #tpu.memory_space<vmem>> -> memref<1x100x128xf32, #tpu.memory_space<vmem>>
        %dma_wait3A_200 = tpu.memref_squeeze %dma_wait3A_199 : memref<1x100x128xf32, #tpu.memory_space<vmem>> -> memref<100x128xf32, #tpu.memory_space<vmem>>
        %dma_wait3A_201 = arith.constant 0 : i32
        %dma_wait3A_202 = tpu.memref_slice %arg9[%and3A_193, %and3A_195, %dma_wait3A_201] : memref<2x8x100xi32, #tpu.memory_space<vmem>> -> memref<1x1x100xi32, #tpu.memory_space<vmem>>
        %dma_wait3A_203 = tpu.memref_squeeze %dma_wait3A_202 : memref<1x1x100xi32, #tpu.memory_space<vmem>> -> memref<100xi32, #tpu.memory_space<vmem>>
        %dma_wait3A_204 = arith.constant 0 : i32
        %dma_wait3A_205 = arith.constant 0 : i32
        %dma_wait3A_206 = tpu.memref_slice %arg3[%dma_wait3A_204, %dma_wait3A_205] : memref<10000x128xf32, #tpu.memory_space<hbm>> -> memref<10000x128xf32, #tpu.memory_space<hbm>>
        %dma_wait3A_207 = tpu.memref_slice %arg14[%rem3A_196] : memref<3x!tpu.dma_semaphore, #tpu.memory_space<semaphore_mem>> -> memref<1x!tpu.dma_semaphore, #tpu.memory_space<semaphore_mem>>
        %dma_wait3A_208 = tpu.memref_squeeze %dma_wait3A_207 : memref<1x!tpu.dma_semaphore, #tpu.memory_space<semaphore_mem>> -> memref<!tpu.dma_semaphore, #tpu.memory_space<semaphore_mem>>
        tpu.wait_indirect_dma semaphore(%dma_wait3A_208 : memref<!tpu.dma_semaphore, #tpu.memory_space<semaphore_mem>>) src(%dma_wait3A_206 : memref<10000x128xf32, #tpu.memory_space<hbm>>) dst(%dma_wait3A_200 : memref<100x128xf32, #tpu.memory_space<vmem>>)
        %shift_right_logical3A_209 = arith.constant 3 : i32
        %shift_right_logical3A_210 = arith.shrui %while3A_159, %shift_right_logical3A_209 : i32
        %and3A_211 = arith.constant 1 : i32
        %and3A_212 = arith.andi %shift_right_logical3A_210, %and3A_211 : i32
        %and3A_213 = arith.constant 7 : i32
        %and3A_214 = arith.andi %while3A_159, %and3A_213 : i32
        %rem3A_215 = arith.constant 3 : i32
        %rem3A_216 = arith.remsi %while3A_159, %rem3A_215 : i32
        %dma_start3A_217 = arith.constant 0 : i32
        %dma_start3A_218 = arith.constant 0 : i32
        %dma_start3A_219 = tpu.memref_slice %arg11[%rem3A_216, %dma_start3A_217, %dma_start3A_218] : memref<3x100x128xf32, #tpu.memory_space<vmem>> -> memref<1x100x128xf32, #tpu.memory_space<vmem>>
        %dma_start3A_220 = tpu.memref_squeeze %dma_start3A_219 : memref<1x100x128xf32, #tpu.memory_space<vmem>> -> memref<100x128xf32, #tpu.memory_space<vmem>>
        %dma_start3A_221 = arith.constant 0 : i32
        %dma_start3A_222 = tpu.memref_slice %arg10[%and3A_212, %and3A_214, %dma_start3A_221] : memref<2x8x100xi32, #tpu.memory_space<vmem>> -> memref<1x1x100xi32, #tpu.memory_space<vmem>>
        %dma_start3A_223 = tpu.memref_squeeze %dma_start3A_222 : memref<1x1x100xi32, #tpu.memory_space<vmem>> -> memref<100xi32, #tpu.memory_space<vmem>>
        %dma_start3A_224 = arith.constant 0 : i32
        %dma_start3A_225 = arith.constant 0 : i32
        %dma_start3A_226 = tpu.memref_slice %arg12[%dma_start3A_224, %dma_start3A_225] : memref<10000x128xf32, #tpu.memory_space<vmem_shared>> -> memref<10000x128xf32, #tpu.memory_space<vmem_shared>>
        %dma_start3A_227 = tpu.memref_slice %arg15[%rem3A_216] : memref<3x!tpu.dma_semaphore, #tpu.memory_space<semaphore_mem>> -> memref<1x!tpu.dma_semaphore, #tpu.memory_space<semaphore_mem>>
        %dma_start3A_228 = tpu.memref_squeeze %dma_start3A_227 : memref<1x!tpu.dma_semaphore, #tpu.memory_space<semaphore_mem>> -> memref<!tpu.dma_semaphore, #tpu.memory_space<semaphore_mem>>
        tpu.enqueue_indirect_dma source(%dma_start3A_220 : memref<100x128xf32, #tpu.memory_space<vmem>>) target(%dma_start3A_226 : memref<10000x128xf32, #tpu.memory_space<vmem_shared>>) offsets(%dma_start3A_223 : memref<100xi32, #tpu.memory_space<vmem>>) semaphore(%dma_start3A_228 : memref<!tpu.dma_semaphore, #tpu.memory_space<semaphore_mem>>) {add = true}
      }
      %ge3A = arith.constant 3 : i32
      %ge3A_116 = arith.cmpi sge, %min3A, %ge3A : i32
      %convert_element_type3A_117 = arith.extui %ge3A_116 : i1 to i32
      %cond3A_118 = arith.constant 0 : i32
      %cond3A_119 = arith.cmpi ne, %convert_element_type3A_117, %cond3A_118 : i32
      scf.if %cond3A_119 {
        %sub3A_159 = arith.constant 3 : i32
        %sub3A_160 = arith.subi %min3A, %sub3A_159 : i32
        %shift_right_logical3A = arith.constant 3 : i32
        %shift_right_logical3A_161 = arith.shrui %sub3A_160, %shift_right_logical3A : i32
        %and3A = arith.constant 1 : i32
        %and3A_162 = arith.andi %shift_right_logical3A_161, %and3A : i32
        %and3A_163 = arith.constant 7 : i32
        %and3A_164 = arith.andi %sub3A_160, %and3A_163 : i32
        %rem3A = arith.constant 3 : i32
        %rem3A_165 = arith.remsi %sub3A_160, %rem3A : i32
        %dma_wait3A_166 = arith.constant 0 : i32
        %dma_wait3A_167 = arith.constant 0 : i32
        %dma_wait3A_168 = tpu.memref_slice %arg11[%rem3A_165, %dma_wait3A_166, %dma_wait3A_167] : memref<3x100x128xf32, #tpu.memory_space<vmem>> -> memref<1x100x128xf32, #tpu.memory_space<vmem>>
        %dma_wait3A_169 = tpu.memref_squeeze %dma_wait3A_168 : memref<1x100x128xf32, #tpu.memory_space<vmem>> -> memref<100x128xf32, #tpu.memory_space<vmem>>
        %dma_wait3A_170 = arith.constant 0 : i32
        %dma_wait3A_171 = tpu.memref_slice %arg10[%and3A_162, %and3A_164, %dma_wait3A_170] : memref<2x8x100xi32, #tpu.memory_space<vmem>> -> memref<1x1x100xi32, #tpu.memory_space<vmem>>
        %dma_wait3A_172 = tpu.memref_squeeze %dma_wait3A_171 : memref<1x1x100xi32, #tpu.memory_space<vmem>> -> memref<100xi32, #tpu.memory_space<vmem>>
        %dma_wait3A_173 = arith.constant 0 : i32
        %dma_wait3A_174 = arith.constant 0 : i32
        %dma_wait3A_175 = tpu.memref_slice %arg12[%dma_wait3A_173, %dma_wait3A_174] : memref<10000x128xf32, #tpu.memory_space<vmem_shared>> -> memref<10000x128xf32, #tpu.memory_space<vmem_shared>>
        %dma_wait3A_176 = tpu.memref_slice %arg15[%rem3A_165] : memref<3x!tpu.dma_semaphore, #tpu.memory_space<semaphore_mem>> -> memref<1x!tpu.dma_semaphore, #tpu.memory_space<semaphore_mem>>
        %dma_wait3A_177 = tpu.memref_squeeze %dma_wait3A_176 : memref<1x!tpu.dma_semaphore, #tpu.memory_space<semaphore_mem>> -> memref<!tpu.dma_semaphore, #tpu.memory_space<semaphore_mem>>
        tpu.wait_indirect_dma semaphore(%dma_wait3A_177 : memref<!tpu.dma_semaphore, #tpu.memory_space<semaphore_mem>>) src(%dma_wait3A_169 : memref<100x128xf32, #tpu.memory_space<vmem>>) dst(%dma_wait3A_175 : memref<10000x128xf32, #tpu.memory_space<vmem_shared>>)
      } else {
      }
      %ge3A_120 = arith.constant 2 : i32
      %ge3A_121 = arith.cmpi sge, %min3A, %ge3A_120 : i32
      %convert_element_type3A_122 = arith.extui %ge3A_121 : i1 to i32
      %cond3A_123 = arith.constant 0 : i32
      %cond3A_124 = arith.cmpi ne, %convert_element_type3A_122, %cond3A_123 : i32
      scf.if %cond3A_124 {
        %sub3A_159 = arith.constant 2 : i32
        %sub3A_160 = arith.subi %min3A, %sub3A_159 : i32
        %shift_right_logical3A = arith.constant 3 : i32
        %shift_right_logical3A_161 = arith.shrui %sub3A_160, %shift_right_logical3A : i32
        %and3A = arith.constant 1 : i32
        %and3A_162 = arith.andi %shift_right_logical3A_161, %and3A : i32
        %and3A_163 = arith.constant 7 : i32
        %and3A_164 = arith.andi %sub3A_160, %and3A_163 : i32
        %rem3A = arith.constant 3 : i32
        %rem3A_165 = arith.remsi %sub3A_160, %rem3A : i32
        %dma_wait3A_166 = arith.constant 0 : i32
        %dma_wait3A_167 = arith.constant 0 : i32
        %dma_wait3A_168 = tpu.memref_slice %arg11[%rem3A_165, %dma_wait3A_166, %dma_wait3A_167] : memref<3x100x128xf32, #tpu.memory_space<vmem>> -> memref<1x100x128xf32, #tpu.memory_space<vmem>>
        %dma_wait3A_169 = tpu.memref_squeeze %dma_wait3A_168 : memref<1x100x128xf32, #tpu.memory_space<vmem>> -> memref<100x128xf32, #tpu.memory_space<vmem>>
        %dma_wait3A_170 = arith.constant 0 : i32
        %dma_wait3A_171 = tpu.memref_slice %arg10[%and3A_162, %and3A_164, %dma_wait3A_170] : memref<2x8x100xi32, #tpu.memory_space<vmem>> -> memref<1x1x100xi32, #tpu.memory_space<vmem>>
        %dma_wait3A_172 = tpu.memref_squeeze %dma_wait3A_171 : memref<1x1x100xi32, #tpu.memory_space<vmem>> -> memref<100xi32, #tpu.memory_space<vmem>>
        %dma_wait3A_173 = arith.constant 0 : i32
        %dma_wait3A_174 = arith.constant 0 : i32
        %dma_wait3A_175 = tpu.memref_slice %arg12[%dma_wait3A_173, %dma_wait3A_174] : memref<10000x128xf32, #tpu.memory_space<vmem_shared>> -> memref<10000x128xf32, #tpu.memory_space<vmem_shared>>
        %dma_wait3A_176 = tpu.memref_slice %arg15[%rem3A_165] : memref<3x!tpu.dma_semaphore, #tpu.memory_space<semaphore_mem>> -> memref<1x!tpu.dma_semaphore, #tpu.memory_space<semaphore_mem>>
        %dma_wait3A_177 = tpu.memref_squeeze %dma_wait3A_176 : memref<1x!tpu.dma_semaphore, #tpu.memory_space<semaphore_mem>> -> memref<!tpu.dma_semaphore, #tpu.memory_space<semaphore_mem>>
        tpu.wait_indirect_dma semaphore(%dma_wait3A_177 : memref<!tpu.dma_semaphore, #tpu.memory_space<semaphore_mem>>) src(%dma_wait3A_169 : memref<100x128xf32, #tpu.memory_space<vmem>>) dst(%dma_wait3A_175 : memref<10000x128xf32, #tpu.memory_space<vmem_shared>>)
      } else {
      }
      %ge3A_125 = arith.constant 1 : i32
      %ge3A_126 = arith.cmpi sge, %min3A, %ge3A_125 : i32
      %convert_element_type3A_127 = arith.extui %ge3A_126 : i1 to i32
      %cond3A_128 = arith.constant 0 : i32
      %cond3A_129 = arith.cmpi ne, %convert_element_type3A_127, %cond3A_128 : i32
      scf.if %cond3A_129 {
        %sub3A_159 = arith.constant 1 : i32
        %sub3A_160 = arith.subi %min3A, %sub3A_159 : i32
        %shift_right_logical3A = arith.constant 3 : i32
        %shift_right_logical3A_161 = arith.shrui %sub3A_160, %shift_right_logical3A : i32
        %and3A = arith.constant 1 : i32
        %and3A_162 = arith.andi %shift_right_logical3A_161, %and3A : i32
        %and3A_163 = arith.constant 7 : i32
        %and3A_164 = arith.andi %sub3A_160, %and3A_163 : i32
        %rem3A = arith.constant 3 : i32
        %rem3A_165 = arith.remsi %sub3A_160, %rem3A : i32
        %dma_wait3A_166 = arith.constant 0 : i32
        %dma_wait3A_167 = arith.constant 0 : i32
        %dma_wait3A_168 = tpu.memref_slice %arg11[%rem3A_165, %dma_wait3A_166, %dma_wait3A_167] : memref<3x100x128xf32, #tpu.memory_space<vmem>> -> memref<1x100x128xf32, #tpu.memory_space<vmem>>
        %dma_wait3A_169 = tpu.memref_squeeze %dma_wait3A_168 : memref<1x100x128xf32, #tpu.memory_space<vmem>> -> memref<100x128xf32, #tpu.memory_space<vmem>>
        %dma_wait3A_170 = arith.constant 0 : i32
        %dma_wait3A_171 = tpu.memref_slice %arg10[%and3A_162, %and3A_164, %dma_wait3A_170] : memref<2x8x100xi32, #tpu.memory_space<vmem>> -> memref<1x1x100xi32, #tpu.memory_space<vmem>>
        %dma_wait3A_172 = tpu.memref_squeeze %dma_wait3A_171 : memref<1x1x100xi32, #tpu.memory_space<vmem>> -> memref<100xi32, #tpu.memory_space<vmem>>
        %dma_wait3A_173 = arith.constant 0 : i32
        %dma_wait3A_174 = arith.constant 0 : i32
        %dma_wait3A_175 = tpu.memref_slice %arg12[%dma_wait3A_173, %dma_wait3A_174] : memref<10000x128xf32, #tpu.memory_space<vmem_shared>> -> memref<10000x128xf32, #tpu.memory_space<vmem_shared>>
        %dma_wait3A_176 = tpu.memref_slice %arg15[%rem3A_165] : memref<3x!tpu.dma_semaphore, #tpu.memory_space<semaphore_mem>> -> memref<1x!tpu.dma_semaphore, #tpu.memory_space<semaphore_mem>>
        %dma_wait3A_177 = tpu.memref_squeeze %dma_wait3A_176 : memref<1x!tpu.dma_semaphore, #tpu.memory_space<semaphore_mem>> -> memref<!tpu.dma_semaphore, #tpu.memory_space<semaphore_mem>>
        tpu.wait_indirect_dma semaphore(%dma_wait3A_177 : memref<!tpu.dma_semaphore, #tpu.memory_space<semaphore_mem>>) src(%dma_wait3A_169 : memref<100x128xf32, #tpu.memory_space<vmem>>) dst(%dma_wait3A_175 : memref<10000x128xf32, #tpu.memory_space<vmem_shared>>)
      } else {
      }
      %barrier3A_130 = arith.constant 0 : index
      tpu.barrier barrier_id(%barrier3A_130)
      %add3A_131 = arith.constant 0 : i32
      %add3A_132 = arith.addi %arg1, %add3A_131 : i32
      %lt3A_133 = arith.constant 50 : i32
      %lt3A_134 = arith.cmpi slt, %add3A_132, %lt3A_133 : i32
      %convert_element_type3A_135 = arith.extui %lt3A_134 : i1 to i32
      %cond3A_136 = arith.constant 0 : i32
      %cond3A_137 = arith.cmpi ne, %convert_element_type3A_135, %cond3A_136 : i32
      scf.if %cond3A_137 {
        %mul3A_159 = arith.constant 200 : i32
        %mul3A_160 = arith.muli %add3A_132, %mul3A_159 : i32
        %mul3A_161 = arith.constant 200 : i32
        %mul3A_162 = arith.muli %add3A_132, %mul3A_161 : i32
        "tpu.region"() ({
          %run_scoped3A = tpu.sem_alloc : memref<!tpu.dma_semaphore, #tpu.memory_space<semaphore_mem>>
          %dma_start3A_163 = arith.constant 0 : i32
          %dma_start3A_164 = tpu.memref_slice %arg8[%mul3A_162, %dma_start3A_163] : memref<10000x128xf32, #tpu.memory_space<hbm>> -> memref<200x128xf32, #tpu.memory_space<hbm>>
          %dma_start3A_165 = arith.constant 0 : i32
          %dma_start3A_166 = tpu.memref_slice %arg12[%mul3A_160, %dma_start3A_165] : memref<10000x128xf32, #tpu.memory_space<vmem_shared>> -> memref<200x128xf32, #tpu.memory_space<vmem_shared>>
          tpu.enqueue_dma source(%dma_start3A_166 : memref<200x128xf32, #tpu.memory_space<vmem_shared>>) target(%dma_start3A_164 : memref<200x128xf32, #tpu.memory_space<hbm>>) target_semaphore(%run_scoped3A : memref<!tpu.dma_semaphore, #tpu.memory_space<semaphore_mem>>)
          %dma_wait3A_167 = arith.constant 0 : i32
          %dma_wait3A_168 = tpu.memref_slice %arg8[%mul3A_162, %dma_wait3A_167] : memref<10000x128xf32, #tpu.memory_space<hbm>> -> memref<200x128xf32, #tpu.memory_space<hbm>>
          %dma_wait3A_169 = arith.constant 0 : i32
          %dma_wait3A_170 = tpu.memref_slice %arg12[%mul3A_160, %dma_wait3A_169] : memref<10000x128xf32, #tpu.memory_space<vmem_shared>> -> memref<200x128xf32, #tpu.memory_space<vmem_shared>>
          tpu.wait_dma2 semaphore(%run_scoped3A : memref<!tpu.dma_semaphore, #tpu.memory_space<semaphore_mem>>) src(%dma_wait3A_170 : memref<200x128xf32, #tpu.memory_space<vmem_shared>>) dst(%dma_wait3A_168 : memref<200x128xf32, #tpu.memory_space<hbm>>)
          tpu.yield
        }) : () -> ()
      } else {
      }
      %add3A_138 = arith.constant 16 : i32
      %add3A_139 = arith.addi %arg1, %add3A_138 : i32
      %lt3A_140 = arith.constant 50 : i32
      %lt3A_141 = arith.cmpi slt, %add3A_139, %lt3A_140 : i32
      %convert_element_type3A_142 = arith.extui %lt3A_141 : i1 to i32
      %cond3A_143 = arith.constant 0 : i32
      %cond3A_144 = arith.cmpi ne, %convert_element_type3A_142, %cond3A_143 : i32
      scf.if %cond3A_144 {
        %mul3A_159 = arith.constant 200 : i32
        %mul3A_160 = arith.muli %add3A_139, %mul3A_159 : i32
        %mul3A_161 = arith.constant 200 : i32
        %mul3A_162 = arith.muli %add3A_139, %mul3A_161 : i32
        "tpu.region"() ({
          %run_scoped3A = tpu.sem_alloc : memref<!tpu.dma_semaphore, #tpu.memory_space<semaphore_mem>>
          %dma_start3A_163 = arith.constant 0 : i32
          %dma_start3A_164 = tpu.memref_slice %arg8[%mul3A_162, %dma_start3A_163] : memref<10000x128xf32, #tpu.memory_space<hbm>> -> memref<200x128xf32, #tpu.memory_space<hbm>>
          %dma_start3A_165 = arith.constant 0 : i32
          %dma_start3A_166 = tpu.memref_slice %arg12[%mul3A_160, %dma_start3A_165] : memref<10000x128xf32, #tpu.memory_space<vmem_shared>> -> memref<200x128xf32, #tpu.memory_space<vmem_shared>>
          tpu.enqueue_dma source(%dma_start3A_166 : memref<200x128xf32, #tpu.memory_space<vmem_shared>>) target(%dma_start3A_164 : memref<200x128xf32, #tpu.memory_space<hbm>>) target_semaphore(%run_scoped3A : memref<!tpu.dma_semaphore, #tpu.memory_space<semaphore_mem>>)
          %dma_wait3A_167 = arith.constant 0 : i32
          %dma_wait3A_168 = tpu.memref_slice %arg8[%mul3A_162, %dma_wait3A_167] : memref<10000x128xf32, #tpu.memory_space<hbm>> -> memref<200x128xf32, #tpu.memory_space<hbm>>
          %dma_wait3A_169 = arith.constant 0 : i32
          %dma_wait3A_170 = tpu.memref_slice %arg12[%mul3A_160, %dma_wait3A_169] : memref<10000x128xf32, #tpu.memory_space<vmem_shared>> -> memref<200x128xf32, #tpu.memory_space<vmem_shared>>
          tpu.wait_dma2 semaphore(%run_scoped3A : memref<!tpu.dma_semaphore, #tpu.memory_space<semaphore_mem>>) src(%dma_wait3A_170 : memref<200x128xf32, #tpu.memory_space<vmem_shared>>) dst(%dma_wait3A_168 : memref<200x128xf32, #tpu.memory_space<hbm>>)
          tpu.yield
        }) : () -> ()
      } else {
      }
      %add3A_145 = arith.constant 32 : i32
      %add3A_146 = arith.addi %arg1, %add3A_145 : i32
      %lt3A_147 = arith.constant 50 : i32
      %lt3A_148 = arith.cmpi slt, %add3A_146, %lt3A_147 : i32
      %convert_element_type3A_149 = arith.extui %lt3A_148 : i1 to i32
      %cond3A_150 = arith.constant 0 : i32
      %cond3A_151 = arith.cmpi ne, %convert_element_type3A_149, %cond3A_150 : i32
      scf.if %cond3A_151 {
        %mul3A_159 = arith.constant 200 : i32
        %mul3A_160 = arith.muli %add3A_146, %mul3A_159 : i32
        %mul3A_161 = arith.constant 200 : i32
        %mul3A_162 = arith.muli %add3A_146, %mul3A_161 : i32
        "tpu.region"() ({
          %run_scoped3A = tpu.sem_alloc : memref<!tpu.dma_semaphore, #tpu.memory_space<semaphore_mem>>
          %dma_start3A_163 = arith.constant 0 : i32
          %dma_start3A_164 = tpu.memref_slice %arg8[%mul3A_162, %dma_start3A_163] : memref<10000x128xf32, #tpu.memory_space<hbm>> -> memref<200x128xf32, #tpu.memory_space<hbm>>
          %dma_start3A_165 = arith.constant 0 : i32
          %dma_start3A_166 = tpu.memref_slice %arg12[%mul3A_160, %dma_start3A_165] : memref<10000x128xf32, #tpu.memory_space<vmem_shared>> -> memref<200x128xf32, #tpu.memory_space<vmem_shared>>
          tpu.enqueue_dma source(%dma_start3A_166 : memref<200x128xf32, #tpu.memory_space<vmem_shared>>) target(%dma_start3A_164 : memref<200x128xf32, #tpu.memory_space<hbm>>) target_semaphore(%run_scoped3A : memref<!tpu.dma_semaphore, #tpu.memory_space<semaphore_mem>>)
          %dma_wait3A_167 = arith.constant 0 : i32
          %dma_wait3A_168 = tpu.memref_slice %arg8[%mul3A_162, %dma_wait3A_167] : memref<10000x128xf32, #tpu.memory_space<hbm>> -> memref<200x128xf32, #tpu.memory_space<hbm>>
          %dma_wait3A_169 = arith.constant 0 : i32
          %dma_wait3A_170 = tpu.memref_slice %arg12[%mul3A_160, %dma_wait3A_169] : memref<10000x128xf32, #tpu.memory_space<vmem_shared>> -> memref<200x128xf32, #tpu.memory_space<vmem_shared>>
          tpu.wait_dma2 semaphore(%run_scoped3A : memref<!tpu.dma_semaphore, #tpu.memory_space<semaphore_mem>>) src(%dma_wait3A_170 : memref<200x128xf32, #tpu.memory_space<vmem_shared>>) dst(%dma_wait3A_168 : memref<200x128xf32, #tpu.memory_space<hbm>>)
          tpu.yield
        }) : () -> ()
      } else {
      }
      %add3A_152 = arith.constant 48 : i32
      %add3A_153 = arith.addi %arg1, %add3A_152 : i32
      %lt3A_154 = arith.constant 50 : i32
      %lt3A_155 = arith.cmpi slt, %add3A_153, %lt3A_154 : i32
      %convert_element_type3A_156 = arith.extui %lt3A_155 : i1 to i32
      %cond3A_157 = arith.constant 0 : i32
      %cond3A_158 = arith.cmpi ne, %convert_element_type3A_156, %cond3A_157 : i32
      scf.if %cond3A_158 {
        %mul3A_159 = arith.constant 200 : i32
        %mul3A_160 = arith.muli %add3A_153, %mul3A_159 : i32
        %mul3A_161 = arith.constant 200 : i32
        %mul3A_162 = arith.muli %add3A_153, %mul3A_161 : i32
        "tpu.region"() ({
          %run_scoped3A = tpu.sem_alloc : memref<!tpu.dma_semaphore, #tpu.memory_space<semaphore_mem>>
          %dma_start3A_163 = arith.constant 0 : i32
          %dma_start3A_164 = tpu.memref_slice %arg8[%mul3A_162, %dma_start3A_163] : memref<10000x128xf32, #tpu.memory_space<hbm>> -> memref<200x128xf32, #tpu.memory_space<hbm>>
          %dma_start3A_165 = arith.constant 0 : i32
          %dma_start3A_166 = tpu.memref_slice %arg12[%mul3A_160, %dma_start3A_165] : memref<10000x128xf32, #tpu.memory_space<vmem_shared>> -> memref<200x128xf32, #tpu.memory_space<vmem_shared>>
          tpu.enqueue_dma source(%dma_start3A_166 : memref<200x128xf32, #tpu.memory_space<vmem_shared>>) target(%dma_start3A_164 : memref<200x128xf32, #tpu.memory_space<hbm>>) target_semaphore(%run_scoped3A : memref<!tpu.dma_semaphore, #tpu.memory_space<semaphore_mem>>)
          %dma_wait3A_167 = arith.constant 0 : i32
          %dma_wait3A_168 = tpu.memref_slice %arg8[%mul3A_162, %dma_wait3A_167] : memref<10000x128xf32, #tpu.memory_space<hbm>> -> memref<200x128xf32, #tpu.memory_space<hbm>>
          %dma_wait3A_169 = arith.constant 0 : i32
          %dma_wait3A_170 = tpu.memref_slice %arg12[%mul3A_160, %dma_wait3A_169] : memref<10000x128xf32, #tpu.memory_space<vmem_shared>> -> memref<200x128xf32, #tpu.memory_space<vmem_shared>>
          tpu.wait_dma2 semaphore(%run_scoped3A : memref<!tpu.dma_semaphore, #tpu.memory_space<semaphore_mem>>) src(%dma_wait3A_170 : memref<200x128xf32, #tpu.memory_space<vmem_shared>>) dst(%dma_wait3A_168 : memref<200x128xf32, #tpu.memory_space<hbm>>)
          tpu.yield
        }) : () -> ()
      } else {
      }
    } else {
    }
    return
  }
}

#map = affine_map<(d0, d1) -> (0, 0)>
#map1 = affine_map<(d0, d1) -> (0)>
module attributes {stable_mosaic.version = 14 : i64} {
  func.func @deg(%arg0: i32, %arg1: i32, %arg2: memref<5120x128xi32, #tpu.memory_space<hbm>>, %arg3: memref<10240xf32, #tpu.memory_space<hbm>>, %arg4: memref<327680xf32, #tpu.memory_space<hbm>>, %arg5: memref<160x128xi32, #tpu.memory_space<vmem>>, %arg6: memref<10240xf32, #tpu.memory_space<vmem>>, %arg7: memref<2x!tpu.dma_semaphore, #tpu.memory_space<semaphore_mem>>) attributes {dimension_semantics = [#tpu.dimension_semantics<core_parallel>, #tpu.dimension_semantics<subcore_parallel>], iteration_bounds = array<i64: 2, 16>, scalar_prefetch = 0 : i64, scratch_operands = 3 : i64, tpu.core_type = #tpu.core_type<sc_vector_subcore>, window_params = [{transform_indices = #map}, {transform_indices = #map1}, {transform_indices = #map1}]} {
    %mul3A = arith.constant 16 : i32
    %mul3A_0 = arith.muli %arg0, %mul3A : i32
    %add3A = arith.addi %mul3A_0, %arg1 : i32
    %dma_start3A = arith.constant 0 : i32
    %dma_start3A_1 = tpu.memref_slice %arg7[%dma_start3A] : memref<2x!tpu.dma_semaphore, #tpu.memory_space<semaphore_mem>> -> memref<1x!tpu.dma_semaphore, #tpu.memory_space<semaphore_mem>>
    %dma_start3A_2 = tpu.memref_squeeze %dma_start3A_1 : memref<1x!tpu.dma_semaphore, #tpu.memory_space<semaphore_mem>> -> memref<!tpu.dma_semaphore, #tpu.memory_space<semaphore_mem>>
    tpu.enqueue_dma source(%arg3 : memref<10240xf32, #tpu.memory_space<hbm>>) target(%arg6 : memref<10240xf32, #tpu.memory_space<vmem>>) target_semaphore(%dma_start3A_2 : memref<!tpu.dma_semaphore, #tpu.memory_space<semaphore_mem>>)
    %dma_wait3A = arith.constant 0 : i32
    %dma_wait3A_3 = tpu.memref_slice %arg7[%dma_wait3A] : memref<2x!tpu.dma_semaphore, #tpu.memory_space<semaphore_mem>> -> memref<1x!tpu.dma_semaphore, #tpu.memory_space<semaphore_mem>>
    %dma_wait3A_4 = tpu.memref_squeeze %dma_wait3A_3 : memref<1x!tpu.dma_semaphore, #tpu.memory_space<semaphore_mem>> -> memref<!tpu.dma_semaphore, #tpu.memory_space<semaphore_mem>>
    tpu.wait_dma2 semaphore(%dma_wait3A_4 : memref<!tpu.dma_semaphore, #tpu.memory_space<semaphore_mem>>) src(%arg3 : memref<10240xf32, #tpu.memory_space<hbm>>) dst(%arg6 : memref<10240xf32, #tpu.memory_space<vmem>>)
    %mul3A_5 = arith.constant 2560 : i32
    %mul3A_6 = arith.muli %arg0, %mul3A_5 : i32
    %mul3A_7 = arith.constant 160 : i32
    %mul3A_8 = arith.muli %arg1, %mul3A_7 : i32
    %add3A_9 = arith.addi %mul3A_6, %mul3A_8 : i32
    %dma_start3A_10 = arith.constant 1 : i32
    %dma_start3A_11 = arith.constant 0 : i32
    %dma_start3A_12 = tpu.memref_slice %arg2[%add3A_9, %dma_start3A_11] : memref<5120x128xi32, #tpu.memory_space<hbm>> -> memref<160x128xi32, #tpu.memory_space<hbm>>
    %dma_start3A_13 = tpu.memref_slice %arg7[%dma_start3A_10] : memref<2x!tpu.dma_semaphore, #tpu.memory_space<semaphore_mem>> -> memref<1x!tpu.dma_semaphore, #tpu.memory_space<semaphore_mem>>
    %dma_start3A_14 = tpu.memref_squeeze %dma_start3A_13 : memref<1x!tpu.dma_semaphore, #tpu.memory_space<semaphore_mem>> -> memref<!tpu.dma_semaphore, #tpu.memory_space<semaphore_mem>>
    %dma_start3A_15 = arith.constant 0 : i32
    %dma_start3A_16 = tpu.memref_slice %arg2[%add3A_9, %dma_start3A_15] : memref<5120x128xi32, #tpu.memory_space<hbm>> -> memref<160x128xi32, #tpu.memory_space<hbm>>
    tpu.enqueue_dma source(%dma_start3A_16 : memref<160x128xi32, #tpu.memory_space<hbm>>) target(%arg5 : memref<160x128xi32, #tpu.memory_space<vmem>>) target_semaphore(%dma_start3A_14 : memref<!tpu.dma_semaphore, #tpu.memory_space<semaphore_mem>>)
    %dma_wait3A_17 = arith.constant 1 : i32
    %dma_wait3A_18 = arith.constant 0 : i32
    %dma_wait3A_19 = tpu.memref_slice %arg2[%add3A_9, %dma_wait3A_18] : memref<5120x128xi32, #tpu.memory_space<hbm>> -> memref<160x128xi32, #tpu.memory_space<hbm>>
    %dma_wait3A_20 = tpu.memref_slice %arg7[%dma_wait3A_17] : memref<2x!tpu.dma_semaphore, #tpu.memory_space<semaphore_mem>> -> memref<1x!tpu.dma_semaphore, #tpu.memory_space<semaphore_mem>>
    %dma_wait3A_21 = tpu.memref_squeeze %dma_wait3A_20 : memref<1x!tpu.dma_semaphore, #tpu.memory_space<semaphore_mem>> -> memref<!tpu.dma_semaphore, #tpu.memory_space<semaphore_mem>>
    %dma_wait3A_22 = arith.constant 0 : i32
    %dma_wait3A_23 = tpu.memref_slice %arg2[%add3A_9, %dma_wait3A_22] : memref<5120x128xi32, #tpu.memory_space<hbm>> -> memref<160x128xi32, #tpu.memory_space<hbm>>
    tpu.wait_dma2 semaphore(%dma_wait3A_21 : memref<!tpu.dma_semaphore, #tpu.memory_space<semaphore_mem>>) src(%dma_wait3A_23 : memref<160x128xi32, #tpu.memory_space<hbm>>) dst(%arg5 : memref<160x128xi32, #tpu.memory_space<vmem>>)
    %mul3A_24 = arith.constant 160 : i32
    %mul3A_25 = arith.muli %arg1, %mul3A_24 : i32
    %sub3A = arith.constant 2500 : i32
    %sub3A_26 = arith.subi %sub3A, %mul3A_25 : i32
    %jit3A = arith.constant 0 : i32
    %jit3A_27 = arith.constant 160 : i32
    %max3A = arith.maxsi %jit3A, %sub3A_26 : i32
    %min3A = arith.minsi %jit3A_27, %max3A : i32
    %broadcast_in_dim3A = arith.constant 1.000000e+00 : f32
    %broadcast_in_dim3A_28 = vector.broadcast %broadcast_in_dim3A : f32 to vector<16xf32>
    %while3A = arith.constant 0 : i32
    %while3A_29 = arith.subi %min3A, %while3A : i32
    %while3A_30 = arith.addi %while3A, %while3A_29 : i32
    %while3A_31 = arith.constant 1 : i32
    %while3A_32 = arith.divsi %while3A_29, %while3A_31 : i32
    %while3A_33 = arith.muli %while3A_32, %while3A_31 : i32
    %while3A_34 = arith.addi %while3A, %while3A_33 : i32
    %while3A_35 = arith.constant 1 : i32
    scf.for %while3A_49 = %while3A to %while3A_34 step %while3A_35  : i32 {
      %get3A = arith.index_cast %while3A_49 : i32 to index
      %get3A_50 = arith.constant 0 : index
      %get3A_51 = tpu.vector_load %arg5[%get3A, %get3A_50] {strides = array<i32>} : memref<160x128xi32, #tpu.memory_space<vmem>>, vector<16xi32>,
      tpu.vector_store_idx %arg6[%get3A_51], %broadcast_in_dim3A_28 {add = true} : memref<10240xf32, #tpu.memory_space<vmem>>[vector<16xi32>], vector<16xf32>,
      %get3A_52 = arith.index_cast %while3A_49 : i32 to index
      %get3A_53 = arith.constant 16 : index
      %get3A_54 = tpu.vector_load %arg5[%get3A_52, %get3A_53] {strides = array<i32>} : memref<160x128xi32, #tpu.memory_space<vmem>>, vector<16xi32>,
      tpu.vector_store_idx %arg6[%get3A_54], %broadcast_in_dim3A_28 {add = true} : memref<10240xf32, #tpu.memory_space<vmem>>[vector<16xi32>], vector<16xf32>,
      %get3A_55 = arith.index_cast %while3A_49 : i32 to index
      %get3A_56 = arith.constant 32 : index
      %get3A_57 = tpu.vector_load %arg5[%get3A_55, %get3A_56] {strides = array<i32>} : memref<160x128xi32, #tpu.memory_space<vmem>>, vector<16xi32>,
      tpu.vector_store_idx %arg6[%get3A_57], %broadcast_in_dim3A_28 {add = true} : memref<10240xf32, #tpu.memory_space<vmem>>[vector<16xi32>], vector<16xf32>,
      %get3A_58 = arith.index_cast %while3A_49 : i32 to index
      %get3A_59 = arith.constant 48 : index
      %get3A_60 = tpu.vector_load %arg5[%get3A_58, %get3A_59] {strides = array<i32>} : memref<160x128xi32, #tpu.memory_space<vmem>>, vector<16xi32>,
      tpu.vector_store_idx %arg6[%get3A_60], %broadcast_in_dim3A_28 {add = true} : memref<10240xf32, #tpu.memory_space<vmem>>[vector<16xi32>], vector<16xf32>,
      %get3A_61 = arith.index_cast %while3A_49 : i32 to index
      %get3A_62 = arith.constant 64 : index
      %get3A_63 = tpu.vector_load %arg5[%get3A_61, %get3A_62] {strides = array<i32>} : memref<160x128xi32, #tpu.memory_space<vmem>>, vector<16xi32>,
      tpu.vector_store_idx %arg6[%get3A_63], %broadcast_in_dim3A_28 {add = true} : memref<10240xf32, #tpu.memory_space<vmem>>[vector<16xi32>], vector<16xf32>,
      %get3A_64 = arith.index_cast %while3A_49 : i32 to index
      %get3A_65 = arith.constant 80 : index
      %get3A_66 = tpu.vector_load %arg5[%get3A_64, %get3A_65] {strides = array<i32>} : memref<160x128xi32, #tpu.memory_space<vmem>>, vector<16xi32>,
      tpu.vector_store_idx %arg6[%get3A_66], %broadcast_in_dim3A_28 {add = true} : memref<10240xf32, #tpu.memory_space<vmem>>[vector<16xi32>], vector<16xf32>,
      %get3A_67 = arith.index_cast %while3A_49 : i32 to index
      %get3A_68 = arith.constant 96 : index
      %get3A_69 = tpu.vector_load %arg5[%get3A_67, %get3A_68] {strides = array<i32>} : memref<160x128xi32, #tpu.memory_space<vmem>>, vector<16xi32>,
      tpu.vector_store_idx %arg6[%get3A_69], %broadcast_in_dim3A_28 {add = true} : memref<10240xf32, #tpu.memory_space<vmem>>[vector<16xi32>], vector<16xf32>,
      %get3A_70 = arith.index_cast %while3A_49 : i32 to index
      %get3A_71 = arith.constant 112 : index
      %get3A_72 = tpu.vector_load %arg5[%get3A_70, %get3A_71] {strides = array<i32>} : memref<160x128xi32, #tpu.memory_space<vmem>>, vector<16xi32>,
      tpu.vector_store_idx %arg6[%get3A_72], %broadcast_in_dim3A_28 {add = true} : memref<10240xf32, #tpu.memory_space<vmem>>[vector<16xi32>], vector<16xf32>,
    }
    %while3A_36 = arith.constant 1 : i32
    scf.for %while3A_49 = %while3A_34 to %while3A_30 step %while3A_36  : i32 {
      %get3A = arith.index_cast %while3A_49 : i32 to index
      %get3A_50 = arith.constant 0 : index
      %get3A_51 = tpu.vector_load %arg5[%get3A, %get3A_50] {strides = array<i32>} : memref<160x128xi32, #tpu.memory_space<vmem>>, vector<16xi32>,
      tpu.vector_store_idx %arg6[%get3A_51], %broadcast_in_dim3A_28 {add = true} : memref<10240xf32, #tpu.memory_space<vmem>>[vector<16xi32>], vector<16xf32>,
      %get3A_52 = arith.index_cast %while3A_49 : i32 to index
      %get3A_53 = arith.constant 16 : index
      %get3A_54 = tpu.vector_load %arg5[%get3A_52, %get3A_53] {strides = array<i32>} : memref<160x128xi32, #tpu.memory_space<vmem>>, vector<16xi32>,
      tpu.vector_store_idx %arg6[%get3A_54], %broadcast_in_dim3A_28 {add = true} : memref<10240xf32, #tpu.memory_space<vmem>>[vector<16xi32>], vector<16xf32>,
      %get3A_55 = arith.index_cast %while3A_49 : i32 to index
      %get3A_56 = arith.constant 32 : index
      %get3A_57 = tpu.vector_load %arg5[%get3A_55, %get3A_56] {strides = array<i32>} : memref<160x128xi32, #tpu.memory_space<vmem>>, vector<16xi32>,
      tpu.vector_store_idx %arg6[%get3A_57], %broadcast_in_dim3A_28 {add = true} : memref<10240xf32, #tpu.memory_space<vmem>>[vector<16xi32>], vector<16xf32>,
      %get3A_58 = arith.index_cast %while3A_49 : i32 to index
      %get3A_59 = arith.constant 48 : index
      %get3A_60 = tpu.vector_load %arg5[%get3A_58, %get3A_59] {strides = array<i32>} : memref<160x128xi32, #tpu.memory_space<vmem>>, vector<16xi32>,
      tpu.vector_store_idx %arg6[%get3A_60], %broadcast_in_dim3A_28 {add = true} : memref<10240xf32, #tpu.memory_space<vmem>>[vector<16xi32>], vector<16xf32>,
      %get3A_61 = arith.index_cast %while3A_49 : i32 to index
      %get3A_62 = arith.constant 64 : index
      %get3A_63 = tpu.vector_load %arg5[%get3A_61, %get3A_62] {strides = array<i32>} : memref<160x128xi32, #tpu.memory_space<vmem>>, vector<16xi32>,
      tpu.vector_store_idx %arg6[%get3A_63], %broadcast_in_dim3A_28 {add = true} : memref<10240xf32, #tpu.memory_space<vmem>>[vector<16xi32>], vector<16xf32>,
      %get3A_64 = arith.index_cast %while3A_49 : i32 to index
      %get3A_65 = arith.constant 80 : index
      %get3A_66 = tpu.vector_load %arg5[%get3A_64, %get3A_65] {strides = array<i32>} : memref<160x128xi32, #tpu.memory_space<vmem>>, vector<16xi32>,
      tpu.vector_store_idx %arg6[%get3A_66], %broadcast_in_dim3A_28 {add = true} : memref<10240xf32, #tpu.memory_space<vmem>>[vector<16xi32>], vector<16xf32>,
      %get3A_67 = arith.index_cast %while3A_49 : i32 to index
      %get3A_68 = arith.constant 96 : index
      %get3A_69 = tpu.vector_load %arg5[%get3A_67, %get3A_68] {strides = array<i32>} : memref<160x128xi32, #tpu.memory_space<vmem>>, vector<16xi32>,
      tpu.vector_store_idx %arg6[%get3A_69], %broadcast_in_dim3A_28 {add = true} : memref<10240xf32, #tpu.memory_space<vmem>>[vector<16xi32>], vector<16xf32>,
      %get3A_70 = arith.index_cast %while3A_49 : i32 to index
      %get3A_71 = arith.constant 112 : index
      %get3A_72 = tpu.vector_load %arg5[%get3A_70, %get3A_71] {strides = array<i32>} : memref<160x128xi32, #tpu.memory_space<vmem>>, vector<16xi32>,
      tpu.vector_store_idx %arg6[%get3A_72], %broadcast_in_dim3A_28 {add = true} : memref<10240xf32, #tpu.memory_space<vmem>>[vector<16xi32>], vector<16xf32>,
    }
    %mul3A_37 = arith.constant 10240 : i32
    %mul3A_38 = arith.muli %add3A, %mul3A_37 : i32
    %dma_start3A_39 = arith.constant 0 : i32
    %dma_start3A_40 = tpu.memref_slice %arg4[%mul3A_38] : memref<327680xf32, #tpu.memory_space<hbm>> -> memref<10240xf32, #tpu.memory_space<hbm>>
    %dma_start3A_41 = tpu.memref_slice %arg7[%dma_start3A_39] : memref<2x!tpu.dma_semaphore, #tpu.memory_space<semaphore_mem>> -> memref<1x!tpu.dma_semaphore, #tpu.memory_space<semaphore_mem>>
    %dma_start3A_42 = tpu.memref_squeeze %dma_start3A_41 : memref<1x!tpu.dma_semaphore, #tpu.memory_space<semaphore_mem>> -> memref<!tpu.dma_semaphore, #tpu.memory_space<semaphore_mem>>
    %dma_start3A_43 = tpu.memref_slice %arg4[%mul3A_38] : memref<327680xf32, #tpu.memory_space<hbm>> -> memref<10240xf32, #tpu.memory_space<hbm>>
    tpu.enqueue_dma source(%arg6 : memref<10240xf32, #tpu.memory_space<vmem>>) target(%dma_start3A_43 : memref<10240xf32, #tpu.memory_space<hbm>>) target_semaphore(%dma_start3A_42 : memref<!tpu.dma_semaphore, #tpu.memory_space<semaphore_mem>>)
    %dma_wait3A_44 = arith.constant 0 : i32
    %dma_wait3A_45 = tpu.memref_slice %arg4[%mul3A_38] : memref<327680xf32, #tpu.memory_space<hbm>> -> memref<10240xf32, #tpu.memory_space<hbm>>
    %dma_wait3A_46 = tpu.memref_slice %arg7[%dma_wait3A_44] : memref<2x!tpu.dma_semaphore, #tpu.memory_space<semaphore_mem>> -> memref<1x!tpu.dma_semaphore, #tpu.memory_space<semaphore_mem>>
    %dma_wait3A_47 = tpu.memref_squeeze %dma_wait3A_46 : memref<1x!tpu.dma_semaphore, #tpu.memory_space<semaphore_mem>> -> memref<!tpu.dma_semaphore, #tpu.memory_space<semaphore_mem>>
    %dma_wait3A_48 = tpu.memref_slice %arg4[%mul3A_38] : memref<327680xf32, #tpu.memory_space<hbm>> -> memref<10240xf32, #tpu.memory_space<hbm>>
    tpu.wait_dma2 semaphore(%dma_wait3A_47 : memref<!tpu.dma_semaphore, #tpu.memory_space<semaphore_mem>>) src(%arg6 : memref<10240xf32, #tpu.memory_space<vmem>>) dst(%dma_wait3A_48 : memref<10240xf32, #tpu.memory_space<hbm>>)
    return
  }
}

#map = affine_map<(d0, d1) -> (0, 0)>
module attributes {stable_mosaic.version = 14 : i64} {
  func.func @agg(%arg0: i32, %arg1: i32, %arg2: memref<10000x48xf32, #tpu.memory_space<hbm>>, %arg3: memref<3200x100xi32, #tpu.memory_space<hbm>>, %arg4: memref<3200x100xi32, #tpu.memory_space<hbm>>, %arg5: memref<200x48xf32, #tpu.memory_space<hbm>>, %arg6: memref<10000x48xf32, #tpu.memory_space<hbm>>, %arg7: memref<10000x48xf32, #tpu.memory_space<hbm>>, %arg8: memref<2x8x100xi32, #tpu.memory_space<vmem>>, %arg9: memref<2x8x100xi32, #tpu.memory_space<vmem>>, %arg10: memref<3x100x48xf32, #tpu.memory_space<vmem>>, %arg11: memref<10000x48xf32, #tpu.memory_space<vmem_shared>>, %arg12: memref<2x!tpu.dma_semaphore, #tpu.memory_space<semaphore_mem>>, %arg13: memref<3x!tpu.dma_semaphore, #tpu.memory_space<semaphore_mem>>, %arg14: memref<3x!tpu.dma_semaphore, #tpu.memory_space<semaphore_mem>>) attributes {dimension_semantics = [#tpu.dimension_semantics<core_parallel>, #tpu.dimension_semantics<subcore_parallel>], iteration_bounds = array<i64: 2, 16>, scalar_prefetch = 0 : i64, scratch_operands = 7 : i64, tpu.core_type = #tpu.core_type<sc_vector_subcore>, window_params = [{transform_indices = #map}, {transform_indices = #map}, {transform_indices = #map}, {transform_indices = #map}, {transform_indices = #map}, {transform_indices = #map}]} {
    %mul3A = arith.constant 16 : i32
    %mul3A_0 = arith.muli %arg0, %mul3A : i32
    %add3A = arith.addi %mul3A_0, %arg1 : i32
    %add3A_1 = arith.constant 0 : i32
    %add3A_2 = arith.addi %arg1, %add3A_1 : i32
    %lt3A = arith.constant 50 : i32
    %lt3A_3 = arith.cmpi slt, %add3A_2, %lt3A : i32
    %convert_element_type3A = arith.extui %lt3A_3 : i1 to i32
    %cond3A = arith.constant 0 : i32
    %cond3A_4 = arith.cmpi ne, %convert_element_type3A, %cond3A : i32
    scf.if %cond3A_4 {
      %mul3A_134 = arith.constant 200 : i32
      %mul3A_135 = arith.muli %add3A_2, %mul3A_134 : i32
      "tpu.region"() ({
        %run_scoped3A = tpu.sem_alloc : memref<!tpu.dma_semaphore, #tpu.memory_space<semaphore_mem>>
        %dma_start3A_136 = arith.constant 0 : i32
        %dma_start3A_137 = tpu.memref_slice %arg11[%mul3A_135, %dma_start3A_136] : memref<10000x48xf32, #tpu.memory_space<vmem_shared>> -> memref<200x48xf32, #tpu.memory_space<vmem_shared>>
        tpu.enqueue_dma source(%arg5 : memref<200x48xf32, #tpu.memory_space<hbm>>) target(%dma_start3A_137 : memref<200x48xf32, #tpu.memory_space<vmem_shared>>) target_semaphore(%run_scoped3A : memref<!tpu.dma_semaphore, #tpu.memory_space<semaphore_mem>>)
        %dma_wait3A_138 = arith.constant 0 : i32
        %dma_wait3A_139 = tpu.memref_slice %arg11[%mul3A_135, %dma_wait3A_138] : memref<10000x48xf32, #tpu.memory_space<vmem_shared>> -> memref<200x48xf32, #tpu.memory_space<vmem_shared>>
        tpu.wait_dma2 semaphore(%run_scoped3A : memref<!tpu.dma_semaphore, #tpu.memory_space<semaphore_mem>>) src(%arg5 : memref<200x48xf32, #tpu.memory_space<hbm>>) dst(%dma_wait3A_139 : memref<200x48xf32, #tpu.memory_space<vmem_shared>>)
        tpu.yield
      }) : () -> ()
    } else {
    }
    %add3A_5 = arith.constant 16 : i32
    %add3A_6 = arith.addi %arg1, %add3A_5 : i32
    %lt3A_7 = arith.constant 50 : i32
    %lt3A_8 = arith.cmpi slt, %add3A_6, %lt3A_7 : i32
    %convert_element_type3A_9 = arith.extui %lt3A_8 : i1 to i32
    %cond3A_10 = arith.constant 0 : i32
    %cond3A_11 = arith.cmpi ne, %convert_element_type3A_9, %cond3A_10 : i32
    scf.if %cond3A_11 {
      %mul3A_134 = arith.constant 200 : i32
      %mul3A_135 = arith.muli %add3A_6, %mul3A_134 : i32
      "tpu.region"() ({
        %run_scoped3A = tpu.sem_alloc : memref<!tpu.dma_semaphore, #tpu.memory_space<semaphore_mem>>
        %dma_start3A_136 = arith.constant 0 : i32
        %dma_start3A_137 = tpu.memref_slice %arg11[%mul3A_135, %dma_start3A_136] : memref<10000x48xf32, #tpu.memory_space<vmem_shared>> -> memref<200x48xf32, #tpu.memory_space<vmem_shared>>
        tpu.enqueue_dma source(%arg5 : memref<200x48xf32, #tpu.memory_space<hbm>>) target(%dma_start3A_137 : memref<200x48xf32, #tpu.memory_space<vmem_shared>>) target_semaphore(%run_scoped3A : memref<!tpu.dma_semaphore, #tpu.memory_space<semaphore_mem>>)
        %dma_wait3A_138 = arith.constant 0 : i32
        %dma_wait3A_139 = tpu.memref_slice %arg11[%mul3A_135, %dma_wait3A_138] : memref<10000x48xf32, #tpu.memory_space<vmem_shared>> -> memref<200x48xf32, #tpu.memory_space<vmem_shared>>
        tpu.wait_dma2 semaphore(%run_scoped3A : memref<!tpu.dma_semaphore, #tpu.memory_space<semaphore_mem>>) src(%arg5 : memref<200x48xf32, #tpu.memory_space<hbm>>) dst(%dma_wait3A_139 : memref<200x48xf32, #tpu.memory_space<vmem_shared>>)
        tpu.yield
      }) : () -> ()
    } else {
    }
    %add3A_12 = arith.constant 32 : i32
    %add3A_13 = arith.addi %arg1, %add3A_12 : i32
    %lt3A_14 = arith.constant 50 : i32
    %lt3A_15 = arith.cmpi slt, %add3A_13, %lt3A_14 : i32
    %convert_element_type3A_16 = arith.extui %lt3A_15 : i1 to i32
    %cond3A_17 = arith.constant 0 : i32
    %cond3A_18 = arith.cmpi ne, %convert_element_type3A_16, %cond3A_17 : i32
    scf.if %cond3A_18 {
      %mul3A_134 = arith.constant 200 : i32
      %mul3A_135 = arith.muli %add3A_13, %mul3A_134 : i32
      "tpu.region"() ({
        %run_scoped3A = tpu.sem_alloc : memref<!tpu.dma_semaphore, #tpu.memory_space<semaphore_mem>>
        %dma_start3A_136 = arith.constant 0 : i32
        %dma_start3A_137 = tpu.memref_slice %arg11[%mul3A_135, %dma_start3A_136] : memref<10000x48xf32, #tpu.memory_space<vmem_shared>> -> memref<200x48xf32, #tpu.memory_space<vmem_shared>>
        tpu.enqueue_dma source(%arg5 : memref<200x48xf32, #tpu.memory_space<hbm>>) target(%dma_start3A_137 : memref<200x48xf32, #tpu.memory_space<vmem_shared>>) target_semaphore(%run_scoped3A : memref<!tpu.dma_semaphore, #tpu.memory_space<semaphore_mem>>)
        %dma_wait3A_138 = arith.constant 0 : i32
        %dma_wait3A_139 = tpu.memref_slice %arg11[%mul3A_135, %dma_wait3A_138] : memref<10000x48xf32, #tpu.memory_space<vmem_shared>> -> memref<200x48xf32, #tpu.memory_space<vmem_shared>>
        tpu.wait_dma2 semaphore(%run_scoped3A : memref<!tpu.dma_semaphore, #tpu.memory_space<semaphore_mem>>) src(%arg5 : memref<200x48xf32, #tpu.memory_space<hbm>>) dst(%dma_wait3A_139 : memref<200x48xf32, #tpu.memory_space<vmem_shared>>)
        tpu.yield
      }) : () -> ()
    } else {
    }
    %add3A_19 = arith.constant 48 : i32
    %add3A_20 = arith.addi %arg1, %add3A_19 : i32
    %lt3A_21 = arith.constant 50 : i32
    %lt3A_22 = arith.cmpi slt, %add3A_20, %lt3A_21 : i32
    %convert_element_type3A_23 = arith.extui %lt3A_22 : i1 to i32
    %cond3A_24 = arith.constant 0 : i32
    %cond3A_25 = arith.cmpi ne, %convert_element_type3A_23, %cond3A_24 : i32
    scf.if %cond3A_25 {
      %mul3A_134 = arith.constant 200 : i32
      %mul3A_135 = arith.muli %add3A_20, %mul3A_134 : i32
      "tpu.region"() ({
        %run_scoped3A = tpu.sem_alloc : memref<!tpu.dma_semaphore, #tpu.memory_space<semaphore_mem>>
        %dma_start3A_136 = arith.constant 0 : i32
        %dma_start3A_137 = tpu.memref_slice %arg11[%mul3A_135, %dma_start3A_136] : memref<10000x48xf32, #tpu.memory_space<vmem_shared>> -> memref<200x48xf32, #tpu.memory_space<vmem_shared>>
        tpu.enqueue_dma source(%arg5 : memref<200x48xf32, #tpu.memory_space<hbm>>) target(%dma_start3A_137 : memref<200x48xf32, #tpu.memory_space<vmem_shared>>) target_semaphore(%run_scoped3A : memref<!tpu.dma_semaphore, #tpu.memory_space<semaphore_mem>>)
        %dma_wait3A_138 = arith.constant 0 : i32
        %dma_wait3A_139 = tpu.memref_slice %arg11[%mul3A_135, %dma_wait3A_138] : memref<10000x48xf32, #tpu.memory_space<vmem_shared>> -> memref<200x48xf32, #tpu.memory_space<vmem_shared>>
        tpu.wait_dma2 semaphore(%run_scoped3A : memref<!tpu.dma_semaphore, #tpu.memory_space<semaphore_mem>>) src(%arg5 : memref<200x48xf32, #tpu.memory_space<hbm>>) dst(%dma_wait3A_139 : memref<200x48xf32, #tpu.memory_space<vmem_shared>>)
        tpu.yield
      }) : () -> ()
    } else {
    }
    %mul3A_26 = arith.constant 104 : i32
    %mul3A_27 = arith.muli %add3A, %mul3A_26 : i32
    %sub3A = arith.constant 3200 : i32
    %sub3A_28 = arith.subi %sub3A, %mul3A_27 : i32
    %jit3A = arith.constant 0 : i32
    %jit3A_29 = arith.constant 104 : i32
    %max3A = arith.maxsi %jit3A, %sub3A_28 : i32
    %min3A = arith.minsi %jit3A_29, %max3A : i32
    %barrier3A = arith.constant 0 : index
    tpu.barrier barrier_id(%barrier3A)
    %mul3A_30 = arith.constant 104 : i32
    %mul3A_31 = arith.muli %add3A, %mul3A_30 : i32
    %add3A_32 = arith.constant 0 : i32
    %add3A_33 = arith.addi %mul3A_31, %add3A_32 : i32
    %dma_start3A = arith.constant 0 : i32
    %dma_start3A_34 = arith.constant 0 : i32
    %dma_start3A_35 = arith.constant 0 : i32
    %dma_start3A_36 = arith.constant 0 : i32
    %dma_start3A_37 = tpu.memref_slice %arg8[%dma_start3A, %dma_start3A_35, %dma_start3A_36] : memref<2x8x100xi32, #tpu.memory_space<vmem>> -> memref<1x8x100xi32, #tpu.memory_space<vmem>>
    %dma_start3A_38 = tpu.memref_squeeze %dma_start3A_37 : memref<1x8x100xi32, #tpu.memory_space<vmem>> -> memref<8x100xi32, #tpu.memory_space<vmem>>
    %dma_start3A_39 = arith.constant 0 : i32
    %dma_start3A_40 = tpu.memref_slice %arg3[%add3A_33, %dma_start3A_39] : memref<3200x100xi32, #tpu.memory_space<hbm>> -> memref<8x100xi32, #tpu.memory_space<hbm>>
    %dma_start3A_41 = tpu.memref_slice %arg12[%dma_start3A_34] : memref<2x!tpu.dma_semaphore, #tpu.memory_space<semaphore_mem>> -> memref<1x!tpu.dma_semaphore, #tpu.memory_space<semaphore_mem>>
    %dma_start3A_42 = tpu.memref_squeeze %dma_start3A_41 : memref<1x!tpu.dma_semaphore, #tpu.memory_space<semaphore_mem>> -> memref<!tpu.dma_semaphore, #tpu.memory_space<semaphore_mem>>
    %dma_start3A_43 = arith.constant 0 : i32
    %dma_start3A_44 = arith.constant 0 : i32
    %dma_start3A_45 = tpu.memref_slice %arg8[%dma_start3A, %dma_start3A_43, %dma_start3A_44] : memref<2x8x100xi32, #tpu.memory_space<vmem>> -> memref<1x8x100xi32, #tpu.memory_space<vmem>>
    %dma_start3A_46 = tpu.memref_squeeze %dma_start3A_45 : memref<1x8x100xi32, #tpu.memory_space<vmem>> -> memref<8x100xi32, #tpu.memory_space<vmem>>
    %dma_start3A_47 = arith.constant 0 : i32
    %dma_start3A_48 = tpu.memref_slice %arg3[%add3A_33, %dma_start3A_47] : memref<3200x100xi32, #tpu.memory_space<hbm>> -> memref<8x100xi32, #tpu.memory_space<hbm>>
    tpu.enqueue_dma source(%dma_start3A_48 : memref<8x100xi32, #tpu.memory_space<hbm>>) target(%dma_start3A_46 : memref<8x100xi32, #tpu.memory_space<vmem>>) target_semaphore(%dma_start3A_42 : memref<!tpu.dma_semaphore, #tpu.memory_space<semaphore_mem>>)
    %dma_start3A_49 = arith.constant 0 : i32
    %dma_start3A_50 = arith.constant 0 : i32
    %dma_start3A_51 = arith.constant 0 : i32
    %dma_start3A_52 = arith.constant 0 : i32
    %dma_start3A_53 = tpu.memref_slice %arg9[%dma_start3A_49, %dma_start3A_51, %dma_start3A_52] : memref<2x8x100xi32, #tpu.memory_space<vmem>> -> memref<1x8x100xi32, #tpu.memory_space<vmem>>
    %dma_start3A_54 = tpu.memref_squeeze %dma_start3A_53 : memref<1x8x100xi32, #tpu.memory_space<vmem>> -> memref<8x100xi32, #tpu.memory_space<vmem>>
    %dma_start3A_55 = arith.constant 0 : i32
    %dma_start3A_56 = tpu.memref_slice %arg4[%add3A_33, %dma_start3A_55] : memref<3200x100xi32, #tpu.memory_space<hbm>> -> memref<8x100xi32, #tpu.memory_space<hbm>>
    %dma_start3A_57 = tpu.memref_slice %arg12[%dma_start3A_50] : memref<2x!tpu.dma_semaphore, #tpu.memory_space<semaphore_mem>> -> memref<1x!tpu.dma_semaphore, #tpu.memory_space<semaphore_mem>>
    %dma_start3A_58 = tpu.memref_squeeze %dma_start3A_57 : memref<1x!tpu.dma_semaphore, #tpu.memory_space<semaphore_mem>> -> memref<!tpu.dma_semaphore, #tpu.memory_space<semaphore_mem>>
    %dma_start3A_59 = arith.constant 0 : i32
    %dma_start3A_60 = arith.constant 0 : i32
    %dma_start3A_61 = tpu.memref_slice %arg9[%dma_start3A_49, %dma_start3A_59, %dma_start3A_60] : memref<2x8x100xi32, #tpu.memory_space<vmem>> -> memref<1x8x100xi32, #tpu.memory_space<vmem>>
    %dma_start3A_62 = tpu.memref_squeeze %dma_start3A_61 : memref<1x8x100xi32, #tpu.memory_space<vmem>> -> memref<8x100xi32, #tpu.memory_space<vmem>>
    %dma_start3A_63 = arith.constant 0 : i32
    %dma_start3A_64 = tpu.memref_slice %arg4[%add3A_33, %dma_start3A_63] : memref<3200x100xi32, #tpu.memory_space<hbm>> -> memref<8x100xi32, #tpu.memory_space<hbm>>
    tpu.enqueue_dma source(%dma_start3A_64 : memref<8x100xi32, #tpu.memory_space<hbm>>) target(%dma_start3A_62 : memref<8x100xi32, #tpu.memory_space<vmem>>) target_semaphore(%dma_start3A_58 : memref<!tpu.dma_semaphore, #tpu.memory_space<semaphore_mem>>)
    %add3A_65 = arith.constant 0 : i32
    %add3A_66 = arith.addi %mul3A_31, %add3A_65 : i32
    %dma_wait3A = arith.constant 0 : i32
    %dma_wait3A_67 = arith.constant 0 : i32
    %dma_wait3A_68 = arith.constant 0 : i32
    %dma_wait3A_69 = arith.constant 0 : i32
    %dma_wait3A_70 = tpu.memref_slice %arg8[%dma_wait3A, %dma_wait3A_68, %dma_wait3A_69] : memref<2x8x100xi32, #tpu.memory_space<vmem>> -> memref<1x8x100xi32, #tpu.memory_space<vmem>>
    %dma_wait3A_71 = tpu.memref_squeeze %dma_wait3A_70 : memref<1x8x100xi32, #tpu.memory_space<vmem>> -> memref<8x100xi32, #tpu.memory_space<vmem>>
    %dma_wait3A_72 = arith.constant 0 : i32
    %dma_wait3A_73 = tpu.memref_slice %arg3[%add3A_66, %dma_wait3A_72] : memref<3200x100xi32, #tpu.memory_space<hbm>> -> memref<8x100xi32, #tpu.memory_space<hbm>>
    %dma_wait3A_74 = tpu.memref_slice %arg12[%dma_wait3A_67] : memref<2x!tpu.dma_semaphore, #tpu.memory_space<semaphore_mem>> -> memref<1x!tpu.dma_semaphore, #tpu.memory_space<semaphore_mem>>
    %dma_wait3A_75 = tpu.memref_squeeze %dma_wait3A_74 : memref<1x!tpu.dma_semaphore, #tpu.memory_space<semaphore_mem>> -> memref<!tpu.dma_semaphore, #tpu.memory_space<semaphore_mem>>
    %dma_wait3A_76 = arith.constant 0 : i32
    %dma_wait3A_77 = arith.constant 0 : i32
    %dma_wait3A_78 = tpu.memref_slice %arg8[%dma_wait3A, %dma_wait3A_76, %dma_wait3A_77] : memref<2x8x100xi32, #tpu.memory_space<vmem>> -> memref<1x8x100xi32, #tpu.memory_space<vmem>>
    %dma_wait3A_79 = tpu.memref_squeeze %dma_wait3A_78 : memref<1x8x100xi32, #tpu.memory_space<vmem>> -> memref<8x100xi32, #tpu.memory_space<vmem>>
    %dma_wait3A_80 = arith.constant 0 : i32
    %dma_wait3A_81 = tpu.memref_slice %arg3[%add3A_66, %dma_wait3A_80] : memref<3200x100xi32, #tpu.memory_space<hbm>> -> memref<8x100xi32, #tpu.memory_space<hbm>>
    tpu.wait_dma2 semaphore(%dma_wait3A_75 : memref<!tpu.dma_semaphore, #tpu.memory_space<semaphore_mem>>) src(%dma_wait3A_81 : memref<8x100xi32, #tpu.memory_space<hbm>>) dst(%dma_wait3A_79 : memref<8x100xi32, #tpu.memory_space<vmem>>)
    %dma_wait3A_82 = arith.constant 0 : i32
    %dma_wait3A_83 = arith.constant 0 : i32
    %dma_wait3A_84 = arith.constant 0 : i32
    %dma_wait3A_85 = arith.constant 0 : i32
    %dma_wait3A_86 = tpu.memref_slice %arg9[%dma_wait3A_82, %dma_wait3A_84, %dma_wait3A_85] : memref<2x8x100xi32, #tpu.memory_space<vmem>> -> memref<1x8x100xi32, #tpu.memory_space<vmem>>
    %dma_wait3A_87 = tpu.memref_squeeze %dma_wait3A_86 : memref<1x8x100xi32, #tpu.memory_space<vmem>> -> memref<8x100xi32, #tpu.memory_space<vmem>>
    %dma_wait3A_88 = arith.constant 0 : i32
    %dma_wait3A_89 = tpu.memref_slice %arg4[%add3A_66, %dma_wait3A_88] : memref<3200x100xi32, #tpu.memory_space<hbm>> -> memref<8x100xi32, #tpu.memory_space<hbm>>
    %dma_wait3A_90 = tpu.memref_slice %arg12[%dma_wait3A_83] : memref<2x!tpu.dma_semaphore, #tpu.memory_space<semaphore_mem>> -> memref<1x!tpu.dma_semaphore, #tpu.memory_space<semaphore_mem>>
    %dma_wait3A_91 = tpu.memref_squeeze %dma_wait3A_90 : memref<1x!tpu.dma_semaphore, #tpu.memory_space<semaphore_mem>> -> memref<!tpu.dma_semaphore, #tpu.memory_space<semaphore_mem>>
    %dma_wait3A_92 = arith.constant 0 : i32
    %dma_wait3A_93 = arith.constant 0 : i32
    %dma_wait3A_94 = tpu.memref_slice %arg9[%dma_wait3A_82, %dma_wait3A_92, %dma_wait3A_93] : memref<2x8x100xi32, #tpu.memory_space<vmem>> -> memref<1x8x100xi32, #tpu.memory_space<vmem>>
    %dma_wait3A_95 = tpu.memref_squeeze %dma_wait3A_94 : memref<1x8x100xi32, #tpu.memory_space<vmem>> -> memref<8x100xi32, #tpu.memory_space<vmem>>
    %dma_wait3A_96 = arith.constant 0 : i32
    %dma_wait3A_97 = tpu.memref_slice %arg4[%add3A_66, %dma_wait3A_96] : memref<3200x100xi32, #tpu.memory_space<hbm>> -> memref<8x100xi32, #tpu.memory_space<hbm>>
    tpu.wait_dma2 semaphore(%dma_wait3A_91 : memref<!tpu.dma_semaphore, #tpu.memory_space<semaphore_mem>>) src(%dma_wait3A_97 : memref<8x100xi32, #tpu.memory_space<hbm>>) dst(%dma_wait3A_95 : memref<8x100xi32, #tpu.memory_space<vmem>>)
    %gt3A = arith.constant 0 : i32
    %gt3A_98 = arith.cmpi sgt, %min3A, %gt3A : i32
    %convert_element_type3A_99 = arith.extui %gt3A_98 : i1 to i32
    %cond3A_100 = arith.constant 0 : i32
    %cond3A_101 = arith.cmpi ne, %convert_element_type3A_99, %cond3A_100 : i32
    scf.if %cond3A_101 {
      %shift_right_logical3A = arith.constant 0 : i32
      %shift_right_logical3A_134 = arith.constant 3 : i32
      %shift_right_logical3A_135 = arith.shrui %shift_right_logical3A, %shift_right_logical3A_134 : i32
      %and3A = arith.constant 1 : i32
      %and3A_136 = arith.andi %shift_right_logical3A_135, %and3A : i32
      %and3A_137 = arith.constant 0 : i32
      %and3A_138 = arith.constant 7 : i32
      %and3A_139 = arith.andi %and3A_137, %and3A_138 : i32
      %rem3A = arith.constant 0 : i32
      %rem3A_140 = arith.constant 3 : i32
      %rem3A_141 = arith.remsi %rem3A, %rem3A_140 : i32
      %dma_start3A_142 = arith.constant 0 : i32
      %dma_start3A_143 = arith.constant 0 : i32
      %dma_start3A_144 = tpu.memref_slice %arg10[%rem3A_141, %dma_start3A_142, %dma_start3A_143] : memref<3x100x48xf32, #tpu.memory_space<vmem>> -> memref<1x100x48xf32, #tpu.memory_space<vmem>>
      %dma_start3A_145 = tpu.memref_squeeze %dma_start3A_144 : memref<1x100x48xf32, #tpu.memory_space<vmem>> -> memref<100x48xf32, #tpu.memory_space<vmem>>
      %dma_start3A_146 = arith.constant 0 : i32
      %dma_start3A_147 = tpu.memref_slice %arg8[%and3A_136, %and3A_139, %dma_start3A_146] : memref<2x8x100xi32, #tpu.memory_space<vmem>> -> memref<1x1x100xi32, #tpu.memory_space<vmem>>
      %dma_start3A_148 = tpu.memref_squeeze %dma_start3A_147 : memref<1x1x100xi32, #tpu.memory_space<vmem>> -> memref<100xi32, #tpu.memory_space<vmem>>
      %dma_start3A_149 = arith.constant 0 : i32
      %dma_start3A_150 = arith.constant 0 : i32
      %dma_start3A_151 = tpu.memref_slice %arg2[%dma_start3A_149, %dma_start3A_150] : memref<10000x48xf32, #tpu.memory_space<hbm>> -> memref<10000x48xf32, #tpu.memory_space<hbm>>
      %dma_start3A_152 = tpu.memref_slice %arg13[%rem3A_141] : memref<3x!tpu.dma_semaphore, #tpu.memory_space<semaphore_mem>> -> memref<1x!tpu.dma_semaphore, #tpu.memory_space<semaphore_mem>>
      %dma_start3A_153 = tpu.memref_squeeze %dma_start3A_152 : memref<1x!tpu.dma_semaphore, #tpu.memory_space<semaphore_mem>> -> memref<!tpu.dma_semaphore, #tpu.memory_space<semaphore_mem>>
      tpu.enqueue_indirect_dma source(%dma_start3A_151 : memref<10000x48xf32, #tpu.memory_space<hbm>>) target(%dma_start3A_145 : memref<100x48xf32, #tpu.memory_space<vmem>>) offsets(%dma_start3A_148 : memref<100xi32, #tpu.memory_space<vmem>>) semaphore(%dma_start3A_153 : memref<!tpu.dma_semaphore, #tpu.memory_space<semaphore_mem>>)
    } else {
    }
    %while3A = arith.constant 0 : i32
    %while3A_102 = arith.subi %min3A, %while3A : i32
    %while3A_103 = arith.addi %while3A, %while3A_102 : i32
    %while3A_104 = arith.constant 1 : i32
    %while3A_105 = arith.divsi %while3A_102, %while3A_104 : i32
    %while3A_106 = arith.muli %while3A_105, %while3A_104 : i32
    %while3A_107 = arith.addi %while3A, %while3A_106 : i32
    %while3A_108 = arith.constant 1 : i32
    scf.for %while3A_134 = %while3A to %while3A_107 step %while3A_108  : i32 {
      %and3A = arith.constant 7 : i32
      %and3A_135 = arith.andi %while3A_134, %and3A : i32
      %shift_right_logical3A = arith.constant 3 : i32
      %shift_right_logical3A_136 = arith.shrui %while3A_134, %shift_right_logical3A : i32
      %and3A_137 = arith.constant 1 : i32
      %and3A_138 = arith.andi %shift_right_logical3A_136, %and3A_137 : i32
      %eq3A_139 = arith.constant 2 : i32
      %eq3A_140 = arith.cmpi eq, %and3A_135, %eq3A_139 : i32
      %add3A_141 = arith.constant 1 : i32
      %add3A_142 = arith.addi %shift_right_logical3A_136, %add3A_141 : i32
      %mul3A_143 = arith.constant 8 : i32
      %mul3A_144 = arith.muli %add3A_142, %mul3A_143 : i32
      %lt3A_145 = arith.cmpi slt, %mul3A_144, %min3A : i32
      %and3A_146 = arith.andi %eq3A_140, %lt3A_145 : i1
      %convert_element_type3A_147 = arith.extui %and3A_146 : i1 to i32
      %cond3A_148 = arith.constant 0 : i32
      %cond3A_149 = arith.cmpi ne, %convert_element_type3A_147, %cond3A_148 : i32
      scf.if %cond3A_149 {
        %add3A_204 = arith.constant 1 : i32
        %add3A_205 = arith.addi %shift_right_logical3A_136, %add3A_204 : i32
        %sub3A_206 = arith.constant 1 : i32
        %sub3A_207 = arith.subi %sub3A_206, %and3A_138 : i32
        %mul3A_208 = arith.constant 8 : i32
        %mul3A_209 = arith.muli %add3A_205, %mul3A_208 : i32
        %add3A_210 = arith.addi %mul3A_31, %mul3A_209 : i32
        %dma_start3A_211 = arith.constant 0 : i32
        %dma_start3A_212 = arith.constant 0 : i32
        %dma_start3A_213 = tpu.memref_slice %arg8[%sub3A_207, %dma_start3A_211, %dma_start3A_212] : memref<2x8x100xi32, #tpu.memory_space<vmem>> -> memref<1x8x100xi32, #tpu.memory_space<vmem>>
        %dma_start3A_214 = tpu.memref_squeeze %dma_start3A_213 : memref<1x8x100xi32, #tpu.memory_space<vmem>> -> memref<8x100xi32, #tpu.memory_space<vmem>>
        %dma_start3A_215 = arith.constant 0 : i32
        %dma_start3A_216 = tpu.memref_slice %arg3[%add3A_210, %dma_start3A_215] : memref<3200x100xi32, #tpu.memory_space<hbm>> -> memref<8x100xi32, #tpu.memory_space<hbm>>
        %dma_start3A_217 = tpu.memref_slice %arg12[%sub3A_207] : memref<2x!tpu.dma_semaphore, #tpu.memory_space<semaphore_mem>> -> memref<1x!tpu.dma_semaphore, #tpu.memory_space<semaphore_mem>>
        %dma_start3A_218 = tpu.memref_squeeze %dma_start3A_217 : memref<1x!tpu.dma_semaphore, #tpu.memory_space<semaphore_mem>> -> memref<!tpu.dma_semaphore, #tpu.memory_space<semaphore_mem>>
        %dma_start3A_219 = arith.constant 0 : i32
        %dma_start3A_220 = arith.constant 0 : i32
        %dma_start3A_221 = tpu.memref_slice %arg8[%sub3A_207, %dma_start3A_219, %dma_start3A_220] : memref<2x8x100xi32, #tpu.memory_space<vmem>> -> memref<1x8x100xi32, #tpu.memory_space<vmem>>
        %dma_start3A_222 = tpu.memref_squeeze %dma_start3A_221 : memref<1x8x100xi32, #tpu.memory_space<vmem>> -> memref<8x100xi32, #tpu.memory_space<vmem>>
        %dma_start3A_223 = arith.constant 0 : i32
        %dma_start3A_224 = tpu.memref_slice %arg3[%add3A_210, %dma_start3A_223] : memref<3200x100xi32, #tpu.memory_space<hbm>> -> memref<8x100xi32, #tpu.memory_space<hbm>>
        tpu.enqueue_dma source(%dma_start3A_224 : memref<8x100xi32, #tpu.memory_space<hbm>>) target(%dma_start3A_222 : memref<8x100xi32, #tpu.memory_space<vmem>>) target_semaphore(%dma_start3A_218 : memref<!tpu.dma_semaphore, #tpu.memory_space<semaphore_mem>>)
        %dma_start3A_225 = arith.constant 0 : i32
        %dma_start3A_226 = arith.constant 0 : i32
        %dma_start3A_227 = tpu.memref_slice %arg9[%sub3A_207, %dma_start3A_225, %dma_start3A_226] : memref<2x8x100xi32, #tpu.memory_space<vmem>> -> memref<1x8x100xi32, #tpu.memory_space<vmem>>
        %dma_start3A_228 = tpu.memref_squeeze %dma_start3A_227 : memref<1x8x100xi32, #tpu.memory_space<vmem>> -> memref<8x100xi32, #tpu.memory_space<vmem>>
        %dma_start3A_229 = arith.constant 0 : i32
        %dma_start3A_230 = tpu.memref_slice %arg4[%add3A_210, %dma_start3A_229] : memref<3200x100xi32, #tpu.memory_space<hbm>> -> memref<8x100xi32, #tpu.memory_space<hbm>>
        %dma_start3A_231 = tpu.memref_slice %arg12[%sub3A_207] : memref<2x!tpu.dma_semaphore, #tpu.memory_space<semaphore_mem>> -> memref<1x!tpu.dma_semaphore, #tpu.memory_space<semaphore_mem>>
        %dma_start3A_232 = tpu.memref_squeeze %dma_start3A_231 : memref<1x!tpu.dma_semaphore, #tpu.memory_space<semaphore_mem>> -> memref<!tpu.dma_semaphore, #tpu.memory_space<semaphore_mem>>
        %dma_start3A_233 = arith.constant 0 : i32
        %dma_start3A_234 = arith.constant 0 : i32
        %dma_start3A_235 = tpu.memref_slice %arg9[%sub3A_207, %dma_start3A_233, %dma_start3A_234] : memref<2x8x100xi32, #tpu.memory_space<vmem>> -> memref<1x8x100xi32, #tpu.memory_space<vmem>>
        %dma_start3A_236 = tpu.memref_squeeze %dma_start3A_235 : memref<1x8x100xi32, #tpu.memory_space<vmem>> -> memref<8x100xi32, #tpu.memory_space<vmem>>
        %dma_start3A_237 = arith.constant 0 : i32
        %dma_start3A_238 = tpu.memref_slice %arg4[%add3A_210, %dma_start3A_237] : memref<3200x100xi32, #tpu.memory_space<hbm>> -> memref<8x100xi32, #tpu.memory_space<hbm>>
        tpu.enqueue_dma source(%dma_start3A_238 : memref<8x100xi32, #tpu.memory_space<hbm>>) target(%dma_start3A_236 : memref<8x100xi32, #tpu.memory_space<vmem>>) target_semaphore(%dma_start3A_232 : memref<!tpu.dma_semaphore, #tpu.memory_space<semaphore_mem>>)
      } else {
      }
      %eq3A_150 = arith.constant 7 : i32
      %eq3A_151 = arith.cmpi eq, %and3A_135, %eq3A_150 : i32
      %add3A_152 = arith.constant 1 : i32
      %add3A_153 = arith.addi %while3A_134, %add3A_152 : i32
      %lt3A_154 = arith.cmpi slt, %add3A_153, %min3A : i32
      %and3A_155 = arith.andi %eq3A_151, %lt3A_154 : i1
      %convert_element_type3A_156 = arith.extui %and3A_155 : i1 to i32
      %cond3A_157 = arith.constant 0 : i32
      %cond3A_158 = arith.cmpi ne, %convert_element_type3A_156, %cond3A_157 : i32
      scf.if %cond3A_158 {
        %add3A_204 = arith.constant 1 : i32
        %add3A_205 = arith.addi %shift_right_logical3A_136, %add3A_204 : i32
        %sub3A_206 = arith.constant 1 : i32
        %sub3A_207 = arith.subi %sub3A_206, %and3A_138 : i32
        %mul3A_208 = arith.constant 8 : i32
        %mul3A_209 = arith.muli %add3A_205, %mul3A_208 : i32
        %add3A_210 = arith.addi %mul3A_31, %mul3A_209 : i32
        %dma_wait3A_211 = arith.constant 0 : i32
        %dma_wait3A_212 = arith.constant 0 : i32
        %dma_wait3A_213 = tpu.memref_slice %arg8[%sub3A_207, %dma_wait3A_211, %dma_wait3A_212] : memref<2x8x100xi32, #tpu.memory_space<vmem>> -> memref<1x8x100xi32, #tpu.memory_space<vmem>>
        %dma_wait3A_214 = tpu.memref_squeeze %dma_wait3A_213 : memref<1x8x100xi32, #tpu.memory_space<vmem>> -> memref<8x100xi32, #tpu.memory_space<vmem>>
        %dma_wait3A_215 = arith.constant 0 : i32
        %dma_wait3A_216 = tpu.memref_slice %arg3[%add3A_210, %dma_wait3A_215] : memref<3200x100xi32, #tpu.memory_space<hbm>> -> memref<8x100xi32, #tpu.memory_space<hbm>>
        %dma_wait3A_217 = tpu.memref_slice %arg12[%sub3A_207] : memref<2x!tpu.dma_semaphore, #tpu.memory_space<semaphore_mem>> -> memref<1x!tpu.dma_semaphore, #tpu.memory_space<semaphore_mem>>
        %dma_wait3A_218 = tpu.memref_squeeze %dma_wait3A_217 : memref<1x!tpu.dma_semaphore, #tpu.memory_space<semaphore_mem>> -> memref<!tpu.dma_semaphore, #tpu.memory_space<semaphore_mem>>
        %dma_wait3A_219 = arith.constant 0 : i32
        %dma_wait3A_220 = arith.constant 0 : i32
        %dma_wait3A_221 = tpu.memref_slice %arg8[%sub3A_207, %dma_wait3A_219, %dma_wait3A_220] : memref<2x8x100xi32, #tpu.memory_space<vmem>> -> memref<1x8x100xi32, #tpu.memory_space<vmem>>
        %dma_wait3A_222 = tpu.memref_squeeze %dma_wait3A_221 : memref<1x8x100xi32, #tpu.memory_space<vmem>> -> memref<8x100xi32, #tpu.memory_space<vmem>>
        %dma_wait3A_223 = arith.constant 0 : i32
        %dma_wait3A_224 = tpu.memref_slice %arg3[%add3A_210, %dma_wait3A_223] : memref<3200x100xi32, #tpu.memory_space<hbm>> -> memref<8x100xi32, #tpu.memory_space<hbm>>
        tpu.wait_dma2 semaphore(%dma_wait3A_218 : memref<!tpu.dma_semaphore, #tpu.memory_space<semaphore_mem>>) src(%dma_wait3A_224 : memref<8x100xi32, #tpu.memory_space<hbm>>) dst(%dma_wait3A_222 : memref<8x100xi32, #tpu.memory_space<vmem>>)
        %dma_wait3A_225 = arith.constant 0 : i32
        %dma_wait3A_226 = arith.constant 0 : i32
        %dma_wait3A_227 = tpu.memref_slice %arg9[%sub3A_207, %dma_wait3A_225, %dma_wait3A_226] : memref<2x8x100xi32, #tpu.memory_space<vmem>> -> memref<1x8x100xi32, #tpu.memory_space<vmem>>
        %dma_wait3A_228 = tpu.memref_squeeze %dma_wait3A_227 : memref<1x8x100xi32, #tpu.memory_space<vmem>> -> memref<8x100xi32, #tpu.memory_space<vmem>>
        %dma_wait3A_229 = arith.constant 0 : i32
        %dma_wait3A_230 = tpu.memref_slice %arg4[%add3A_210, %dma_wait3A_229] : memref<3200x100xi32, #tpu.memory_space<hbm>> -> memref<8x100xi32, #tpu.memory_space<hbm>>
        %dma_wait3A_231 = tpu.memref_slice %arg12[%sub3A_207] : memref<2x!tpu.dma_semaphore, #tpu.memory_space<semaphore_mem>> -> memref<1x!tpu.dma_semaphore, #tpu.memory_space<semaphore_mem>>
        %dma_wait3A_232 = tpu.memref_squeeze %dma_wait3A_231 : memref<1x!tpu.dma_semaphore, #tpu.memory_space<semaphore_mem>> -> memref<!tpu.dma_semaphore, #tpu.memory_space<semaphore_mem>>
        %dma_wait3A_233 = arith.constant 0 : i32
        %dma_wait3A_234 = arith.constant 0 : i32
        %dma_wait3A_235 = tpu.memref_slice %arg9[%sub3A_207, %dma_wait3A_233, %dma_wait3A_234] : memref<2x8x100xi32, #tpu.memory_space<vmem>> -> memref<1x8x100xi32, #tpu.memory_space<vmem>>
        %dma_wait3A_236 = tpu.memref_squeeze %dma_wait3A_235 : memref<1x8x100xi32, #tpu.memory_space<vmem>> -> memref<8x100xi32, #tpu.memory_space<vmem>>
        %dma_wait3A_237 = arith.constant 0 : i32
        %dma_wait3A_238 = tpu.memref_slice %arg4[%add3A_210, %dma_wait3A_237] : memref<3200x100xi32, #tpu.memory_space<hbm>> -> memref<8x100xi32, #tpu.memory_space<hbm>>
        tpu.wait_dma2 semaphore(%dma_wait3A_232 : memref<!tpu.dma_semaphore, #tpu.memory_space<semaphore_mem>>) src(%dma_wait3A_238 : memref<8x100xi32, #tpu.memory_space<hbm>>) dst(%dma_wait3A_236 : memref<8x100xi32, #tpu.memory_space<vmem>>)
      } else {
      }
      %add3A_159 = arith.constant 1 : i32
      %add3A_160 = arith.addi %while3A_134, %add3A_159 : i32
      %lt3A_161 = arith.cmpi slt, %add3A_160, %min3A : i32
      %convert_element_type3A_162 = arith.extui %lt3A_161 : i1 to i32
      %cond3A_163 = arith.constant 0 : i32
      %cond3A_164 = arith.cmpi ne, %convert_element_type3A_162, %cond3A_163 : i32
      scf.if %cond3A_164 {
        %ge3A_204 = arith.constant 2 : i32
        %ge3A_205 = arith.cmpi sge, %while3A_134, %ge3A_204 : i32
        %convert_element_type3A_206 = arith.extui %ge3A_205 : i1 to i32
        %cond3A_207 = arith.constant 0 : i32
        %cond3A_208 = arith.cmpi ne, %convert_element_type3A_206, %cond3A_207 : i32
        scf.if %cond3A_208 {
          %sub3A_231 = arith.constant 2 : i32
          %sub3A_232 = arith.subi %while3A_134, %sub3A_231 : i32
          %shift_right_logical3A_233 = arith.constant 3 : i32
          %shift_right_logical3A_234 = arith.shrui %sub3A_232, %shift_right_logical3A_233 : i32
          %and3A_235 = arith.constant 1 : i32
          %and3A_236 = arith.andi %shift_right_logical3A_234, %and3A_235 : i32
          %and3A_237 = arith.constant 7 : i32
          %and3A_238 = arith.andi %sub3A_232, %and3A_237 : i32
          %rem3A_239 = arith.constant 3 : i32
          %rem3A_240 = arith.remsi %sub3A_232, %rem3A_239 : i32
          %dma_wait3A_241 = arith.constant 0 : i32
          %dma_wait3A_242 = arith.constant 0 : i32
          %dma_wait3A_243 = tpu.memref_slice %arg10[%rem3A_240, %dma_wait3A_241, %dma_wait3A_242] : memref<3x100x48xf32, #tpu.memory_space<vmem>> -> memref<1x100x48xf32, #tpu.memory_space<vmem>>
          %dma_wait3A_244 = tpu.memref_squeeze %dma_wait3A_243 : memref<1x100x48xf32, #tpu.memory_space<vmem>> -> memref<100x48xf32, #tpu.memory_space<vmem>>
          %dma_wait3A_245 = arith.constant 0 : i32
          %dma_wait3A_246 = tpu.memref_slice %arg9[%and3A_236, %and3A_238, %dma_wait3A_245] : memref<2x8x100xi32, #tpu.memory_space<vmem>> -> memref<1x1x100xi32, #tpu.memory_space<vmem>>
          %dma_wait3A_247 = tpu.memref_squeeze %dma_wait3A_246 : memref<1x1x100xi32, #tpu.memory_space<vmem>> -> memref<100xi32, #tpu.memory_space<vmem>>
          %dma_wait3A_248 = arith.constant 0 : i32
          %dma_wait3A_249 = arith.constant 0 : i32
          %dma_wait3A_250 = tpu.memref_slice %arg11[%dma_wait3A_248, %dma_wait3A_249] : memref<10000x48xf32, #tpu.memory_space<vmem_shared>> -> memref<10000x48xf32, #tpu.memory_space<vmem_shared>>
          %dma_wait3A_251 = tpu.memref_slice %arg14[%rem3A_240] : memref<3x!tpu.dma_semaphore, #tpu.memory_space<semaphore_mem>> -> memref<1x!tpu.dma_semaphore, #tpu.memory_space<semaphore_mem>>
          %dma_wait3A_252 = tpu.memref_squeeze %dma_wait3A_251 : memref<1x!tpu.dma_semaphore, #tpu.memory_space<semaphore_mem>> -> memref<!tpu.dma_semaphore, #tpu.memory_space<semaphore_mem>>
          tpu.wait_indirect_dma semaphore(%dma_wait3A_252 : memref<!tpu.dma_semaphore, #tpu.memory_space<semaphore_mem>>) src(%dma_wait3A_244 : memref<100x48xf32, #tpu.memory_space<vmem>>) dst(%dma_wait3A_250 : memref<10000x48xf32, #tpu.memory_space<vmem_shared>>)
        } else {
        }
        %add3A_209 = arith.constant 1 : i32
        %add3A_210 = arith.addi %while3A_134, %add3A_209 : i32
        %shift_right_logical3A_211 = arith.constant 3 : i32
        %shift_right_logical3A_212 = arith.shrui %add3A_210, %shift_right_logical3A_211 : i32
        %and3A_213 = arith.constant 1 : i32
        %and3A_214 = arith.andi %shift_right_logical3A_212, %and3A_213 : i32
        %and3A_215 = arith.constant 7 : i32
        %and3A_216 = arith.andi %add3A_210, %and3A_215 : i32
        %rem3A_217 = arith.constant 3 : i32
        %rem3A_218 = arith.remsi %add3A_210, %rem3A_217 : i32
        %dma_start3A_219 = arith.constant 0 : i32
        %dma_start3A_220 = arith.constant 0 : i32
        %dma_start3A_221 = tpu.memref_slice %arg10[%rem3A_218, %dma_start3A_219, %dma_start3A_220] : memref<3x100x48xf32, #tpu.memory_space<vmem>> -> memref<1x100x48xf32, #tpu.memory_space<vmem>>
        %dma_start3A_222 = tpu.memref_squeeze %dma_start3A_221 : memref<1x100x48xf32, #tpu.memory_space<vmem>> -> memref<100x48xf32, #tpu.memory_space<vmem>>
        %dma_start3A_223 = arith.constant 0 : i32
        %dma_start3A_224 = tpu.memref_slice %arg8[%and3A_214, %and3A_216, %dma_start3A_223] : memref<2x8x100xi32, #tpu.memory_space<vmem>> -> memref<1x1x100xi32, #tpu.memory_space<vmem>>
        %dma_start3A_225 = tpu.memref_squeeze %dma_start3A_224 : memref<1x1x100xi32, #tpu.memory_space<vmem>> -> memref<100xi32, #tpu.memory_space<vmem>>
        %dma_start3A_226 = arith.constant 0 : i32
        %dma_start3A_227 = arith.constant 0 : i32
        %dma_start3A_228 = tpu.memref_slice %arg2[%dma_start3A_226, %dma_start3A_227] : memref<10000x48xf32, #tpu.memory_space<hbm>> -> memref<10000x48xf32, #tpu.memory_space<hbm>>
        %dma_start3A_229 = tpu.memref_slice %arg13[%rem3A_218] : memref<3x!tpu.dma_semaphore, #tpu.memory_space<semaphore_mem>> -> memref<1x!tpu.dma_semaphore, #tpu.memory_space<semaphore_mem>>
        %dma_start3A_230 = tpu.memref_squeeze %dma_start3A_229 : memref<1x!tpu.dma_semaphore, #tpu.memory_space<semaphore_mem>> -> memref<!tpu.dma_semaphore, #tpu.memory_space<semaphore_mem>>
        tpu.enqueue_indirect_dma source(%dma_start3A_228 : memref<10000x48xf32, #tpu.memory_space<hbm>>) target(%dma_start3A_222 : memref<100x48xf32, #tpu.memory_space<vmem>>) offsets(%dma_start3A_225 : memref<100xi32, #tpu.memory_space<vmem>>) semaphore(%dma_start3A_230 : memref<!tpu.dma_semaphore, #tpu.memory_space<semaphore_mem>>)
      } else {
      }
      %shift_right_logical3A_165 = arith.constant 3 : i32
      %shift_right_logical3A_166 = arith.shrui %while3A_134, %shift_right_logical3A_165 : i32
      %and3A_167 = arith.constant 1 : i32
      %and3A_168 = arith.andi %shift_right_logical3A_166, %and3A_167 : i32
      %and3A_169 = arith.constant 7 : i32
      %and3A_170 = arith.andi %while3A_134, %and3A_169 : i32
      %rem3A = arith.constant 3 : i32
      %rem3A_171 = arith.remsi %while3A_134, %rem3A : i32
      %dma_wait3A_172 = arith.constant 0 : i32
      %dma_wait3A_173 = arith.constant 0 : i32
      %dma_wait3A_174 = tpu.memref_slice %arg10[%rem3A_171, %dma_wait3A_172, %dma_wait3A_173] : memref<3x100x48xf32, #tpu.memory_space<vmem>> -> memref<1x100x48xf32, #tpu.memory_space<vmem>>
      %dma_wait3A_175 = tpu.memref_squeeze %dma_wait3A_174 : memref<1x100x48xf32, #tpu.memory_space<vmem>> -> memref<100x48xf32, #tpu.memory_space<vmem>>
      %dma_wait3A_176 = arith.constant 0 : i32
      %dma_wait3A_177 = tpu.memref_slice %arg8[%and3A_168, %and3A_170, %dma_wait3A_176] : memref<2x8x100xi32, #tpu.memory_space<vmem>> -> memref<1x1x100xi32, #tpu.memory_space<vmem>>
      %dma_wait3A_178 = tpu.memref_squeeze %dma_wait3A_177 : memref<1x1x100xi32, #tpu.memory_space<vmem>> -> memref<100xi32, #tpu.memory_space<vmem>>
      %dma_wait3A_179 = arith.constant 0 : i32
      %dma_wait3A_180 = arith.constant 0 : i32
      %dma_wait3A_181 = tpu.memref_slice %arg2[%dma_wait3A_179, %dma_wait3A_180] : memref<10000x48xf32, #tpu.memory_space<hbm>> -> memref<10000x48xf32, #tpu.memory_space<hbm>>
      %dma_wait3A_182 = tpu.memref_slice %arg13[%rem3A_171] : memref<3x!tpu.dma_semaphore, #tpu.memory_space<semaphore_mem>> -> memref<1x!tpu.dma_semaphore, #tpu.memory_space<semaphore_mem>>
      %dma_wait3A_183 = tpu.memref_squeeze %dma_wait3A_182 : memref<1x!tpu.dma_semaphore, #tpu.memory_space<semaphore_mem>> -> memref<!tpu.dma_semaphore, #tpu.memory_space<semaphore_mem>>
      tpu.wait_indirect_dma semaphore(%dma_wait3A_183 : memref<!tpu.dma_semaphore, #tpu.memory_space<semaphore_mem>>) src(%dma_wait3A_181 : memref<10000x48xf32, #tpu.memory_space<hbm>>) dst(%dma_wait3A_175 : memref<100x48xf32, #tpu.memory_space<vmem>>)
      %shift_right_logical3A_184 = arith.constant 3 : i32
      %shift_right_logical3A_185 = arith.shrui %while3A_134, %shift_right_logical3A_184 : i32
      %and3A_186 = arith.constant 1 : i32
      %and3A_187 = arith.andi %shift_right_logical3A_185, %and3A_186 : i32
      %and3A_188 = arith.constant 7 : i32
      %and3A_189 = arith.andi %while3A_134, %and3A_188 : i32
      %rem3A_190 = arith.constant 3 : i32
      %rem3A_191 = arith.remsi %while3A_134, %rem3A_190 : i32
      %dma_start3A_192 = arith.constant 0 : i32
      %dma_start3A_193 = arith.constant 0 : i32
      %dma_start3A_194 = tpu.memref_slice %arg10[%rem3A_191, %dma_start3A_192, %dma_start3A_193] : memref<3x100x48xf32, #tpu.memory_space<vmem>> -> memref<1x100x48xf32, #tpu.memory_space<vmem>>
      %dma_start3A_195 = tpu.memref_squeeze %dma_start3A_194 : memref<1x100x48xf32, #tpu.memory_space<vmem>> -> memref<100x48xf32, #tpu.memory_space<vmem>>
      %dma_start3A_196 = arith.constant 0 : i32
      %dma_start3A_197 = tpu.memref_slice %arg9[%and3A_187, %and3A_189, %dma_start3A_196] : memref<2x8x100xi32, #tpu.memory_space<vmem>> -> memref<1x1x100xi32, #tpu.memory_space<vmem>>
      %dma_start3A_198 = tpu.memref_squeeze %dma_start3A_197 : memref<1x1x100xi32, #tpu.memory_space<vmem>> -> memref<100xi32, #tpu.memory_space<vmem>>
      %dma_start3A_199 = arith.constant 0 : i32
      %dma_start3A_200 = arith.constant 0 : i32
      %dma_start3A_201 = tpu.memref_slice %arg11[%dma_start3A_199, %dma_start3A_200] : memref<10000x48xf32, #tpu.memory_space<vmem_shared>> -> memref<10000x48xf32, #tpu.memory_space<vmem_shared>>
      %dma_start3A_202 = tpu.memref_slice %arg14[%rem3A_191] : memref<3x!tpu.dma_semaphore, #tpu.memory_space<semaphore_mem>> -> memref<1x!tpu.dma_semaphore, #tpu.memory_space<semaphore_mem>>
      %dma_start3A_203 = tpu.memref_squeeze %dma_start3A_202 : memref<1x!tpu.dma_semaphore, #tpu.memory_space<semaphore_mem>> -> memref<!tpu.dma_semaphore, #tpu.memory_space<semaphore_mem>>
      tpu.enqueue_indirect_dma source(%dma_start3A_195 : memref<100x48xf32, #tpu.memory_space<vmem>>) target(%dma_start3A_201 : memref<10000x48xf32, #tpu.memory_space<vmem_shared>>) offsets(%dma_start3A_198 : memref<100xi32, #tpu.memory_space<vmem>>) semaphore(%dma_start3A_203 : memref<!tpu.dma_semaphore, #tpu.memory_space<semaphore_mem>>) {add = true}
    }
    %while3A_109 = arith.constant 1 : i32
    scf.for %while3A_134 = %while3A_107 to %while3A_103 step %while3A_109  : i32 {
      %and3A = arith.constant 7 : i32
      %and3A_135 = arith.andi %while3A_134, %and3A : i32
      %shift_right_logical3A = arith.constant 3 : i32
      %shift_right_logical3A_136 = arith.shrui %while3A_134, %shift_right_logical3A : i32
      %and3A_137 = arith.constant 1 : i32
      %and3A_138 = arith.andi %shift_right_logical3A_136, %and3A_137 : i32
      %eq3A_139 = arith.constant 2 : i32
      %eq3A_140 = arith.cmpi eq, %and3A_135, %eq3A_139 : i32
      %add3A_141 = arith.constant 1 : i32
      %add3A_142 = arith.addi %shift_right_logical3A_136, %add3A_141 : i32
      %mul3A_143 = arith.constant 8 : i32
      %mul3A_144 = arith.muli %add3A_142, %mul3A_143 : i32
      %lt3A_145 = arith.cmpi slt, %mul3A_144, %min3A : i32
      %and3A_146 = arith.andi %eq3A_140, %lt3A_145 : i1
      %convert_element_type3A_147 = arith.extui %and3A_146 : i1 to i32
      %cond3A_148 = arith.constant 0 : i32
      %cond3A_149 = arith.cmpi ne, %convert_element_type3A_147, %cond3A_148 : i32
      scf.if %cond3A_149 {
        %add3A_204 = arith.constant 1 : i32
        %add3A_205 = arith.addi %shift_right_logical3A_136, %add3A_204 : i32
        %sub3A_206 = arith.constant 1 : i32
        %sub3A_207 = arith.subi %sub3A_206, %and3A_138 : i32
        %mul3A_208 = arith.constant 8 : i32
        %mul3A_209 = arith.muli %add3A_205, %mul3A_208 : i32
        %add3A_210 = arith.addi %mul3A_31, %mul3A_209 : i32
        %dma_start3A_211 = arith.constant 0 : i32
        %dma_start3A_212 = arith.constant 0 : i32
        %dma_start3A_213 = tpu.memref_slice %arg8[%sub3A_207, %dma_start3A_211, %dma_start3A_212] : memref<2x8x100xi32, #tpu.memory_space<vmem>> -> memref<1x8x100xi32, #tpu.memory_space<vmem>>
        %dma_start3A_214 = tpu.memref_squeeze %dma_start3A_213 : memref<1x8x100xi32, #tpu.memory_space<vmem>> -> memref<8x100xi32, #tpu.memory_space<vmem>>
        %dma_start3A_215 = arith.constant 0 : i32
        %dma_start3A_216 = tpu.memref_slice %arg3[%add3A_210, %dma_start3A_215] : memref<3200x100xi32, #tpu.memory_space<hbm>> -> memref<8x100xi32, #tpu.memory_space<hbm>>
        %dma_start3A_217 = tpu.memref_slice %arg12[%sub3A_207] : memref<2x!tpu.dma_semaphore, #tpu.memory_space<semaphore_mem>> -> memref<1x!tpu.dma_semaphore, #tpu.memory_space<semaphore_mem>>
        %dma_start3A_218 = tpu.memref_squeeze %dma_start3A_217 : memref<1x!tpu.dma_semaphore, #tpu.memory_space<semaphore_mem>> -> memref<!tpu.dma_semaphore, #tpu.memory_space<semaphore_mem>>
        %dma_start3A_219 = arith.constant 0 : i32
        %dma_start3A_220 = arith.constant 0 : i32
        %dma_start3A_221 = tpu.memref_slice %arg8[%sub3A_207, %dma_start3A_219, %dma_start3A_220] : memref<2x8x100xi32, #tpu.memory_space<vmem>> -> memref<1x8x100xi32, #tpu.memory_space<vmem>>
        %dma_start3A_222 = tpu.memref_squeeze %dma_start3A_221 : memref<1x8x100xi32, #tpu.memory_space<vmem>> -> memref<8x100xi32, #tpu.memory_space<vmem>>
        %dma_start3A_223 = arith.constant 0 : i32
        %dma_start3A_224 = tpu.memref_slice %arg3[%add3A_210, %dma_start3A_223] : memref<3200x100xi32, #tpu.memory_space<hbm>> -> memref<8x100xi32, #tpu.memory_space<hbm>>
        tpu.enqueue_dma source(%dma_start3A_224 : memref<8x100xi32, #tpu.memory_space<hbm>>) target(%dma_start3A_222 : memref<8x100xi32, #tpu.memory_space<vmem>>) target_semaphore(%dma_start3A_218 : memref<!tpu.dma_semaphore, #tpu.memory_space<semaphore_mem>>)
        %dma_start3A_225 = arith.constant 0 : i32
        %dma_start3A_226 = arith.constant 0 : i32
        %dma_start3A_227 = tpu.memref_slice %arg9[%sub3A_207, %dma_start3A_225, %dma_start3A_226] : memref<2x8x100xi32, #tpu.memory_space<vmem>> -> memref<1x8x100xi32, #tpu.memory_space<vmem>>
        %dma_start3A_228 = tpu.memref_squeeze %dma_start3A_227 : memref<1x8x100xi32, #tpu.memory_space<vmem>> -> memref<8x100xi32, #tpu.memory_space<vmem>>
        %dma_start3A_229 = arith.constant 0 : i32
        %dma_start3A_230 = tpu.memref_slice %arg4[%add3A_210, %dma_start3A_229] : memref<3200x100xi32, #tpu.memory_space<hbm>> -> memref<8x100xi32, #tpu.memory_space<hbm>>
        %dma_start3A_231 = tpu.memref_slice %arg12[%sub3A_207] : memref<2x!tpu.dma_semaphore, #tpu.memory_space<semaphore_mem>> -> memref<1x!tpu.dma_semaphore, #tpu.memory_space<semaphore_mem>>
        %dma_start3A_232 = tpu.memref_squeeze %dma_start3A_231 : memref<1x!tpu.dma_semaphore, #tpu.memory_space<semaphore_mem>> -> memref<!tpu.dma_semaphore, #tpu.memory_space<semaphore_mem>>
        %dma_start3A_233 = arith.constant 0 : i32
        %dma_start3A_234 = arith.constant 0 : i32
        %dma_start3A_235 = tpu.memref_slice %arg9[%sub3A_207, %dma_start3A_233, %dma_start3A_234] : memref<2x8x100xi32, #tpu.memory_space<vmem>> -> memref<1x8x100xi32, #tpu.memory_space<vmem>>
        %dma_start3A_236 = tpu.memref_squeeze %dma_start3A_235 : memref<1x8x100xi32, #tpu.memory_space<vmem>> -> memref<8x100xi32, #tpu.memory_space<vmem>>
        %dma_start3A_237 = arith.constant 0 : i32
        %dma_start3A_238 = tpu.memref_slice %arg4[%add3A_210, %dma_start3A_237] : memref<3200x100xi32, #tpu.memory_space<hbm>> -> memref<8x100xi32, #tpu.memory_space<hbm>>
        tpu.enqueue_dma source(%dma_start3A_238 : memref<8x100xi32, #tpu.memory_space<hbm>>) target(%dma_start3A_236 : memref<8x100xi32, #tpu.memory_space<vmem>>) target_semaphore(%dma_start3A_232 : memref<!tpu.dma_semaphore, #tpu.memory_space<semaphore_mem>>)
      } else {
      }
      %eq3A_150 = arith.constant 7 : i32
      %eq3A_151 = arith.cmpi eq, %and3A_135, %eq3A_150 : i32
      %add3A_152 = arith.constant 1 : i32
      %add3A_153 = arith.addi %while3A_134, %add3A_152 : i32
      %lt3A_154 = arith.cmpi slt, %add3A_153, %min3A : i32
      %and3A_155 = arith.andi %eq3A_151, %lt3A_154 : i1
      %convert_element_type3A_156 = arith.extui %and3A_155 : i1 to i32
      %cond3A_157 = arith.constant 0 : i32
      %cond3A_158 = arith.cmpi ne, %convert_element_type3A_156, %cond3A_157 : i32
      scf.if %cond3A_158 {
        %add3A_204 = arith.constant 1 : i32
        %add3A_205 = arith.addi %shift_right_logical3A_136, %add3A_204 : i32
        %sub3A_206 = arith.constant 1 : i32
        %sub3A_207 = arith.subi %sub3A_206, %and3A_138 : i32
        %mul3A_208 = arith.constant 8 : i32
        %mul3A_209 = arith.muli %add3A_205, %mul3A_208 : i32
        %add3A_210 = arith.addi %mul3A_31, %mul3A_209 : i32
        %dma_wait3A_211 = arith.constant 0 : i32
        %dma_wait3A_212 = arith.constant 0 : i32
        %dma_wait3A_213 = tpu.memref_slice %arg8[%sub3A_207, %dma_wait3A_211, %dma_wait3A_212] : memref<2x8x100xi32, #tpu.memory_space<vmem>> -> memref<1x8x100xi32, #tpu.memory_space<vmem>>
        %dma_wait3A_214 = tpu.memref_squeeze %dma_wait3A_213 : memref<1x8x100xi32, #tpu.memory_space<vmem>> -> memref<8x100xi32, #tpu.memory_space<vmem>>
        %dma_wait3A_215 = arith.constant 0 : i32
        %dma_wait3A_216 = tpu.memref_slice %arg3[%add3A_210, %dma_wait3A_215] : memref<3200x100xi32, #tpu.memory_space<hbm>> -> memref<8x100xi32, #tpu.memory_space<hbm>>
        %dma_wait3A_217 = tpu.memref_slice %arg12[%sub3A_207] : memref<2x!tpu.dma_semaphore, #tpu.memory_space<semaphore_mem>> -> memref<1x!tpu.dma_semaphore, #tpu.memory_space<semaphore_mem>>
        %dma_wait3A_218 = tpu.memref_squeeze %dma_wait3A_217 : memref<1x!tpu.dma_semaphore, #tpu.memory_space<semaphore_mem>> -> memref<!tpu.dma_semaphore, #tpu.memory_space<semaphore_mem>>
        %dma_wait3A_219 = arith.constant 0 : i32
        %dma_wait3A_220 = arith.constant 0 : i32
        %dma_wait3A_221 = tpu.memref_slice %arg8[%sub3A_207, %dma_wait3A_219, %dma_wait3A_220] : memref<2x8x100xi32, #tpu.memory_space<vmem>> -> memref<1x8x100xi32, #tpu.memory_space<vmem>>
        %dma_wait3A_222 = tpu.memref_squeeze %dma_wait3A_221 : memref<1x8x100xi32, #tpu.memory_space<vmem>> -> memref<8x100xi32, #tpu.memory_space<vmem>>
        %dma_wait3A_223 = arith.constant 0 : i32
        %dma_wait3A_224 = tpu.memref_slice %arg3[%add3A_210, %dma_wait3A_223] : memref<3200x100xi32, #tpu.memory_space<hbm>> -> memref<8x100xi32, #tpu.memory_space<hbm>>
        tpu.wait_dma2 semaphore(%dma_wait3A_218 : memref<!tpu.dma_semaphore, #tpu.memory_space<semaphore_mem>>) src(%dma_wait3A_224 : memref<8x100xi32, #tpu.memory_space<hbm>>) dst(%dma_wait3A_222 : memref<8x100xi32, #tpu.memory_space<vmem>>)
        %dma_wait3A_225 = arith.constant 0 : i32
        %dma_wait3A_226 = arith.constant 0 : i32
        %dma_wait3A_227 = tpu.memref_slice %arg9[%sub3A_207, %dma_wait3A_225, %dma_wait3A_226] : memref<2x8x100xi32, #tpu.memory_space<vmem>> -> memref<1x8x100xi32, #tpu.memory_space<vmem>>
        %dma_wait3A_228 = tpu.memref_squeeze %dma_wait3A_227 : memref<1x8x100xi32, #tpu.memory_space<vmem>> -> memref<8x100xi32, #tpu.memory_space<vmem>>
        %dma_wait3A_229 = arith.constant 0 : i32
        %dma_wait3A_230 = tpu.memref_slice %arg4[%add3A_210, %dma_wait3A_229] : memref<3200x100xi32, #tpu.memory_space<hbm>> -> memref<8x100xi32, #tpu.memory_space<hbm>>
        %dma_wait3A_231 = tpu.memref_slice %arg12[%sub3A_207] : memref<2x!tpu.dma_semaphore, #tpu.memory_space<semaphore_mem>> -> memref<1x!tpu.dma_semaphore, #tpu.memory_space<semaphore_mem>>
        %dma_wait3A_232 = tpu.memref_squeeze %dma_wait3A_231 : memref<1x!tpu.dma_semaphore, #tpu.memory_space<semaphore_mem>> -> memref<!tpu.dma_semaphore, #tpu.memory_space<semaphore_mem>>
        %dma_wait3A_233 = arith.constant 0 : i32
        %dma_wait3A_234 = arith.constant 0 : i32
        %dma_wait3A_235 = tpu.memref_slice %arg9[%sub3A_207, %dma_wait3A_233, %dma_wait3A_234] : memref<2x8x100xi32, #tpu.memory_space<vmem>> -> memref<1x8x100xi32, #tpu.memory_space<vmem>>
        %dma_wait3A_236 = tpu.memref_squeeze %dma_wait3A_235 : memref<1x8x100xi32, #tpu.memory_space<vmem>> -> memref<8x100xi32, #tpu.memory_space<vmem>>
        %dma_wait3A_237 = arith.constant 0 : i32
        %dma_wait3A_238 = tpu.memref_slice %arg4[%add3A_210, %dma_wait3A_237] : memref<3200x100xi32, #tpu.memory_space<hbm>> -> memref<8x100xi32, #tpu.memory_space<hbm>>
        tpu.wait_dma2 semaphore(%dma_wait3A_232 : memref<!tpu.dma_semaphore, #tpu.memory_space<semaphore_mem>>) src(%dma_wait3A_238 : memref<8x100xi32, #tpu.memory_space<hbm>>) dst(%dma_wait3A_236 : memref<8x100xi32, #tpu.memory_space<vmem>>)
      } else {
      }
      %add3A_159 = arith.constant 1 : i32
      %add3A_160 = arith.addi %while3A_134, %add3A_159 : i32
      %lt3A_161 = arith.cmpi slt, %add3A_160, %min3A : i32
      %convert_element_type3A_162 = arith.extui %lt3A_161 : i1 to i32
      %cond3A_163 = arith.constant 0 : i32
      %cond3A_164 = arith.cmpi ne, %convert_element_type3A_162, %cond3A_163 : i32
      scf.if %cond3A_164 {
        %ge3A_204 = arith.constant 2 : i32
        %ge3A_205 = arith.cmpi sge, %while3A_134, %ge3A_204 : i32
        %convert_element_type3A_206 = arith.extui %ge3A_205 : i1 to i32
        %cond3A_207 = arith.constant 0 : i32
        %cond3A_208 = arith.cmpi ne, %convert_element_type3A_206, %cond3A_207 : i32
        scf.if %cond3A_208 {
          %sub3A_231 = arith.constant 2 : i32
          %sub3A_232 = arith.subi %while3A_134, %sub3A_231 : i32
          %shift_right_logical3A_233 = arith.constant 3 : i32
          %shift_right_logical3A_234 = arith.shrui %sub3A_232, %shift_right_logical3A_233 : i32
          %and3A_235 = arith.constant 1 : i32
          %and3A_236 = arith.andi %shift_right_logical3A_234, %and3A_235 : i32
          %and3A_237 = arith.constant 7 : i32
          %and3A_238 = arith.andi %sub3A_232, %and3A_237 : i32
          %rem3A_239 = arith.constant 3 : i32
          %rem3A_240 = arith.remsi %sub3A_232, %rem3A_239 : i32
          %dma_wait3A_241 = arith.constant 0 : i32
          %dma_wait3A_242 = arith.constant 0 : i32
          %dma_wait3A_243 = tpu.memref_slice %arg10[%rem3A_240, %dma_wait3A_241, %dma_wait3A_242] : memref<3x100x48xf32, #tpu.memory_space<vmem>> -> memref<1x100x48xf32, #tpu.memory_space<vmem>>
          %dma_wait3A_244 = tpu.memref_squeeze %dma_wait3A_243 : memref<1x100x48xf32, #tpu.memory_space<vmem>> -> memref<100x48xf32, #tpu.memory_space<vmem>>
          %dma_wait3A_245 = arith.constant 0 : i32
          %dma_wait3A_246 = tpu.memref_slice %arg9[%and3A_236, %and3A_238, %dma_wait3A_245] : memref<2x8x100xi32, #tpu.memory_space<vmem>> -> memref<1x1x100xi32, #tpu.memory_space<vmem>>
          %dma_wait3A_247 = tpu.memref_squeeze %dma_wait3A_246 : memref<1x1x100xi32, #tpu.memory_space<vmem>> -> memref<100xi32, #tpu.memory_space<vmem>>
          %dma_wait3A_248 = arith.constant 0 : i32
          %dma_wait3A_249 = arith.constant 0 : i32
          %dma_wait3A_250 = tpu.memref_slice %arg11[%dma_wait3A_248, %dma_wait3A_249] : memref<10000x48xf32, #tpu.memory_space<vmem_shared>> -> memref<10000x48xf32, #tpu.memory_space<vmem_shared>>
          %dma_wait3A_251 = tpu.memref_slice %arg14[%rem3A_240] : memref<3x!tpu.dma_semaphore, #tpu.memory_space<semaphore_mem>> -> memref<1x!tpu.dma_semaphore, #tpu.memory_space<semaphore_mem>>
          %dma_wait3A_252 = tpu.memref_squeeze %dma_wait3A_251 : memref<1x!tpu.dma_semaphore, #tpu.memory_space<semaphore_mem>> -> memref<!tpu.dma_semaphore, #tpu.memory_space<semaphore_mem>>
          tpu.wait_indirect_dma semaphore(%dma_wait3A_252 : memref<!tpu.dma_semaphore, #tpu.memory_space<semaphore_mem>>) src(%dma_wait3A_244 : memref<100x48xf32, #tpu.memory_space<vmem>>) dst(%dma_wait3A_250 : memref<10000x48xf32, #tpu.memory_space<vmem_shared>>)
        } else {
        }
        %add3A_209 = arith.constant 1 : i32
        %add3A_210 = arith.addi %while3A_134, %add3A_209 : i32
        %shift_right_logical3A_211 = arith.constant 3 : i32
        %shift_right_logical3A_212 = arith.shrui %add3A_210, %shift_right_logical3A_211 : i32
        %and3A_213 = arith.constant 1 : i32
        %and3A_214 = arith.andi %shift_right_logical3A_212, %and3A_213 : i32
        %and3A_215 = arith.constant 7 : i32
        %and3A_216 = arith.andi %add3A_210, %and3A_215 : i32
        %rem3A_217 = arith.constant 3 : i32
        %rem3A_218 = arith.remsi %add3A_210, %rem3A_217 : i32
        %dma_start3A_219 = arith.constant 0 : i32
        %dma_start3A_220 = arith.constant 0 : i32
        %dma_start3A_221 = tpu.memref_slice %arg10[%rem3A_218, %dma_start3A_219, %dma_start3A_220] : memref<3x100x48xf32, #tpu.memory_space<vmem>> -> memref<1x100x48xf32, #tpu.memory_space<vmem>>
        %dma_start3A_222 = tpu.memref_squeeze %dma_start3A_221 : memref<1x100x48xf32, #tpu.memory_space<vmem>> -> memref<100x48xf32, #tpu.memory_space<vmem>>
        %dma_start3A_223 = arith.constant 0 : i32
        %dma_start3A_224 = tpu.memref_slice %arg8[%and3A_214, %and3A_216, %dma_start3A_223] : memref<2x8x100xi32, #tpu.memory_space<vmem>> -> memref<1x1x100xi32, #tpu.memory_space<vmem>>
        %dma_start3A_225 = tpu.memref_squeeze %dma_start3A_224 : memref<1x1x100xi32, #tpu.memory_space<vmem>> -> memref<100xi32, #tpu.memory_space<vmem>>
        %dma_start3A_226 = arith.constant 0 : i32
        %dma_start3A_227 = arith.constant 0 : i32
        %dma_start3A_228 = tpu.memref_slice %arg2[%dma_start3A_226, %dma_start3A_227] : memref<10000x48xf32, #tpu.memory_space<hbm>> -> memref<10000x48xf32, #tpu.memory_space<hbm>>
        %dma_start3A_229 = tpu.memref_slice %arg13[%rem3A_218] : memref<3x!tpu.dma_semaphore, #tpu.memory_space<semaphore_mem>> -> memref<1x!tpu.dma_semaphore, #tpu.memory_space<semaphore_mem>>
        %dma_start3A_230 = tpu.memref_squeeze %dma_start3A_229 : memref<1x!tpu.dma_semaphore, #tpu.memory_space<semaphore_mem>> -> memref<!tpu.dma_semaphore, #tpu.memory_space<semaphore_mem>>
        tpu.enqueue_indirect_dma source(%dma_start3A_228 : memref<10000x48xf32, #tpu.memory_space<hbm>>) target(%dma_start3A_222 : memref<100x48xf32, #tpu.memory_space<vmem>>) offsets(%dma_start3A_225 : memref<100xi32, #tpu.memory_space<vmem>>) semaphore(%dma_start3A_230 : memref<!tpu.dma_semaphore, #tpu.memory_space<semaphore_mem>>)
      } else {
      }
      %shift_right_logical3A_165 = arith.constant 3 : i32
      %shift_right_logical3A_166 = arith.shrui %while3A_134, %shift_right_logical3A_165 : i32
      %and3A_167 = arith.constant 1 : i32
      %and3A_168 = arith.andi %shift_right_logical3A_166, %and3A_167 : i32
      %and3A_169 = arith.constant 7 : i32
      %and3A_170 = arith.andi %while3A_134, %and3A_169 : i32
      %rem3A = arith.constant 3 : i32
      %rem3A_171 = arith.remsi %while3A_134, %rem3A : i32
      %dma_wait3A_172 = arith.constant 0 : i32
      %dma_wait3A_173 = arith.constant 0 : i32
      %dma_wait3A_174 = tpu.memref_slice %arg10[%rem3A_171, %dma_wait3A_172, %dma_wait3A_173] : memref<3x100x48xf32, #tpu.memory_space<vmem>> -> memref<1x100x48xf32, #tpu.memory_space<vmem>>
      %dma_wait3A_175 = tpu.memref_squeeze %dma_wait3A_174 : memref<1x100x48xf32, #tpu.memory_space<vmem>> -> memref<100x48xf32, #tpu.memory_space<vmem>>
      %dma_wait3A_176 = arith.constant 0 : i32
      %dma_wait3A_177 = tpu.memref_slice %arg8[%and3A_168, %and3A_170, %dma_wait3A_176] : memref<2x8x100xi32, #tpu.memory_space<vmem>> -> memref<1x1x100xi32, #tpu.memory_space<vmem>>
      %dma_wait3A_178 = tpu.memref_squeeze %dma_wait3A_177 : memref<1x1x100xi32, #tpu.memory_space<vmem>> -> memref<100xi32, #tpu.memory_space<vmem>>
      %dma_wait3A_179 = arith.constant 0 : i32
      %dma_wait3A_180 = arith.constant 0 : i32
      %dma_wait3A_181 = tpu.memref_slice %arg2[%dma_wait3A_179, %dma_wait3A_180] : memref<10000x48xf32, #tpu.memory_space<hbm>> -> memref<10000x48xf32, #tpu.memory_space<hbm>>
      %dma_wait3A_182 = tpu.memref_slice %arg13[%rem3A_171] : memref<3x!tpu.dma_semaphore, #tpu.memory_space<semaphore_mem>> -> memref<1x!tpu.dma_semaphore, #tpu.memory_space<semaphore_mem>>
      %dma_wait3A_183 = tpu.memref_squeeze %dma_wait3A_182 : memref<1x!tpu.dma_semaphore, #tpu.memory_space<semaphore_mem>> -> memref<!tpu.dma_semaphore, #tpu.memory_space<semaphore_mem>>
      tpu.wait_indirect_dma semaphore(%dma_wait3A_183 : memref<!tpu.dma_semaphore, #tpu.memory_space<semaphore_mem>>) src(%dma_wait3A_181 : memref<10000x48xf32, #tpu.memory_space<hbm>>) dst(%dma_wait3A_175 : memref<100x48xf32, #tpu.memory_space<vmem>>)
      %shift_right_logical3A_184 = arith.constant 3 : i32
      %shift_right_logical3A_185 = arith.shrui %while3A_134, %shift_right_logical3A_184 : i32
      %and3A_186 = arith.constant 1 : i32
      %and3A_187 = arith.andi %shift_right_logical3A_185, %and3A_186 : i32
      %and3A_188 = arith.constant 7 : i32
      %and3A_189 = arith.andi %while3A_134, %and3A_188 : i32
      %rem3A_190 = arith.constant 3 : i32
      %rem3A_191 = arith.remsi %while3A_134, %rem3A_190 : i32
      %dma_start3A_192 = arith.constant 0 : i32
      %dma_start3A_193 = arith.constant 0 : i32
      %dma_start3A_194 = tpu.memref_slice %arg10[%rem3A_191, %dma_start3A_192, %dma_start3A_193] : memref<3x100x48xf32, #tpu.memory_space<vmem>> -> memref<1x100x48xf32, #tpu.memory_space<vmem>>
      %dma_start3A_195 = tpu.memref_squeeze %dma_start3A_194 : memref<1x100x48xf32, #tpu.memory_space<vmem>> -> memref<100x48xf32, #tpu.memory_space<vmem>>
      %dma_start3A_196 = arith.constant 0 : i32
      %dma_start3A_197 = tpu.memref_slice %arg9[%and3A_187, %and3A_189, %dma_start3A_196] : memref<2x8x100xi32, #tpu.memory_space<vmem>> -> memref<1x1x100xi32, #tpu.memory_space<vmem>>
      %dma_start3A_198 = tpu.memref_squeeze %dma_start3A_197 : memref<1x1x100xi32, #tpu.memory_space<vmem>> -> memref<100xi32, #tpu.memory_space<vmem>>
      %dma_start3A_199 = arith.constant 0 : i32
      %dma_start3A_200 = arith.constant 0 : i32
      %dma_start3A_201 = tpu.memref_slice %arg11[%dma_start3A_199, %dma_start3A_200] : memref<10000x48xf32, #tpu.memory_space<vmem_shared>> -> memref<10000x48xf32, #tpu.memory_space<vmem_shared>>
      %dma_start3A_202 = tpu.memref_slice %arg14[%rem3A_191] : memref<3x!tpu.dma_semaphore, #tpu.memory_space<semaphore_mem>> -> memref<1x!tpu.dma_semaphore, #tpu.memory_space<semaphore_mem>>
      %dma_start3A_203 = tpu.memref_squeeze %dma_start3A_202 : memref<1x!tpu.dma_semaphore, #tpu.memory_space<semaphore_mem>> -> memref<!tpu.dma_semaphore, #tpu.memory_space<semaphore_mem>>
      tpu.enqueue_indirect_dma source(%dma_start3A_195 : memref<100x48xf32, #tpu.memory_space<vmem>>) target(%dma_start3A_201 : memref<10000x48xf32, #tpu.memory_space<vmem_shared>>) offsets(%dma_start3A_198 : memref<100xi32, #tpu.memory_space<vmem>>) semaphore(%dma_start3A_203 : memref<!tpu.dma_semaphore, #tpu.memory_space<semaphore_mem>>) {add = true}
    }
    %ge3A = arith.constant 3 : i32
    %ge3A_110 = arith.cmpi sge, %min3A, %ge3A : i32
    %convert_element_type3A_111 = arith.extui %ge3A_110 : i1 to i32
    %cond3A_112 = arith.constant 0 : i32
    %cond3A_113 = arith.cmpi ne, %convert_element_type3A_111, %cond3A_112 : i32
    scf.if %cond3A_113 {
      %sub3A_134 = arith.constant 3 : i32
      %sub3A_135 = arith.subi %min3A, %sub3A_134 : i32
      %shift_right_logical3A = arith.constant 3 : i32
      %shift_right_logical3A_136 = arith.shrui %sub3A_135, %shift_right_logical3A : i32
      %and3A = arith.constant 1 : i32
      %and3A_137 = arith.andi %shift_right_logical3A_136, %and3A : i32
      %and3A_138 = arith.constant 7 : i32
      %and3A_139 = arith.andi %sub3A_135, %and3A_138 : i32
      %rem3A = arith.constant 3 : i32
      %rem3A_140 = arith.remsi %sub3A_135, %rem3A : i32
      %dma_wait3A_141 = arith.constant 0 : i32
      %dma_wait3A_142 = arith.constant 0 : i32
      %dma_wait3A_143 = tpu.memref_slice %arg10[%rem3A_140, %dma_wait3A_141, %dma_wait3A_142] : memref<3x100x48xf32, #tpu.memory_space<vmem>> -> memref<1x100x48xf32, #tpu.memory_space<vmem>>
      %dma_wait3A_144 = tpu.memref_squeeze %dma_wait3A_143 : memref<1x100x48xf32, #tpu.memory_space<vmem>> -> memref<100x48xf32, #tpu.memory_space<vmem>>
      %dma_wait3A_145 = arith.constant 0 : i32
      %dma_wait3A_146 = tpu.memref_slice %arg9[%and3A_137, %and3A_139, %dma_wait3A_145] : memref<2x8x100xi32, #tpu.memory_space<vmem>> -> memref<1x1x100xi32, #tpu.memory_space<vmem>>
      %dma_wait3A_147 = tpu.memref_squeeze %dma_wait3A_146 : memref<1x1x100xi32, #tpu.memory_space<vmem>> -> memref<100xi32, #tpu.memory_space<vmem>>
      %dma_wait3A_148 = arith.constant 0 : i32
      %dma_wait3A_149 = arith.constant 0 : i32
      %dma_wait3A_150 = tpu.memref_slice %arg11[%dma_wait3A_148, %dma_wait3A_149] : memref<10000x48xf32, #tpu.memory_space<vmem_shared>> -> memref<10000x48xf32, #tpu.memory_space<vmem_shared>>
      %dma_wait3A_151 = tpu.memref_slice %arg14[%rem3A_140] : memref<3x!tpu.dma_semaphore, #tpu.memory_space<semaphore_mem>> -> memref<1x!tpu.dma_semaphore, #tpu.memory_space<semaphore_mem>>
      %dma_wait3A_152 = tpu.memref_squeeze %dma_wait3A_151 : memref<1x!tpu.dma_semaphore, #tpu.memory_space<semaphore_mem>> -> memref<!tpu.dma_semaphore, #tpu.memory_space<semaphore_mem>>
      tpu.wait_indirect_dma semaphore(%dma_wait3A_152 : memref<!tpu.dma_semaphore, #tpu.memory_space<semaphore_mem>>) src(%dma_wait3A_144 : memref<100x48xf32, #tpu.memory_space<vmem>>) dst(%dma_wait3A_150 : memref<10000x48xf32, #tpu.memory_space<vmem_shared>>)
    } else {
    }
    %ge3A_114 = arith.constant 2 : i32
    %ge3A_115 = arith.cmpi sge, %min3A, %ge3A_114 : i32
    %convert_element_type3A_116 = arith.extui %ge3A_115 : i1 to i32
    %cond3A_117 = arith.constant 0 : i32
    %cond3A_118 = arith.cmpi ne, %convert_element_type3A_116, %cond3A_117 : i32
    scf.if %cond3A_118 {
      %sub3A_134 = arith.constant 2 : i32
      %sub3A_135 = arith.subi %min3A, %sub3A_134 : i32
      %shift_right_logical3A = arith.constant 3 : i32
      %shift_right_logical3A_136 = arith.shrui %sub3A_135, %shift_right_logical3A : i32
      %and3A = arith.constant 1 : i32
      %and3A_137 = arith.andi %shift_right_logical3A_136, %and3A : i32
      %and3A_138 = arith.constant 7 : i32
      %and3A_139 = arith.andi %sub3A_135, %and3A_138 : i32
      %rem3A = arith.constant 3 : i32
      %rem3A_140 = arith.remsi %sub3A_135, %rem3A : i32
      %dma_wait3A_141 = arith.constant 0 : i32
      %dma_wait3A_142 = arith.constant 0 : i32
      %dma_wait3A_143 = tpu.memref_slice %arg10[%rem3A_140, %dma_wait3A_141, %dma_wait3A_142] : memref<3x100x48xf32, #tpu.memory_space<vmem>> -> memref<1x100x48xf32, #tpu.memory_space<vmem>>
      %dma_wait3A_144 = tpu.memref_squeeze %dma_wait3A_143 : memref<1x100x48xf32, #tpu.memory_space<vmem>> -> memref<100x48xf32, #tpu.memory_space<vmem>>
      %dma_wait3A_145 = arith.constant 0 : i32
      %dma_wait3A_146 = tpu.memref_slice %arg9[%and3A_137, %and3A_139, %dma_wait3A_145] : memref<2x8x100xi32, #tpu.memory_space<vmem>> -> memref<1x1x100xi32, #tpu.memory_space<vmem>>
      %dma_wait3A_147 = tpu.memref_squeeze %dma_wait3A_146 : memref<1x1x100xi32, #tpu.memory_space<vmem>> -> memref<100xi32, #tpu.memory_space<vmem>>
      %dma_wait3A_148 = arith.constant 0 : i32
      %dma_wait3A_149 = arith.constant 0 : i32
      %dma_wait3A_150 = tpu.memref_slice %arg11[%dma_wait3A_148, %dma_wait3A_149] : memref<10000x48xf32, #tpu.memory_space<vmem_shared>> -> memref<10000x48xf32, #tpu.memory_space<vmem_shared>>
      %dma_wait3A_151 = tpu.memref_slice %arg14[%rem3A_140] : memref<3x!tpu.dma_semaphore, #tpu.memory_space<semaphore_mem>> -> memref<1x!tpu.dma_semaphore, #tpu.memory_space<semaphore_mem>>
      %dma_wait3A_152 = tpu.memref_squeeze %dma_wait3A_151 : memref<1x!tpu.dma_semaphore, #tpu.memory_space<semaphore_mem>> -> memref<!tpu.dma_semaphore, #tpu.memory_space<semaphore_mem>>
      tpu.wait_indirect_dma semaphore(%dma_wait3A_152 : memref<!tpu.dma_semaphore, #tpu.memory_space<semaphore_mem>>) src(%dma_wait3A_144 : memref<100x48xf32, #tpu.memory_space<vmem>>) dst(%dma_wait3A_150 : memref<10000x48xf32, #tpu.memory_space<vmem_shared>>)
    } else {
    }
    %ge3A_119 = arith.constant 1 : i32
    %ge3A_120 = arith.cmpi sge, %min3A, %ge3A_119 : i32
    %convert_element_type3A_121 = arith.extui %ge3A_120 : i1 to i32
    %cond3A_122 = arith.constant 0 : i32
    %cond3A_123 = arith.cmpi ne, %convert_element_type3A_121, %cond3A_122 : i32
    scf.if %cond3A_123 {
      %sub3A_134 = arith.constant 1 : i32
      %sub3A_135 = arith.subi %min3A, %sub3A_134 : i32
      %shift_right_logical3A = arith.constant 3 : i32
      %shift_right_logical3A_136 = arith.shrui %sub3A_135, %shift_right_logical3A : i32
      %and3A = arith.constant 1 : i32
      %and3A_137 = arith.andi %shift_right_logical3A_136, %and3A : i32
      %and3A_138 = arith.constant 7 : i32
      %and3A_139 = arith.andi %sub3A_135, %and3A_138 : i32
      %rem3A = arith.constant 3 : i32
      %rem3A_140 = arith.remsi %sub3A_135, %rem3A : i32
      %dma_wait3A_141 = arith.constant 0 : i32
      %dma_wait3A_142 = arith.constant 0 : i32
      %dma_wait3A_143 = tpu.memref_slice %arg10[%rem3A_140, %dma_wait3A_141, %dma_wait3A_142] : memref<3x100x48xf32, #tpu.memory_space<vmem>> -> memref<1x100x48xf32, #tpu.memory_space<vmem>>
      %dma_wait3A_144 = tpu.memref_squeeze %dma_wait3A_143 : memref<1x100x48xf32, #tpu.memory_space<vmem>> -> memref<100x48xf32, #tpu.memory_space<vmem>>
      %dma_wait3A_145 = arith.constant 0 : i32
      %dma_wait3A_146 = tpu.memref_slice %arg9[%and3A_137, %and3A_139, %dma_wait3A_145] : memref<2x8x100xi32, #tpu.memory_space<vmem>> -> memref<1x1x100xi32, #tpu.memory_space<vmem>>
      %dma_wait3A_147 = tpu.memref_squeeze %dma_wait3A_146 : memref<1x1x100xi32, #tpu.memory_space<vmem>> -> memref<100xi32, #tpu.memory_space<vmem>>
      %dma_wait3A_148 = arith.constant 0 : i32
      %dma_wait3A_149 = arith.constant 0 : i32
      %dma_wait3A_150 = tpu.memref_slice %arg11[%dma_wait3A_148, %dma_wait3A_149] : memref<10000x48xf32, #tpu.memory_space<vmem_shared>> -> memref<10000x48xf32, #tpu.memory_space<vmem_shared>>
      %dma_wait3A_151 = tpu.memref_slice %arg14[%rem3A_140] : memref<3x!tpu.dma_semaphore, #tpu.memory_space<semaphore_mem>> -> memref<1x!tpu.dma_semaphore, #tpu.memory_space<semaphore_mem>>
      %dma_wait3A_152 = tpu.memref_squeeze %dma_wait3A_151 : memref<1x!tpu.dma_semaphore, #tpu.memory_space<semaphore_mem>> -> memref<!tpu.dma_semaphore, #tpu.memory_space<semaphore_mem>>
      tpu.wait_indirect_dma semaphore(%dma_wait3A_152 : memref<!tpu.dma_semaphore, #tpu.memory_space<semaphore_mem>>) src(%dma_wait3A_144 : memref<100x48xf32, #tpu.memory_space<vmem>>) dst(%dma_wait3A_150 : memref<10000x48xf32, #tpu.memory_space<vmem_shared>>)
    } else {
    }
    %barrier3A_124 = arith.constant 0 : index
    tpu.barrier barrier_id(%barrier3A_124)
    %eq3A = arith.constant 0 : i32
    %eq3A_125 = arith.cmpi eq, %arg0, %eq3A : i32
    %convert_element_type3A_126 = arith.extui %eq3A_125 : i1 to i32
    %cond3A_127 = arith.constant 0 : i32
    %cond3A_128 = arith.cmpi ne, %convert_element_type3A_126, %cond3A_127 : i32
    scf.if %cond3A_128 {
      %add3A_134 = arith.constant 0 : i32
      %add3A_135 = arith.addi %arg1, %add3A_134 : i32
      %lt3A_136 = arith.constant 50 : i32
      %lt3A_137 = arith.cmpi slt, %add3A_135, %lt3A_136 : i32
      %convert_element_type3A_138 = arith.extui %lt3A_137 : i1 to i32
      %cond3A_139 = arith.constant 0 : i32
      %cond3A_140 = arith.cmpi ne, %convert_element_type3A_138, %cond3A_139 : i32
      scf.if %cond3A_140 {
        %mul3A_162 = arith.constant 200 : i32
        %mul3A_163 = arith.muli %add3A_135, %mul3A_162 : i32
        %mul3A_164 = arith.constant 200 : i32
        %mul3A_165 = arith.muli %add3A_135, %mul3A_164 : i32
        "tpu.region"() ({
          %run_scoped3A = tpu.sem_alloc : memref<!tpu.dma_semaphore, #tpu.memory_space<semaphore_mem>>
          %dma_start3A_166 = arith.constant 0 : i32
          %dma_start3A_167 = tpu.memref_slice %arg6[%mul3A_165, %dma_start3A_166] : memref<10000x48xf32, #tpu.memory_space<hbm>> -> memref<200x48xf32, #tpu.memory_space<hbm>>
          %dma_start3A_168 = arith.constant 0 : i32
          %dma_start3A_169 = tpu.memref_slice %arg11[%mul3A_163, %dma_start3A_168] : memref<10000x48xf32, #tpu.memory_space<vmem_shared>> -> memref<200x48xf32, #tpu.memory_space<vmem_shared>>
          tpu.enqueue_dma source(%dma_start3A_169 : memref<200x48xf32, #tpu.memory_space<vmem_shared>>) target(%dma_start3A_167 : memref<200x48xf32, #tpu.memory_space<hbm>>) target_semaphore(%run_scoped3A : memref<!tpu.dma_semaphore, #tpu.memory_space<semaphore_mem>>)
          %dma_wait3A_170 = arith.constant 0 : i32
          %dma_wait3A_171 = tpu.memref_slice %arg6[%mul3A_165, %dma_wait3A_170] : memref<10000x48xf32, #tpu.memory_space<hbm>> -> memref<200x48xf32, #tpu.memory_space<hbm>>
          %dma_wait3A_172 = arith.constant 0 : i32
          %dma_wait3A_173 = tpu.memref_slice %arg11[%mul3A_163, %dma_wait3A_172] : memref<10000x48xf32, #tpu.memory_space<vmem_shared>> -> memref<200x48xf32, #tpu.memory_space<vmem_shared>>
          tpu.wait_dma2 semaphore(%run_scoped3A : memref<!tpu.dma_semaphore, #tpu.memory_space<semaphore_mem>>) src(%dma_wait3A_173 : memref<200x48xf32, #tpu.memory_space<vmem_shared>>) dst(%dma_wait3A_171 : memref<200x48xf32, #tpu.memory_space<hbm>>)
          tpu.yield
        }) : () -> ()
      } else {
      }
      %add3A_141 = arith.constant 16 : i32
      %add3A_142 = arith.addi %arg1, %add3A_141 : i32
      %lt3A_143 = arith.constant 50 : i32
      %lt3A_144 = arith.cmpi slt, %add3A_142, %lt3A_143 : i32
      %convert_element_type3A_145 = arith.extui %lt3A_144 : i1 to i32
      %cond3A_146 = arith.constant 0 : i32
      %cond3A_147 = arith.cmpi ne, %convert_element_type3A_145, %cond3A_146 : i32
      scf.if %cond3A_147 {
        %mul3A_162 = arith.constant 200 : i32
        %mul3A_163 = arith.muli %add3A_142, %mul3A_162 : i32
        %mul3A_164 = arith.constant 200 : i32
        %mul3A_165 = arith.muli %add3A_142, %mul3A_164 : i32
        "tpu.region"() ({
          %run_scoped3A = tpu.sem_alloc : memref<!tpu.dma_semaphore, #tpu.memory_space<semaphore_mem>>
          %dma_start3A_166 = arith.constant 0 : i32
          %dma_start3A_167 = tpu.memref_slice %arg6[%mul3A_165, %dma_start3A_166] : memref<10000x48xf32, #tpu.memory_space<hbm>> -> memref<200x48xf32, #tpu.memory_space<hbm>>
          %dma_start3A_168 = arith.constant 0 : i32
          %dma_start3A_169 = tpu.memref_slice %arg11[%mul3A_163, %dma_start3A_168] : memref<10000x48xf32, #tpu.memory_space<vmem_shared>> -> memref<200x48xf32, #tpu.memory_space<vmem_shared>>
          tpu.enqueue_dma source(%dma_start3A_169 : memref<200x48xf32, #tpu.memory_space<vmem_shared>>) target(%dma_start3A_167 : memref<200x48xf32, #tpu.memory_space<hbm>>) target_semaphore(%run_scoped3A : memref<!tpu.dma_semaphore, #tpu.memory_space<semaphore_mem>>)
          %dma_wait3A_170 = arith.constant 0 : i32
          %dma_wait3A_171 = tpu.memref_slice %arg6[%mul3A_165, %dma_wait3A_170] : memref<10000x48xf32, #tpu.memory_space<hbm>> -> memref<200x48xf32, #tpu.memory_space<hbm>>
          %dma_wait3A_172 = arith.constant 0 : i32
          %dma_wait3A_173 = tpu.memref_slice %arg11[%mul3A_163, %dma_wait3A_172] : memref<10000x48xf32, #tpu.memory_space<vmem_shared>> -> memref<200x48xf32, #tpu.memory_space<vmem_shared>>
          tpu.wait_dma2 semaphore(%run_scoped3A : memref<!tpu.dma_semaphore, #tpu.memory_space<semaphore_mem>>) src(%dma_wait3A_173 : memref<200x48xf32, #tpu.memory_space<vmem_shared>>) dst(%dma_wait3A_171 : memref<200x48xf32, #tpu.memory_space<hbm>>)
          tpu.yield
        }) : () -> ()
      } else {
      }
      %add3A_148 = arith.constant 32 : i32
      %add3A_149 = arith.addi %arg1, %add3A_148 : i32
      %lt3A_150 = arith.constant 50 : i32
      %lt3A_151 = arith.cmpi slt, %add3A_149, %lt3A_150 : i32
      %convert_element_type3A_152 = arith.extui %lt3A_151 : i1 to i32
      %cond3A_153 = arith.constant 0 : i32
      %cond3A_154 = arith.cmpi ne, %convert_element_type3A_152, %cond3A_153 : i32
      scf.if %cond3A_154 {
        %mul3A_162 = arith.constant 200 : i32
        %mul3A_163 = arith.muli %add3A_149, %mul3A_162 : i32
        %mul3A_164 = arith.constant 200 : i32
        %mul3A_165 = arith.muli %add3A_149, %mul3A_164 : i32
        "tpu.region"() ({
          %run_scoped3A = tpu.sem_alloc : memref<!tpu.dma_semaphore, #tpu.memory_space<semaphore_mem>>
          %dma_start3A_166 = arith.constant 0 : i32
          %dma_start3A_167 = tpu.memref_slice %arg6[%mul3A_165, %dma_start3A_166] : memref<10000x48xf32, #tpu.memory_space<hbm>> -> memref<200x48xf32, #tpu.memory_space<hbm>>
          %dma_start3A_168 = arith.constant 0 : i32
          %dma_start3A_169 = tpu.memref_slice %arg11[%mul3A_163, %dma_start3A_168] : memref<10000x48xf32, #tpu.memory_space<vmem_shared>> -> memref<200x48xf32, #tpu.memory_space<vmem_shared>>
          tpu.enqueue_dma source(%dma_start3A_169 : memref<200x48xf32, #tpu.memory_space<vmem_shared>>) target(%dma_start3A_167 : memref<200x48xf32, #tpu.memory_space<hbm>>) target_semaphore(%run_scoped3A : memref<!tpu.dma_semaphore, #tpu.memory_space<semaphore_mem>>)
          %dma_wait3A_170 = arith.constant 0 : i32
          %dma_wait3A_171 = tpu.memref_slice %arg6[%mul3A_165, %dma_wait3A_170] : memref<10000x48xf32, #tpu.memory_space<hbm>> -> memref<200x48xf32, #tpu.memory_space<hbm>>
          %dma_wait3A_172 = arith.constant 0 : i32
          %dma_wait3A_173 = tpu.memref_slice %arg11[%mul3A_163, %dma_wait3A_172] : memref<10000x48xf32, #tpu.memory_space<vmem_shared>> -> memref<200x48xf32, #tpu.memory_space<vmem_shared>>
          tpu.wait_dma2 semaphore(%run_scoped3A : memref<!tpu.dma_semaphore, #tpu.memory_space<semaphore_mem>>) src(%dma_wait3A_173 : memref<200x48xf32, #tpu.memory_space<vmem_shared>>) dst(%dma_wait3A_171 : memref<200x48xf32, #tpu.memory_space<hbm>>)
          tpu.yield
        }) : () -> ()
      } else {
      }
      %add3A_155 = arith.constant 48 : i32
      %add3A_156 = arith.addi %arg1, %add3A_155 : i32
      %lt3A_157 = arith.constant 50 : i32
      %lt3A_158 = arith.cmpi slt, %add3A_156, %lt3A_157 : i32
      %convert_element_type3A_159 = arith.extui %lt3A_158 : i1 to i32
      %cond3A_160 = arith.constant 0 : i32
      %cond3A_161 = arith.cmpi ne, %convert_element_type3A_159, %cond3A_160 : i32
      scf.if %cond3A_161 {
        %mul3A_162 = arith.constant 200 : i32
        %mul3A_163 = arith.muli %add3A_156, %mul3A_162 : i32
        %mul3A_164 = arith.constant 200 : i32
        %mul3A_165 = arith.muli %add3A_156, %mul3A_164 : i32
        "tpu.region"() ({
          %run_scoped3A = tpu.sem_alloc : memref<!tpu.dma_semaphore, #tpu.memory_space<semaphore_mem>>
          %dma_start3A_166 = arith.constant 0 : i32
          %dma_start3A_167 = tpu.memref_slice %arg6[%mul3A_165, %dma_start3A_166] : memref<10000x48xf32, #tpu.memory_space<hbm>> -> memref<200x48xf32, #tpu.memory_space<hbm>>
          %dma_start3A_168 = arith.constant 0 : i32
          %dma_start3A_169 = tpu.memref_slice %arg11[%mul3A_163, %dma_start3A_168] : memref<10000x48xf32, #tpu.memory_space<vmem_shared>> -> memref<200x48xf32, #tpu.memory_space<vmem_shared>>
          tpu.enqueue_dma source(%dma_start3A_169 : memref<200x48xf32, #tpu.memory_space<vmem_shared>>) target(%dma_start3A_167 : memref<200x48xf32, #tpu.memory_space<hbm>>) target_semaphore(%run_scoped3A : memref<!tpu.dma_semaphore, #tpu.memory_space<semaphore_mem>>)
          %dma_wait3A_170 = arith.constant 0 : i32
          %dma_wait3A_171 = tpu.memref_slice %arg6[%mul3A_165, %dma_wait3A_170] : memref<10000x48xf32, #tpu.memory_space<hbm>> -> memref<200x48xf32, #tpu.memory_space<hbm>>
          %dma_wait3A_172 = arith.constant 0 : i32
          %dma_wait3A_173 = tpu.memref_slice %arg11[%mul3A_163, %dma_wait3A_172] : memref<10000x48xf32, #tpu.memory_space<vmem_shared>> -> memref<200x48xf32, #tpu.memory_space<vmem_shared>>
          tpu.wait_dma2 semaphore(%run_scoped3A : memref<!tpu.dma_semaphore, #tpu.memory_space<semaphore_mem>>) src(%dma_wait3A_173 : memref<200x48xf32, #tpu.memory_space<vmem_shared>>) dst(%dma_wait3A_171 : memref<200x48xf32, #tpu.memory_space<hbm>>)
          tpu.yield
        }) : () -> ()
      } else {
      }
    } else {
    }
    %eq3A_129 = arith.constant 1 : i32
    %eq3A_130 = arith.cmpi eq, %arg0, %eq3A_129 : i32
    %convert_element_type3A_131 = arith.extui %eq3A_130 : i1 to i32
    %cond3A_132 = arith.constant 0 : i32
    %cond3A_133 = arith.cmpi ne, %convert_element_type3A_131, %cond3A_132 : i32
    scf.if %cond3A_133 {
      %add3A_134 = arith.constant 0 : i32
      %add3A_135 = arith.addi %arg1, %add3A_134 : i32
      %lt3A_136 = arith.constant 50 : i32
      %lt3A_137 = arith.cmpi slt, %add3A_135, %lt3A_136 : i32
      %convert_element_type3A_138 = arith.extui %lt3A_137 : i1 to i32
      %cond3A_139 = arith.constant 0 : i32
      %cond3A_140 = arith.cmpi ne, %convert_element_type3A_138, %cond3A_139 : i32
      scf.if %cond3A_140 {
        %mul3A_162 = arith.constant 200 : i32
        %mul3A_163 = arith.muli %add3A_135, %mul3A_162 : i32
        %mul3A_164 = arith.constant 200 : i32
        %mul3A_165 = arith.muli %add3A_135, %mul3A_164 : i32
        "tpu.region"() ({
          %run_scoped3A = tpu.sem_alloc : memref<!tpu.dma_semaphore, #tpu.memory_space<semaphore_mem>>
          %dma_start3A_166 = arith.constant 0 : i32
          %dma_start3A_167 = tpu.memref_slice %arg7[%mul3A_165, %dma_start3A_166] : memref<10000x48xf32, #tpu.memory_space<hbm>> -> memref<200x48xf32, #tpu.memory_space<hbm>>
          %dma_start3A_168 = arith.constant 0 : i32
          %dma_start3A_169 = tpu.memref_slice %arg11[%mul3A_163, %dma_start3A_168] : memref<10000x48xf32, #tpu.memory_space<vmem_shared>> -> memref<200x48xf32, #tpu.memory_space<vmem_shared>>
          tpu.enqueue_dma source(%dma_start3A_169 : memref<200x48xf32, #tpu.memory_space<vmem_shared>>) target(%dma_start3A_167 : memref<200x48xf32, #tpu.memory_space<hbm>>) target_semaphore(%run_scoped3A : memref<!tpu.dma_semaphore, #tpu.memory_space<semaphore_mem>>)
          %dma_wait3A_170 = arith.constant 0 : i32
          %dma_wait3A_171 = tpu.memref_slice %arg7[%mul3A_165, %dma_wait3A_170] : memref<10000x48xf32, #tpu.memory_space<hbm>> -> memref<200x48xf32, #tpu.memory_space<hbm>>
          %dma_wait3A_172 = arith.constant 0 : i32
          %dma_wait3A_173 = tpu.memref_slice %arg11[%mul3A_163, %dma_wait3A_172] : memref<10000x48xf32, #tpu.memory_space<vmem_shared>> -> memref<200x48xf32, #tpu.memory_space<vmem_shared>>
          tpu.wait_dma2 semaphore(%run_scoped3A : memref<!tpu.dma_semaphore, #tpu.memory_space<semaphore_mem>>) src(%dma_wait3A_173 : memref<200x48xf32, #tpu.memory_space<vmem_shared>>) dst(%dma_wait3A_171 : memref<200x48xf32, #tpu.memory_space<hbm>>)
          tpu.yield
        }) : () -> ()
      } else {
      }
      %add3A_141 = arith.constant 16 : i32
      %add3A_142 = arith.addi %arg1, %add3A_141 : i32
      %lt3A_143 = arith.constant 50 : i32
      %lt3A_144 = arith.cmpi slt, %add3A_142, %lt3A_143 : i32
      %convert_element_type3A_145 = arith.extui %lt3A_144 : i1 to i32
      %cond3A_146 = arith.constant 0 : i32
      %cond3A_147 = arith.cmpi ne, %convert_element_type3A_145, %cond3A_146 : i32
      scf.if %cond3A_147 {
        %mul3A_162 = arith.constant 200 : i32
        %mul3A_163 = arith.muli %add3A_142, %mul3A_162 : i32
        %mul3A_164 = arith.constant 200 : i32
        %mul3A_165 = arith.muli %add3A_142, %mul3A_164 : i32
        "tpu.region"() ({
          %run_scoped3A = tpu.sem_alloc : memref<!tpu.dma_semaphore, #tpu.memory_space<semaphore_mem>>
          %dma_start3A_166 = arith.constant 0 : i32
          %dma_start3A_167 = tpu.memref_slice %arg7[%mul3A_165, %dma_start3A_166] : memref<10000x48xf32, #tpu.memory_space<hbm>> -> memref<200x48xf32, #tpu.memory_space<hbm>>
          %dma_start3A_168 = arith.constant 0 : i32
          %dma_start3A_169 = tpu.memref_slice %arg11[%mul3A_163, %dma_start3A_168] : memref<10000x48xf32, #tpu.memory_space<vmem_shared>> -> memref<200x48xf32, #tpu.memory_space<vmem_shared>>
          tpu.enqueue_dma source(%dma_start3A_169 : memref<200x48xf32, #tpu.memory_space<vmem_shared>>) target(%dma_start3A_167 : memref<200x48xf32, #tpu.memory_space<hbm>>) target_semaphore(%run_scoped3A : memref<!tpu.dma_semaphore, #tpu.memory_space<semaphore_mem>>)
          %dma_wait3A_170 = arith.constant 0 : i32
          %dma_wait3A_171 = tpu.memref_slice %arg7[%mul3A_165, %dma_wait3A_170] : memref<10000x48xf32, #tpu.memory_space<hbm>> -> memref<200x48xf32, #tpu.memory_space<hbm>>
          %dma_wait3A_172 = arith.constant 0 : i32
          %dma_wait3A_173 = tpu.memref_slice %arg11[%mul3A_163, %dma_wait3A_172] : memref<10000x48xf32, #tpu.memory_space<vmem_shared>> -> memref<200x48xf32, #tpu.memory_space<vmem_shared>>
          tpu.wait_dma2 semaphore(%run_scoped3A : memref<!tpu.dma_semaphore, #tpu.memory_space<semaphore_mem>>) src(%dma_wait3A_173 : memref<200x48xf32, #tpu.memory_space<vmem_shared>>) dst(%dma_wait3A_171 : memref<200x48xf32, #tpu.memory_space<hbm>>)
          tpu.yield
        }) : () -> ()
      } else {
      }
      %add3A_148 = arith.constant 32 : i32
      %add3A_149 = arith.addi %arg1, %add3A_148 : i32
      %lt3A_150 = arith.constant 50 : i32
      %lt3A_151 = arith.cmpi slt, %add3A_149, %lt3A_150 : i32
      %convert_element_type3A_152 = arith.extui %lt3A_151 : i1 to i32
      %cond3A_153 = arith.constant 0 : i32
      %cond3A_154 = arith.cmpi ne, %convert_element_type3A_152, %cond3A_153 : i32
      scf.if %cond3A_154 {
        %mul3A_162 = arith.constant 200 : i32
        %mul3A_163 = arith.muli %add3A_149, %mul3A_162 : i32
        %mul3A_164 = arith.constant 200 : i32
        %mul3A_165 = arith.muli %add3A_149, %mul3A_164 : i32
        "tpu.region"() ({
          %run_scoped3A = tpu.sem_alloc : memref<!tpu.dma_semaphore, #tpu.memory_space<semaphore_mem>>
          %dma_start3A_166 = arith.constant 0 : i32
          %dma_start3A_167 = tpu.memref_slice %arg7[%mul3A_165, %dma_start3A_166] : memref<10000x48xf32, #tpu.memory_space<hbm>> -> memref<200x48xf32, #tpu.memory_space<hbm>>
          %dma_start3A_168 = arith.constant 0 : i32
          %dma_start3A_169 = tpu.memref_slice %arg11[%mul3A_163, %dma_start3A_168] : memref<10000x48xf32, #tpu.memory_space<vmem_shared>> -> memref<200x48xf32, #tpu.memory_space<vmem_shared>>
          tpu.enqueue_dma source(%dma_start3A_169 : memref<200x48xf32, #tpu.memory_space<vmem_shared>>) target(%dma_start3A_167 : memref<200x48xf32, #tpu.memory_space<hbm>>) target_semaphore(%run_scoped3A : memref<!tpu.dma_semaphore, #tpu.memory_space<semaphore_mem>>)
          %dma_wait3A_170 = arith.constant 0 : i32
          %dma_wait3A_171 = tpu.memref_slice %arg7[%mul3A_165, %dma_wait3A_170] : memref<10000x48xf32, #tpu.memory_space<hbm>> -> memref<200x48xf32, #tpu.memory_space<hbm>>
          %dma_wait3A_172 = arith.constant 0 : i32
          %dma_wait3A_173 = tpu.memref_slice %arg11[%mul3A_163, %dma_wait3A_172] : memref<10000x48xf32, #tpu.memory_space<vmem_shared>> -> memref<200x48xf32, #tpu.memory_space<vmem_shared>>
          tpu.wait_dma2 semaphore(%run_scoped3A : memref<!tpu.dma_semaphore, #tpu.memory_space<semaphore_mem>>) src(%dma_wait3A_173 : memref<200x48xf32, #tpu.memory_space<vmem_shared>>) dst(%dma_wait3A_171 : memref<200x48xf32, #tpu.memory_space<hbm>>)
          tpu.yield
        }) : () -> ()
      } else {
      }
      %add3A_155 = arith.constant 48 : i32
      %add3A_156 = arith.addi %arg1, %add3A_155 : i32
      %lt3A_157 = arith.constant 50 : i32
      %lt3A_158 = arith.cmpi slt, %add3A_156, %lt3A_157 : i32
      %convert_element_type3A_159 = arith.extui %lt3A_158 : i1 to i32
      %cond3A_160 = arith.constant 0 : i32
      %cond3A_161 = arith.cmpi ne, %convert_element_type3A_159, %cond3A_160 : i32
      scf.if %cond3A_161 {
        %mul3A_162 = arith.constant 200 : i32
        %mul3A_163 = arith.muli %add3A_156, %mul3A_162 : i32
        %mul3A_164 = arith.constant 200 : i32
        %mul3A_165 = arith.muli %add3A_156, %mul3A_164 : i32
        "tpu.region"() ({
          %run_scoped3A = tpu.sem_alloc : memref<!tpu.dma_semaphore, #tpu.memory_space<semaphore_mem>>
          %dma_start3A_166 = arith.constant 0 : i32
          %dma_start3A_167 = tpu.memref_slice %arg7[%mul3A_165, %dma_start3A_166] : memref<10000x48xf32, #tpu.memory_space<hbm>> -> memref<200x48xf32, #tpu.memory_space<hbm>>
          %dma_start3A_168 = arith.constant 0 : i32
          %dma_start3A_169 = tpu.memref_slice %arg11[%mul3A_163, %dma_start3A_168] : memref<10000x48xf32, #tpu.memory_space<vmem_shared>> -> memref<200x48xf32, #tpu.memory_space<vmem_shared>>
          tpu.enqueue_dma source(%dma_start3A_169 : memref<200x48xf32, #tpu.memory_space<vmem_shared>>) target(%dma_start3A_167 : memref<200x48xf32, #tpu.memory_space<hbm>>) target_semaphore(%run_scoped3A : memref<!tpu.dma_semaphore, #tpu.memory_space<semaphore_mem>>)
          %dma_wait3A_170 = arith.constant 0 : i32
          %dma_wait3A_171 = tpu.memref_slice %arg7[%mul3A_165, %dma_wait3A_170] : memref<10000x48xf32, #tpu.memory_space<hbm>> -> memref<200x48xf32, #tpu.memory_space<hbm>>
          %dma_wait3A_172 = arith.constant 0 : i32
          %dma_wait3A_173 = tpu.memref_slice %arg11[%mul3A_163, %dma_wait3A_172] : memref<10000x48xf32, #tpu.memory_space<vmem_shared>> -> memref<200x48xf32, #tpu.memory_space<vmem_shared>>
          tpu.wait_dma2 semaphore(%run_scoped3A : memref<!tpu.dma_semaphore, #tpu.memory_space<semaphore_mem>>) src(%dma_wait3A_173 : memref<200x48xf32, #tpu.memory_space<vmem_shared>>) dst(%dma_wait3A_171 : memref<200x48xf32, #tpu.memory_space<hbm>>)
          tpu.yield
        }) : () -> ()
      } else {
      }
    } else {
    }
    return
  }
}

#map = affine_map<(d0, d1) -> (0, 0)>
module attributes {stable_mosaic.version = 14 : i64} {
  func.func @agg(%arg0: i32, %arg1: i32, %arg2: memref<10000x128xf32, #tpu.memory_space<hbm>>, %arg3: memref<3200x100xi32, #tpu.memory_space<hbm>>, %arg4: memref<3200x100xi32, #tpu.memory_space<hbm>>, %arg5: memref<200x128xf32, #tpu.memory_space<hbm>>, %arg6: memref<10000x128xf32, #tpu.memory_space<hbm>>, %arg7: memref<10000x128xf32, #tpu.memory_space<hbm>>, %arg8: memref<2x8x100xi32, #tpu.memory_space<vmem>>, %arg9: memref<2x8x100xi32, #tpu.memory_space<vmem>>, %arg10: memref<3x100x128xf32, #tpu.memory_space<vmem>>, %arg11: memref<10000x128xf32, #tpu.memory_space<vmem_shared>>, %arg12: memref<2x!tpu.dma_semaphore, #tpu.memory_space<semaphore_mem>>, %arg13: memref<3x!tpu.dma_semaphore, #tpu.memory_space<semaphore_mem>>, %arg14: memref<3x!tpu.dma_semaphore, #tpu.memory_space<semaphore_mem>>) attributes {dimension_semantics = [#tpu.dimension_semantics<core_parallel>, #tpu.dimension_semantics<subcore_parallel>], iteration_bounds = array<i64: 2, 16>, scalar_prefetch = 0 : i64, scratch_operands = 7 : i64, tpu.core_type = #tpu.core_type<sc_vector_subcore>, window_params = [{transform_indices = #map}, {transform_indices = #map}, {transform_indices = #map}, {transform_indices = #map}, {transform_indices = #map}, {transform_indices = #map}]} {
    %mul3A = arith.constant 16 : i32
    %mul3A_0 = arith.muli %arg0, %mul3A : i32
    %add3A = arith.addi %mul3A_0, %arg1 : i32
    %add3A_1 = arith.constant 0 : i32
    %add3A_2 = arith.addi %arg1, %add3A_1 : i32
    %lt3A = arith.constant 50 : i32
    %lt3A_3 = arith.cmpi slt, %add3A_2, %lt3A : i32
    %convert_element_type3A = arith.extui %lt3A_3 : i1 to i32
    %cond3A = arith.constant 0 : i32
    %cond3A_4 = arith.cmpi ne, %convert_element_type3A, %cond3A : i32
    scf.if %cond3A_4 {
      %mul3A_134 = arith.constant 200 : i32
      %mul3A_135 = arith.muli %add3A_2, %mul3A_134 : i32
      "tpu.region"() ({
        %run_scoped3A = tpu.sem_alloc : memref<!tpu.dma_semaphore, #tpu.memory_space<semaphore_mem>>
        %dma_start3A_136 = arith.constant 0 : i32
        %dma_start3A_137 = tpu.memref_slice %arg11[%mul3A_135, %dma_start3A_136] : memref<10000x128xf32, #tpu.memory_space<vmem_shared>> -> memref<200x128xf32, #tpu.memory_space<vmem_shared>>
        tpu.enqueue_dma source(%arg5 : memref<200x128xf32, #tpu.memory_space<hbm>>) target(%dma_start3A_137 : memref<200x128xf32, #tpu.memory_space<vmem_shared>>) target_semaphore(%run_scoped3A : memref<!tpu.dma_semaphore, #tpu.memory_space<semaphore_mem>>)
        %dma_wait3A_138 = arith.constant 0 : i32
        %dma_wait3A_139 = tpu.memref_slice %arg11[%mul3A_135, %dma_wait3A_138] : memref<10000x128xf32, #tpu.memory_space<vmem_shared>> -> memref<200x128xf32, #tpu.memory_space<vmem_shared>>
        tpu.wait_dma2 semaphore(%run_scoped3A : memref<!tpu.dma_semaphore, #tpu.memory_space<semaphore_mem>>) src(%arg5 : memref<200x128xf32, #tpu.memory_space<hbm>>) dst(%dma_wait3A_139 : memref<200x128xf32, #tpu.memory_space<vmem_shared>>)
        tpu.yield
      }) : () -> ()
    } else {
    }
    %add3A_5 = arith.constant 16 : i32
    %add3A_6 = arith.addi %arg1, %add3A_5 : i32
    %lt3A_7 = arith.constant 50 : i32
    %lt3A_8 = arith.cmpi slt, %add3A_6, %lt3A_7 : i32
    %convert_element_type3A_9 = arith.extui %lt3A_8 : i1 to i32
    %cond3A_10 = arith.constant 0 : i32
    %cond3A_11 = arith.cmpi ne, %convert_element_type3A_9, %cond3A_10 : i32
    scf.if %cond3A_11 {
      %mul3A_134 = arith.constant 200 : i32
      %mul3A_135 = arith.muli %add3A_6, %mul3A_134 : i32
      "tpu.region"() ({
        %run_scoped3A = tpu.sem_alloc : memref<!tpu.dma_semaphore, #tpu.memory_space<semaphore_mem>>
        %dma_start3A_136 = arith.constant 0 : i32
        %dma_start3A_137 = tpu.memref_slice %arg11[%mul3A_135, %dma_start3A_136] : memref<10000x128xf32, #tpu.memory_space<vmem_shared>> -> memref<200x128xf32, #tpu.memory_space<vmem_shared>>
        tpu.enqueue_dma source(%arg5 : memref<200x128xf32, #tpu.memory_space<hbm>>) target(%dma_start3A_137 : memref<200x128xf32, #tpu.memory_space<vmem_shared>>) target_semaphore(%run_scoped3A : memref<!tpu.dma_semaphore, #tpu.memory_space<semaphore_mem>>)
        %dma_wait3A_138 = arith.constant 0 : i32
        %dma_wait3A_139 = tpu.memref_slice %arg11[%mul3A_135, %dma_wait3A_138] : memref<10000x128xf32, #tpu.memory_space<vmem_shared>> -> memref<200x128xf32, #tpu.memory_space<vmem_shared>>
        tpu.wait_dma2 semaphore(%run_scoped3A : memref<!tpu.dma_semaphore, #tpu.memory_space<semaphore_mem>>) src(%arg5 : memref<200x128xf32, #tpu.memory_space<hbm>>) dst(%dma_wait3A_139 : memref<200x128xf32, #tpu.memory_space<vmem_shared>>)
        tpu.yield
      }) : () -> ()
    } else {
    }
    %add3A_12 = arith.constant 32 : i32
    %add3A_13 = arith.addi %arg1, %add3A_12 : i32
    %lt3A_14 = arith.constant 50 : i32
    %lt3A_15 = arith.cmpi slt, %add3A_13, %lt3A_14 : i32
    %convert_element_type3A_16 = arith.extui %lt3A_15 : i1 to i32
    %cond3A_17 = arith.constant 0 : i32
    %cond3A_18 = arith.cmpi ne, %convert_element_type3A_16, %cond3A_17 : i32
    scf.if %cond3A_18 {
      %mul3A_134 = arith.constant 200 : i32
      %mul3A_135 = arith.muli %add3A_13, %mul3A_134 : i32
      "tpu.region"() ({
        %run_scoped3A = tpu.sem_alloc : memref<!tpu.dma_semaphore, #tpu.memory_space<semaphore_mem>>
        %dma_start3A_136 = arith.constant 0 : i32
        %dma_start3A_137 = tpu.memref_slice %arg11[%mul3A_135, %dma_start3A_136] : memref<10000x128xf32, #tpu.memory_space<vmem_shared>> -> memref<200x128xf32, #tpu.memory_space<vmem_shared>>
        tpu.enqueue_dma source(%arg5 : memref<200x128xf32, #tpu.memory_space<hbm>>) target(%dma_start3A_137 : memref<200x128xf32, #tpu.memory_space<vmem_shared>>) target_semaphore(%run_scoped3A : memref<!tpu.dma_semaphore, #tpu.memory_space<semaphore_mem>>)
        %dma_wait3A_138 = arith.constant 0 : i32
        %dma_wait3A_139 = tpu.memref_slice %arg11[%mul3A_135, %dma_wait3A_138] : memref<10000x128xf32, #tpu.memory_space<vmem_shared>> -> memref<200x128xf32, #tpu.memory_space<vmem_shared>>
        tpu.wait_dma2 semaphore(%run_scoped3A : memref<!tpu.dma_semaphore, #tpu.memory_space<semaphore_mem>>) src(%arg5 : memref<200x128xf32, #tpu.memory_space<hbm>>) dst(%dma_wait3A_139 : memref<200x128xf32, #tpu.memory_space<vmem_shared>>)
        tpu.yield
      }) : () -> ()
    } else {
    }
    %add3A_19 = arith.constant 48 : i32
    %add3A_20 = arith.addi %arg1, %add3A_19 : i32
    %lt3A_21 = arith.constant 50 : i32
    %lt3A_22 = arith.cmpi slt, %add3A_20, %lt3A_21 : i32
    %convert_element_type3A_23 = arith.extui %lt3A_22 : i1 to i32
    %cond3A_24 = arith.constant 0 : i32
    %cond3A_25 = arith.cmpi ne, %convert_element_type3A_23, %cond3A_24 : i32
    scf.if %cond3A_25 {
      %mul3A_134 = arith.constant 200 : i32
      %mul3A_135 = arith.muli %add3A_20, %mul3A_134 : i32
      "tpu.region"() ({
        %run_scoped3A = tpu.sem_alloc : memref<!tpu.dma_semaphore, #tpu.memory_space<semaphore_mem>>
        %dma_start3A_136 = arith.constant 0 : i32
        %dma_start3A_137 = tpu.memref_slice %arg11[%mul3A_135, %dma_start3A_136] : memref<10000x128xf32, #tpu.memory_space<vmem_shared>> -> memref<200x128xf32, #tpu.memory_space<vmem_shared>>
        tpu.enqueue_dma source(%arg5 : memref<200x128xf32, #tpu.memory_space<hbm>>) target(%dma_start3A_137 : memref<200x128xf32, #tpu.memory_space<vmem_shared>>) target_semaphore(%run_scoped3A : memref<!tpu.dma_semaphore, #tpu.memory_space<semaphore_mem>>)
        %dma_wait3A_138 = arith.constant 0 : i32
        %dma_wait3A_139 = tpu.memref_slice %arg11[%mul3A_135, %dma_wait3A_138] : memref<10000x128xf32, #tpu.memory_space<vmem_shared>> -> memref<200x128xf32, #tpu.memory_space<vmem_shared>>
        tpu.wait_dma2 semaphore(%run_scoped3A : memref<!tpu.dma_semaphore, #tpu.memory_space<semaphore_mem>>) src(%arg5 : memref<200x128xf32, #tpu.memory_space<hbm>>) dst(%dma_wait3A_139 : memref<200x128xf32, #tpu.memory_space<vmem_shared>>)
        tpu.yield
      }) : () -> ()
    } else {
    }
    %mul3A_26 = arith.constant 104 : i32
    %mul3A_27 = arith.muli %add3A, %mul3A_26 : i32
    %sub3A = arith.constant 3200 : i32
    %sub3A_28 = arith.subi %sub3A, %mul3A_27 : i32
    %jit3A = arith.constant 0 : i32
    %jit3A_29 = arith.constant 104 : i32
    %max3A = arith.maxsi %jit3A, %sub3A_28 : i32
    %min3A = arith.minsi %jit3A_29, %max3A : i32
    %barrier3A = arith.constant 0 : index
    tpu.barrier barrier_id(%barrier3A)
    %mul3A_30 = arith.constant 104 : i32
    %mul3A_31 = arith.muli %add3A, %mul3A_30 : i32
    %add3A_32 = arith.constant 0 : i32
    %add3A_33 = arith.addi %mul3A_31, %add3A_32 : i32
    %dma_start3A = arith.constant 0 : i32
    %dma_start3A_34 = arith.constant 0 : i32
    %dma_start3A_35 = arith.constant 0 : i32
    %dma_start3A_36 = arith.constant 0 : i32
    %dma_start3A_37 = tpu.memref_slice %arg8[%dma_start3A, %dma_start3A_35, %dma_start3A_36] : memref<2x8x100xi32, #tpu.memory_space<vmem>> -> memref<1x8x100xi32, #tpu.memory_space<vmem>>
    %dma_start3A_38 = tpu.memref_squeeze %dma_start3A_37 : memref<1x8x100xi32, #tpu.memory_space<vmem>> -> memref<8x100xi32, #tpu.memory_space<vmem>>
    %dma_start3A_39 = arith.constant 0 : i32
    %dma_start3A_40 = tpu.memref_slice %arg3[%add3A_33, %dma_start3A_39] : memref<3200x100xi32, #tpu.memory_space<hbm>> -> memref<8x100xi32, #tpu.memory_space<hbm>>
    %dma_start3A_41 = tpu.memref_slice %arg12[%dma_start3A_34] : memref<2x!tpu.dma_semaphore, #tpu.memory_space<semaphore_mem>> -> memref<1x!tpu.dma_semaphore, #tpu.memory_space<semaphore_mem>>
    %dma_start3A_42 = tpu.memref_squeeze %dma_start3A_41 : memref<1x!tpu.dma_semaphore, #tpu.memory_space<semaphore_mem>> -> memref<!tpu.dma_semaphore, #tpu.memory_space<semaphore_mem>>
    %dma_start3A_43 = arith.constant 0 : i32
    %dma_start3A_44 = arith.constant 0 : i32
    %dma_start3A_45 = tpu.memref_slice %arg8[%dma_start3A, %dma_start3A_43, %dma_start3A_44] : memref<2x8x100xi32, #tpu.memory_space<vmem>> -> memref<1x8x100xi32, #tpu.memory_space<vmem>>
    %dma_start3A_46 = tpu.memref_squeeze %dma_start3A_45 : memref<1x8x100xi32, #tpu.memory_space<vmem>> -> memref<8x100xi32, #tpu.memory_space<vmem>>
    %dma_start3A_47 = arith.constant 0 : i32
    %dma_start3A_48 = tpu.memref_slice %arg3[%add3A_33, %dma_start3A_47] : memref<3200x100xi32, #tpu.memory_space<hbm>> -> memref<8x100xi32, #tpu.memory_space<hbm>>
    tpu.enqueue_dma source(%dma_start3A_48 : memref<8x100xi32, #tpu.memory_space<hbm>>) target(%dma_start3A_46 : memref<8x100xi32, #tpu.memory_space<vmem>>) target_semaphore(%dma_start3A_42 : memref<!tpu.dma_semaphore, #tpu.memory_space<semaphore_mem>>)
    %dma_start3A_49 = arith.constant 0 : i32
    %dma_start3A_50 = arith.constant 0 : i32
    %dma_start3A_51 = arith.constant 0 : i32
    %dma_start3A_52 = arith.constant 0 : i32
    %dma_start3A_53 = tpu.memref_slice %arg9[%dma_start3A_49, %dma_start3A_51, %dma_start3A_52] : memref<2x8x100xi32, #tpu.memory_space<vmem>> -> memref<1x8x100xi32, #tpu.memory_space<vmem>>
    %dma_start3A_54 = tpu.memref_squeeze %dma_start3A_53 : memref<1x8x100xi32, #tpu.memory_space<vmem>> -> memref<8x100xi32, #tpu.memory_space<vmem>>
    %dma_start3A_55 = arith.constant 0 : i32
    %dma_start3A_56 = tpu.memref_slice %arg4[%add3A_33, %dma_start3A_55] : memref<3200x100xi32, #tpu.memory_space<hbm>> -> memref<8x100xi32, #tpu.memory_space<hbm>>
    %dma_start3A_57 = tpu.memref_slice %arg12[%dma_start3A_50] : memref<2x!tpu.dma_semaphore, #tpu.memory_space<semaphore_mem>> -> memref<1x!tpu.dma_semaphore, #tpu.memory_space<semaphore_mem>>
    %dma_start3A_58 = tpu.memref_squeeze %dma_start3A_57 : memref<1x!tpu.dma_semaphore, #tpu.memory_space<semaphore_mem>> -> memref<!tpu.dma_semaphore, #tpu.memory_space<semaphore_mem>>
    %dma_start3A_59 = arith.constant 0 : i32
    %dma_start3A_60 = arith.constant 0 : i32
    %dma_start3A_61 = tpu.memref_slice %arg9[%dma_start3A_49, %dma_start3A_59, %dma_start3A_60] : memref<2x8x100xi32, #tpu.memory_space<vmem>> -> memref<1x8x100xi32, #tpu.memory_space<vmem>>
    %dma_start3A_62 = tpu.memref_squeeze %dma_start3A_61 : memref<1x8x100xi32, #tpu.memory_space<vmem>> -> memref<8x100xi32, #tpu.memory_space<vmem>>
    %dma_start3A_63 = arith.constant 0 : i32
    %dma_start3A_64 = tpu.memref_slice %arg4[%add3A_33, %dma_start3A_63] : memref<3200x100xi32, #tpu.memory_space<hbm>> -> memref<8x100xi32, #tpu.memory_space<hbm>>
    tpu.enqueue_dma source(%dma_start3A_64 : memref<8x100xi32, #tpu.memory_space<hbm>>) target(%dma_start3A_62 : memref<8x100xi32, #tpu.memory_space<vmem>>) target_semaphore(%dma_start3A_58 : memref<!tpu.dma_semaphore, #tpu.memory_space<semaphore_mem>>)
    %add3A_65 = arith.constant 0 : i32
    %add3A_66 = arith.addi %mul3A_31, %add3A_65 : i32
    %dma_wait3A = arith.constant 0 : i32
    %dma_wait3A_67 = arith.constant 0 : i32
    %dma_wait3A_68 = arith.constant 0 : i32
    %dma_wait3A_69 = arith.constant 0 : i32
    %dma_wait3A_70 = tpu.memref_slice %arg8[%dma_wait3A, %dma_wait3A_68, %dma_wait3A_69] : memref<2x8x100xi32, #tpu.memory_space<vmem>> -> memref<1x8x100xi32, #tpu.memory_space<vmem>>
    %dma_wait3A_71 = tpu.memref_squeeze %dma_wait3A_70 : memref<1x8x100xi32, #tpu.memory_space<vmem>> -> memref<8x100xi32, #tpu.memory_space<vmem>>
    %dma_wait3A_72 = arith.constant 0 : i32
    %dma_wait3A_73 = tpu.memref_slice %arg3[%add3A_66, %dma_wait3A_72] : memref<3200x100xi32, #tpu.memory_space<hbm>> -> memref<8x100xi32, #tpu.memory_space<hbm>>
    %dma_wait3A_74 = tpu.memref_slice %arg12[%dma_wait3A_67] : memref<2x!tpu.dma_semaphore, #tpu.memory_space<semaphore_mem>> -> memref<1x!tpu.dma_semaphore, #tpu.memory_space<semaphore_mem>>
    %dma_wait3A_75 = tpu.memref_squeeze %dma_wait3A_74 : memref<1x!tpu.dma_semaphore, #tpu.memory_space<semaphore_mem>> -> memref<!tpu.dma_semaphore, #tpu.memory_space<semaphore_mem>>
    %dma_wait3A_76 = arith.constant 0 : i32
    %dma_wait3A_77 = arith.constant 0 : i32
    %dma_wait3A_78 = tpu.memref_slice %arg8[%dma_wait3A, %dma_wait3A_76, %dma_wait3A_77] : memref<2x8x100xi32, #tpu.memory_space<vmem>> -> memref<1x8x100xi32, #tpu.memory_space<vmem>>
    %dma_wait3A_79 = tpu.memref_squeeze %dma_wait3A_78 : memref<1x8x100xi32, #tpu.memory_space<vmem>> -> memref<8x100xi32, #tpu.memory_space<vmem>>
    %dma_wait3A_80 = arith.constant 0 : i32
    %dma_wait3A_81 = tpu.memref_slice %arg3[%add3A_66, %dma_wait3A_80] : memref<3200x100xi32, #tpu.memory_space<hbm>> -> memref<8x100xi32, #tpu.memory_space<hbm>>
    tpu.wait_dma2 semaphore(%dma_wait3A_75 : memref<!tpu.dma_semaphore, #tpu.memory_space<semaphore_mem>>) src(%dma_wait3A_81 : memref<8x100xi32, #tpu.memory_space<hbm>>) dst(%dma_wait3A_79 : memref<8x100xi32, #tpu.memory_space<vmem>>)
    %dma_wait3A_82 = arith.constant 0 : i32
    %dma_wait3A_83 = arith.constant 0 : i32
    %dma_wait3A_84 = arith.constant 0 : i32
    %dma_wait3A_85 = arith.constant 0 : i32
    %dma_wait3A_86 = tpu.memref_slice %arg9[%dma_wait3A_82, %dma_wait3A_84, %dma_wait3A_85] : memref<2x8x100xi32, #tpu.memory_space<vmem>> -> memref<1x8x100xi32, #tpu.memory_space<vmem>>
    %dma_wait3A_87 = tpu.memref_squeeze %dma_wait3A_86 : memref<1x8x100xi32, #tpu.memory_space<vmem>> -> memref<8x100xi32, #tpu.memory_space<vmem>>
    %dma_wait3A_88 = arith.constant 0 : i32
    %dma_wait3A_89 = tpu.memref_slice %arg4[%add3A_66, %dma_wait3A_88] : memref<3200x100xi32, #tpu.memory_space<hbm>> -> memref<8x100xi32, #tpu.memory_space<hbm>>
    %dma_wait3A_90 = tpu.memref_slice %arg12[%dma_wait3A_83] : memref<2x!tpu.dma_semaphore, #tpu.memory_space<semaphore_mem>> -> memref<1x!tpu.dma_semaphore, #tpu.memory_space<semaphore_mem>>
    %dma_wait3A_91 = tpu.memref_squeeze %dma_wait3A_90 : memref<1x!tpu.dma_semaphore, #tpu.memory_space<semaphore_mem>> -> memref<!tpu.dma_semaphore, #tpu.memory_space<semaphore_mem>>
    %dma_wait3A_92 = arith.constant 0 : i32
    %dma_wait3A_93 = arith.constant 0 : i32
    %dma_wait3A_94 = tpu.memref_slice %arg9[%dma_wait3A_82, %dma_wait3A_92, %dma_wait3A_93] : memref<2x8x100xi32, #tpu.memory_space<vmem>> -> memref<1x8x100xi32, #tpu.memory_space<vmem>>
    %dma_wait3A_95 = tpu.memref_squeeze %dma_wait3A_94 : memref<1x8x100xi32, #tpu.memory_space<vmem>> -> memref<8x100xi32, #tpu.memory_space<vmem>>
    %dma_wait3A_96 = arith.constant 0 : i32
    %dma_wait3A_97 = tpu.memref_slice %arg4[%add3A_66, %dma_wait3A_96] : memref<3200x100xi32, #tpu.memory_space<hbm>> -> memref<8x100xi32, #tpu.memory_space<hbm>>
    tpu.wait_dma2 semaphore(%dma_wait3A_91 : memref<!tpu.dma_semaphore, #tpu.memory_space<semaphore_mem>>) src(%dma_wait3A_97 : memref<8x100xi32, #tpu.memory_space<hbm>>) dst(%dma_wait3A_95 : memref<8x100xi32, #tpu.memory_space<vmem>>)
    %gt3A = arith.constant 0 : i32
    %gt3A_98 = arith.cmpi sgt, %min3A, %gt3A : i32
    %convert_element_type3A_99 = arith.extui %gt3A_98 : i1 to i32
    %cond3A_100 = arith.constant 0 : i32
    %cond3A_101 = arith.cmpi ne, %convert_element_type3A_99, %cond3A_100 : i32
    scf.if %cond3A_101 {
      %shift_right_logical3A = arith.constant 0 : i32
      %shift_right_logical3A_134 = arith.constant 3 : i32
      %shift_right_logical3A_135 = arith.shrui %shift_right_logical3A, %shift_right_logical3A_134 : i32
      %and3A = arith.constant 1 : i32
      %and3A_136 = arith.andi %shift_right_logical3A_135, %and3A : i32
      %and3A_137 = arith.constant 0 : i32
      %and3A_138 = arith.constant 7 : i32
      %and3A_139 = arith.andi %and3A_137, %and3A_138 : i32
      %rem3A = arith.constant 0 : i32
      %rem3A_140 = arith.constant 3 : i32
      %rem3A_141 = arith.remsi %rem3A, %rem3A_140 : i32
      %dma_start3A_142 = arith.constant 0 : i32
      %dma_start3A_143 = arith.constant 0 : i32
      %dma_start3A_144 = tpu.memref_slice %arg10[%rem3A_141, %dma_start3A_142, %dma_start3A_143] : memref<3x100x128xf32, #tpu.memory_space<vmem>> -> memref<1x100x128xf32, #tpu.memory_space<vmem>>
      %dma_start3A_145 = tpu.memref_squeeze %dma_start3A_144 : memref<1x100x128xf32, #tpu.memory_space<vmem>> -> memref<100x128xf32, #tpu.memory_space<vmem>>
      %dma_start3A_146 = arith.constant 0 : i32
      %dma_start3A_147 = tpu.memref_slice %arg8[%and3A_136, %and3A_139, %dma_start3A_146] : memref<2x8x100xi32, #tpu.memory_space<vmem>> -> memref<1x1x100xi32, #tpu.memory_space<vmem>>
      %dma_start3A_148 = tpu.memref_squeeze %dma_start3A_147 : memref<1x1x100xi32, #tpu.memory_space<vmem>> -> memref<100xi32, #tpu.memory_space<vmem>>
      %dma_start3A_149 = arith.constant 0 : i32
      %dma_start3A_150 = arith.constant 0 : i32
      %dma_start3A_151 = tpu.memref_slice %arg2[%dma_start3A_149, %dma_start3A_150] : memref<10000x128xf32, #tpu.memory_space<hbm>> -> memref<10000x128xf32, #tpu.memory_space<hbm>>
      %dma_start3A_152 = tpu.memref_slice %arg13[%rem3A_141] : memref<3x!tpu.dma_semaphore, #tpu.memory_space<semaphore_mem>> -> memref<1x!tpu.dma_semaphore, #tpu.memory_space<semaphore_mem>>
      %dma_start3A_153 = tpu.memref_squeeze %dma_start3A_152 : memref<1x!tpu.dma_semaphore, #tpu.memory_space<semaphore_mem>> -> memref<!tpu.dma_semaphore, #tpu.memory_space<semaphore_mem>>
      tpu.enqueue_indirect_dma source(%dma_start3A_151 : memref<10000x128xf32, #tpu.memory_space<hbm>>) target(%dma_start3A_145 : memref<100x128xf32, #tpu.memory_space<vmem>>) offsets(%dma_start3A_148 : memref<100xi32, #tpu.memory_space<vmem>>) semaphore(%dma_start3A_153 : memref<!tpu.dma_semaphore, #tpu.memory_space<semaphore_mem>>)
    } else {
    }
    %while3A = arith.constant 0 : i32
    %while3A_102 = arith.subi %min3A, %while3A : i32
    %while3A_103 = arith.addi %while3A, %while3A_102 : i32
    %while3A_104 = arith.constant 1 : i32
    %while3A_105 = arith.divsi %while3A_102, %while3A_104 : i32
    %while3A_106 = arith.muli %while3A_105, %while3A_104 : i32
    %while3A_107 = arith.addi %while3A, %while3A_106 : i32
    %while3A_108 = arith.constant 1 : i32
    scf.for %while3A_134 = %while3A to %while3A_107 step %while3A_108  : i32 {
      %and3A = arith.constant 7 : i32
      %and3A_135 = arith.andi %while3A_134, %and3A : i32
      %shift_right_logical3A = arith.constant 3 : i32
      %shift_right_logical3A_136 = arith.shrui %while3A_134, %shift_right_logical3A : i32
      %and3A_137 = arith.constant 1 : i32
      %and3A_138 = arith.andi %shift_right_logical3A_136, %and3A_137 : i32
      %eq3A_139 = arith.constant 2 : i32
      %eq3A_140 = arith.cmpi eq, %and3A_135, %eq3A_139 : i32
      %add3A_141 = arith.constant 1 : i32
      %add3A_142 = arith.addi %shift_right_logical3A_136, %add3A_141 : i32
      %mul3A_143 = arith.constant 8 : i32
      %mul3A_144 = arith.muli %add3A_142, %mul3A_143 : i32
      %lt3A_145 = arith.cmpi slt, %mul3A_144, %min3A : i32
      %and3A_146 = arith.andi %eq3A_140, %lt3A_145 : i1
      %convert_element_type3A_147 = arith.extui %and3A_146 : i1 to i32
      %cond3A_148 = arith.constant 0 : i32
      %cond3A_149 = arith.cmpi ne, %convert_element_type3A_147, %cond3A_148 : i32
      scf.if %cond3A_149 {
        %add3A_204 = arith.constant 1 : i32
        %add3A_205 = arith.addi %shift_right_logical3A_136, %add3A_204 : i32
        %sub3A_206 = arith.constant 1 : i32
        %sub3A_207 = arith.subi %sub3A_206, %and3A_138 : i32
        %mul3A_208 = arith.constant 8 : i32
        %mul3A_209 = arith.muli %add3A_205, %mul3A_208 : i32
        %add3A_210 = arith.addi %mul3A_31, %mul3A_209 : i32
        %dma_start3A_211 = arith.constant 0 : i32
        %dma_start3A_212 = arith.constant 0 : i32
        %dma_start3A_213 = tpu.memref_slice %arg8[%sub3A_207, %dma_start3A_211, %dma_start3A_212] : memref<2x8x100xi32, #tpu.memory_space<vmem>> -> memref<1x8x100xi32, #tpu.memory_space<vmem>>
        %dma_start3A_214 = tpu.memref_squeeze %dma_start3A_213 : memref<1x8x100xi32, #tpu.memory_space<vmem>> -> memref<8x100xi32, #tpu.memory_space<vmem>>
        %dma_start3A_215 = arith.constant 0 : i32
        %dma_start3A_216 = tpu.memref_slice %arg3[%add3A_210, %dma_start3A_215] : memref<3200x100xi32, #tpu.memory_space<hbm>> -> memref<8x100xi32, #tpu.memory_space<hbm>>
        %dma_start3A_217 = tpu.memref_slice %arg12[%sub3A_207] : memref<2x!tpu.dma_semaphore, #tpu.memory_space<semaphore_mem>> -> memref<1x!tpu.dma_semaphore, #tpu.memory_space<semaphore_mem>>
        %dma_start3A_218 = tpu.memref_squeeze %dma_start3A_217 : memref<1x!tpu.dma_semaphore, #tpu.memory_space<semaphore_mem>> -> memref<!tpu.dma_semaphore, #tpu.memory_space<semaphore_mem>>
        %dma_start3A_219 = arith.constant 0 : i32
        %dma_start3A_220 = arith.constant 0 : i32
        %dma_start3A_221 = tpu.memref_slice %arg8[%sub3A_207, %dma_start3A_219, %dma_start3A_220] : memref<2x8x100xi32, #tpu.memory_space<vmem>> -> memref<1x8x100xi32, #tpu.memory_space<vmem>>
        %dma_start3A_222 = tpu.memref_squeeze %dma_start3A_221 : memref<1x8x100xi32, #tpu.memory_space<vmem>> -> memref<8x100xi32, #tpu.memory_space<vmem>>
        %dma_start3A_223 = arith.constant 0 : i32
        %dma_start3A_224 = tpu.memref_slice %arg3[%add3A_210, %dma_start3A_223] : memref<3200x100xi32, #tpu.memory_space<hbm>> -> memref<8x100xi32, #tpu.memory_space<hbm>>
        tpu.enqueue_dma source(%dma_start3A_224 : memref<8x100xi32, #tpu.memory_space<hbm>>) target(%dma_start3A_222 : memref<8x100xi32, #tpu.memory_space<vmem>>) target_semaphore(%dma_start3A_218 : memref<!tpu.dma_semaphore, #tpu.memory_space<semaphore_mem>>)
        %dma_start3A_225 = arith.constant 0 : i32
        %dma_start3A_226 = arith.constant 0 : i32
        %dma_start3A_227 = tpu.memref_slice %arg9[%sub3A_207, %dma_start3A_225, %dma_start3A_226] : memref<2x8x100xi32, #tpu.memory_space<vmem>> -> memref<1x8x100xi32, #tpu.memory_space<vmem>>
        %dma_start3A_228 = tpu.memref_squeeze %dma_start3A_227 : memref<1x8x100xi32, #tpu.memory_space<vmem>> -> memref<8x100xi32, #tpu.memory_space<vmem>>
        %dma_start3A_229 = arith.constant 0 : i32
        %dma_start3A_230 = tpu.memref_slice %arg4[%add3A_210, %dma_start3A_229] : memref<3200x100xi32, #tpu.memory_space<hbm>> -> memref<8x100xi32, #tpu.memory_space<hbm>>
        %dma_start3A_231 = tpu.memref_slice %arg12[%sub3A_207] : memref<2x!tpu.dma_semaphore, #tpu.memory_space<semaphore_mem>> -> memref<1x!tpu.dma_semaphore, #tpu.memory_space<semaphore_mem>>
        %dma_start3A_232 = tpu.memref_squeeze %dma_start3A_231 : memref<1x!tpu.dma_semaphore, #tpu.memory_space<semaphore_mem>> -> memref<!tpu.dma_semaphore, #tpu.memory_space<semaphore_mem>>
        %dma_start3A_233 = arith.constant 0 : i32
        %dma_start3A_234 = arith.constant 0 : i32
        %dma_start3A_235 = tpu.memref_slice %arg9[%sub3A_207, %dma_start3A_233, %dma_start3A_234] : memref<2x8x100xi32, #tpu.memory_space<vmem>> -> memref<1x8x100xi32, #tpu.memory_space<vmem>>
        %dma_start3A_236 = tpu.memref_squeeze %dma_start3A_235 : memref<1x8x100xi32, #tpu.memory_space<vmem>> -> memref<8x100xi32, #tpu.memory_space<vmem>>
        %dma_start3A_237 = arith.constant 0 : i32
        %dma_start3A_238 = tpu.memref_slice %arg4[%add3A_210, %dma_start3A_237] : memref<3200x100xi32, #tpu.memory_space<hbm>> -> memref<8x100xi32, #tpu.memory_space<hbm>>
        tpu.enqueue_dma source(%dma_start3A_238 : memref<8x100xi32, #tpu.memory_space<hbm>>) target(%dma_start3A_236 : memref<8x100xi32, #tpu.memory_space<vmem>>) target_semaphore(%dma_start3A_232 : memref<!tpu.dma_semaphore, #tpu.memory_space<semaphore_mem>>)
      } else {
      }
      %eq3A_150 = arith.constant 7 : i32
      %eq3A_151 = arith.cmpi eq, %and3A_135, %eq3A_150 : i32
      %add3A_152 = arith.constant 1 : i32
      %add3A_153 = arith.addi %while3A_134, %add3A_152 : i32
      %lt3A_154 = arith.cmpi slt, %add3A_153, %min3A : i32
      %and3A_155 = arith.andi %eq3A_151, %lt3A_154 : i1
      %convert_element_type3A_156 = arith.extui %and3A_155 : i1 to i32
      %cond3A_157 = arith.constant 0 : i32
      %cond3A_158 = arith.cmpi ne, %convert_element_type3A_156, %cond3A_157 : i32
      scf.if %cond3A_158 {
        %add3A_204 = arith.constant 1 : i32
        %add3A_205 = arith.addi %shift_right_logical3A_136, %add3A_204 : i32
        %sub3A_206 = arith.constant 1 : i32
        %sub3A_207 = arith.subi %sub3A_206, %and3A_138 : i32
        %mul3A_208 = arith.constant 8 : i32
        %mul3A_209 = arith.muli %add3A_205, %mul3A_208 : i32
        %add3A_210 = arith.addi %mul3A_31, %mul3A_209 : i32
        %dma_wait3A_211 = arith.constant 0 : i32
        %dma_wait3A_212 = arith.constant 0 : i32
        %dma_wait3A_213 = tpu.memref_slice %arg8[%sub3A_207, %dma_wait3A_211, %dma_wait3A_212] : memref<2x8x100xi32, #tpu.memory_space<vmem>> -> memref<1x8x100xi32, #tpu.memory_space<vmem>>
        %dma_wait3A_214 = tpu.memref_squeeze %dma_wait3A_213 : memref<1x8x100xi32, #tpu.memory_space<vmem>> -> memref<8x100xi32, #tpu.memory_space<vmem>>
        %dma_wait3A_215 = arith.constant 0 : i32
        %dma_wait3A_216 = tpu.memref_slice %arg3[%add3A_210, %dma_wait3A_215] : memref<3200x100xi32, #tpu.memory_space<hbm>> -> memref<8x100xi32, #tpu.memory_space<hbm>>
        %dma_wait3A_217 = tpu.memref_slice %arg12[%sub3A_207] : memref<2x!tpu.dma_semaphore, #tpu.memory_space<semaphore_mem>> -> memref<1x!tpu.dma_semaphore, #tpu.memory_space<semaphore_mem>>
        %dma_wait3A_218 = tpu.memref_squeeze %dma_wait3A_217 : memref<1x!tpu.dma_semaphore, #tpu.memory_space<semaphore_mem>> -> memref<!tpu.dma_semaphore, #tpu.memory_space<semaphore_mem>>
        %dma_wait3A_219 = arith.constant 0 : i32
        %dma_wait3A_220 = arith.constant 0 : i32
        %dma_wait3A_221 = tpu.memref_slice %arg8[%sub3A_207, %dma_wait3A_219, %dma_wait3A_220] : memref<2x8x100xi32, #tpu.memory_space<vmem>> -> memref<1x8x100xi32, #tpu.memory_space<vmem>>
        %dma_wait3A_222 = tpu.memref_squeeze %dma_wait3A_221 : memref<1x8x100xi32, #tpu.memory_space<vmem>> -> memref<8x100xi32, #tpu.memory_space<vmem>>
        %dma_wait3A_223 = arith.constant 0 : i32
        %dma_wait3A_224 = tpu.memref_slice %arg3[%add3A_210, %dma_wait3A_223] : memref<3200x100xi32, #tpu.memory_space<hbm>> -> memref<8x100xi32, #tpu.memory_space<hbm>>
        tpu.wait_dma2 semaphore(%dma_wait3A_218 : memref<!tpu.dma_semaphore, #tpu.memory_space<semaphore_mem>>) src(%dma_wait3A_224 : memref<8x100xi32, #tpu.memory_space<hbm>>) dst(%dma_wait3A_222 : memref<8x100xi32, #tpu.memory_space<vmem>>)
        %dma_wait3A_225 = arith.constant 0 : i32
        %dma_wait3A_226 = arith.constant 0 : i32
        %dma_wait3A_227 = tpu.memref_slice %arg9[%sub3A_207, %dma_wait3A_225, %dma_wait3A_226] : memref<2x8x100xi32, #tpu.memory_space<vmem>> -> memref<1x8x100xi32, #tpu.memory_space<vmem>>
        %dma_wait3A_228 = tpu.memref_squeeze %dma_wait3A_227 : memref<1x8x100xi32, #tpu.memory_space<vmem>> -> memref<8x100xi32, #tpu.memory_space<vmem>>
        %dma_wait3A_229 = arith.constant 0 : i32
        %dma_wait3A_230 = tpu.memref_slice %arg4[%add3A_210, %dma_wait3A_229] : memref<3200x100xi32, #tpu.memory_space<hbm>> -> memref<8x100xi32, #tpu.memory_space<hbm>>
        %dma_wait3A_231 = tpu.memref_slice %arg12[%sub3A_207] : memref<2x!tpu.dma_semaphore, #tpu.memory_space<semaphore_mem>> -> memref<1x!tpu.dma_semaphore, #tpu.memory_space<semaphore_mem>>
        %dma_wait3A_232 = tpu.memref_squeeze %dma_wait3A_231 : memref<1x!tpu.dma_semaphore, #tpu.memory_space<semaphore_mem>> -> memref<!tpu.dma_semaphore, #tpu.memory_space<semaphore_mem>>
        %dma_wait3A_233 = arith.constant 0 : i32
        %dma_wait3A_234 = arith.constant 0 : i32
        %dma_wait3A_235 = tpu.memref_slice %arg9[%sub3A_207, %dma_wait3A_233, %dma_wait3A_234] : memref<2x8x100xi32, #tpu.memory_space<vmem>> -> memref<1x8x100xi32, #tpu.memory_space<vmem>>
        %dma_wait3A_236 = tpu.memref_squeeze %dma_wait3A_235 : memref<1x8x100xi32, #tpu.memory_space<vmem>> -> memref<8x100xi32, #tpu.memory_space<vmem>>
        %dma_wait3A_237 = arith.constant 0 : i32
        %dma_wait3A_238 = tpu.memref_slice %arg4[%add3A_210, %dma_wait3A_237] : memref<3200x100xi32, #tpu.memory_space<hbm>> -> memref<8x100xi32, #tpu.memory_space<hbm>>
        tpu.wait_dma2 semaphore(%dma_wait3A_232 : memref<!tpu.dma_semaphore, #tpu.memory_space<semaphore_mem>>) src(%dma_wait3A_238 : memref<8x100xi32, #tpu.memory_space<hbm>>) dst(%dma_wait3A_236 : memref<8x100xi32, #tpu.memory_space<vmem>>)
      } else {
      }
      %add3A_159 = arith.constant 1 : i32
      %add3A_160 = arith.addi %while3A_134, %add3A_159 : i32
      %lt3A_161 = arith.cmpi slt, %add3A_160, %min3A : i32
      %convert_element_type3A_162 = arith.extui %lt3A_161 : i1 to i32
      %cond3A_163 = arith.constant 0 : i32
      %cond3A_164 = arith.cmpi ne, %convert_element_type3A_162, %cond3A_163 : i32
      scf.if %cond3A_164 {
        %ge3A_204 = arith.constant 2 : i32
        %ge3A_205 = arith.cmpi sge, %while3A_134, %ge3A_204 : i32
        %convert_element_type3A_206 = arith.extui %ge3A_205 : i1 to i32
        %cond3A_207 = arith.constant 0 : i32
        %cond3A_208 = arith.cmpi ne, %convert_element_type3A_206, %cond3A_207 : i32
        scf.if %cond3A_208 {
          %sub3A_231 = arith.constant 2 : i32
          %sub3A_232 = arith.subi %while3A_134, %sub3A_231 : i32
          %shift_right_logical3A_233 = arith.constant 3 : i32
          %shift_right_logical3A_234 = arith.shrui %sub3A_232, %shift_right_logical3A_233 : i32
          %and3A_235 = arith.constant 1 : i32
          %and3A_236 = arith.andi %shift_right_logical3A_234, %and3A_235 : i32
          %and3A_237 = arith.constant 7 : i32
          %and3A_238 = arith.andi %sub3A_232, %and3A_237 : i32
          %rem3A_239 = arith.constant 3 : i32
          %rem3A_240 = arith.remsi %sub3A_232, %rem3A_239 : i32
          %dma_wait3A_241 = arith.constant 0 : i32
          %dma_wait3A_242 = arith.constant 0 : i32
          %dma_wait3A_243 = tpu.memref_slice %arg10[%rem3A_240, %dma_wait3A_241, %dma_wait3A_242] : memref<3x100x128xf32, #tpu.memory_space<vmem>> -> memref<1x100x128xf32, #tpu.memory_space<vmem>>
          %dma_wait3A_244 = tpu.memref_squeeze %dma_wait3A_243 : memref<1x100x128xf32, #tpu.memory_space<vmem>> -> memref<100x128xf32, #tpu.memory_space<vmem>>
          %dma_wait3A_245 = arith.constant 0 : i32
          %dma_wait3A_246 = tpu.memref_slice %arg9[%and3A_236, %and3A_238, %dma_wait3A_245] : memref<2x8x100xi32, #tpu.memory_space<vmem>> -> memref<1x1x100xi32, #tpu.memory_space<vmem>>
          %dma_wait3A_247 = tpu.memref_squeeze %dma_wait3A_246 : memref<1x1x100xi32, #tpu.memory_space<vmem>> -> memref<100xi32, #tpu.memory_space<vmem>>
          %dma_wait3A_248 = arith.constant 0 : i32
          %dma_wait3A_249 = arith.constant 0 : i32
          %dma_wait3A_250 = tpu.memref_slice %arg11[%dma_wait3A_248, %dma_wait3A_249] : memref<10000x128xf32, #tpu.memory_space<vmem_shared>> -> memref<10000x128xf32, #tpu.memory_space<vmem_shared>>
          %dma_wait3A_251 = tpu.memref_slice %arg14[%rem3A_240] : memref<3x!tpu.dma_semaphore, #tpu.memory_space<semaphore_mem>> -> memref<1x!tpu.dma_semaphore, #tpu.memory_space<semaphore_mem>>
          %dma_wait3A_252 = tpu.memref_squeeze %dma_wait3A_251 : memref<1x!tpu.dma_semaphore, #tpu.memory_space<semaphore_mem>> -> memref<!tpu.dma_semaphore, #tpu.memory_space<semaphore_mem>>
          tpu.wait_indirect_dma semaphore(%dma_wait3A_252 : memref<!tpu.dma_semaphore, #tpu.memory_space<semaphore_mem>>) src(%dma_wait3A_244 : memref<100x128xf32, #tpu.memory_space<vmem>>) dst(%dma_wait3A_250 : memref<10000x128xf32, #tpu.memory_space<vmem_shared>>)
        } else {
        }
        %add3A_209 = arith.constant 1 : i32
        %add3A_210 = arith.addi %while3A_134, %add3A_209 : i32
        %shift_right_logical3A_211 = arith.constant 3 : i32
        %shift_right_logical3A_212 = arith.shrui %add3A_210, %shift_right_logical3A_211 : i32
        %and3A_213 = arith.constant 1 : i32
        %and3A_214 = arith.andi %shift_right_logical3A_212, %and3A_213 : i32
        %and3A_215 = arith.constant 7 : i32
        %and3A_216 = arith.andi %add3A_210, %and3A_215 : i32
        %rem3A_217 = arith.constant 3 : i32
        %rem3A_218 = arith.remsi %add3A_210, %rem3A_217 : i32
        %dma_start3A_219 = arith.constant 0 : i32
        %dma_start3A_220 = arith.constant 0 : i32
        %dma_start3A_221 = tpu.memref_slice %arg10[%rem3A_218, %dma_start3A_219, %dma_start3A_220] : memref<3x100x128xf32, #tpu.memory_space<vmem>> -> memref<1x100x128xf32, #tpu.memory_space<vmem>>
        %dma_start3A_222 = tpu.memref_squeeze %dma_start3A_221 : memref<1x100x128xf32, #tpu.memory_space<vmem>> -> memref<100x128xf32, #tpu.memory_space<vmem>>
        %dma_start3A_223 = arith.constant 0 : i32
        %dma_start3A_224 = tpu.memref_slice %arg8[%and3A_214, %and3A_216, %dma_start3A_223] : memref<2x8x100xi32, #tpu.memory_space<vmem>> -> memref<1x1x100xi32, #tpu.memory_space<vmem>>
        %dma_start3A_225 = tpu.memref_squeeze %dma_start3A_224 : memref<1x1x100xi32, #tpu.memory_space<vmem>> -> memref<100xi32, #tpu.memory_space<vmem>>
        %dma_start3A_226 = arith.constant 0 : i32
        %dma_start3A_227 = arith.constant 0 : i32
        %dma_start3A_228 = tpu.memref_slice %arg2[%dma_start3A_226, %dma_start3A_227] : memref<10000x128xf32, #tpu.memory_space<hbm>> -> memref<10000x128xf32, #tpu.memory_space<hbm>>
        %dma_start3A_229 = tpu.memref_slice %arg13[%rem3A_218] : memref<3x!tpu.dma_semaphore, #tpu.memory_space<semaphore_mem>> -> memref<1x!tpu.dma_semaphore, #tpu.memory_space<semaphore_mem>>
        %dma_start3A_230 = tpu.memref_squeeze %dma_start3A_229 : memref<1x!tpu.dma_semaphore, #tpu.memory_space<semaphore_mem>> -> memref<!tpu.dma_semaphore, #tpu.memory_space<semaphore_mem>>
        tpu.enqueue_indirect_dma source(%dma_start3A_228 : memref<10000x128xf32, #tpu.memory_space<hbm>>) target(%dma_start3A_222 : memref<100x128xf32, #tpu.memory_space<vmem>>) offsets(%dma_start3A_225 : memref<100xi32, #tpu.memory_space<vmem>>) semaphore(%dma_start3A_230 : memref<!tpu.dma_semaphore, #tpu.memory_space<semaphore_mem>>)
      } else {
      }
      %shift_right_logical3A_165 = arith.constant 3 : i32
      %shift_right_logical3A_166 = arith.shrui %while3A_134, %shift_right_logical3A_165 : i32
      %and3A_167 = arith.constant 1 : i32
      %and3A_168 = arith.andi %shift_right_logical3A_166, %and3A_167 : i32
      %and3A_169 = arith.constant 7 : i32
      %and3A_170 = arith.andi %while3A_134, %and3A_169 : i32
      %rem3A = arith.constant 3 : i32
      %rem3A_171 = arith.remsi %while3A_134, %rem3A : i32
      %dma_wait3A_172 = arith.constant 0 : i32
      %dma_wait3A_173 = arith.constant 0 : i32
      %dma_wait3A_174 = tpu.memref_slice %arg10[%rem3A_171, %dma_wait3A_172, %dma_wait3A_173] : memref<3x100x128xf32, #tpu.memory_space<vmem>> -> memref<1x100x128xf32, #tpu.memory_space<vmem>>
      %dma_wait3A_175 = tpu.memref_squeeze %dma_wait3A_174 : memref<1x100x128xf32, #tpu.memory_space<vmem>> -> memref<100x128xf32, #tpu.memory_space<vmem>>
      %dma_wait3A_176 = arith.constant 0 : i32
      %dma_wait3A_177 = tpu.memref_slice %arg8[%and3A_168, %and3A_170, %dma_wait3A_176] : memref<2x8x100xi32, #tpu.memory_space<vmem>> -> memref<1x1x100xi32, #tpu.memory_space<vmem>>
      %dma_wait3A_178 = tpu.memref_squeeze %dma_wait3A_177 : memref<1x1x100xi32, #tpu.memory_space<vmem>> -> memref<100xi32, #tpu.memory_space<vmem>>
      %dma_wait3A_179 = arith.constant 0 : i32
      %dma_wait3A_180 = arith.constant 0 : i32
      %dma_wait3A_181 = tpu.memref_slice %arg2[%dma_wait3A_179, %dma_wait3A_180] : memref<10000x128xf32, #tpu.memory_space<hbm>> -> memref<10000x128xf32, #tpu.memory_space<hbm>>
      %dma_wait3A_182 = tpu.memref_slice %arg13[%rem3A_171] : memref<3x!tpu.dma_semaphore, #tpu.memory_space<semaphore_mem>> -> memref<1x!tpu.dma_semaphore, #tpu.memory_space<semaphore_mem>>
      %dma_wait3A_183 = tpu.memref_squeeze %dma_wait3A_182 : memref<1x!tpu.dma_semaphore, #tpu.memory_space<semaphore_mem>> -> memref<!tpu.dma_semaphore, #tpu.memory_space<semaphore_mem>>
      tpu.wait_indirect_dma semaphore(%dma_wait3A_183 : memref<!tpu.dma_semaphore, #tpu.memory_space<semaphore_mem>>) src(%dma_wait3A_181 : memref<10000x128xf32, #tpu.memory_space<hbm>>) dst(%dma_wait3A_175 : memref<100x128xf32, #tpu.memory_space<vmem>>)
      %shift_right_logical3A_184 = arith.constant 3 : i32
      %shift_right_logical3A_185 = arith.shrui %while3A_134, %shift_right_logical3A_184 : i32
      %and3A_186 = arith.constant 1 : i32
      %and3A_187 = arith.andi %shift_right_logical3A_185, %and3A_186 : i32
      %and3A_188 = arith.constant 7 : i32
      %and3A_189 = arith.andi %while3A_134, %and3A_188 : i32
      %rem3A_190 = arith.constant 3 : i32
      %rem3A_191 = arith.remsi %while3A_134, %rem3A_190 : i32
      %dma_start3A_192 = arith.constant 0 : i32
      %dma_start3A_193 = arith.constant 0 : i32
      %dma_start3A_194 = tpu.memref_slice %arg10[%rem3A_191, %dma_start3A_192, %dma_start3A_193] : memref<3x100x128xf32, #tpu.memory_space<vmem>> -> memref<1x100x128xf32, #tpu.memory_space<vmem>>
      %dma_start3A_195 = tpu.memref_squeeze %dma_start3A_194 : memref<1x100x128xf32, #tpu.memory_space<vmem>> -> memref<100x128xf32, #tpu.memory_space<vmem>>
      %dma_start3A_196 = arith.constant 0 : i32
      %dma_start3A_197 = tpu.memref_slice %arg9[%and3A_187, %and3A_189, %dma_start3A_196] : memref<2x8x100xi32, #tpu.memory_space<vmem>> -> memref<1x1x100xi32, #tpu.memory_space<vmem>>
      %dma_start3A_198 = tpu.memref_squeeze %dma_start3A_197 : memref<1x1x100xi32, #tpu.memory_space<vmem>> -> memref<100xi32, #tpu.memory_space<vmem>>
      %dma_start3A_199 = arith.constant 0 : i32
      %dma_start3A_200 = arith.constant 0 : i32
      %dma_start3A_201 = tpu.memref_slice %arg11[%dma_start3A_199, %dma_start3A_200] : memref<10000x128xf32, #tpu.memory_space<vmem_shared>> -> memref<10000x128xf32, #tpu.memory_space<vmem_shared>>
      %dma_start3A_202 = tpu.memref_slice %arg14[%rem3A_191] : memref<3x!tpu.dma_semaphore, #tpu.memory_space<semaphore_mem>> -> memref<1x!tpu.dma_semaphore, #tpu.memory_space<semaphore_mem>>
      %dma_start3A_203 = tpu.memref_squeeze %dma_start3A_202 : memref<1x!tpu.dma_semaphore, #tpu.memory_space<semaphore_mem>> -> memref<!tpu.dma_semaphore, #tpu.memory_space<semaphore_mem>>
      tpu.enqueue_indirect_dma source(%dma_start3A_195 : memref<100x128xf32, #tpu.memory_space<vmem>>) target(%dma_start3A_201 : memref<10000x128xf32, #tpu.memory_space<vmem_shared>>) offsets(%dma_start3A_198 : memref<100xi32, #tpu.memory_space<vmem>>) semaphore(%dma_start3A_203 : memref<!tpu.dma_semaphore, #tpu.memory_space<semaphore_mem>>) {add = true}
    }
    %while3A_109 = arith.constant 1 : i32
    scf.for %while3A_134 = %while3A_107 to %while3A_103 step %while3A_109  : i32 {
      %and3A = arith.constant 7 : i32
      %and3A_135 = arith.andi %while3A_134, %and3A : i32
      %shift_right_logical3A = arith.constant 3 : i32
      %shift_right_logical3A_136 = arith.shrui %while3A_134, %shift_right_logical3A : i32
      %and3A_137 = arith.constant 1 : i32
      %and3A_138 = arith.andi %shift_right_logical3A_136, %and3A_137 : i32
      %eq3A_139 = arith.constant 2 : i32
      %eq3A_140 = arith.cmpi eq, %and3A_135, %eq3A_139 : i32
      %add3A_141 = arith.constant 1 : i32
      %add3A_142 = arith.addi %shift_right_logical3A_136, %add3A_141 : i32
      %mul3A_143 = arith.constant 8 : i32
      %mul3A_144 = arith.muli %add3A_142, %mul3A_143 : i32
      %lt3A_145 = arith.cmpi slt, %mul3A_144, %min3A : i32
      %and3A_146 = arith.andi %eq3A_140, %lt3A_145 : i1
      %convert_element_type3A_147 = arith.extui %and3A_146 : i1 to i32
      %cond3A_148 = arith.constant 0 : i32
      %cond3A_149 = arith.cmpi ne, %convert_element_type3A_147, %cond3A_148 : i32
      scf.if %cond3A_149 {
        %add3A_204 = arith.constant 1 : i32
        %add3A_205 = arith.addi %shift_right_logical3A_136, %add3A_204 : i32
        %sub3A_206 = arith.constant 1 : i32
        %sub3A_207 = arith.subi %sub3A_206, %and3A_138 : i32
        %mul3A_208 = arith.constant 8 : i32
        %mul3A_209 = arith.muli %add3A_205, %mul3A_208 : i32
        %add3A_210 = arith.addi %mul3A_31, %mul3A_209 : i32
        %dma_start3A_211 = arith.constant 0 : i32
        %dma_start3A_212 = arith.constant 0 : i32
        %dma_start3A_213 = tpu.memref_slice %arg8[%sub3A_207, %dma_start3A_211, %dma_start3A_212] : memref<2x8x100xi32, #tpu.memory_space<vmem>> -> memref<1x8x100xi32, #tpu.memory_space<vmem>>
        %dma_start3A_214 = tpu.memref_squeeze %dma_start3A_213 : memref<1x8x100xi32, #tpu.memory_space<vmem>> -> memref<8x100xi32, #tpu.memory_space<vmem>>
        %dma_start3A_215 = arith.constant 0 : i32
        %dma_start3A_216 = tpu.memref_slice %arg3[%add3A_210, %dma_start3A_215] : memref<3200x100xi32, #tpu.memory_space<hbm>> -> memref<8x100xi32, #tpu.memory_space<hbm>>
        %dma_start3A_217 = tpu.memref_slice %arg12[%sub3A_207] : memref<2x!tpu.dma_semaphore, #tpu.memory_space<semaphore_mem>> -> memref<1x!tpu.dma_semaphore, #tpu.memory_space<semaphore_mem>>
        %dma_start3A_218 = tpu.memref_squeeze %dma_start3A_217 : memref<1x!tpu.dma_semaphore, #tpu.memory_space<semaphore_mem>> -> memref<!tpu.dma_semaphore, #tpu.memory_space<semaphore_mem>>
        %dma_start3A_219 = arith.constant 0 : i32
        %dma_start3A_220 = arith.constant 0 : i32
        %dma_start3A_221 = tpu.memref_slice %arg8[%sub3A_207, %dma_start3A_219, %dma_start3A_220] : memref<2x8x100xi32, #tpu.memory_space<vmem>> -> memref<1x8x100xi32, #tpu.memory_space<vmem>>
        %dma_start3A_222 = tpu.memref_squeeze %dma_start3A_221 : memref<1x8x100xi32, #tpu.memory_space<vmem>> -> memref<8x100xi32, #tpu.memory_space<vmem>>
        %dma_start3A_223 = arith.constant 0 : i32
        %dma_start3A_224 = tpu.memref_slice %arg3[%add3A_210, %dma_start3A_223] : memref<3200x100xi32, #tpu.memory_space<hbm>> -> memref<8x100xi32, #tpu.memory_space<hbm>>
        tpu.enqueue_dma source(%dma_start3A_224 : memref<8x100xi32, #tpu.memory_space<hbm>>) target(%dma_start3A_222 : memref<8x100xi32, #tpu.memory_space<vmem>>) target_semaphore(%dma_start3A_218 : memref<!tpu.dma_semaphore, #tpu.memory_space<semaphore_mem>>)
        %dma_start3A_225 = arith.constant 0 : i32
        %dma_start3A_226 = arith.constant 0 : i32
        %dma_start3A_227 = tpu.memref_slice %arg9[%sub3A_207, %dma_start3A_225, %dma_start3A_226] : memref<2x8x100xi32, #tpu.memory_space<vmem>> -> memref<1x8x100xi32, #tpu.memory_space<vmem>>
        %dma_start3A_228 = tpu.memref_squeeze %dma_start3A_227 : memref<1x8x100xi32, #tpu.memory_space<vmem>> -> memref<8x100xi32, #tpu.memory_space<vmem>>
        %dma_start3A_229 = arith.constant 0 : i32
        %dma_start3A_230 = tpu.memref_slice %arg4[%add3A_210, %dma_start3A_229] : memref<3200x100xi32, #tpu.memory_space<hbm>> -> memref<8x100xi32, #tpu.memory_space<hbm>>
        %dma_start3A_231 = tpu.memref_slice %arg12[%sub3A_207] : memref<2x!tpu.dma_semaphore, #tpu.memory_space<semaphore_mem>> -> memref<1x!tpu.dma_semaphore, #tpu.memory_space<semaphore_mem>>
        %dma_start3A_232 = tpu.memref_squeeze %dma_start3A_231 : memref<1x!tpu.dma_semaphore, #tpu.memory_space<semaphore_mem>> -> memref<!tpu.dma_semaphore, #tpu.memory_space<semaphore_mem>>
        %dma_start3A_233 = arith.constant 0 : i32
        %dma_start3A_234 = arith.constant 0 : i32
        %dma_start3A_235 = tpu.memref_slice %arg9[%sub3A_207, %dma_start3A_233, %dma_start3A_234] : memref<2x8x100xi32, #tpu.memory_space<vmem>> -> memref<1x8x100xi32, #tpu.memory_space<vmem>>
        %dma_start3A_236 = tpu.memref_squeeze %dma_start3A_235 : memref<1x8x100xi32, #tpu.memory_space<vmem>> -> memref<8x100xi32, #tpu.memory_space<vmem>>
        %dma_start3A_237 = arith.constant 0 : i32
        %dma_start3A_238 = tpu.memref_slice %arg4[%add3A_210, %dma_start3A_237] : memref<3200x100xi32, #tpu.memory_space<hbm>> -> memref<8x100xi32, #tpu.memory_space<hbm>>
        tpu.enqueue_dma source(%dma_start3A_238 : memref<8x100xi32, #tpu.memory_space<hbm>>) target(%dma_start3A_236 : memref<8x100xi32, #tpu.memory_space<vmem>>) target_semaphore(%dma_start3A_232 : memref<!tpu.dma_semaphore, #tpu.memory_space<semaphore_mem>>)
      } else {
      }
      %eq3A_150 = arith.constant 7 : i32
      %eq3A_151 = arith.cmpi eq, %and3A_135, %eq3A_150 : i32
      %add3A_152 = arith.constant 1 : i32
      %add3A_153 = arith.addi %while3A_134, %add3A_152 : i32
      %lt3A_154 = arith.cmpi slt, %add3A_153, %min3A : i32
      %and3A_155 = arith.andi %eq3A_151, %lt3A_154 : i1
      %convert_element_type3A_156 = arith.extui %and3A_155 : i1 to i32
      %cond3A_157 = arith.constant 0 : i32
      %cond3A_158 = arith.cmpi ne, %convert_element_type3A_156, %cond3A_157 : i32
      scf.if %cond3A_158 {
        %add3A_204 = arith.constant 1 : i32
        %add3A_205 = arith.addi %shift_right_logical3A_136, %add3A_204 : i32
        %sub3A_206 = arith.constant 1 : i32
        %sub3A_207 = arith.subi %sub3A_206, %and3A_138 : i32
        %mul3A_208 = arith.constant 8 : i32
        %mul3A_209 = arith.muli %add3A_205, %mul3A_208 : i32
        %add3A_210 = arith.addi %mul3A_31, %mul3A_209 : i32
        %dma_wait3A_211 = arith.constant 0 : i32
        %dma_wait3A_212 = arith.constant 0 : i32
        %dma_wait3A_213 = tpu.memref_slice %arg8[%sub3A_207, %dma_wait3A_211, %dma_wait3A_212] : memref<2x8x100xi32, #tpu.memory_space<vmem>> -> memref<1x8x100xi32, #tpu.memory_space<vmem>>
        %dma_wait3A_214 = tpu.memref_squeeze %dma_wait3A_213 : memref<1x8x100xi32, #tpu.memory_space<vmem>> -> memref<8x100xi32, #tpu.memory_space<vmem>>
        %dma_wait3A_215 = arith.constant 0 : i32
        %dma_wait3A_216 = tpu.memref_slice %arg3[%add3A_210, %dma_wait3A_215] : memref<3200x100xi32, #tpu.memory_space<hbm>> -> memref<8x100xi32, #tpu.memory_space<hbm>>
        %dma_wait3A_217 = tpu.memref_slice %arg12[%sub3A_207] : memref<2x!tpu.dma_semaphore, #tpu.memory_space<semaphore_mem>> -> memref<1x!tpu.dma_semaphore, #tpu.memory_space<semaphore_mem>>
        %dma_wait3A_218 = tpu.memref_squeeze %dma_wait3A_217 : memref<1x!tpu.dma_semaphore, #tpu.memory_space<semaphore_mem>> -> memref<!tpu.dma_semaphore, #tpu.memory_space<semaphore_mem>>
        %dma_wait3A_219 = arith.constant 0 : i32
        %dma_wait3A_220 = arith.constant 0 : i32
        %dma_wait3A_221 = tpu.memref_slice %arg8[%sub3A_207, %dma_wait3A_219, %dma_wait3A_220] : memref<2x8x100xi32, #tpu.memory_space<vmem>> -> memref<1x8x100xi32, #tpu.memory_space<vmem>>
        %dma_wait3A_222 = tpu.memref_squeeze %dma_wait3A_221 : memref<1x8x100xi32, #tpu.memory_space<vmem>> -> memref<8x100xi32, #tpu.memory_space<vmem>>
        %dma_wait3A_223 = arith.constant 0 : i32
        %dma_wait3A_224 = tpu.memref_slice %arg3[%add3A_210, %dma_wait3A_223] : memref<3200x100xi32, #tpu.memory_space<hbm>> -> memref<8x100xi32, #tpu.memory_space<hbm>>
        tpu.wait_dma2 semaphore(%dma_wait3A_218 : memref<!tpu.dma_semaphore, #tpu.memory_space<semaphore_mem>>) src(%dma_wait3A_224 : memref<8x100xi32, #tpu.memory_space<hbm>>) dst(%dma_wait3A_222 : memref<8x100xi32, #tpu.memory_space<vmem>>)
        %dma_wait3A_225 = arith.constant 0 : i32
        %dma_wait3A_226 = arith.constant 0 : i32
        %dma_wait3A_227 = tpu.memref_slice %arg9[%sub3A_207, %dma_wait3A_225, %dma_wait3A_226] : memref<2x8x100xi32, #tpu.memory_space<vmem>> -> memref<1x8x100xi32, #tpu.memory_space<vmem>>
        %dma_wait3A_228 = tpu.memref_squeeze %dma_wait3A_227 : memref<1x8x100xi32, #tpu.memory_space<vmem>> -> memref<8x100xi32, #tpu.memory_space<vmem>>
        %dma_wait3A_229 = arith.constant 0 : i32
        %dma_wait3A_230 = tpu.memref_slice %arg4[%add3A_210, %dma_wait3A_229] : memref<3200x100xi32, #tpu.memory_space<hbm>> -> memref<8x100xi32, #tpu.memory_space<hbm>>
        %dma_wait3A_231 = tpu.memref_slice %arg12[%sub3A_207] : memref<2x!tpu.dma_semaphore, #tpu.memory_space<semaphore_mem>> -> memref<1x!tpu.dma_semaphore, #tpu.memory_space<semaphore_mem>>
        %dma_wait3A_232 = tpu.memref_squeeze %dma_wait3A_231 : memref<1x!tpu.dma_semaphore, #tpu.memory_space<semaphore_mem>> -> memref<!tpu.dma_semaphore, #tpu.memory_space<semaphore_mem>>
        %dma_wait3A_233 = arith.constant 0 : i32
        %dma_wait3A_234 = arith.constant 0 : i32
        %dma_wait3A_235 = tpu.memref_slice %arg9[%sub3A_207, %dma_wait3A_233, %dma_wait3A_234] : memref<2x8x100xi32, #tpu.memory_space<vmem>> -> memref<1x8x100xi32, #tpu.memory_space<vmem>>
        %dma_wait3A_236 = tpu.memref_squeeze %dma_wait3A_235 : memref<1x8x100xi32, #tpu.memory_space<vmem>> -> memref<8x100xi32, #tpu.memory_space<vmem>>
        %dma_wait3A_237 = arith.constant 0 : i32
        %dma_wait3A_238 = tpu.memref_slice %arg4[%add3A_210, %dma_wait3A_237] : memref<3200x100xi32, #tpu.memory_space<hbm>> -> memref<8x100xi32, #tpu.memory_space<hbm>>
        tpu.wait_dma2 semaphore(%dma_wait3A_232 : memref<!tpu.dma_semaphore, #tpu.memory_space<semaphore_mem>>) src(%dma_wait3A_238 : memref<8x100xi32, #tpu.memory_space<hbm>>) dst(%dma_wait3A_236 : memref<8x100xi32, #tpu.memory_space<vmem>>)
      } else {
      }
      %add3A_159 = arith.constant 1 : i32
      %add3A_160 = arith.addi %while3A_134, %add3A_159 : i32
      %lt3A_161 = arith.cmpi slt, %add3A_160, %min3A : i32
      %convert_element_type3A_162 = arith.extui %lt3A_161 : i1 to i32
      %cond3A_163 = arith.constant 0 : i32
      %cond3A_164 = arith.cmpi ne, %convert_element_type3A_162, %cond3A_163 : i32
      scf.if %cond3A_164 {
        %ge3A_204 = arith.constant 2 : i32
        %ge3A_205 = arith.cmpi sge, %while3A_134, %ge3A_204 : i32
        %convert_element_type3A_206 = arith.extui %ge3A_205 : i1 to i32
        %cond3A_207 = arith.constant 0 : i32
        %cond3A_208 = arith.cmpi ne, %convert_element_type3A_206, %cond3A_207 : i32
        scf.if %cond3A_208 {
          %sub3A_231 = arith.constant 2 : i32
          %sub3A_232 = arith.subi %while3A_134, %sub3A_231 : i32
          %shift_right_logical3A_233 = arith.constant 3 : i32
          %shift_right_logical3A_234 = arith.shrui %sub3A_232, %shift_right_logical3A_233 : i32
          %and3A_235 = arith.constant 1 : i32
          %and3A_236 = arith.andi %shift_right_logical3A_234, %and3A_235 : i32
          %and3A_237 = arith.constant 7 : i32
          %and3A_238 = arith.andi %sub3A_232, %and3A_237 : i32
          %rem3A_239 = arith.constant 3 : i32
          %rem3A_240 = arith.remsi %sub3A_232, %rem3A_239 : i32
          %dma_wait3A_241 = arith.constant 0 : i32
          %dma_wait3A_242 = arith.constant 0 : i32
          %dma_wait3A_243 = tpu.memref_slice %arg10[%rem3A_240, %dma_wait3A_241, %dma_wait3A_242] : memref<3x100x128xf32, #tpu.memory_space<vmem>> -> memref<1x100x128xf32, #tpu.memory_space<vmem>>
          %dma_wait3A_244 = tpu.memref_squeeze %dma_wait3A_243 : memref<1x100x128xf32, #tpu.memory_space<vmem>> -> memref<100x128xf32, #tpu.memory_space<vmem>>
          %dma_wait3A_245 = arith.constant 0 : i32
          %dma_wait3A_246 = tpu.memref_slice %arg9[%and3A_236, %and3A_238, %dma_wait3A_245] : memref<2x8x100xi32, #tpu.memory_space<vmem>> -> memref<1x1x100xi32, #tpu.memory_space<vmem>>
          %dma_wait3A_247 = tpu.memref_squeeze %dma_wait3A_246 : memref<1x1x100xi32, #tpu.memory_space<vmem>> -> memref<100xi32, #tpu.memory_space<vmem>>
          %dma_wait3A_248 = arith.constant 0 : i32
          %dma_wait3A_249 = arith.constant 0 : i32
          %dma_wait3A_250 = tpu.memref_slice %arg11[%dma_wait3A_248, %dma_wait3A_249] : memref<10000x128xf32, #tpu.memory_space<vmem_shared>> -> memref<10000x128xf32, #tpu.memory_space<vmem_shared>>
          %dma_wait3A_251 = tpu.memref_slice %arg14[%rem3A_240] : memref<3x!tpu.dma_semaphore, #tpu.memory_space<semaphore_mem>> -> memref<1x!tpu.dma_semaphore, #tpu.memory_space<semaphore_mem>>
          %dma_wait3A_252 = tpu.memref_squeeze %dma_wait3A_251 : memref<1x!tpu.dma_semaphore, #tpu.memory_space<semaphore_mem>> -> memref<!tpu.dma_semaphore, #tpu.memory_space<semaphore_mem>>
          tpu.wait_indirect_dma semaphore(%dma_wait3A_252 : memref<!tpu.dma_semaphore, #tpu.memory_space<semaphore_mem>>) src(%dma_wait3A_244 : memref<100x128xf32, #tpu.memory_space<vmem>>) dst(%dma_wait3A_250 : memref<10000x128xf32, #tpu.memory_space<vmem_shared>>)
        } else {
        }
        %add3A_209 = arith.constant 1 : i32
        %add3A_210 = arith.addi %while3A_134, %add3A_209 : i32
        %shift_right_logical3A_211 = arith.constant 3 : i32
        %shift_right_logical3A_212 = arith.shrui %add3A_210, %shift_right_logical3A_211 : i32
        %and3A_213 = arith.constant 1 : i32
        %and3A_214 = arith.andi %shift_right_logical3A_212, %and3A_213 : i32
        %and3A_215 = arith.constant 7 : i32
        %and3A_216 = arith.andi %add3A_210, %and3A_215 : i32
        %rem3A_217 = arith.constant 3 : i32
        %rem3A_218 = arith.remsi %add3A_210, %rem3A_217 : i32
        %dma_start3A_219 = arith.constant 0 : i32
        %dma_start3A_220 = arith.constant 0 : i32
        %dma_start3A_221 = tpu.memref_slice %arg10[%rem3A_218, %dma_start3A_219, %dma_start3A_220] : memref<3x100x128xf32, #tpu.memory_space<vmem>> -> memref<1x100x128xf32, #tpu.memory_space<vmem>>
        %dma_start3A_222 = tpu.memref_squeeze %dma_start3A_221 : memref<1x100x128xf32, #tpu.memory_space<vmem>> -> memref<100x128xf32, #tpu.memory_space<vmem>>
        %dma_start3A_223 = arith.constant 0 : i32
        %dma_start3A_224 = tpu.memref_slice %arg8[%and3A_214, %and3A_216, %dma_start3A_223] : memref<2x8x100xi32, #tpu.memory_space<vmem>> -> memref<1x1x100xi32, #tpu.memory_space<vmem>>
        %dma_start3A_225 = tpu.memref_squeeze %dma_start3A_224 : memref<1x1x100xi32, #tpu.memory_space<vmem>> -> memref<100xi32, #tpu.memory_space<vmem>>
        %dma_start3A_226 = arith.constant 0 : i32
        %dma_start3A_227 = arith.constant 0 : i32
        %dma_start3A_228 = tpu.memref_slice %arg2[%dma_start3A_226, %dma_start3A_227] : memref<10000x128xf32, #tpu.memory_space<hbm>> -> memref<10000x128xf32, #tpu.memory_space<hbm>>
        %dma_start3A_229 = tpu.memref_slice %arg13[%rem3A_218] : memref<3x!tpu.dma_semaphore, #tpu.memory_space<semaphore_mem>> -> memref<1x!tpu.dma_semaphore, #tpu.memory_space<semaphore_mem>>
        %dma_start3A_230 = tpu.memref_squeeze %dma_start3A_229 : memref<1x!tpu.dma_semaphore, #tpu.memory_space<semaphore_mem>> -> memref<!tpu.dma_semaphore, #tpu.memory_space<semaphore_mem>>
        tpu.enqueue_indirect_dma source(%dma_start3A_228 : memref<10000x128xf32, #tpu.memory_space<hbm>>) target(%dma_start3A_222 : memref<100x128xf32, #tpu.memory_space<vmem>>) offsets(%dma_start3A_225 : memref<100xi32, #tpu.memory_space<vmem>>) semaphore(%dma_start3A_230 : memref<!tpu.dma_semaphore, #tpu.memory_space<semaphore_mem>>)
      } else {
      }
      %shift_right_logical3A_165 = arith.constant 3 : i32
      %shift_right_logical3A_166 = arith.shrui %while3A_134, %shift_right_logical3A_165 : i32
      %and3A_167 = arith.constant 1 : i32
      %and3A_168 = arith.andi %shift_right_logical3A_166, %and3A_167 : i32
      %and3A_169 = arith.constant 7 : i32
      %and3A_170 = arith.andi %while3A_134, %and3A_169 : i32
      %rem3A = arith.constant 3 : i32
      %rem3A_171 = arith.remsi %while3A_134, %rem3A : i32
      %dma_wait3A_172 = arith.constant 0 : i32
      %dma_wait3A_173 = arith.constant 0 : i32
      %dma_wait3A_174 = tpu.memref_slice %arg10[%rem3A_171, %dma_wait3A_172, %dma_wait3A_173] : memref<3x100x128xf32, #tpu.memory_space<vmem>> -> memref<1x100x128xf32, #tpu.memory_space<vmem>>
      %dma_wait3A_175 = tpu.memref_squeeze %dma_wait3A_174 : memref<1x100x128xf32, #tpu.memory_space<vmem>> -> memref<100x128xf32, #tpu.memory_space<vmem>>
      %dma_wait3A_176 = arith.constant 0 : i32
      %dma_wait3A_177 = tpu.memref_slice %arg8[%and3A_168, %and3A_170, %dma_wait3A_176] : memref<2x8x100xi32, #tpu.memory_space<vmem>> -> memref<1x1x100xi32, #tpu.memory_space<vmem>>
      %dma_wait3A_178 = tpu.memref_squeeze %dma_wait3A_177 : memref<1x1x100xi32, #tpu.memory_space<vmem>> -> memref<100xi32, #tpu.memory_space<vmem>>
      %dma_wait3A_179 = arith.constant 0 : i32
      %dma_wait3A_180 = arith.constant 0 : i32
      %dma_wait3A_181 = tpu.memref_slice %arg2[%dma_wait3A_179, %dma_wait3A_180] : memref<10000x128xf32, #tpu.memory_space<hbm>> -> memref<10000x128xf32, #tpu.memory_space<hbm>>
      %dma_wait3A_182 = tpu.memref_slice %arg13[%rem3A_171] : memref<3x!tpu.dma_semaphore, #tpu.memory_space<semaphore_mem>> -> memref<1x!tpu.dma_semaphore, #tpu.memory_space<semaphore_mem>>
      %dma_wait3A_183 = tpu.memref_squeeze %dma_wait3A_182 : memref<1x!tpu.dma_semaphore, #tpu.memory_space<semaphore_mem>> -> memref<!tpu.dma_semaphore, #tpu.memory_space<semaphore_mem>>
      tpu.wait_indirect_dma semaphore(%dma_wait3A_183 : memref<!tpu.dma_semaphore, #tpu.memory_space<semaphore_mem>>) src(%dma_wait3A_181 : memref<10000x128xf32, #tpu.memory_space<hbm>>) dst(%dma_wait3A_175 : memref<100x128xf32, #tpu.memory_space<vmem>>)
      %shift_right_logical3A_184 = arith.constant 3 : i32
      %shift_right_logical3A_185 = arith.shrui %while3A_134, %shift_right_logical3A_184 : i32
      %and3A_186 = arith.constant 1 : i32
      %and3A_187 = arith.andi %shift_right_logical3A_185, %and3A_186 : i32
      %and3A_188 = arith.constant 7 : i32
      %and3A_189 = arith.andi %while3A_134, %and3A_188 : i32
      %rem3A_190 = arith.constant 3 : i32
      %rem3A_191 = arith.remsi %while3A_134, %rem3A_190 : i32
      %dma_start3A_192 = arith.constant 0 : i32
      %dma_start3A_193 = arith.constant 0 : i32
      %dma_start3A_194 = tpu.memref_slice %arg10[%rem3A_191, %dma_start3A_192, %dma_start3A_193] : memref<3x100x128xf32, #tpu.memory_space<vmem>> -> memref<1x100x128xf32, #tpu.memory_space<vmem>>
      %dma_start3A_195 = tpu.memref_squeeze %dma_start3A_194 : memref<1x100x128xf32, #tpu.memory_space<vmem>> -> memref<100x128xf32, #tpu.memory_space<vmem>>
      %dma_start3A_196 = arith.constant 0 : i32
      %dma_start3A_197 = tpu.memref_slice %arg9[%and3A_187, %and3A_189, %dma_start3A_196] : memref<2x8x100xi32, #tpu.memory_space<vmem>> -> memref<1x1x100xi32, #tpu.memory_space<vmem>>
      %dma_start3A_198 = tpu.memref_squeeze %dma_start3A_197 : memref<1x1x100xi32, #tpu.memory_space<vmem>> -> memref<100xi32, #tpu.memory_space<vmem>>
      %dma_start3A_199 = arith.constant 0 : i32
      %dma_start3A_200 = arith.constant 0 : i32
      %dma_start3A_201 = tpu.memref_slice %arg11[%dma_start3A_199, %dma_start3A_200] : memref<10000x128xf32, #tpu.memory_space<vmem_shared>> -> memref<10000x128xf32, #tpu.memory_space<vmem_shared>>
      %dma_start3A_202 = tpu.memref_slice %arg14[%rem3A_191] : memref<3x!tpu.dma_semaphore, #tpu.memory_space<semaphore_mem>> -> memref<1x!tpu.dma_semaphore, #tpu.memory_space<semaphore_mem>>
      %dma_start3A_203 = tpu.memref_squeeze %dma_start3A_202 : memref<1x!tpu.dma_semaphore, #tpu.memory_space<semaphore_mem>> -> memref<!tpu.dma_semaphore, #tpu.memory_space<semaphore_mem>>
      tpu.enqueue_indirect_dma source(%dma_start3A_195 : memref<100x128xf32, #tpu.memory_space<vmem>>) target(%dma_start3A_201 : memref<10000x128xf32, #tpu.memory_space<vmem_shared>>) offsets(%dma_start3A_198 : memref<100xi32, #tpu.memory_space<vmem>>) semaphore(%dma_start3A_203 : memref<!tpu.dma_semaphore, #tpu.memory_space<semaphore_mem>>) {add = true}
    }
    %ge3A = arith.constant 3 : i32
    %ge3A_110 = arith.cmpi sge, %min3A, %ge3A : i32
    %convert_element_type3A_111 = arith.extui %ge3A_110 : i1 to i32
    %cond3A_112 = arith.constant 0 : i32
    %cond3A_113 = arith.cmpi ne, %convert_element_type3A_111, %cond3A_112 : i32
    scf.if %cond3A_113 {
      %sub3A_134 = arith.constant 3 : i32
      %sub3A_135 = arith.subi %min3A, %sub3A_134 : i32
      %shift_right_logical3A = arith.constant 3 : i32
      %shift_right_logical3A_136 = arith.shrui %sub3A_135, %shift_right_logical3A : i32
      %and3A = arith.constant 1 : i32
      %and3A_137 = arith.andi %shift_right_logical3A_136, %and3A : i32
      %and3A_138 = arith.constant 7 : i32
      %and3A_139 = arith.andi %sub3A_135, %and3A_138 : i32
      %rem3A = arith.constant 3 : i32
      %rem3A_140 = arith.remsi %sub3A_135, %rem3A : i32
      %dma_wait3A_141 = arith.constant 0 : i32
      %dma_wait3A_142 = arith.constant 0 : i32
      %dma_wait3A_143 = tpu.memref_slice %arg10[%rem3A_140, %dma_wait3A_141, %dma_wait3A_142] : memref<3x100x128xf32, #tpu.memory_space<vmem>> -> memref<1x100x128xf32, #tpu.memory_space<vmem>>
      %dma_wait3A_144 = tpu.memref_squeeze %dma_wait3A_143 : memref<1x100x128xf32, #tpu.memory_space<vmem>> -> memref<100x128xf32, #tpu.memory_space<vmem>>
      %dma_wait3A_145 = arith.constant 0 : i32
      %dma_wait3A_146 = tpu.memref_slice %arg9[%and3A_137, %and3A_139, %dma_wait3A_145] : memref<2x8x100xi32, #tpu.memory_space<vmem>> -> memref<1x1x100xi32, #tpu.memory_space<vmem>>
      %dma_wait3A_147 = tpu.memref_squeeze %dma_wait3A_146 : memref<1x1x100xi32, #tpu.memory_space<vmem>> -> memref<100xi32, #tpu.memory_space<vmem>>
      %dma_wait3A_148 = arith.constant 0 : i32
      %dma_wait3A_149 = arith.constant 0 : i32
      %dma_wait3A_150 = tpu.memref_slice %arg11[%dma_wait3A_148, %dma_wait3A_149] : memref<10000x128xf32, #tpu.memory_space<vmem_shared>> -> memref<10000x128xf32, #tpu.memory_space<vmem_shared>>
      %dma_wait3A_151 = tpu.memref_slice %arg14[%rem3A_140] : memref<3x!tpu.dma_semaphore, #tpu.memory_space<semaphore_mem>> -> memref<1x!tpu.dma_semaphore, #tpu.memory_space<semaphore_mem>>
      %dma_wait3A_152 = tpu.memref_squeeze %dma_wait3A_151 : memref<1x!tpu.dma_semaphore, #tpu.memory_space<semaphore_mem>> -> memref<!tpu.dma_semaphore, #tpu.memory_space<semaphore_mem>>
      tpu.wait_indirect_dma semaphore(%dma_wait3A_152 : memref<!tpu.dma_semaphore, #tpu.memory_space<semaphore_mem>>) src(%dma_wait3A_144 : memref<100x128xf32, #tpu.memory_space<vmem>>) dst(%dma_wait3A_150 : memref<10000x128xf32, #tpu.memory_space<vmem_shared>>)
    } else {
    }
    %ge3A_114 = arith.constant 2 : i32
    %ge3A_115 = arith.cmpi sge, %min3A, %ge3A_114 : i32
    %convert_element_type3A_116 = arith.extui %ge3A_115 : i1 to i32
    %cond3A_117 = arith.constant 0 : i32
    %cond3A_118 = arith.cmpi ne, %convert_element_type3A_116, %cond3A_117 : i32
    scf.if %cond3A_118 {
      %sub3A_134 = arith.constant 2 : i32
      %sub3A_135 = arith.subi %min3A, %sub3A_134 : i32
      %shift_right_logical3A = arith.constant 3 : i32
      %shift_right_logical3A_136 = arith.shrui %sub3A_135, %shift_right_logical3A : i32
      %and3A = arith.constant 1 : i32
      %and3A_137 = arith.andi %shift_right_logical3A_136, %and3A : i32
      %and3A_138 = arith.constant 7 : i32
      %and3A_139 = arith.andi %sub3A_135, %and3A_138 : i32
      %rem3A = arith.constant 3 : i32
      %rem3A_140 = arith.remsi %sub3A_135, %rem3A : i32
      %dma_wait3A_141 = arith.constant 0 : i32
      %dma_wait3A_142 = arith.constant 0 : i32
      %dma_wait3A_143 = tpu.memref_slice %arg10[%rem3A_140, %dma_wait3A_141, %dma_wait3A_142] : memref<3x100x128xf32, #tpu.memory_space<vmem>> -> memref<1x100x128xf32, #tpu.memory_space<vmem>>
      %dma_wait3A_144 = tpu.memref_squeeze %dma_wait3A_143 : memref<1x100x128xf32, #tpu.memory_space<vmem>> -> memref<100x128xf32, #tpu.memory_space<vmem>>
      %dma_wait3A_145 = arith.constant 0 : i32
      %dma_wait3A_146 = tpu.memref_slice %arg9[%and3A_137, %and3A_139, %dma_wait3A_145] : memref<2x8x100xi32, #tpu.memory_space<vmem>> -> memref<1x1x100xi32, #tpu.memory_space<vmem>>
      %dma_wait3A_147 = tpu.memref_squeeze %dma_wait3A_146 : memref<1x1x100xi32, #tpu.memory_space<vmem>> -> memref<100xi32, #tpu.memory_space<vmem>>
      %dma_wait3A_148 = arith.constant 0 : i32
      %dma_wait3A_149 = arith.constant 0 : i32
      %dma_wait3A_150 = tpu.memref_slice %arg11[%dma_wait3A_148, %dma_wait3A_149] : memref<10000x128xf32, #tpu.memory_space<vmem_shared>> -> memref<10000x128xf32, #tpu.memory_space<vmem_shared>>
      %dma_wait3A_151 = tpu.memref_slice %arg14[%rem3A_140] : memref<3x!tpu.dma_semaphore, #tpu.memory_space<semaphore_mem>> -> memref<1x!tpu.dma_semaphore, #tpu.memory_space<semaphore_mem>>
      %dma_wait3A_152 = tpu.memref_squeeze %dma_wait3A_151 : memref<1x!tpu.dma_semaphore, #tpu.memory_space<semaphore_mem>> -> memref<!tpu.dma_semaphore, #tpu.memory_space<semaphore_mem>>
      tpu.wait_indirect_dma semaphore(%dma_wait3A_152 : memref<!tpu.dma_semaphore, #tpu.memory_space<semaphore_mem>>) src(%dma_wait3A_144 : memref<100x128xf32, #tpu.memory_space<vmem>>) dst(%dma_wait3A_150 : memref<10000x128xf32, #tpu.memory_space<vmem_shared>>)
    } else {
    }
    %ge3A_119 = arith.constant 1 : i32
    %ge3A_120 = arith.cmpi sge, %min3A, %ge3A_119 : i32
    %convert_element_type3A_121 = arith.extui %ge3A_120 : i1 to i32
    %cond3A_122 = arith.constant 0 : i32
    %cond3A_123 = arith.cmpi ne, %convert_element_type3A_121, %cond3A_122 : i32
    scf.if %cond3A_123 {
      %sub3A_134 = arith.constant 1 : i32
      %sub3A_135 = arith.subi %min3A, %sub3A_134 : i32
      %shift_right_logical3A = arith.constant 3 : i32
      %shift_right_logical3A_136 = arith.shrui %sub3A_135, %shift_right_logical3A : i32
      %and3A = arith.constant 1 : i32
      %and3A_137 = arith.andi %shift_right_logical3A_136, %and3A : i32
      %and3A_138 = arith.constant 7 : i32
      %and3A_139 = arith.andi %sub3A_135, %and3A_138 : i32
      %rem3A = arith.constant 3 : i32
      %rem3A_140 = arith.remsi %sub3A_135, %rem3A : i32
      %dma_wait3A_141 = arith.constant 0 : i32
      %dma_wait3A_142 = arith.constant 0 : i32
      %dma_wait3A_143 = tpu.memref_slice %arg10[%rem3A_140, %dma_wait3A_141, %dma_wait3A_142] : memref<3x100x128xf32, #tpu.memory_space<vmem>> -> memref<1x100x128xf32, #tpu.memory_space<vmem>>
      %dma_wait3A_144 = tpu.memref_squeeze %dma_wait3A_143 : memref<1x100x128xf32, #tpu.memory_space<vmem>> -> memref<100x128xf32, #tpu.memory_space<vmem>>
      %dma_wait3A_145 = arith.constant 0 : i32
      %dma_wait3A_146 = tpu.memref_slice %arg9[%and3A_137, %and3A_139, %dma_wait3A_145] : memref<2x8x100xi32, #tpu.memory_space<vmem>> -> memref<1x1x100xi32, #tpu.memory_space<vmem>>
      %dma_wait3A_147 = tpu.memref_squeeze %dma_wait3A_146 : memref<1x1x100xi32, #tpu.memory_space<vmem>> -> memref<100xi32, #tpu.memory_space<vmem>>
      %dma_wait3A_148 = arith.constant 0 : i32
      %dma_wait3A_149 = arith.constant 0 : i32
      %dma_wait3A_150 = tpu.memref_slice %arg11[%dma_wait3A_148, %dma_wait3A_149] : memref<10000x128xf32, #tpu.memory_space<vmem_shared>> -> memref<10000x128xf32, #tpu.memory_space<vmem_shared>>
      %dma_wait3A_151 = tpu.memref_slice %arg14[%rem3A_140] : memref<3x!tpu.dma_semaphore, #tpu.memory_space<semaphore_mem>> -> memref<1x!tpu.dma_semaphore, #tpu.memory_space<semaphore_mem>>
      %dma_wait3A_152 = tpu.memref_squeeze %dma_wait3A_151 : memref<1x!tpu.dma_semaphore, #tpu.memory_space<semaphore_mem>> -> memref<!tpu.dma_semaphore, #tpu.memory_space<semaphore_mem>>
      tpu.wait_indirect_dma semaphore(%dma_wait3A_152 : memref<!tpu.dma_semaphore, #tpu.memory_space<semaphore_mem>>) src(%dma_wait3A_144 : memref<100x128xf32, #tpu.memory_space<vmem>>) dst(%dma_wait3A_150 : memref<10000x128xf32, #tpu.memory_space<vmem_shared>>)
    } else {
    }
    %barrier3A_124 = arith.constant 0 : index
    tpu.barrier barrier_id(%barrier3A_124)
    %eq3A = arith.constant 0 : i32
    %eq3A_125 = arith.cmpi eq, %arg0, %eq3A : i32
    %convert_element_type3A_126 = arith.extui %eq3A_125 : i1 to i32
    %cond3A_127 = arith.constant 0 : i32
    %cond3A_128 = arith.cmpi ne, %convert_element_type3A_126, %cond3A_127 : i32
    scf.if %cond3A_128 {
      %add3A_134 = arith.constant 0 : i32
      %add3A_135 = arith.addi %arg1, %add3A_134 : i32
      %lt3A_136 = arith.constant 50 : i32
      %lt3A_137 = arith.cmpi slt, %add3A_135, %lt3A_136 : i32
      %convert_element_type3A_138 = arith.extui %lt3A_137 : i1 to i32
      %cond3A_139 = arith.constant 0 : i32
      %cond3A_140 = arith.cmpi ne, %convert_element_type3A_138, %cond3A_139 : i32
      scf.if %cond3A_140 {
        %mul3A_162 = arith.constant 200 : i32
        %mul3A_163 = arith.muli %add3A_135, %mul3A_162 : i32
        %mul3A_164 = arith.constant 200 : i32
        %mul3A_165 = arith.muli %add3A_135, %mul3A_164 : i32
        "tpu.region"() ({
          %run_scoped3A = tpu.sem_alloc : memref<!tpu.dma_semaphore, #tpu.memory_space<semaphore_mem>>
          %dma_start3A_166 = arith.constant 0 : i32
          %dma_start3A_167 = tpu.memref_slice %arg6[%mul3A_165, %dma_start3A_166] : memref<10000x128xf32, #tpu.memory_space<hbm>> -> memref<200x128xf32, #tpu.memory_space<hbm>>
          %dma_start3A_168 = arith.constant 0 : i32
          %dma_start3A_169 = tpu.memref_slice %arg11[%mul3A_163, %dma_start3A_168] : memref<10000x128xf32, #tpu.memory_space<vmem_shared>> -> memref<200x128xf32, #tpu.memory_space<vmem_shared>>
          tpu.enqueue_dma source(%dma_start3A_169 : memref<200x128xf32, #tpu.memory_space<vmem_shared>>) target(%dma_start3A_167 : memref<200x128xf32, #tpu.memory_space<hbm>>) target_semaphore(%run_scoped3A : memref<!tpu.dma_semaphore, #tpu.memory_space<semaphore_mem>>)
          %dma_wait3A_170 = arith.constant 0 : i32
          %dma_wait3A_171 = tpu.memref_slice %arg6[%mul3A_165, %dma_wait3A_170] : memref<10000x128xf32, #tpu.memory_space<hbm>> -> memref<200x128xf32, #tpu.memory_space<hbm>>
          %dma_wait3A_172 = arith.constant 0 : i32
          %dma_wait3A_173 = tpu.memref_slice %arg11[%mul3A_163, %dma_wait3A_172] : memref<10000x128xf32, #tpu.memory_space<vmem_shared>> -> memref<200x128xf32, #tpu.memory_space<vmem_shared>>
          tpu.wait_dma2 semaphore(%run_scoped3A : memref<!tpu.dma_semaphore, #tpu.memory_space<semaphore_mem>>) src(%dma_wait3A_173 : memref<200x128xf32, #tpu.memory_space<vmem_shared>>) dst(%dma_wait3A_171 : memref<200x128xf32, #tpu.memory_space<hbm>>)
          tpu.yield
        }) : () -> ()
      } else {
      }
      %add3A_141 = arith.constant 16 : i32
      %add3A_142 = arith.addi %arg1, %add3A_141 : i32
      %lt3A_143 = arith.constant 50 : i32
      %lt3A_144 = arith.cmpi slt, %add3A_142, %lt3A_143 : i32
      %convert_element_type3A_145 = arith.extui %lt3A_144 : i1 to i32
      %cond3A_146 = arith.constant 0 : i32
      %cond3A_147 = arith.cmpi ne, %convert_element_type3A_145, %cond3A_146 : i32
      scf.if %cond3A_147 {
        %mul3A_162 = arith.constant 200 : i32
        %mul3A_163 = arith.muli %add3A_142, %mul3A_162 : i32
        %mul3A_164 = arith.constant 200 : i32
        %mul3A_165 = arith.muli %add3A_142, %mul3A_164 : i32
        "tpu.region"() ({
          %run_scoped3A = tpu.sem_alloc : memref<!tpu.dma_semaphore, #tpu.memory_space<semaphore_mem>>
          %dma_start3A_166 = arith.constant 0 : i32
          %dma_start3A_167 = tpu.memref_slice %arg6[%mul3A_165, %dma_start3A_166] : memref<10000x128xf32, #tpu.memory_space<hbm>> -> memref<200x128xf32, #tpu.memory_space<hbm>>
          %dma_start3A_168 = arith.constant 0 : i32
          %dma_start3A_169 = tpu.memref_slice %arg11[%mul3A_163, %dma_start3A_168] : memref<10000x128xf32, #tpu.memory_space<vmem_shared>> -> memref<200x128xf32, #tpu.memory_space<vmem_shared>>
          tpu.enqueue_dma source(%dma_start3A_169 : memref<200x128xf32, #tpu.memory_space<vmem_shared>>) target(%dma_start3A_167 : memref<200x128xf32, #tpu.memory_space<hbm>>) target_semaphore(%run_scoped3A : memref<!tpu.dma_semaphore, #tpu.memory_space<semaphore_mem>>)
          %dma_wait3A_170 = arith.constant 0 : i32
          %dma_wait3A_171 = tpu.memref_slice %arg6[%mul3A_165, %dma_wait3A_170] : memref<10000x128xf32, #tpu.memory_space<hbm>> -> memref<200x128xf32, #tpu.memory_space<hbm>>
          %dma_wait3A_172 = arith.constant 0 : i32
          %dma_wait3A_173 = tpu.memref_slice %arg11[%mul3A_163, %dma_wait3A_172] : memref<10000x128xf32, #tpu.memory_space<vmem_shared>> -> memref<200x128xf32, #tpu.memory_space<vmem_shared>>
          tpu.wait_dma2 semaphore(%run_scoped3A : memref<!tpu.dma_semaphore, #tpu.memory_space<semaphore_mem>>) src(%dma_wait3A_173 : memref<200x128xf32, #tpu.memory_space<vmem_shared>>) dst(%dma_wait3A_171 : memref<200x128xf32, #tpu.memory_space<hbm>>)
          tpu.yield
        }) : () -> ()
      } else {
      }
      %add3A_148 = arith.constant 32 : i32
      %add3A_149 = arith.addi %arg1, %add3A_148 : i32
      %lt3A_150 = arith.constant 50 : i32
      %lt3A_151 = arith.cmpi slt, %add3A_149, %lt3A_150 : i32
      %convert_element_type3A_152 = arith.extui %lt3A_151 : i1 to i32
      %cond3A_153 = arith.constant 0 : i32
      %cond3A_154 = arith.cmpi ne, %convert_element_type3A_152, %cond3A_153 : i32
      scf.if %cond3A_154 {
        %mul3A_162 = arith.constant 200 : i32
        %mul3A_163 = arith.muli %add3A_149, %mul3A_162 : i32
        %mul3A_164 = arith.constant 200 : i32
        %mul3A_165 = arith.muli %add3A_149, %mul3A_164 : i32
        "tpu.region"() ({
          %run_scoped3A = tpu.sem_alloc : memref<!tpu.dma_semaphore, #tpu.memory_space<semaphore_mem>>
          %dma_start3A_166 = arith.constant 0 : i32
          %dma_start3A_167 = tpu.memref_slice %arg6[%mul3A_165, %dma_start3A_166] : memref<10000x128xf32, #tpu.memory_space<hbm>> -> memref<200x128xf32, #tpu.memory_space<hbm>>
          %dma_start3A_168 = arith.constant 0 : i32
          %dma_start3A_169 = tpu.memref_slice %arg11[%mul3A_163, %dma_start3A_168] : memref<10000x128xf32, #tpu.memory_space<vmem_shared>> -> memref<200x128xf32, #tpu.memory_space<vmem_shared>>
          tpu.enqueue_dma source(%dma_start3A_169 : memref<200x128xf32, #tpu.memory_space<vmem_shared>>) target(%dma_start3A_167 : memref<200x128xf32, #tpu.memory_space<hbm>>) target_semaphore(%run_scoped3A : memref<!tpu.dma_semaphore, #tpu.memory_space<semaphore_mem>>)
          %dma_wait3A_170 = arith.constant 0 : i32
          %dma_wait3A_171 = tpu.memref_slice %arg6[%mul3A_165, %dma_wait3A_170] : memref<10000x128xf32, #tpu.memory_space<hbm>> -> memref<200x128xf32, #tpu.memory_space<hbm>>
          %dma_wait3A_172 = arith.constant 0 : i32
          %dma_wait3A_173 = tpu.memref_slice %arg11[%mul3A_163, %dma_wait3A_172] : memref<10000x128xf32, #tpu.memory_space<vmem_shared>> -> memref<200x128xf32, #tpu.memory_space<vmem_shared>>
          tpu.wait_dma2 semaphore(%run_scoped3A : memref<!tpu.dma_semaphore, #tpu.memory_space<semaphore_mem>>) src(%dma_wait3A_173 : memref<200x128xf32, #tpu.memory_space<vmem_shared>>) dst(%dma_wait3A_171 : memref<200x128xf32, #tpu.memory_space<hbm>>)
          tpu.yield
        }) : () -> ()
      } else {
      }
      %add3A_155 = arith.constant 48 : i32
      %add3A_156 = arith.addi %arg1, %add3A_155 : i32
      %lt3A_157 = arith.constant 50 : i32
      %lt3A_158 = arith.cmpi slt, %add3A_156, %lt3A_157 : i32
      %convert_element_type3A_159 = arith.extui %lt3A_158 : i1 to i32
      %cond3A_160 = arith.constant 0 : i32
      %cond3A_161 = arith.cmpi ne, %convert_element_type3A_159, %cond3A_160 : i32
      scf.if %cond3A_161 {
        %mul3A_162 = arith.constant 200 : i32
        %mul3A_163 = arith.muli %add3A_156, %mul3A_162 : i32
        %mul3A_164 = arith.constant 200 : i32
        %mul3A_165 = arith.muli %add3A_156, %mul3A_164 : i32
        "tpu.region"() ({
          %run_scoped3A = tpu.sem_alloc : memref<!tpu.dma_semaphore, #tpu.memory_space<semaphore_mem>>
          %dma_start3A_166 = arith.constant 0 : i32
          %dma_start3A_167 = tpu.memref_slice %arg6[%mul3A_165, %dma_start3A_166] : memref<10000x128xf32, #tpu.memory_space<hbm>> -> memref<200x128xf32, #tpu.memory_space<hbm>>
          %dma_start3A_168 = arith.constant 0 : i32
          %dma_start3A_169 = tpu.memref_slice %arg11[%mul3A_163, %dma_start3A_168] : memref<10000x128xf32, #tpu.memory_space<vmem_shared>> -> memref<200x128xf32, #tpu.memory_space<vmem_shared>>
          tpu.enqueue_dma source(%dma_start3A_169 : memref<200x128xf32, #tpu.memory_space<vmem_shared>>) target(%dma_start3A_167 : memref<200x128xf32, #tpu.memory_space<hbm>>) target_semaphore(%run_scoped3A : memref<!tpu.dma_semaphore, #tpu.memory_space<semaphore_mem>>)
          %dma_wait3A_170 = arith.constant 0 : i32
          %dma_wait3A_171 = tpu.memref_slice %arg6[%mul3A_165, %dma_wait3A_170] : memref<10000x128xf32, #tpu.memory_space<hbm>> -> memref<200x128xf32, #tpu.memory_space<hbm>>
          %dma_wait3A_172 = arith.constant 0 : i32
          %dma_wait3A_173 = tpu.memref_slice %arg11[%mul3A_163, %dma_wait3A_172] : memref<10000x128xf32, #tpu.memory_space<vmem_shared>> -> memref<200x128xf32, #tpu.memory_space<vmem_shared>>
          tpu.wait_dma2 semaphore(%run_scoped3A : memref<!tpu.dma_semaphore, #tpu.memory_space<semaphore_mem>>) src(%dma_wait3A_173 : memref<200x128xf32, #tpu.memory_space<vmem_shared>>) dst(%dma_wait3A_171 : memref<200x128xf32, #tpu.memory_space<hbm>>)
          tpu.yield
        }) : () -> ()
      } else {
      }
    } else {
    }
    %eq3A_129 = arith.constant 1 : i32
    %eq3A_130 = arith.cmpi eq, %arg0, %eq3A_129 : i32
    %convert_element_type3A_131 = arith.extui %eq3A_130 : i1 to i32
    %cond3A_132 = arith.constant 0 : i32
    %cond3A_133 = arith.cmpi ne, %convert_element_type3A_131, %cond3A_132 : i32
    scf.if %cond3A_133 {
      %add3A_134 = arith.constant 0 : i32
      %add3A_135 = arith.addi %arg1, %add3A_134 : i32
      %lt3A_136 = arith.constant 50 : i32
      %lt3A_137 = arith.cmpi slt, %add3A_135, %lt3A_136 : i32
      %convert_element_type3A_138 = arith.extui %lt3A_137 : i1 to i32
      %cond3A_139 = arith.constant 0 : i32
      %cond3A_140 = arith.cmpi ne, %convert_element_type3A_138, %cond3A_139 : i32
      scf.if %cond3A_140 {
        %mul3A_162 = arith.constant 200 : i32
        %mul3A_163 = arith.muli %add3A_135, %mul3A_162 : i32
        %mul3A_164 = arith.constant 200 : i32
        %mul3A_165 = arith.muli %add3A_135, %mul3A_164 : i32
        "tpu.region"() ({
          %run_scoped3A = tpu.sem_alloc : memref<!tpu.dma_semaphore, #tpu.memory_space<semaphore_mem>>
          %dma_start3A_166 = arith.constant 0 : i32
          %dma_start3A_167 = tpu.memref_slice %arg7[%mul3A_165, %dma_start3A_166] : memref<10000x128xf32, #tpu.memory_space<hbm>> -> memref<200x128xf32, #tpu.memory_space<hbm>>
          %dma_start3A_168 = arith.constant 0 : i32
          %dma_start3A_169 = tpu.memref_slice %arg11[%mul3A_163, %dma_start3A_168] : memref<10000x128xf32, #tpu.memory_space<vmem_shared>> -> memref<200x128xf32, #tpu.memory_space<vmem_shared>>
          tpu.enqueue_dma source(%dma_start3A_169 : memref<200x128xf32, #tpu.memory_space<vmem_shared>>) target(%dma_start3A_167 : memref<200x128xf32, #tpu.memory_space<hbm>>) target_semaphore(%run_scoped3A : memref<!tpu.dma_semaphore, #tpu.memory_space<semaphore_mem>>)
          %dma_wait3A_170 = arith.constant 0 : i32
          %dma_wait3A_171 = tpu.memref_slice %arg7[%mul3A_165, %dma_wait3A_170] : memref<10000x128xf32, #tpu.memory_space<hbm>> -> memref<200x128xf32, #tpu.memory_space<hbm>>
          %dma_wait3A_172 = arith.constant 0 : i32
          %dma_wait3A_173 = tpu.memref_slice %arg11[%mul3A_163, %dma_wait3A_172] : memref<10000x128xf32, #tpu.memory_space<vmem_shared>> -> memref<200x128xf32, #tpu.memory_space<vmem_shared>>
          tpu.wait_dma2 semaphore(%run_scoped3A : memref<!tpu.dma_semaphore, #tpu.memory_space<semaphore_mem>>) src(%dma_wait3A_173 : memref<200x128xf32, #tpu.memory_space<vmem_shared>>) dst(%dma_wait3A_171 : memref<200x128xf32, #tpu.memory_space<hbm>>)
          tpu.yield
        }) : () -> ()
      } else {
      }
      %add3A_141 = arith.constant 16 : i32
      %add3A_142 = arith.addi %arg1, %add3A_141 : i32
      %lt3A_143 = arith.constant 50 : i32
      %lt3A_144 = arith.cmpi slt, %add3A_142, %lt3A_143 : i32
      %convert_element_type3A_145 = arith.extui %lt3A_144 : i1 to i32
      %cond3A_146 = arith.constant 0 : i32
      %cond3A_147 = arith.cmpi ne, %convert_element_type3A_145, %cond3A_146 : i32
      scf.if %cond3A_147 {
        %mul3A_162 = arith.constant 200 : i32
        %mul3A_163 = arith.muli %add3A_142, %mul3A_162 : i32
        %mul3A_164 = arith.constant 200 : i32
        %mul3A_165 = arith.muli %add3A_142, %mul3A_164 : i32
        "tpu.region"() ({
          %run_scoped3A = tpu.sem_alloc : memref<!tpu.dma_semaphore, #tpu.memory_space<semaphore_mem>>
          %dma_start3A_166 = arith.constant 0 : i32
          %dma_start3A_167 = tpu.memref_slice %arg7[%mul3A_165, %dma_start3A_166] : memref<10000x128xf32, #tpu.memory_space<hbm>> -> memref<200x128xf32, #tpu.memory_space<hbm>>
          %dma_start3A_168 = arith.constant 0 : i32
          %dma_start3A_169 = tpu.memref_slice %arg11[%mul3A_163, %dma_start3A_168] : memref<10000x128xf32, #tpu.memory_space<vmem_shared>> -> memref<200x128xf32, #tpu.memory_space<vmem_shared>>
          tpu.enqueue_dma source(%dma_start3A_169 : memref<200x128xf32, #tpu.memory_space<vmem_shared>>) target(%dma_start3A_167 : memref<200x128xf32, #tpu.memory_space<hbm>>) target_semaphore(%run_scoped3A : memref<!tpu.dma_semaphore, #tpu.memory_space<semaphore_mem>>)
          %dma_wait3A_170 = arith.constant 0 : i32
          %dma_wait3A_171 = tpu.memref_slice %arg7[%mul3A_165, %dma_wait3A_170] : memref<10000x128xf32, #tpu.memory_space<hbm>> -> memref<200x128xf32, #tpu.memory_space<hbm>>
          %dma_wait3A_172 = arith.constant 0 : i32
          %dma_wait3A_173 = tpu.memref_slice %arg11[%mul3A_163, %dma_wait3A_172] : memref<10000x128xf32, #tpu.memory_space<vmem_shared>> -> memref<200x128xf32, #tpu.memory_space<vmem_shared>>
          tpu.wait_dma2 semaphore(%run_scoped3A : memref<!tpu.dma_semaphore, #tpu.memory_space<semaphore_mem>>) src(%dma_wait3A_173 : memref<200x128xf32, #tpu.memory_space<vmem_shared>>) dst(%dma_wait3A_171 : memref<200x128xf32, #tpu.memory_space<hbm>>)
          tpu.yield
        }) : () -> ()
      } else {
      }
      %add3A_148 = arith.constant 32 : i32
      %add3A_149 = arith.addi %arg1, %add3A_148 : i32
      %lt3A_150 = arith.constant 50 : i32
      %lt3A_151 = arith.cmpi slt, %add3A_149, %lt3A_150 : i32
      %convert_element_type3A_152 = arith.extui %lt3A_151 : i1 to i32
      %cond3A_153 = arith.constant 0 : i32
      %cond3A_154 = arith.cmpi ne, %convert_element_type3A_152, %cond3A_153 : i32
      scf.if %cond3A_154 {
        %mul3A_162 = arith.constant 200 : i32
        %mul3A_163 = arith.muli %add3A_149, %mul3A_162 : i32
        %mul3A_164 = arith.constant 200 : i32
        %mul3A_165 = arith.muli %add3A_149, %mul3A_164 : i32
        "tpu.region"() ({
          %run_scoped3A = tpu.sem_alloc : memref<!tpu.dma_semaphore, #tpu.memory_space<semaphore_mem>>
          %dma_start3A_166 = arith.constant 0 : i32
          %dma_start3A_167 = tpu.memref_slice %arg7[%mul3A_165, %dma_start3A_166] : memref<10000x128xf32, #tpu.memory_space<hbm>> -> memref<200x128xf32, #tpu.memory_space<hbm>>
          %dma_start3A_168 = arith.constant 0 : i32
          %dma_start3A_169 = tpu.memref_slice %arg11[%mul3A_163, %dma_start3A_168] : memref<10000x128xf32, #tpu.memory_space<vmem_shared>> -> memref<200x128xf32, #tpu.memory_space<vmem_shared>>
          tpu.enqueue_dma source(%dma_start3A_169 : memref<200x128xf32, #tpu.memory_space<vmem_shared>>) target(%dma_start3A_167 : memref<200x128xf32, #tpu.memory_space<hbm>>) target_semaphore(%run_scoped3A : memref<!tpu.dma_semaphore, #tpu.memory_space<semaphore_mem>>)
          %dma_wait3A_170 = arith.constant 0 : i32
          %dma_wait3A_171 = tpu.memref_slice %arg7[%mul3A_165, %dma_wait3A_170] : memref<10000x128xf32, #tpu.memory_space<hbm>> -> memref<200x128xf32, #tpu.memory_space<hbm>>
          %dma_wait3A_172 = arith.constant 0 : i32
          %dma_wait3A_173 = tpu.memref_slice %arg11[%mul3A_163, %dma_wait3A_172] : memref<10000x128xf32, #tpu.memory_space<vmem_shared>> -> memref<200x128xf32, #tpu.memory_space<vmem_shared>>
          tpu.wait_dma2 semaphore(%run_scoped3A : memref<!tpu.dma_semaphore, #tpu.memory_space<semaphore_mem>>) src(%dma_wait3A_173 : memref<200x128xf32, #tpu.memory_space<vmem_shared>>) dst(%dma_wait3A_171 : memref<200x128xf32, #tpu.memory_space<hbm>>)
          tpu.yield
        }) : () -> ()
      } else {
      }
      %add3A_155 = arith.constant 48 : i32
      %add3A_156 = arith.addi %arg1, %add3A_155 : i32
      %lt3A_157 = arith.constant 50 : i32
      %lt3A_158 = arith.cmpi slt, %add3A_156, %lt3A_157 : i32
      %convert_element_type3A_159 = arith.extui %lt3A_158 : i1 to i32
      %cond3A_160 = arith.constant 0 : i32
      %cond3A_161 = arith.cmpi ne, %convert_element_type3A_159, %cond3A_160 : i32
      scf.if %cond3A_161 {
        %mul3A_162 = arith.constant 200 : i32
        %mul3A_163 = arith.muli %add3A_156, %mul3A_162 : i32
        %mul3A_164 = arith.constant 200 : i32
        %mul3A_165 = arith.muli %add3A_156, %mul3A_164 : i32
        "tpu.region"() ({
          %run_scoped3A = tpu.sem_alloc : memref<!tpu.dma_semaphore, #tpu.memory_space<semaphore_mem>>
          %dma_start3A_166 = arith.constant 0 : i32
          %dma_start3A_167 = tpu.memref_slice %arg7[%mul3A_165, %dma_start3A_166] : memref<10000x128xf32, #tpu.memory_space<hbm>> -> memref<200x128xf32, #tpu.memory_space<hbm>>
          %dma_start3A_168 = arith.constant 0 : i32
          %dma_start3A_169 = tpu.memref_slice %arg11[%mul3A_163, %dma_start3A_168] : memref<10000x128xf32, #tpu.memory_space<vmem_shared>> -> memref<200x128xf32, #tpu.memory_space<vmem_shared>>
          tpu.enqueue_dma source(%dma_start3A_169 : memref<200x128xf32, #tpu.memory_space<vmem_shared>>) target(%dma_start3A_167 : memref<200x128xf32, #tpu.memory_space<hbm>>) target_semaphore(%run_scoped3A : memref<!tpu.dma_semaphore, #tpu.memory_space<semaphore_mem>>)
          %dma_wait3A_170 = arith.constant 0 : i32
          %dma_wait3A_171 = tpu.memref_slice %arg7[%mul3A_165, %dma_wait3A_170] : memref<10000x128xf32, #tpu.memory_space<hbm>> -> memref<200x128xf32, #tpu.memory_space<hbm>>
          %dma_wait3A_172 = arith.constant 0 : i32
          %dma_wait3A_173 = tpu.memref_slice %arg11[%mul3A_163, %dma_wait3A_172] : memref<10000x128xf32, #tpu.memory_space<vmem_shared>> -> memref<200x128xf32, #tpu.memory_space<vmem_shared>>
          tpu.wait_dma2 semaphore(%run_scoped3A : memref<!tpu.dma_semaphore, #tpu.memory_space<semaphore_mem>>) src(%dma_wait3A_173 : memref<200x128xf32, #tpu.memory_space<vmem_shared>>) dst(%dma_wait3A_171 : memref<200x128xf32, #tpu.memory_space<hbm>>)
          tpu.yield
        }) : () -> ()
      } else {
      }
    } else {
    }
    return
  }
}

module attributes {stable_mosaic.version = 14 : i64} {
  func.func @_degsum_body(%arg0: memref<16x80x128xf32, #tpu.memory_space<vmem>>, %arg1: memref<16x80x128xf32, #tpu.memory_space<vmem>>, %arg2: memref<80x128xf32, #tpu.memory_space<vmem>>, %arg3: memref<80x128xf32, #tpu.memory_space<vmem>>) attributes {dimension_semantics = [], scalar_prefetch = 0 : i64, scratch_operands = 0 : i64, tpu.core_type = #tpu.core_type<tc>} {
    %get3A = arith.constant 0 : index
    %get3A_0 = arith.constant 0 : index
    %get3A_1 = arith.constant 0 : index
    %get3A_2 = vector.load %arg0[%get3A, %get3A_0, %get3A_1] : memref<16x80x128xf32, #tpu.memory_space<vmem>>, vector<16x80x128xf32>
    %reduce_sum3A = arith.constant dense<0.000000e+00> : vector<80x128xf32>
    %reduce_sum3A_3 = vector.multi_reduction <add>, %get3A_2, %reduce_sum3A [0] : vector<16x80x128xf32> to vector<80x128xf32>
    %swap3A = arith.constant 0 : index
    %swap3A_4 = arith.constant 0 : index
    %swap3A_5 = vector.load %arg2[%swap3A, %swap3A_4] : memref<80x128xf32, #tpu.memory_space<vmem>>, vector<80x128xf32>
    tpu.vector_store %arg2[%swap3A, %swap3A_4], %reduce_sum3A_3 {strides = array<i32>} : memref<80x128xf32, #tpu.memory_space<vmem>>, vector<80x128xf32>,
    %get3A_6 = arith.constant 0 : index
    %get3A_7 = arith.constant 0 : index
    %get3A_8 = arith.constant 0 : index
    %get3A_9 = vector.load %arg1[%get3A_6, %get3A_7, %get3A_8] : memref<16x80x128xf32, #tpu.memory_space<vmem>>, vector<16x80x128xf32>
    %reduce_sum3A_10 = arith.constant dense<0.000000e+00> : vector<80x128xf32>
    %reduce_sum3A_11 = vector.multi_reduction <add>, %get3A_9, %reduce_sum3A_10 [0] : vector<16x80x128xf32> to vector<80x128xf32>
    %swap3A_12 = arith.constant 0 : index
    %swap3A_13 = arith.constant 0 : index
    %swap3A_14 = vector.load %arg3[%swap3A_12, %swap3A_13] : memref<80x128xf32, #tpu.memory_space<vmem>>, vector<80x128xf32>
    tpu.vector_store %arg3[%swap3A_12, %swap3A_13], %reduce_sum3A_11 {strides = array<i32>} : memref<80x128xf32, #tpu.memory_space<vmem>>, vector<80x128xf32>,
    return
  }
}

module attributes {stable_mosaic.version = 14 : i64} {
  func.func @_prep_body(%arg0: i32, %arg1: memref<2000x1xf32, #tpu.memory_space<vmem>>, %arg2: memref<2000x1xf32, #tpu.memory_space<vmem>>, %arg3: memref<2000x128xf32, #tpu.memory_space<vmem>>, %arg4: memref<2000x1xf32, #tpu.memory_space<vmem>>, %arg5: memref<2000x1xf32, #tpu.memory_space<vmem>>, %arg6: memref<2000x128xf32, #tpu.memory_space<vmem>>) attributes {dimension_semantics = [#tpu.dimension_semantics<arbitrary>], iteration_bounds = array<i64: 5>, scalar_prefetch = 0 : i64, scratch_operands = 0 : i64, tpu.core_type = #tpu.core_type<tc>, window_params = [{transform_indices = @transform_0, window_bounds = array<i64: 2000, 1>}, {transform_indices = @transform_1, window_bounds = array<i64: 2000, 1>}, {transform_indices = @transform_2, window_bounds = array<i64: 2000, 128>}, {transform_indices = @transform_3, window_bounds = array<i64: 2000, 1>}, {transform_indices = @transform_4, window_bounds = array<i64: 2000, 1>}, {transform_indices = @transform_5, window_bounds = array<i64: 2000, 128>}]} {
    %get3A = arith.constant 0 : index
    %get3A_0 = arith.constant 0 : index
    %get3A_1 = vector.load %arg1[%get3A, %get3A_0] : memref<2000x1xf32, #tpu.memory_space<vmem>>, vector<2000x1xf32>
    %get3A_2 = arith.constant 0 : index
    %get3A_3 = arith.constant 0 : index
    %get3A_4 = vector.load %arg2[%get3A_2, %get3A_3] : memref<2000x1xf32, #tpu.memory_space<vmem>>, vector<2000x1xf32>
    %gt3A = arith.constant 0.000000e+00 : f32
    %gt3A_5 = vector.broadcast %gt3A : f32 to vector<2000x1xf32>
    %gt3A_6 = arith.cmpf ogt, %get3A_1, %gt3A_5 : vector<2000x1xf32>
    %max3A = arith.constant 1.000000e+00 : f32
    %max3A_7 = vector.broadcast %max3A : f32 to vector<2000x1xf32>
    %max3A_8 = arith.maximumf %get3A_1, %max3A_7 : vector<2000x1xf32>
    %rsqrt3A = math.rsqrt %max3A_8 : vector<2000x1xf32>
    %jit3A = arith.constant 0.000000e+00 : f32
    %broadcast_in_dim3A = vector.broadcast %jit3A : f32 to vector<2000x1xf32>
    %select_n3A = arith.select %gt3A_6, %rsqrt3A, %broadcast_in_dim3A : vector<2000x1xi1>, vector<2000x1xf32>
    %gt3A_9 = arith.constant 0.000000e+00 : f32
    %gt3A_10 = vector.broadcast %gt3A_9 : f32 to vector<2000x1xf32>
    %gt3A_11 = arith.cmpf ogt, %get3A_4, %gt3A_10 : vector<2000x1xf32>
    %max3A_12 = arith.constant 1.000000e+00 : f32
    %max3A_13 = vector.broadcast %max3A_12 : f32 to vector<2000x1xf32>
    %max3A_14 = arith.maximumf %get3A_4, %max3A_13 : vector<2000x1xf32>
    %rsqrt3A_15 = math.rsqrt %max3A_14 : vector<2000x1xf32>
    %jit3A_16 = arith.constant 0.000000e+00 : f32
    %broadcast_in_dim3A_17 = vector.broadcast %jit3A_16 : f32 to vector<2000x1xf32>
    %select_n3A_18 = arith.select %gt3A_11, %rsqrt3A_15, %broadcast_in_dim3A_17 : vector<2000x1xi1>, vector<2000x1xf32>
    %swap3A = arith.constant 0 : index
    %swap3A_19 = arith.constant 0 : index
    %swap3A_20 = vector.load %arg4[%swap3A, %swap3A_19] : memref<2000x1xf32, #tpu.memory_space<vmem>>, vector<2000x1xf32>
    tpu.vector_store %arg4[%swap3A, %swap3A_19], %select_n3A {strides = array<i32>} : memref<2000x1xf32, #tpu.memory_space<vmem>>, vector<2000x1xf32>,
    %swap3A_21 = arith.constant 0 : index
    %swap3A_22 = arith.constant 0 : index
    %swap3A_23 = vector.load %arg5[%swap3A_21, %swap3A_22] : memref<2000x1xf32, #tpu.memory_space<vmem>>, vector<2000x1xf32>
    tpu.vector_store %arg5[%swap3A_21, %swap3A_22], %select_n3A_18 {strides = array<i32>} : memref<2000x1xf32, #tpu.memory_space<vmem>>, vector<2000x1xf32>,
    %get3A_24 = arith.constant 0 : index
    %get3A_25 = arith.constant 0 : index
    %get3A_26 = vector.load %arg3[%get3A_24, %get3A_25] : memref<2000x128xf32, #tpu.memory_space<vmem>>, vector<2000x128xf32>
    %mul3A = vector.broadcast %select_n3A : vector<2000x1xf32> to vector<2000x128xf32>
    %mul3A_27 = arith.mulf %get3A_26, %mul3A : vector<2000x128xf32>
    %swap3A_28 = arith.constant 0 : index
    %swap3A_29 = arith.constant 0 : index
    %swap3A_30 = vector.load %arg6[%swap3A_28, %swap3A_29] : memref<2000x128xf32, #tpu.memory_space<vmem>>, vector<2000x128xf32>
    tpu.vector_store %arg6[%swap3A_28, %swap3A_29], %mul3A_27 {strides = array<i32>} : memref<2000x128xf32, #tpu.memory_space<vmem>>, vector<2000x128xf32>,
    return
  }
  func.func @transform_0(%arg0: i32) -> (i32, i32) {
    %c0_i32 = arith.constant 0 : i32
    %c0_i32_0 = arith.constant 0 : i32
    return %arg0, %c0_i32 : i32, i32
  }
  func.func @transform_1(%arg0: i32) -> (i32, i32) {
    %c0_i32 = arith.constant 0 : i32
    %c0_i32_0 = arith.constant 0 : i32
    return %arg0, %c0_i32 : i32, i32
  }
  func.func @transform_2(%arg0: i32) -> (i32, i32) {
    %c0_i32 = arith.constant 0 : i32
    %c0_i32_0 = arith.constant 0 : i32
    return %arg0, %c0_i32 : i32, i32
  }
  func.func @transform_3(%arg0: i32) -> (i32, i32) {
    %c0_i32 = arith.constant 0 : i32
    %c0_i32_0 = arith.constant 0 : i32
    return %arg0, %c0_i32 : i32, i32
  }
  func.func @transform_4(%arg0: i32) -> (i32, i32) {
    %c0_i32 = arith.constant 0 : i32
    %c0_i32_0 = arith.constant 0 : i32
    return %arg0, %c0_i32 : i32, i32
  }
  func.func @transform_5(%arg0: i32) -> (i32, i32) {
    %c0_i32 = arith.constant 0 : i32
    %c0_i32_0 = arith.constant 0 : i32
    return %arg0, %c0_i32 : i32, i32
  }
}

module attributes {stable_mosaic.version = 14 : i64} {
  func.func @_mix1_body(%arg0: i32, %arg1: memref<2000x128xf32, #tpu.memory_space<vmem>>, %arg2: memref<2000x128xf32, #tpu.memory_space<vmem>>, %arg3: memref<2000x1xf32, #tpu.memory_space<vmem>>, %arg4: memref<2000x1xf32, #tpu.memory_space<vmem>>, %arg5: memref<128x256xf32, #tpu.memory_space<vmem>>, %arg6: memref<2000x128xf32, #tpu.memory_space<vmem>>, %arg7: memref<2000x128xf32, #tpu.memory_space<vmem>>) attributes {dimension_semantics = [#tpu.dimension_semantics<arbitrary>], iteration_bounds = array<i64: 5>, scalar_prefetch = 0 : i64, scratch_operands = 0 : i64, tpu.core_type = #tpu.core_type<tc>, window_params = [{transform_indices = @transform_0, window_bounds = array<i64: 2000, 128>}, {transform_indices = @transform_1, window_bounds = array<i64: 2000, 128>}, {transform_indices = @transform_2, window_bounds = array<i64: 2000, 1>}, {transform_indices = @transform_3, window_bounds = array<i64: 2000, 1>}, {pipeline_mode = #tpu.pipeline_mode<synchronous>, transform_indices = @transform_4, window_bounds = array<i64: 128, 256>}, {transform_indices = @transform_5, window_bounds = array<i64: 2000, 128>}, {transform_indices = @transform_6, window_bounds = array<i64: 2000, 128>}]} {
    %get3A = arith.constant 0 : index
    %get3A_0 = arith.constant 0 : index
    %get3A_1 = vector.load %arg1[%get3A, %get3A_0] : memref<2000x128xf32, #tpu.memory_space<vmem>>, vector<2000x128xf32>
    %get3A_2 = arith.constant 0 : index
    %get3A_3 = arith.constant 0 : index
    %get3A_4 = vector.load %arg2[%get3A_2, %get3A_3] : memref<2000x128xf32, #tpu.memory_space<vmem>>, vector<2000x128xf32>
    %add3A = arith.addf %get3A_1, %get3A_4 : vector<2000x128xf32>
    %get3A_5 = arith.constant 0 : index
    %get3A_6 = arith.constant 0 : index
    %get3A_7 = vector.load %arg3[%get3A_5, %get3A_6] : memref<2000x1xf32, #tpu.memory_space<vmem>>, vector<2000x1xf32>
    %mul3A = vector.broadcast %get3A_7 : vector<2000x1xf32> to vector<2000x128xf32>
    %mul3A_8 = arith.mulf %add3A, %mul3A : vector<2000x128xf32>
    %get3A_9 = arith.constant 0 : index
    %get3A_10 = arith.constant 0 : index
    %get3A_11 = vector.load %arg5[%get3A_9, %get3A_10] : memref<128x256xf32, #tpu.memory_space<vmem>>, vector<128x256xf32>
    %dot_general3A = arith.constant dense<0.000000e+00> : vector<2000x256xf32>
    %dot_general3A_12 = tpu.matmul %mul3A_8, %get3A_11, %dot_general3A {dimension_numbers = #tpu.dot_dimension_numbers<[1], [0], [0], [1], [0, 0, 1, 1], [], []>, transpose_lhs_hint = false} : vector<2000x128xf32>, vector<128x256xf32>, vector<2000x256xf32> -> vector<2000x256xf32>
    %tanh3A = math.tanh %dot_general3A_12 : vector<2000x256xf32>
    %get3A_13 = arith.constant 0 : index
    %get3A_14 = arith.constant 0 : index
    %get3A_15 = vector.load %arg4[%get3A_13, %get3A_14] : memref<2000x1xf32, #tpu.memory_space<vmem>>, vector<2000x1xf32>
    %mul3A_16 = vector.broadcast %get3A_15 : vector<2000x1xf32> to vector<2000x256xf32>
    %mul3A_17 = arith.mulf %tanh3A, %mul3A_16 : vector<2000x256xf32>
    %slice3A = vector.extract_strided_slice %mul3A_17 {offsets = [0, 0], sizes = [2000, 128], strides = [1, 1]} : vector<2000x256xf32> to vector<2000x128xf32>
    %swap3A = arith.constant 0 : index
    %swap3A_18 = arith.constant 0 : index
    %swap3A_19 = vector.load %arg6[%swap3A, %swap3A_18] : memref<2000x128xf32, #tpu.memory_space<vmem>>, vector<2000x128xf32>
    tpu.vector_store %arg6[%swap3A, %swap3A_18], %slice3A {strides = array<i32>} : memref<2000x128xf32, #tpu.memory_space<vmem>>, vector<2000x128xf32>,
    %slice3A_20 = vector.extract_strided_slice %mul3A_17 {offsets = [0, 128], sizes = [2000, 128], strides = [1, 1]} : vector<2000x256xf32> to vector<2000x128xf32>
    %swap3A_21 = arith.constant 0 : index
    %swap3A_22 = arith.constant 0 : index
    %swap3A_23 = vector.load %arg7[%swap3A_21, %swap3A_22] : memref<2000x128xf32, #tpu.memory_space<vmem>>, vector<2000x128xf32>
    tpu.vector_store %arg7[%swap3A_21, %swap3A_22], %slice3A_20 {strides = array<i32>} : memref<2000x128xf32, #tpu.memory_space<vmem>>, vector<2000x128xf32>,
    return
  }
  func.func @transform_0(%arg0: i32) -> (i32, i32) {
    %c0_i32 = arith.constant 0 : i32
    %c0_i32_0 = arith.constant 0 : i32
    return %arg0, %c0_i32 : i32, i32
  }
  func.func @transform_1(%arg0: i32) -> (i32, i32) {
    %c0_i32 = arith.constant 0 : i32
    %c0_i32_0 = arith.constant 0 : i32
    return %arg0, %c0_i32 : i32, i32
  }
  func.func @transform_2(%arg0: i32) -> (i32, i32) {
    %c0_i32 = arith.constant 0 : i32
    %c0_i32_0 = arith.constant 0 : i32
    return %arg0, %c0_i32 : i32, i32
  }
  func.func @transform_3(%arg0: i32) -> (i32, i32) {
    %c0_i32 = arith.constant 0 : i32
    %c0_i32_0 = arith.constant 0 : i32
    return %arg0, %c0_i32 : i32, i32
  }
  func.func @transform_4(%arg0: i32) -> (i32, i32) {
    %c0_i32 = arith.constant 0 : i32
    %c0_i32_0 = arith.constant 0 : i32
    %c0_i32_1 = arith.constant 0 : i32
    return %c0_i32, %c0_i32_0 : i32, i32
  }
  func.func @transform_5(%arg0: i32) -> (i32, i32) {
    %c0_i32 = arith.constant 0 : i32
    %c0_i32_0 = arith.constant 0 : i32
    return %arg0, %c0_i32 : i32, i32
  }
  func.func @transform_6(%arg0: i32) -> (i32, i32) {
    %c0_i32 = arith.constant 0 : i32
    %c0_i32_0 = arith.constant 0 : i32
    return %arg0, %c0_i32 : i32, i32
  }
}

module attributes {stable_mosaic.version = 14 : i64} {
  func.func @_mix2_body(%arg0: i32, %arg1: memref<2000x128xf32, #tpu.memory_space<vmem>>, %arg2: memref<2000x128xf32, #tpu.memory_space<vmem>>, %arg3: memref<2000x1xf32, #tpu.memory_space<vmem>>, %arg4: memref<2000x1xf32, #tpu.memory_space<vmem>>, %arg5: memref<256x256xf32, #tpu.memory_space<vmem>>, %arg6: memref<256x48xf32, #tpu.memory_space<vmem>>, %arg7: memref<2000x48xf32, #tpu.memory_space<vmem>>) attributes {dimension_semantics = [#tpu.dimension_semantics<arbitrary>], iteration_bounds = array<i64: 5>, scalar_prefetch = 0 : i64, scratch_operands = 0 : i64, tpu.core_type = #tpu.core_type<tc>, window_params = [{transform_indices = @transform_0, window_bounds = array<i64: 2000, 128>}, {transform_indices = @transform_1, window_bounds = array<i64: 2000, 128>}, {transform_indices = @transform_2, window_bounds = array<i64: 2000, 1>}, {transform_indices = @transform_3, window_bounds = array<i64: 2000, 1>}, {pipeline_mode = #tpu.pipeline_mode<synchronous>, transform_indices = @transform_4, window_bounds = array<i64: 256, 256>}, {pipeline_mode = #tpu.pipeline_mode<synchronous>, transform_indices = @transform_5, window_bounds = array<i64: 256, 48>}, {transform_indices = @transform_6, window_bounds = array<i64: 2000, 48>}]} {
    %get3A = arith.constant 0 : index
    %get3A_0 = arith.constant 0 : index
    %get3A_1 = vector.load %arg1[%get3A, %get3A_0] : memref<2000x128xf32, #tpu.memory_space<vmem>>, vector<2000x128xf32>
    %get3A_2 = arith.constant 0 : index
    %get3A_3 = arith.constant 0 : index
    %get3A_4 = vector.load %arg2[%get3A_2, %get3A_3] : memref<2000x128xf32, #tpu.memory_space<vmem>>, vector<2000x128xf32>
    %concatenate3A = tpu.concatenate %get3A_1, %get3A_4 in 1 : vector<2000x128xf32>, vector<2000x128xf32> -> vector<2000x256xf32>
    %get3A_5 = arith.constant 0 : index
    %get3A_6 = arith.constant 0 : index
    %get3A_7 = vector.load %arg3[%get3A_5, %get3A_6] : memref<2000x1xf32, #tpu.memory_space<vmem>>, vector<2000x1xf32>
    %mul3A = vector.broadcast %get3A_7 : vector<2000x1xf32> to vector<2000x256xf32>
    %mul3A_8 = arith.mulf %concatenate3A, %mul3A : vector<2000x256xf32>
    %get3A_9 = arith.constant 0 : index
    %get3A_10 = arith.constant 0 : index
    %get3A_11 = vector.load %arg5[%get3A_9, %get3A_10] : memref<256x256xf32, #tpu.memory_space<vmem>>, vector<256x256xf32>
    %dot_general3A = arith.constant dense<0.000000e+00> : vector<2000x256xf32>
    %dot_general3A_12 = tpu.matmul %mul3A_8, %get3A_11, %dot_general3A {dimension_numbers = #tpu.dot_dimension_numbers<[1], [0], [0], [1], [0, 0, 1, 1], [], []>, transpose_lhs_hint = false} : vector<2000x256xf32>, vector<256x256xf32>, vector<2000x256xf32> -> vector<2000x256xf32>
    %tanh3A = math.tanh %dot_general3A_12 : vector<2000x256xf32>
    %get3A_13 = arith.constant 0 : index
    %get3A_14 = arith.constant 0 : index
    %get3A_15 = vector.load %arg4[%get3A_13, %get3A_14] : memref<2000x1xf32, #tpu.memory_space<vmem>>, vector<2000x1xf32>
    %mul3A_16 = vector.broadcast %get3A_15 : vector<2000x1xf32> to vector<2000x256xf32>
    %mul3A_17 = arith.mulf %tanh3A, %mul3A_16 : vector<2000x256xf32>
    %get3A_18 = arith.constant 0 : index
    %get3A_19 = arith.constant 0 : index
    %get3A_20 = vector.load %arg6[%get3A_18, %get3A_19] : memref<256x48xf32, #tpu.memory_space<vmem>>, vector<256x48xf32>
    %dot_general3A_21 = arith.constant dense<0.000000e+00> : vector<2000x48xf32>
    %dot_general3A_22 = tpu.matmul %mul3A_17, %get3A_20, %dot_general3A_21 {dimension_numbers = #tpu.dot_dimension_numbers<[1], [0], [0], [1], [0, 0, 1, 1], [], []>, transpose_lhs_hint = false} : vector<2000x256xf32>, vector<256x48xf32>, vector<2000x48xf32> -> vector<2000x48xf32>
    %swap3A = arith.constant 0 : index
    %swap3A_23 = arith.constant 0 : index
    %swap3A_24 = vector.load %arg7[%swap3A, %swap3A_23] : memref<2000x48xf32, #tpu.memory_space<vmem>>, vector<2000x48xf32>
    tpu.vector_store %arg7[%swap3A, %swap3A_23], %dot_general3A_22 {strides = array<i32>} : memref<2000x48xf32, #tpu.memory_space<vmem>>, vector<2000x48xf32>,
    return
  }
  func.func @transform_0(%arg0: i32) -> (i32, i32) {
    %c0_i32 = arith.constant 0 : i32
    %c0_i32_0 = arith.constant 0 : i32
    return %arg0, %c0_i32 : i32, i32
  }
  func.func @transform_1(%arg0: i32) -> (i32, i32) {
    %c0_i32 = arith.constant 0 : i32
    %c0_i32_0 = arith.constant 0 : i32
    return %arg0, %c0_i32 : i32, i32
  }
  func.func @transform_2(%arg0: i32) -> (i32, i32) {
    %c0_i32 = arith.constant 0 : i32
    %c0_i32_0 = arith.constant 0 : i32
    return %arg0, %c0_i32 : i32, i32
  }
  func.func @transform_3(%arg0: i32) -> (i32, i32) {
    %c0_i32 = arith.constant 0 : i32
    %c0_i32_0 = arith.constant 0 : i32
    return %arg0, %c0_i32 : i32, i32
  }
  func.func @transform_4(%arg0: i32) -> (i32, i32) {
    %c0_i32 = arith.constant 0 : i32
    %c0_i32_0 = arith.constant 0 : i32
    %c0_i32_1 = arith.constant 0 : i32
    return %c0_i32, %c0_i32_0 : i32, i32
  }
  func.func @transform_5(%arg0: i32) -> (i32, i32) {
    %c0_i32 = arith.constant 0 : i32
    %c0_i32_0 = arith.constant 0 : i32
    %c0_i32_1 = arith.constant 0 : i32
    return %c0_i32, %c0_i32_0 : i32, i32
  }
  func.func @transform_6(%arg0: i32) -> (i32, i32) {
    %c0_i32 = arith.constant 0 : i32
    %c0_i32_0 = arith.constant 0 : i32
    return %arg0, %c0_i32 : i32, i32
  }
}

module attributes {stable_mosaic.version = 14 : i64} {
  func.func @_fin_body(%arg0: i32, %arg1: memref<2000x48xf32, #tpu.memory_space<vmem>>, %arg2: memref<2000x48xf32, #tpu.memory_space<vmem>>, %arg3: memref<2000x1xf32, #tpu.memory_space<vmem>>, %arg4: memref<2000x32xf32, #tpu.memory_space<vmem>>, %arg5: memref<2000x1xf32, #tpu.memory_space<vmem>>) attributes {dimension_semantics = [#tpu.dimension_semantics<arbitrary>], iteration_bounds = array<i64: 5>, scalar_prefetch = 0 : i64, scratch_operands = 0 : i64, tpu.core_type = #tpu.core_type<tc>, window_params = [{transform_indices = @transform_0, window_bounds = array<i64: 2000, 48>}, {transform_indices = @transform_1, window_bounds = array<i64: 2000, 48>}, {transform_indices = @transform_2, window_bounds = array<i64: 2000, 1>}, {transform_indices = @transform_3, window_bounds = array<i64: 2000, 32>}, {transform_indices = @transform_4, window_bounds = array<i64: 2000, 1>}]} {
    %get3A = arith.constant 0 : index
    %get3A_0 = arith.constant 0 : index
    %get3A_1 = vector.load %arg1[%get3A, %get3A_0] : memref<2000x48xf32, #tpu.memory_space<vmem>>, vector<2000x48xf32>
    %get3A_2 = arith.constant 0 : index
    %get3A_3 = arith.constant 0 : index
    %get3A_4 = vector.load %arg2[%get3A_2, %get3A_3] : memref<2000x48xf32, #tpu.memory_space<vmem>>, vector<2000x48xf32>
    %add3A = arith.addf %get3A_1, %get3A_4 : vector<2000x48xf32>
    %get3A_5 = arith.constant 0 : index
    %get3A_6 = arith.constant 0 : index
    %get3A_7 = vector.load %arg3[%get3A_5, %get3A_6] : memref<2000x1xf32, #tpu.memory_space<vmem>>, vector<2000x1xf32>
    %mul3A = vector.broadcast %get3A_7 : vector<2000x1xf32> to vector<2000x48xf32>
    %mul3A_8 = arith.mulf %add3A, %mul3A : vector<2000x48xf32>
    %slice3A = vector.extract_strided_slice %mul3A_8 {offsets = [0, 0], sizes = [2000, 32], strides = [1, 1]} : vector<2000x48xf32> to vector<2000x32xf32>
    %mul3A_9 = arith.mulf %slice3A, %slice3A : vector<2000x32xf32>
    %reduce_sum3A = arith.constant dense<0.000000e+00> : vector<2000xf32>
    %reduce_sum3A_10 = vector.multi_reduction <add>, %mul3A_9, %reduce_sum3A [1] : vector<2000x32xf32> to vector<2000xf32>
    %broadcast_in_dim3A = vector.shape_cast %reduce_sum3A_10 : vector<2000xf32> to vector<2000x1xf32>
    %sqrt3A = math.sqrt %broadcast_in_dim3A : vector<2000x1xf32>
    %add3A_11 = arith.constant 9.99999974E-5 : f32
    %add3A_12 = vector.broadcast %add3A_11 : f32 to vector<2000x1xf32>
    %add3A_13 = arith.addf %add3A_12, %sqrt3A : vector<2000x1xf32>
    %div3A = vector.broadcast %add3A_13 : vector<2000x1xf32> to vector<2000x32xf32>
    %div3A_14 = arith.divf %slice3A, %div3A : vector<2000x32xf32>
    %swap3A = arith.constant 0 : index
    %swap3A_15 = arith.constant 0 : index
    %swap3A_16 = vector.load %arg4[%swap3A, %swap3A_15] : memref<2000x32xf32, #tpu.memory_space<vmem>>, vector<2000x32xf32>
    tpu.vector_store %arg4[%swap3A, %swap3A_15], %div3A_14 {strides = array<i32>} : memref<2000x32xf32, #tpu.memory_space<vmem>>, vector<2000x32xf32>,
    %slice3A_17 = vector.extract_strided_slice %mul3A_8 {offsets = [0, 32], sizes = [2000, 1], strides = [1, 1]} : vector<2000x48xf32> to vector<2000x1xf32>
    %abs3A = math.absf %slice3A_17 : vector<2000x1xf32>
    %neg3A = arith.constant 0.000000e+00 : f32
    %neg3A_18 = vector.broadcast %neg3A : f32 to vector<2000x1xf32>
    %neg3A_19 = arith.subf %neg3A_18, %abs3A : vector<2000x1xf32>
    %exp3A = math.exp %neg3A_19 : vector<2000x1xf32>
    %log1p3A = math.log1p %exp3A : vector<2000x1xf32>
    %max3A = arith.constant 0.000000e+00 : f32
    %max3A_20 = vector.broadcast %max3A : f32 to vector<2000x1xf32>
    %max3A_21 = arith.maximumf %slice3A_17, %max3A_20 : vector<2000x1xf32>
    %add3A_22 = arith.addf %log1p3A, %max3A_21 : vector<2000x1xf32>
    %add3A_23 = arith.constant 1.000000e+00 : f32
    %add3A_24 = vector.broadcast %add3A_23 : f32 to vector<2000x1xf32>
    %add3A_25 = arith.addf %add3A_22, %add3A_24 : vector<2000x1xf32>
    %swap3A_26 = arith.constant 0 : index
    %swap3A_27 = arith.constant 0 : index
    %swap3A_28 = vector.load %arg5[%swap3A_26, %swap3A_27] : memref<2000x1xf32, #tpu.memory_space<vmem>>, vector<2000x1xf32>
    tpu.vector_store %arg5[%swap3A_26, %swap3A_27], %add3A_25 {strides = array<i32>} : memref<2000x1xf32, #tpu.memory_space<vmem>>, vector<2000x1xf32>,
    return
  }
  func.func @transform_0(%arg0: i32) -> (i32, i32) {
    %c0_i32 = arith.constant 0 : i32
    %c0_i32_0 = arith.constant 0 : i32
    return %arg0, %c0_i32 : i32, i32
  }
  func.func @transform_1(%arg0: i32) -> (i32, i32) {
    %c0_i32 = arith.constant 0 : i32
    %c0_i32_0 = arith.constant 0 : i32
    return %arg0, %c0_i32 : i32, i32
  }
  func.func @transform_2(%arg0: i32) -> (i32, i32) {
    %c0_i32 = arith.constant 0 : i32
    %c0_i32_0 = arith.constant 0 : i32
    return %arg0, %c0_i32 : i32, i32
  }
  func.func @transform_3(%arg0: i32) -> (i32, i32) {
    %c0_i32 = arith.constant 0 : i32
    %c0_i32_0 = arith.constant 0 : i32
    return %arg0, %c0_i32 : i32, i32
  }
  func.func @transform_4(%arg0: i32) -> (i32, i32) {
    %c0_i32 = arith.constant 0 : i32
    %c0_i32_0 = arith.constant 0 : i32
    return %arg0, %c0_i32 : i32, i32
  }
}

</mosaic_0001>

<sc_bundles>
// kernel: kernel.11.cloned.1.call-start
scs
__scs_entry_jumppad:
0x0: {  	(pc) =	sbr.rel $0x88, $3  }
0x1: {  	(tag) =	ssettag $0x0;
	lr =	simm.s32 $0x1  }
0x2: {  	[smem:$0x3F95] =	sst lr;
	_ =	strace $0xD0000000  }
0x3: {  	_ = 	snop  }
0x4: {  	_ = 	snop  }
0x5: {  	_ = 	snop  }
0x6: {  	_ = 	snop  }
0x7: {  	_ = 	snop  }
__scs_overlays_trampoline_lowered:
0x8: {  	[smem:$0x3FA4] =	sst s0  }
0x9: {  	[smem:$0x3FA5] =	sst s1  }
0xa: {  	[smem:$0x3FA6] =	sst s2  }
0xb: {  	[smem:$0x3FA7] =	sst s3  }
0xc: {  	[smem:$0x3FA8] =	sst s4  }
0xd: {  	[smem:$0x3FA9] =	sst s5  }
0xe: {  	[smem:$0x3FAA] =	sst s6  }
0xf: {  	[smem:$0x3FAB] =	sst s7  }
0x10: {  	[smem:$0x3FAC] =	sst s8  }
0x11: {  	[smem:$0x3FAD] =	sst s9;
	s0 =	simm.s32 @!p0 $0x0  }
0x12: {  	s1 =	sld [smem:$0x3F93];
	s0 =	simm.s32 @p0 $0x1  }
0x13: {  	[smem:$0x3FAE] =	sst s0;
	s0 =	simm.s32 @!p1 $0x0  }
0x14: {  	s2 =	sld [smem:$0x3F92];
	s0 =	simm.s32 @p1 $0x1  }
0x15: {  	[smem:$0x3FAF] =	sst s0;
	s0 =	simm.s32 @!p2 $0x0  }
0x16: {  	s3 =	sld [smem:$0x3FDB];
	s0 =	simm.s32 @p2 $0x1  }
0x17: {  	s4 =	simm.s32 $0x1BF5;
	[smem:$0x3FB1] =	sst s0  }
0x18: {  	s0 =	sld [smem:$0x3F94];
	_ =	swait.ge [sflag:s4], $0x0  }
0x19: {  	s7 =	sld [smem:$0x3F95]  }
0x1a: {  	s8 =	sadd.s32 $0xFFFFE003, lr  }
0x1b: {  	s9 =	sadd.s32 $0xFFFFFEF7, lr;
	s5 =	simm.s32 $0xFFFFFFFF;
	p2 =	slt.u32 s8, $0xFFFFF086  }
0x1c: {  	p1 =	slt.u32 s9, $0xF7A;
	s5 =	simm.s32 @!p2 $0x0  }
0x1d: {  	s5 =	simm.s32 @p1 $0x1;
	p0 =	seq.s32 s7, s2  }
0x1e: {  	s7 =	smul.u32 @!p0 $0xF7A, s2;
	p2 =	seq.s32 @!p0 s5, $0x0  }
0x1f: {  	s9 =	smul.u32 $0xF7A, s1;
	s8 =	simm.s32 @!p0 $0x1BF5;
	p2 =	por !p2, p0  }
0x20: {  	[sflag:s8] =	ssyncset.s32 @!p0 $0xFFFFF086;
	s6 =	sadd.s32 @!p0 s3, s7;
	s7 =	simm.s32 @!p0 $0x108  }
0x21: {  	s3 =	sadd.s32 s3, s9;
	s6 =	sadd.s32 @!p0 $0x88, s6;
	s7 =	simm.s32 @p2 $0x1082  }
0x22: {  	[simem:s7], [sflag:s8] =	dma.local @!p0 [hbm:s6], $0xF7A  }
0x23: {  	s9 =	sor.u32 $0xD0000000, s2;
	s6 =	simm.s32 $0x108;
	_ =	swait.ge @!p0 [sflag:s8], $0x0  }
0x24: {  	s3 =	sadd.s32 $0x88, s3;
	s6 =	simm.s32 @!p1 $0x1082;
	[sflag:s4] =	ssyncset.s32 $0xFFFFF086  }
0x25: {  	[simem:s6], [sflag:s4] =	dma.local [hbm:s3], $0xF7A  }
0x26: {  	[smem:$0x3F95] =	sst s1;
	(tag) =	ssettag s2;
	_ =	strace s9  }
0x27: {  	s1 =	sld [smem:$0x3FA5]  }
0x28: {  	s2 =	sld [smem:$0x3FA6]  }
0x29: {  	s4 =	sld [smem:$0x3FA8]  }
0x2a: {  	p0 =	seq.s32 s5, $0x0;
	s5 =	sld [smem:$0x3FA9]  }
0x2b: {  	s6 =	sld [smem:$0x3FAA]  }
0x2c: {  	s7 =	sld [smem:$0x3FAB]  }
0x2d: {  	s3 =	simm.s32 $0x108;
	s8 =	sld [smem:$0x3FAC]  }
0x2e: {  	s3 =	simm.s32 @!p0 $0x1082;
	s9 =	sld [smem:$0x3FAD]  }
0x2f: {  	lr =	sadd.s32 s0, s3;
	s0 =	sld [smem:$0x3FA4]  }
0x30: {  	s3 =	sld [smem:$0x3FA7]  }
0x31: {  	[smem:$0x3FB0] =	sst s10  }
0x32: {  	s10 =	sld [smem:$0x3FAE];
	_ =	sdelay $0x3  }
0x33: {  	p0 =	seq.s32 s10, $0x1;
	s10 =	sld [smem:$0x3FB0];
	_ =	sdelay $0x3  }
0x34: {  	[smem:$0x3FB0] =	sst s10  }
0x35: {  	s10 =	sld [smem:$0x3FAF];
	_ =	sdelay $0x3  }
0x36: {  	p1 =	seq.s32 s10, $0x1;
	s10 =	sld [smem:$0x3FB0];
	_ =	sdelay $0x3  }
0x37: {  	[smem:$0x3FB0] =	sst s10  }
0x38: {  	s10 =	sld [smem:$0x3FB1]  }
0x39: {  	_ = 	snop;
	(pc) =	sbr.ind lr, $3  }
0x3a: {  	_ = 	snop  }
0x3b: {  	_ = 	snop  }
0x3c: {  	p2 =	seq.s32 s10, $0x1;
	s10 =	sld [smem:$0x3FB0]  }
0x3d: {  	_ =	shalt  }
0x3e: {  	_ =	shalt  }
0x3f: {  	_ =	shalt  }
0x40: {  	_ =	shalt  }
0x41: {  	_ =	shalt  }
0x42: {  	_ =	shalt  }
0x43: {  	_ =	shalt  }
0x44: {  	_ =	shalt  }
0x45: {  	_ =	shalt  }
0x46: {  	_ =	shalt  }
0x47: {  	_ =	shalt  }
0x48: {  	_ =	shalt  }
0x49: {  	_ =	shalt  }
0x4a: {  	_ =	shalt  }
0x4b: {  	_ =	shalt  }
0x4c: {  	_ =	shalt  }
0x4d: {  	_ =	shalt  }
0x4e: {  	_ =	shalt  }
0x4f: {  	_ =	shalt  }
0x50: {  	_ =	shalt  }
0x51: {  	_ =	shalt  }
0x52: {  	_ =	shalt  }
0x53: {  	_ =	shalt  }
0x54: {  	_ =	shalt  }
0x55: {  	_ =	shalt  }
0x56: {  	_ =	shalt  }
0x57: {  	_ =	shalt  }
0x58: {  	_ =	shalt  }
0x59: {  	_ =	shalt  }
0x5a: {  	_ =	shalt  }
0x5b: {  	_ =	shalt  }
0x5c: {  	_ =	shalt  }
0x5d: {  	_ =	shalt  }
0x5e: {  	_ =	shalt  }
0x5f: {  	_ =	shalt  }
0x60: {  	_ =	shalt  }
0x61: {  	_ =	shalt  }
0x62: {  	_ =	shalt  }
0x63: {  	_ =	shalt  }
0x64: {  	_ =	shalt  }
0x65: {  	_ =	shalt  }
0x66: {  	_ =	shalt  }
0x67: {  	_ =	shalt  }
0x68: {  	_ =	shalt  }
0x69: {  	_ =	shalt  }
0x6a: {  	_ =	shalt  }
0x6b: {  	_ =	shalt  }
0x6c: {  	_ =	shalt  }
0x6d: {  	_ =	shalt  }
0x6e: {  	_ =	shalt  }
0x6f: {  	_ =	shalt  }
0x70: {  	_ =	shalt  }
0x71: {  	_ =	shalt  }
0x72: {  	_ =	shalt  }
0x73: {  	_ =	shalt  }
0x74: {  	_ =	shalt  }
0x75: {  	_ =	shalt  }
0x76: {  	_ =	shalt  }
0x77: {  	_ =	shalt  }
0x78: {  	_ =	shalt  }
0x79: {  	_ =	shalt  }
0x7a: {  	_ =	shalt  }
0x7b: {  	_ =	shalt  }
0x7c: {  	_ =	shalt  }
0x7d: {  	_ =	shalt  }
0x7e: {  	_ =	shalt  }
0x7f: {  	_ =	shalt  }
0x80: {  	_ =	shalt  }
0x81: {  	_ =	shalt  }
0x82: {  	_ =	shalt  }
0x83: {  	_ =	shalt  }
0x84: {  	_ =	shalt  }
0x85: {  	_ =	shalt  }
0x86: {  	_ =	shalt  }
0x87: {  	_ =	shalt  }
.Lfunc_end0:
.L_simem_size_0:
called_computation_lowered:
.L_overlay_start_0:
0x88: {  	s2 =	sld [smem:$0x3FD9]  }
0x89: {  	s3 =	sld [smem:$0x3FFE];
	_ =	sdelay $0x1  }
0x8a: {  	s1 =	srdreg.scid  }
0x8b: {  	s0 =	sand.u32 $0x1, s1  }
0x8c: {  	s14 =	sshll.u32 s0, $0xA;
	s2 =	sadd.s32 s3, s2  }
0x8d: {  	s2 =	sadd.s32 s2, s14  }
0x8e: {  	[smem:$0x3FBC] =	sst s2  }
0x8f: {  	_ = 	snop  }
0x90: {  	s2 =	sld [smem:$0x3FD0];
	_ =	sdelay $0x2  }
0x91: {  	s15 =	simm.s32 $0xA;
	s4 =	simm.s32 $0x10  }
0x92: {  	[smem:s4], [sflag:s15] =	dma.local [hbm:s2], $0x1  }
0x93: {  	_ =	swait.eq [sflag:s15], $0x1  }
0x94: {  	[sflag:s15] =	ssyncset.done $0x0  }
0x95: {  	[sflag:s15] =	ssyncadd.s32 $0xFFFFFFFF  }
0x96: {  	s16 =	sld [smem:$0x11];
	(tm) =	ssettm $0x1  }
0x97: {  	s17 =	sld [smem:$0x3FFB];
	_ =	sdelay $0x3  }
0x98: {  	_ =	strace s17  }
0x99: {  	s3 =	sld [smem:$0x3FFC];
	_ =	sdelay $0x3  }
0x9a: {  	_ =	strace s3  }
0x9b: {  	s3 =	sld [smem:$0x3FFD];
	_ =	sdelay $0x3  }
0x9c: {  	_ =	strace s3  }
0x9d: {  	_ =	strace $0x8FFFFFFF  }
0x9e: {  	s18 =	sld [smem:$0x3FDB];
	_ =	sdelay $0x1  }
0x9f: {  	s19 =	simm.s32 $_scs_section_size  }
0xa0: {  	s5 =	simm.s32 $_size__tile_overlayer_lowered;
	s6 =	simm.s32 $_tile_overlayer_lowered  }
0xa1: {  	s22 =	simm.s32 $0x1BFF;
	s21 =	sshll.u32 s6, $0x1;
	s3 =	sadd.s32 s19, s18  }
0xa2: {  	s7 =	simm.s32 $0x0;
	s20 =	sshll.u32 s5, $0x1;
	s5 =	sadd.s32 s21, s3  }
0xa3: {  	[timem:s7], [sflag:s22] =	dma.local [hbm:s5], s20  }
0xa4: {  	_ =	swait.ge [sflag:s22], s20  }
0xa5: {  	s4 =	ssub.s32 $0x0, s20;
	[sflag:s22] =	ssyncset.done $0x0  }
0xa6: {  	[sflag:s22] =	ssyncadd.s32 s4;
	_ =	sdelay $0x1  }
0xa7: {  	s23 =	simm.s32 $0x1B8B  }
0xa8: {  	_ =	swait.ge [sflag:s23], $0x1  }
0xa9: {  	[sflag:s23] =	ssyncset.done $0x0  }
0xaa: {  	s25 =	simm.s32 $0x1B8E;
	s24 =	sld [smem:$0x3FFE];
	[sflag:s23] =	ssyncadd.s32 $0xFFFFFFFF  }
0xab: {  	s26 =	simm.s32 $execute0_lowered;
	[smem:$0x3FD2] =	sst s25  }
0xac: {  	s5 =	sshll.u32 s26, $0x1;
	_ =	strace $0x80000046;
	[dreg:$0x1] =	wrdreg $0xFFFFFFFF  }
0xad: {  	s28 =	simm.s32 $_size_execute0_lowered;
	s3 =	sadd.s32 s3, s5;
	[dreg:$0x0] =	wrdreg $0x0  }
0xae: {  	s5 =	sshll.u32 s28, $0x1;
	[dreg:$0x2] =	wrdreg s3  }
0xaf: {  	[dreg:$0x3] =	wrdreg s5  }
0xb0: {  	[dreg:$0x4] =	wrdreg $0xC0  }
0xb1: {  	_ =	task [dreg:s7], $0x5FFFF  }
0xb2: {  	[dreg:$0x1] =	wrdreg $0xFFFFFFFF  }
0xb3: {  	[dreg:$0x0] =	wrdreg $0x60  }
0xb4: {  	[dreg:$0x2] =	wrdreg s24  }
0xb5: {  	[dreg:$0x3] =	wrdreg s16  }
0xb6: {  	[dreg:$0x4] =	wrdreg $0x9  }
0xb7: {  	_ =	task.clear_ibuf [dreg:s7], $0x5FFFF;
	_ =	strace $0x90000046  }
0xb8: {  	s29 =	simm.s32 $0x9;
	_ =	strace $0x80000048  }
0xb9: {  	_ =	swait.ge [sflag:s29], $0x1  }
0xba: {  	[sflag:s29] =	ssyncadd.s32 $0xFFFFFFFF  }
0xbb: {  	_ =	strace $0x90000048  }
0xbc: {  	_ =	sfence  }
0xbd: {  	s30 =	sld [smem:$0x0];
	_ =	sdelay $0x2  }
0xbe: {  	s31 =	sshll.u32 s1, $0xD;
	s1 =	sshrl.u32 s1, $0x2  }
0xbf: {  	s3 =	sand.u32 $0x4000, s31;
	s1 =	sadd.s32 s1, s30  }
0xc0: {  	s0 =	sor.u32 s3, s0;
	s1 =	sshll.u32 s1, $0x11  }
0xc1: {  	s0 =	sor.u32 s1, s0  }
0xc2: {  	s0 =	sadd.s32 $0x8F2B, s0  }
0xc3: {  	[sflag:s0] =	ssyncadd.remote.s32 $0x1  }
0xc4: {  	_ =	sfence.sel $0xFFFF  }
0xc5: {  	[dreg:$0x0] =	wrdreg $0xFFFFFFFF;
	(pc) =	sbr.abs _section_cstart, $3  }
0xc6: {  	[dreg:$0x1] =	wrdreg $0xFFFFFFFF  }
0xc7: {  	_ =	task.clear_ibuf [dreg:s7], $0x2FFFF;
	_ =	strace $0x9FFFFFFF  }
0xc8: {  	(tm) =	ssettm $0x7FFFFFFF  }
0xc9: {  	_ =	shalt  }
tec
execute0_lowered:
.L_overlay_start_1:
0x0: {  	(tag) =	ssettag $0x1  }
0x1: {  	s4 =	rddreg [dreg:$0x0]  }
0x2: {  	s0 =	srdreg.scid;
	s2 =	rddreg [dreg:$0x1]  }
0x3: {  	s1 =	rddreg [dreg:$0x2];
	s3 =	simm.s32 $0x0;
	s5 =	sand.u32 $0x1, s0  }
0x4: {  	s10 =	simm.s32 $0x2;
	s0 =	stileid.u32;
	s6 =	smul.u32 $0xA00, s5  }
0x5: {  	s11 =	simm.s32 $0x0;
	[smem:$0x7FF] =	sst s3;
	s7 =	smul.u32 $0xA0, s0  }
0x6: {  	s8 =	sshll.u32 s5, $0x4;
	_ =	strace $0x80000047;
	s5 =	ssub.s32 $0x2, s5  }
0x7: {  	s8 =	sor.u32 s0, s8;
	s31 =	sshrl.u32 s5, $0x1;
	s6 =	sadd.s32 s7, s6  }
0x8: {  	s8 =	smul.u32 $0x500, s8;
	s7 =	ssub.s32 $0x9C4, s7;
	s9 =	ssub.s32 s5, s31  }
0x9: {  	s6 =	sshll.u32 s6, $0x4;
	s5 =	smin.u32 s7, $0xA0;
	s7 =	smax.u32 s9, $0x1  }
0xa: {  	s9 =	simm.s32 $0x1;
	s6 =	sadd.s32 s6, s4;
	s8 =	sadd.s32 s8, s4  }
0xb: {  	v0 =	vimm.f32 $1.000000000e+00;
	s4 =	sadd.s32 $0x4A00, s6;
	s6 =	sadd.s32 $0x18A00, s8;
	s8 =	simm.s32 $0x5000  }
.LBB2_1:
0xc: {  	[tilespmem:s8], [sflag:$0x1] =	stream.linear.gather [hbm4b:s2+s3], $0x2800, $0x38;
	[tilespmem:$0x7800] =	vst v63  }
0xd: {  	_ =	swait.ge [sflag:s9], $0x2800  }
0xe: {  	[sflag:s9] =	ssyncset.done $0x0  }
0xf: {  	[sflag:s9] =	ssyncadd.s32 $0xFFFFD800  }
0x10: {  	[tilespmem:s3], [sflag:$0x2] =	stream.linear.gather [hbm4b:s4+s3], $0x5000, $0x38;
	[tilespmem:$0x7800] =	vst v63  }
0x11: {  	_ =	swait.ge [sflag:s10], $0x5000  }
0x12: {  	[sflag:s10] =	ssyncset.done $0x0  }
0x13: {  	s12 =	simm.s32 $0x40;
	s13 =	smov.u32 s5;
	[sflag:s10] =	ssyncadd.s32 $0xFFFFB000  }
.LBB2_2:
0x14: {  	v1 =	vld [tilespmem:s12+$0xFFFFFFC0];
	_ =	sdelay $0x7  }
0x15: {  	[tilespmem:v1+s8+$0x0] =	vst.idx.add.f32.msk $0xffff, v0  }
0x16: {  	v1 =	vld [tilespmem:s12+$0xFFFFFFD0];
	_ =	sdelay $0x7  }
0x17: {  	[tilespmem:v1+s8+$0x0] =	vst.idx.add.f32.msk $0xffff, v0  }
0x18: {  	v1 =	vld [tilespmem:s12+$0xFFFFFFE0];
	_ =	sdelay $0x7  }
0x19: {  	[tilespmem:v1+s8+$0x0] =	vst.idx.add.f32.msk $0xffff, v0  }
0x1a: {  	v1 =	vld [tilespmem:s12+$0xFFFFFFF0];
	_ =	sdelay $0x7  }
0x1b: {  	[tilespmem:v1+s8+$0x0] =	vst.idx.add.f32.msk $0xffff, v0  }
0x1c: {  	v1 =	vld [tilespmem:s12+$0x0];
	_ =	sdelay $0x7  }
0x1d: {  	[tilespmem:v1+s8+$0x0] =	vst.idx.add.f32.msk $0xffff, v0  }
0x1e: {  	v1 =	vld [tilespmem:s12+$0x10];
	_ =	sdelay $0x7  }
0x1f: {  	[tilespmem:v1+s8+$0x0] =	vst.idx.add.f32.msk $0xffff, v0  }
0x20: {  	v1 =	vld [tilespmem:s12+$0x20];
	_ =	sdelay $0x7  }
0x21: {  	[tilespmem:v1+s8+$0x0] =	vst.idx.add.f32.msk $0xffff, v0  }
0x22: {  	v1 =	vld [tilespmem:s12+$0x30];
	_ =	sdelay $0x2  }
0x23: {  	p0 =	sne.s32 s13, $0x1  }
.Ltmp0:
0x24: {  	_ = 	snop;
	(pc) =	sbr.rel @p0 .LBB2_2-.Ltmp0, $2  }
0x25: {  	_ =	sdelay $0x2  }
0x26: {  	s13 =	sadd.s32 $0xFFFFFFFF, s13;
	s12 =	sadd.s32 $0x80, s12;
	[tilespmem:v1+s8+$0x0] =	vst.idx.add.f32.msk $0xffff, v0  }
0x27: {  	s11 =	sadd.s32 $0x1, s11  }
0x28: {  	p0 =	sne.s32 s11, s7  }
.Ltmp1:
0x29: {  	_ = 	snop;
	(pc) =	sbr.rel @p0 .LBB2_1-.Ltmp1, $4  }
0x2a: {  	[hbm4b:s6+s3] =	stream.linear.scatter [tilespmem:s8], [sflag:$0x1], $0x2800, $0x38;
	[tilespmem:$0x7800] =	vst v63  }
0x2b: {  	_ =	swait.ge [sflag:s9], $0x2800  }
0x2c: {  	[sflag:s9] =	ssyncset.done $0x0  }
0x2d: {  	[sflag:s9] =	ssyncadd.s32 $0xFFFFD800  }
0x2e: {  	_ =	sfence.sel $0x180000  }
0x2f: {  	[bflag:$0x0] =	sbarrier.arrive $0xFFFF  }
0x30: {  	p0 =	sne.s32 s0, $0x0;
	_ =	strace $0x90000047  }
0x31: {  	s0 =	sadd.s32 @!p0 $0x100000, s1;
	[bflag:$0x2] =	sbarrier.arrive $0xFFFF  }
0x32: {  	[sflag:s0] =	ssyncadd.tile.s32 @!p0 $0x1;
	_ =	shalt  }
.Lfunc_end2:
_tile_overlayer_lowered:
.L_overlay_start_2:
0x33: {  	(tag) =	ssettag $0x2  }
0x34: {  	s0 =	rddreg [dreg:$0x0];
	s2 =	stileid.u32  }
0x35: {  	s1 =	rddreg [dreg:$0x1];
	p0 =	sne.s32 s2, $0x0  }
0x36: {  	s3 =	rddreg [dreg:$0x2];
	[bflag:$0x3] =	sbarrier.arrive $0xFFFF;
	s2 =	simm.s32 @!p0 $0x1C03  }
0x37: {  	[timem:s3], [sflag:s2] =	dma.local @!p0 [hbm:s0], s1  }
0x38: {  	s0 =	simm.s32 @!p0 $0x3  }
0x39: {  	_ =	swait.ge @!p0 [sflag:s0], s1  }
0x3a: {  	s1 =	ssub.s32 @!p0 $0x0, s1;
	[sflag:s0] =	ssyncset.done @!p0 $0x0  }
0x3b: {  	[sflag:s0] =	ssyncadd.s32 @!p0 s1  }
0x3c: {  	[bflag:$0x3] =	sbarrier.arrive $0xFFFF  }
0x3d: {  	_ =	shalt  }

// kernel: kernel.14.cloned.1.call-start
scs
__scs_entry_jumppad:
0x0: {  	(pc) =	sbr.rel $0x88, $3  }
0x1: {  	(tag) =	ssettag $0x0;
	lr =	simm.s32 $0x1  }
0x2: {  	[smem:$0x3F95] =	sst lr;
	_ =	strace $0xD0000000  }
0x3: {  	_ = 	snop  }
0x4: {  	_ = 	snop  }
0x5: {  	_ = 	snop  }
0x6: {  	_ = 	snop  }
0x7: {  	_ = 	snop  }
__scs_overlays_trampoline_lowered:
0x8: {  	[smem:$0x3FA4] =	sst s0  }
0x9: {  	[smem:$0x3FA5] =	sst s1  }
0xa: {  	[smem:$0x3FA6] =	sst s2  }
0xb: {  	[smem:$0x3FA7] =	sst s3  }
0xc: {  	[smem:$0x3FA8] =	sst s4  }
0xd: {  	[smem:$0x3FA9] =	sst s5  }
0xe: {  	[smem:$0x3FAA] =	sst s6  }
0xf: {  	[smem:$0x3FAB] =	sst s7  }
0x10: {  	[smem:$0x3FAC] =	sst s8  }
0x11: {  	[smem:$0x3FAD] =	sst s9;
	s0 =	simm.s32 @!p0 $0x0  }
0x12: {  	s1 =	sld [smem:$0x3F93];
	s0 =	simm.s32 @p0 $0x1  }
0x13: {  	[smem:$0x3FAE] =	sst s0;
	s0 =	simm.s32 @!p1 $0x0  }
0x14: {  	s2 =	sld [smem:$0x3F92];
	s0 =	simm.s32 @p1 $0x1  }
0x15: {  	[smem:$0x3FAF] =	sst s0;
	s0 =	simm.s32 @!p2 $0x0  }
0x16: {  	s3 =	sld [smem:$0x3FDB];
	s0 =	simm.s32 @p2 $0x1  }
0x17: {  	s4 =	simm.s32 $0x1BF5;
	[smem:$0x3FB1] =	sst s0  }
0x18: {  	s0 =	sld [smem:$0x3F94];
	_ =	swait.ge [sflag:s4], $0x0  }
0x19: {  	s7 =	sld [smem:$0x3F95]  }
0x1a: {  	s8 =	sadd.s32 $0xFFFFE003, lr  }
0x1b: {  	s9 =	sadd.s32 $0xFFFFFEF7, lr;
	s5 =	simm.s32 $0xFFFFFFFF;
	p2 =	slt.u32 s8, $0xFFFFF086  }
0x1c: {  	p1 =	slt.u32 s9, $0xF7A;
	s5 =	simm.s32 @!p2 $0x0  }
0x1d: {  	s5 =	simm.s32 @p1 $0x1;
	p0 =	seq.s32 s7, s2  }
0x1e: {  	s7 =	smul.u32 @!p0 $0xF7A, s2;
	p2 =	seq.s32 @!p0 s5, $0x0  }
0x1f: {  	s9 =	smul.u32 $0xF7A, s1;
	s8 =	simm.s32 @!p0 $0x1BF5;
	p2 =	por !p2, p0  }
0x20: {  	[sflag:s8] =	ssyncset.s32 @!p0 $0xFFFFF086;
	s6 =	sadd.s32 @!p0 s3, s7;
	s7 =	simm.s32 @!p0 $0x108  }
0x21: {  	s3 =	sadd.s32 s3, s9;
	s6 =	sadd.s32 @!p0 $0x88, s6;
	s7 =	simm.s32 @p2 $0x1082  }
0x22: {  	[simem:s7], [sflag:s8] =	dma.local @!p0 [hbm:s6], $0xF7A  }
0x23: {  	s9 =	sor.u32 $0xD0000000, s2;
	s6 =	simm.s32 $0x108;
	_ =	swait.ge @!p0 [sflag:s8], $0x0  }
0x24: {  	s3 =	sadd.s32 $0x88, s3;
	s6 =	simm.s32 @!p1 $0x1082;
	[sflag:s4] =	ssyncset.s32 $0xFFFFF086  }
0x25: {  	[simem:s6], [sflag:s4] =	dma.local [hbm:s3], $0xF7A  }
0x26: {  	[smem:$0x3F95] =	sst s1;
	(tag) =	ssettag s2;
	_ =	strace s9  }
0x27: {  	s1 =	sld [smem:$0x3FA5]  }
0x28: {  	s2 =	sld [smem:$0x3FA6]  }
0x29: {  	s4 =	sld [smem:$0x3FA8]  }
0x2a: {  	p0 =	seq.s32 s5, $0x0;
	s5 =	sld [smem:$0x3FA9]  }
0x2b: {  	s6 =	sld [smem:$0x3FAA]  }
0x2c: {  	s7 =	sld [smem:$0x3FAB]  }
0x2d: {  	s3 =	simm.s32 $0x108;
	s8 =	sld [smem:$0x3FAC]  }
0x2e: {  	s3 =	simm.s32 @!p0 $0x1082;
	s9 =	sld [smem:$0x3FAD]  }
0x2f: {  	lr =	sadd.s32 s0, s3;
	s0 =	sld [smem:$0x3FA4]  }
0x30: {  	s3 =	sld [smem:$0x3FA7]  }
0x31: {  	[smem:$0x3FB0] =	sst s10  }
0x32: {  	s10 =	sld [smem:$0x3FAE];
	_ =	sdelay $0x3  }
0x33: {  	p0 =	seq.s32 s10, $0x1;
	s10 =	sld [smem:$0x3FB0];
	_ =	sdelay $0x3  }
0x34: {  	[smem:$0x3FB0] =	sst s10  }
0x35: {  	s10 =	sld [smem:$0x3FAF];
	_ =	sdelay $0x3  }
0x36: {  	p1 =	seq.s32 s10, $0x1;
	s10 =	sld [smem:$0x3FB0];
	_ =	sdelay $0x3  }
0x37: {  	[smem:$0x3FB0] =	sst s10  }
0x38: {  	s10 =	sld [smem:$0x3FB1]  }
0x39: {  	_ = 	snop;
	(pc) =	sbr.ind lr, $3  }
0x3a: {  	_ = 	snop  }
0x3b: {  	_ = 	snop  }
0x3c: {  	p2 =	seq.s32 s10, $0x1;
	s10 =	sld [smem:$0x3FB0]  }
0x3d: {  	_ =	shalt  }
0x3e: {  	_ =	shalt  }
0x3f: {  	_ =	shalt  }
0x40: {  	_ =	shalt  }
0x41: {  	_ =	shalt  }
0x42: {  	_ =	shalt  }
0x43: {  	_ =	shalt  }
0x44: {  	_ =	shalt  }
0x45: {  	_ =	shalt  }
0x46: {  	_ =	shalt  }
0x47: {  	_ =	shalt  }
0x48: {  	_ =	shalt  }
0x49: {  	_ =	shalt  }
0x4a: {  	_ =	shalt  }
0x4b: {  	_ =	shalt  }
0x4c: {  	_ =	shalt  }
0x4d: {  	_ =	shalt  }
0x4e: {  	_ =	shalt  }
0x4f: {  	_ =	shalt  }
0x50: {  	_ =	shalt  }
0x51: {  	_ =	shalt  }
0x52: {  	_ =	shalt  }
0x53: {  	_ =	shalt  }
0x54: {  	_ =	shalt  }
0x55: {  	_ =	shalt  }
0x56: {  	_ =	shalt  }
0x57: {  	_ =	shalt  }
0x58: {  	_ =	shalt  }
0x59: {  	_ =	shalt  }
0x5a: {  	_ =	shalt  }
0x5b: {  	_ =	shalt  }
0x5c: {  	_ =	shalt  }
0x5d: {  	_ =	shalt  }
0x5e: {  	_ =	shalt  }
0x5f: {  	_ =	shalt  }
0x60: {  	_ =	shalt  }
0x61: {  	_ =	shalt  }
0x62: {  	_ =	shalt  }
0x63: {  	_ =	shalt  }
0x64: {  	_ =	shalt  }
0x65: {  	_ =	shalt  }
0x66: {  	_ =	shalt  }
0x67: {  	_ =	shalt  }
0x68: {  	_ =	shalt  }
0x69: {  	_ =	shalt  }
0x6a: {  	_ =	shalt  }
0x6b: {  	_ =	shalt  }
0x6c: {  	_ =	shalt  }
0x6d: {  	_ =	shalt  }
0x6e: {  	_ =	shalt  }
0x6f: {  	_ =	shalt  }
0x70: {  	_ =	shalt  }
0x71: {  	_ =	shalt  }
0x72: {  	_ =	shalt  }
0x73: {  	_ =	shalt  }
0x74: {  	_ =	shalt  }
0x75: {  	_ =	shalt  }
0x76: {  	_ =	shalt  }
0x77: {  	_ =	shalt  }
0x78: {  	_ =	shalt  }
0x79: {  	_ =	shalt  }
0x7a: {  	_ =	shalt  }
0x7b: {  	_ =	shalt  }
0x7c: {  	_ =	shalt  }
0x7d: {  	_ =	shalt  }
0x7e: {  	_ =	shalt  }
0x7f: {  	_ =	shalt  }
0x80: {  	_ =	shalt  }
0x81: {  	_ =	shalt  }
0x82: {  	_ =	shalt  }
0x83: {  	_ =	shalt  }
0x84: {  	_ =	shalt  }
0x85: {  	_ =	shalt  }
0x86: {  	_ =	shalt  }
0x87: {  	_ =	shalt  }
.Lfunc_end0:
.L_simem_size_0:
called_computation.1_lowered:
.L_overlay_start_0:
0x88: {  	s2 =	sld [smem:$0x3FD9]  }
0x89: {  	s3 =	sld [smem:$0x3FFE];
	_ =	sdelay $0x1  }
0x8a: {  	s1 =	srdreg.scid  }
0x8b: {  	s0 =	sand.u32 $0x1, s1  }
0x8c: {  	s14 =	sshll.u32 s0, $0xA;
	s2 =	sadd.s32 s3, s2  }
0x8d: {  	s2 =	sadd.s32 s2, s14  }
0x8e: {  	[smem:$0x3FBC] =	sst s2  }
0x8f: {  	_ = 	snop  }
0x90: {  	s2 =	sld [smem:$0x3FD0];
	_ =	sdelay $0x2  }
0x91: {  	s15 =	simm.s32 $0xA;
	s4 =	simm.s32 $0x10  }
0x92: {  	[smem:s4], [sflag:s15] =	dma.local [hbm:s2], $0x1  }
0x93: {  	_ =	swait.eq [sflag:s15], $0x1  }
0x94: {  	[sflag:s15] =	ssyncset.done $0x0  }
0x95: {  	[sflag:s15] =	ssyncadd.s32 $0xFFFFFFFF  }
0x96: {  	s16 =	sld [smem:$0x11];
	(tm) =	ssettm $0x1  }
0x97: {  	s17 =	sld [smem:$0x3FFB];
	_ =	sdelay $0x3  }
0x98: {  	_ =	strace s17  }
0x99: {  	s3 =	sld [smem:$0x3FFC];
	_ =	sdelay $0x3  }
0x9a: {  	_ =	strace s3  }
0x9b: {  	s3 =	sld [smem:$0x3FFD];
	_ =	sdelay $0x3  }
0x9c: {  	_ =	strace s3  }
0x9d: {  	_ =	strace $0x8FFFFFFF  }
0x9e: {  	s18 =	sld [smem:$0x3FDB];
	_ =	sdelay $0x1  }
0x9f: {  	s19 =	simm.s32 $_scs_section_size  }
0xa0: {  	s5 =	simm.s32 $_size__tile_overlayer_lowered;
	s6 =	simm.s32 $_tile_overlayer_lowered  }
0xa1: {  	s22 =	simm.s32 $0x1BFF;
	s21 =	sshll.u32 s6, $0x1;
	s3 =	sadd.s32 s19, s18  }
0xa2: {  	s7 =	simm.s32 $0x0;
	s20 =	sshll.u32 s5, $0x1;
	s5 =	sadd.s32 s21, s3  }
0xa3: {  	[timem:s7], [sflag:s22] =	dma.local [hbm:s5], s20  }
0xa4: {  	_ =	swait.ge [sflag:s22], s20  }
0xa5: {  	s4 =	ssub.s32 $0x0, s20;
	[sflag:s22] =	ssyncset.done $0x0  }
0xa6: {  	[sflag:s22] =	ssyncadd.s32 s4;
	_ =	sdelay $0x1  }
0xa7: {  	s23 =	simm.s32 $0x1B8B  }
0xa8: {  	_ =	swait.ge [sflag:s23], $0x1  }
0xa9: {  	[sflag:s23] =	ssyncset.done $0x0  }
0xaa: {  	s25 =	simm.s32 $0x1B8E;
	s24 =	sld [smem:$0x3FFE];
	[sflag:s23] =	ssyncadd.s32 $0xFFFFFFFF  }
0xab: {  	s26 =	simm.s32 $execute0_lowered;
	[smem:$0x3FD2] =	sst s25  }
0xac: {  	s5 =	sshll.u32 s26, $0x1;
	_ =	strace $0x80000049;
	[dreg:$0x1] =	wrdreg $0xFFFFFFFF  }
0xad: {  	s28 =	simm.s32 $_size_execute0_lowered;
	s3 =	sadd.s32 s3, s5;
	[dreg:$0x0] =	wrdreg $0x0  }
0xae: {  	s5 =	sshll.u32 s28, $0x1;
	[dreg:$0x2] =	wrdreg s3  }
0xaf: {  	[dreg:$0x3] =	wrdreg s5  }
0xb0: {  	[dreg:$0x4] =	wrdreg $0xC0  }
0xb1: {  	_ =	task [dreg:s7], $0x5FFFF  }
0xb2: {  	[dreg:$0x1] =	wrdreg $0xFFFFFFFF  }
0xb3: {  	[dreg:$0x0] =	wrdreg $0x60  }
0xb4: {  	[dreg:$0x2] =	wrdreg s24  }
0xb5: {  	[dreg:$0x3] =	wrdreg s16  }
0xb6: {  	[dreg:$0x4] =	wrdreg $0xAC000  }
0xb7: {  	[dreg:$0x5] =	wrdreg $0x9  }
0xb8: {  	_ =	task.clear_ibuf [dreg:s7], $0x6FFFF;
	_ =	strace $0x90000049  }
0xb9: {  	s29 =	simm.s32 $0x9;
	_ =	strace $0x8000004B  }
0xba: {  	_ =	swait.ge [sflag:s29], $0x1  }
0xbb: {  	[sflag:s29] =	ssyncadd.s32 $0xFFFFFFFF  }
0xbc: {  	_ =	strace $0x9000004B  }
0xbd: {  	_ =	sfence  }
0xbe: {  	s30 =	sld [smem:$0x0];
	_ =	sdelay $0x2  }
0xbf: {  	s31 =	sshll.u32 s1, $0xD;
	s1 =	sshrl.u32 s1, $0x2  }
0xc0: {  	s3 =	sand.u32 $0x4000, s31;
	s1 =	sadd.s32 s1, s30  }
0xc1: {  	s0 =	sor.u32 s3, s0;
	s1 =	sshll.u32 s1, $0x11  }
0xc2: {  	s0 =	sor.u32 s1, s0  }
0xc3: {  	s0 =	sadd.s32 $0x8F2B, s0  }
0xc4: {  	[sflag:s0] =	ssyncadd.remote.s32 $0x1  }
0xc5: {  	_ =	sfence.sel $0xFFFF  }
0xc6: {  	[dreg:$0x0] =	wrdreg $0xFFFFFFFF;
	(pc) =	sbr.abs _section_cstart, $3  }
0xc7: {  	[dreg:$0x1] =	wrdreg $0xFFFFFFFF  }
0xc8: {  	_ =	task.clear_ibuf [dreg:s7], $0x2FFFF;
	_ =	strace $0x9FFFFFFF  }
0xc9: {  	(tm) =	ssettm $0x7FFFFFFF  }
tec
execute0_lowered:
.L_overlay_start_1:
0x0: {  	(tag) =	ssettag $0x1  }
0x1: {  	s0 =	srdreg.scid;
	s9 =	rddreg [dreg:$0x0]  }
0x2: {  	s26 =	stileid.u32;
	s2 =	rddreg [dreg:$0x1]  }
0x3: {  	s3 =	rddreg [dreg:$0x2];
	s5 =	simm.s32 $0x0;
	s1 =	sand.u32 $0x1, s0  }
0x4: {  	s31 =	simm.s32 $0x9;
	[smem:$0x7FF] =	sst s5;
	s0 =	sshll.u32 s1, $0x4  }
0x5: {  	s6 =	sadd.s32 $0x3BA00, s9;
	s7 =	sadd.s32 $0x22A00, s9;
	s0 =	sor.u32 s26, s0  }
0x6: {  	s8 =	sadd.s32 $0x2F200, s9;
	s28 =	sadd.s32 $0xB1000, s9;
	s4 =	smul.u32 $0x68, s0  }
0x7: {  	s12 =	smul.u32 $0x19000, s26;
	s29 =	sadd.s32 $0xD8200, s9;
	s20 =	sor.u32 $0x10, s26  }
0x8: {  	p2 =	sgt.u32 s26, $0x1;
	p3 =	slt.u32 s26, $0x2;
	s10 =	ssub.s32 $0xC80, s4  }
0x9: {  	_ =	strace $0x8000004A;
	s11 =	ssub.s32 $0x2, s1;
	p0 =	sgt.s32 s10, $0x0  }
0xa: {  	s15 =	smul.u32 $0x19000, s20;
	[dreg:$0x4] =	wrdreg s28;
	s10 =	simm.s32 @!p0 $0x0  }
0xb: {  	[dreg:$0x5] =	wrdreg s29;
	s24 =	sshrl.u32 s11, $0x1;
	s10 =	smin.u32 s10, $0x68  }
0xc: {  	s25 =	sshrl.u32 s12, $0x2;
	s9 =	ssub.s32 s11, s24;
	s13 =	sadd.s32 $0xFFFFFFFD, s10  }
0xd: {  	s11 =	sadd.s32 s25, s3;
	s17 =	sadd.s32 $0xFFFFFFFF, s10;
	s14 =	sshll.u32 s13, $0x18  }
0xe: {  	s19 =	sshll.u32 s17, $0x18;
	s21 =	sshra.s32 s14, $0x18;
	s14 =	sadd.s32 $0xFFFFFFFE, s10  }
0xf: {  	s19 =	sshra.s32 s19, $0x18;
	s12 =	smul.u32 $0x56, s21;
	s16 =	sshll.u32 s14, $0x18  }
0x10: {  	p1 =	seq.s32 s0, $0x1F;
	s23 =	smul.u32 $0x56, s19;
	s16 =	sshra.s32 s16, $0x18  }
0x11: {  	s18 =	sshrl.u32 s12, $0x1F;
	s21 =	sshrl.u32 s12, $0x8;
	s16 =	smul.u32 $0x56, s16  }
0x12: {  	s25 =	sshrl.u32 s23, $0x1F;
	s22 =	sadd.s32 s18, s21;
	s18 =	sshrl.u32 s23, $0x8  }
0x13: {  	[dreg:$0x6] =	wrdreg s11;
	s11 =	smul.u32 $0x3, s22;
	s18 =	sadd.s32 s25, s18  }
0x14: {  	s30 =	smax.u32 s9, $0x1;
	s22 =	sor.u32 $0x20, s26;
	s12 =	smul.u32 $0x3, s18  }
0x15: {  	s24 =	sshrl.u32 s16, $0x1F;
	s16 =	sshrl.u32 s16, $0x8;
	s18 =	smul.u32 $0x19000, s22  }
0x16: {  	s9 =	simm.s32 $0x64;
	s16 =	sadd.s32 s24, s16;
	s22 =	smul.u32 $0xC80, s22  }
0x17: {  	p0 =	seq.s32 s1, $0x1;
	s24 =	sor.u32 $0x30, s26;
	s16 =	smul.u32 $0x3, s16  }
0x18: {  	s21 =	sshll.u32 s26, $0x6;
	s11 =	ssub.s32 s13, s11;
	s19 =	smul.u32 $0x19000, s24  }
0x19: {  	s25 =	ssub.s32 s17, s12;
	s12 =	sshrl.u32 s18, $0x2;
	s18 =	smul.u32 $0x680, s0  }
0x1a: {  	s13 =	sor.u32 $0x1C09, s21;
	s11 =	sshll.u32 s11, $0x18;
	s0 =	smul.u32 $0xC80, s20  }
0x1b: {  	s23 =	ssub.s32 s14, s16;
	s16 =	sshrl.u32 s15, $0x2;
	s14 =	sshrl.u32 s19, $0x2  }
0x1c: {  	s15 =	sadd.s32 s12, s3;
	s19 =	sshra.s32 s11, $0x18;
	s21 =	sadd.s32 s16, s3  }
0x1d: {  	s12 =	smul.u32 $0xC80, s24;
	s16 =	sadd.s32 s14, s3;
	[dreg:$0x7] =	wrdreg s21  }
0x1e: {  	s21 =	sshll.u32 s23, $0x18;
	s23 =	sshll.u32 s25, $0x18;
	s25 =	smul.u32 $0xC80, s26  }
0x1f: {  	s17 =	sadd.s32 s7, s18;
	s18 =	sadd.s32 s8, s18;
	s19 =	sadd.s32 $0x6, s19  }
0x20: {  	[dreg:$0x8] =	wrdreg s12;
	s1 =	sshra.s32 s21, $0x18;
	s14 =	sadd.s32 s28, s25  }
0x21: {  	s11 =	sshra.s32 s23, $0x18;
	s24 =	sadd.s32 s29, s25;
	[dreg:$0x9] =	wrdreg s14  }
.Ltmp0:
0x22: {  	s25 =	sadd.s32 s28, s0;
	[dreg:$0xa] =	wrdreg s24;
	(pc) =	sbr.rel .LBB2_1-.Ltmp0, $4  }
0x23: {  	s20 =	sadd.s32 $0x6, s1;
	s0 =	sadd.s32 s29, s0;
	[dreg:$0xb] =	wrdreg s25  }
0x24: {  	s21 =	sadd.s32 $0x6, s11;
	s28 =	sadd.s32 s28, s22;
	[dreg:$0xc] =	wrdreg s0  }
0x25: {  	s29 =	sadd.s32 s29, s22;
	s11 =	simm.s32 $0x0;
	[dreg:$0xd] =	wrdreg s28  }
0x26: {  	[dreg:$0xe] =	wrdreg s29;
	s14 =	simm.s32 $0x800;
	s0 =	simm.s32 $0x1  }
.LBB2_16:
0x27: {  	s12 =	rddreg [dreg:$0x8]  }
0x28: {  	s29 =	sshrl.u32 s16, $0x3;
	s1 =	sadd.s32 s1, s12  }
0x29: {  	[hbm:s1], [sflag:s13] =	dma.local [spmem:s29], $0xC80  }
0x2a: {  	_ =	swait.ge [sflag:s31], $0xC80  }
0x2b: {  	[sflag:s31] =	ssyncset.done $0x0  }
0x2c: {  	[sflag:s31] =	ssyncadd.s32 $0xFFFFF380  }
.LBB2_17:
0x2d: {  	s11 =	sadd.s32 $0x1, s11  }
0x2e: {  	p4 =	sne.s32 s11, s30  }
.Ltmp1:
0x2f: {  	_ = 	snop;
	(pc) =	sbr.rel @!p4 .LBB2_18-.Ltmp1, $1  }
0x30: {  	_ =	sdelay $0x3  }
.LBB2_1:
0x31: {  	s1 =	rddreg [dreg:$0x6]  }
0x32: {  	s24 =	sshrl.u32 s1, $0x3  }
0x33: {  	[spmem:s24], [sflag:s13] =	dma.local [hbm:s2], $0xC80  }
0x34: {  	_ =	swait.ge [sflag:s31], $0xC80  }
0x35: {  	[sflag:s31] =	ssyncset.done $0x0;
	s29 =	rddreg [dreg:$0x7]  }
0x36: {  	[sflag:s31] =	ssyncadd.s32 $0xFFFFF380;
	s23 =	sshrl.u32 s29, $0x3  }
0x37: {  	[spmem:s23], [sflag:s13] =	dma.local [hbm:s2], $0xC80  }
0x38: {  	_ =	swait.ge [sflag:s31], $0xC80  }
0x39: {  	[sflag:s31] =	ssyncset.done $0x0  }
0x3a: {  	s22 =	sshrl.u32 s15, $0x3;
	[sflag:s31] =	ssyncadd.s32 $0xFFFFF380  }
0x3b: {  	[spmem:s22], [sflag:s13] =	dma.local [hbm:s2], $0xC80  }
0x3c: {  	_ =	swait.ge [sflag:s31], $0xC80  }
0x3d: {  	[sflag:s31] =	ssyncset.done $0x0  }
0x3e: {  	s1 =	sshrl.u32 @!p2 s16, $0x3;
	[sflag:s31] =	ssyncadd.s32 $0xFFFFF380  }
0x3f: {  	[spmem:s1], [sflag:s13] =	dma.local @!p2 [hbm:s2], $0xC80  }
0x40: {  	s1 =	simm.s32 @!p2 $0x9  }
0x41: {  	_ =	swait.ge @!p2 [sflag:s1], $0xC80  }
0x42: {  	[sflag:s1] =	ssyncset.done @!p2 $0x0  }
0x43: {  	[sflag:s1] =	ssyncadd.s32 @!p2 $0xFFFFF380  }
0x44: {  	[bflag:$0x0] =	sbarrier.arrive $0xFFFF  }
0x45: {  	[tilespmem:s5], [sflag:$0x1] =	stream.linear.gather [hbm4b:s17+s5], $0x400, $0x38;
	[tilespmem:$0x1E480] =	vst v63  }
0x46: {  	_ = 	snop  }
0x47: {  	[tilespmem:s14], [sflag:$0x1] =	stream.linear.gather [hbm4b:s18+s5], $0x400, $0x38;
	[tilespmem:$0x1E480] =	vst v63  }
0x48: {  	_ =	swait.ge [sflag:s0], $0x400  }
.Ltmp2:
0x49: {  	[sflag:s0] =	ssyncset.done $0x0;
	(pc) =	sbr.rel @p1 .LBB2_13-.Ltmp2, $4  }
0x4a: {  	[sflag:s0] =	ssyncadd.s32 $0xFFFFFC00  }
0x4b: {  	_ =	swait.ge [sflag:s0], $0x400  }
0x4c: {  	[sflag:s0] =	ssyncset.done $0x0  }
0x4d: {  	[sflag:s0] =	ssyncadd.s32 $0xFFFFFC00  }
.Ltmp3:
0x4e: {  	(pc) =	sbr.rel .LBB2_3-.Ltmp3, $3  }
0x4f: {  	_ =	sdelay $0x1  }
0x50: {  	s26 =	simm.s32 $0x0;
	s1 =	simm.s32 $0x1000  }
0x51: {  	[tilespmem:s1], [sflag:$0x3] =	stream.indirect.gather [hbm4b:s6+s9], $0x80, s26, s9, $0xb8;
	[tilespmem:$0x1E480] =	vst v63  }
.LBB2_5:
0x52: {  	p4 =	sne.s32 s25, $0x7;
	s28 =	sadd.s32 $0x1, s26  }
0x53: {  	p5 =	sge.u32 @!p4 s28, s10  }
0x54: {  	p4 =	por p4, p5  }
.Ltmp4:
0x55: {  	_ = 	snop;
	(pc) =	sbr.rel @p4 .LBB2_7-.Ltmp4, $1  }
0x56: {  	_ =	sdelay $0x3  }
0x57: {  	s12 =	sxor.u32 $0x1, s1  }
0x58: {  	s12 =	sadd.s32 $0x1, s12  }
0x59: {  	_ =	swait.ge [sflag:s12], $0x400  }
0x5a: {  	[sflag:s12] =	ssyncset.done $0x0  }
0x5b: {  	[sflag:s12] =	ssyncadd.s32 $0xFFFFFC00  }
0x5c: {  	_ =	swait.ge [sflag:s12], $0x400  }
0x5d: {  	[sflag:s12] =	ssyncset.done $0x0  }
0x5e: {  	[sflag:s12] =	ssyncadd.s32 $0xFFFFFC00  }
.LBB2_9:
0x5f: {  	s12 =	sadd.s32 $0xFFFFFFFE, s26  }
0x60: {  	s14 =	smulhi.u32 $0xAAAAAAAB, s12;
	_ =	sdelay $0x1  }
0x61: {  	s14 =	sshrl.u32 s14, $0x1  }
0x62: {  	s14 =	smul.u32 $0x3, s14;
	_ =	sdelay $0x1  }
0x63: {  	s12 =	ssub.s32 s12, s14  }
0x64: {  	s12 =	sadd.s32 $0x6, s12  }
0x65: {  	_ =	swait.ge [sflag:s12], $0x3200  }
0x66: {  	[sflag:s12] =	ssyncset.done $0x0  }
0x67: {  	[sflag:s12] =	ssyncadd.s32 $0xFFFFCE00  }
.LBB2_10:
0x68: {  	s12 =	smulhi.u32 $0xAAAAAAAB, s28;
	_ =	sdelay $0x1  }
0x69: {  	s12 =	sshrl.u32 s12, $0x1  }
0x6a: {  	s12 =	smul.u32 $0x3, s12;
	_ =	sdelay $0x1  }
0x6b: {  	s12 =	ssub.s32 s28, s12  }
0x6c: {  	s14 =	smul.u32 $0xD000, s12;
	_ =	sdelay $0x1  }
0x6d: {  	s29 =	sshll.u32 s28, $0x7;
	s14 =	sshrl.u32 s14, $0x2  }
0x6e: {  	s29 =	sand.u32 $0x780, s29;
	s12 =	sadd.s32 $0x3, s12;
	s14 =	sadd.s32 $0x1000, s14  }
0x6f: {  	[tilespmem:s14], [sflag:s12] =	stream.indirect.gather [hbm4b:s6+s9], $0x80, s29, s9, $0xb8;
	[tilespmem:$0x1E480] =	vst v63  }
.LBB2_11:
0x70: {  	s12 =	smulhi.u32 $0xAAAAAAAB, s26;
	_ =	sdelay $0x1  }
0x71: {  	s12 =	sshrl.u32 s12, $0x1  }
0x72: {  	s12 =	smul.u32 $0x3, s12;
	_ =	sdelay $0x1  }
0x73: {  	s1 =	sshll.u32 s1, $0xA;
	s12 =	ssub.s32 s26, s12  }
0x74: {  	s25 =	sshll.u32 s25, $0x7;
	p4 =	slt.u32 s28, s10;
	s14 =	smul.u32 $0xD000, s12  }
.Ltmp5:
0x75: {  	s1 =	sor.u32 s25, s1;
	s26 =	sadd.s32 $0x3, s12;
	(pc) =	sbr.rel @!p4 .LBB2_12-.Ltmp5, $4  }
0x76: {  	s1 =	sor.u32 $0x800, s1;
	_ =	swait.ge [sflag:s26], $0x3200  }
0x77: {  	s12 =	sadd.s32 $0x6, s12;
	s14 =	sshrl.u32 s14, $0x2;
	[sflag:s26] =	ssyncset.done $0x0  }
0x78: {  	s14 =	sadd.s32 $0x1000, s14;
	[sflag:s26] =	ssyncadd.s32 $0xFFFFCE00;
	s26 =	smov.u32 s28  }
0x79: {  	[spmem:s3] =	stream.indirect.scatter.add.f32 [tilespmem:s14], [sflag:s12], $0x80, s1, s9, $0xb8;
	[tilespmem:$0x1E480] =	vst v63  }
.LBB2_3:
0x7a: {  	s25 =	sand.u32 $0x7, s26;
	s1 =	sand.u32 $0x7FFFFFF8, s26  }
0x7b: {  	p4 =	sne.s32 s25, $0x2;
	s28 =	sadd.s32 $0x8, s1  }
0x7c: {  	p5 =	sge.s32 @!p4 s28, s10  }
0x7d: {  	p4 =	por p4, p5  }
.Ltmp6:
0x7e: {  	_ = 	snop;
	(pc) =	sbr.rel @p4 .LBB2_5-.Ltmp6, $3  }
0x7f: {  	_ =	sdelay $0x1  }
0x80: {  	s29 =	sshrl.u32 s26, $0x3  }
0x81: {  	s1 =	sand.u32 $0x1, s29  }
0x82: {  	s28 =	sadd.s32 s4, s28  }
0x83: {  	s29 =	sxor.u32 $0x1, s1;
	s28 =	sshll.u32 s28, $0x4  }
0x84: {  	s12 =	sadd.s32 $0x1, s29;
	s29 =	sshll.u32 s29, $0xA;
	s14 =	sadd.s32 s7, s28  }
0x85: {  	[tilespmem:s29], [sflag:s12] =	stream.linear.gather [hbm4b:s14+s5], $0x400, $0x38;
	[tilespmem:$0x1E480] =	vst v63  }
0x86: {  	s28 =	sadd.s32 s8, s28;
	s29 =	sor.u32 $0x800, s29  }
0x87: {  	[tilespmem:s29], [sflag:s12] =	stream.linear.gather [hbm4b:s28+s5], $0x400, $0x38;
	[tilespmem:$0x1E480] =	vst v63  }
0x88: {  	s28 =	sor.u32 $0x1, s26  }
0x89: {  	p4 =	slt.u32 s28, s10  }
.Ltmp7:
0x8a: {  	_ = 	snop;
	(pc) =	sbr.rel @p4 .LBB2_9-.Ltmp7, $4  }
.Ltmp8:
0x8b: {  	_ = 	snop;
	(pc) =	sbr.rel @!p4 .LBB2_11-.Ltmp8, $4  }
0x8c: {  	_ = 	snop  }
0x8d: {  	_ = 	snop  }
0x8e: {  	_ = 	snop  }
0x8f: {  	_ = 	snop  }
.LBB2_7:
0x90: {  	p4 =	sge.u32 s28, s10  }
.Ltmp9:
0x91: {  	_ = 	snop;
	(pc) =	sbr.rel @p4 .LBB2_11-.Ltmp9, $1  }
0x92: {  	_ =	sdelay $0x3  }
0x93: {  	p4 =	slt.u32 s26, $0x2  }
.Ltmp10:
0x94: {  	_ = 	snop;
	(pc) =	sbr.rel @p4 .LBB2_10-.Ltmp10, $4  }
.Ltmp11:
0x95: {  	_ = 	snop;
	(pc) =	sbr.rel @!p4 .LBB2_9-.Ltmp11, $4  }
0x96: {  	_ = 	snop  }
0x97: {  	_ = 	snop  }
0x98: {  	_ = 	snop  }
0x99: {  	_ = 	snop  }
.LBB2_12:
0x9a: {  	_ =	swait.ge [sflag:s19], $0x3200  }
0x9b: {  	[sflag:s19] =	ssyncset.done $0x0  }
0x9c: {  	[sflag:s19] =	ssyncadd.s32 $0xFFFFCE00  }
0x9d: {  	_ =	swait.ge [sflag:s20], $0x3200  }
0x9e: {  	[sflag:s20] =	ssyncset.done $0x0  }
0x9f: {  	[sflag:s20] =	ssyncadd.s32 $0xFFFFCE00  }
0xa0: {  	_ =	swait.ge [sflag:s21], $0x3200  }
0xa1: {  	[sflag:s21] =	ssyncset.done $0x0  }
0xa2: {  	s14 =	simm.s32 $0x800;
	[sflag:s21] =	ssyncadd.s32 $0xFFFFCE00  }
.LBB2_13:
.Ltmp12:
0xa3: {  	(pc) =	sbr.rel @!p0 .LBB2_14-.Ltmp12, $2  }
0xa4: {  	_ =	sdelay $0x1  }
0xa5: {  	[bflag:$0x0] =	sbarrier.arrive $0xFFFF;
	_ =	sdelay $0x1  }
0xa6: {  	s1 =	rddreg [dreg:$0xa]  }
0xa7: {  	[hbm:s1], [sflag:s13] =	dma.local [spmem:s24], $0xC80  }
0xa8: {  	_ =	swait.ge [sflag:s31], $0xC80  }
0xa9: {  	[sflag:s31] =	ssyncset.done $0x0  }
0xaa: {  	s28 =	rddreg [dreg:$0xc];
	[sflag:s31] =	ssyncadd.s32 $0xFFFFF380  }
0xab: {  	[hbm:s28], [sflag:s13] =	dma.local [spmem:s23], $0xC80  }
0xac: {  	_ =	swait.ge [sflag:s31], $0xC80  }
0xad: {  	[sflag:s31] =	ssyncset.done $0x0  }
0xae: {  	s29 =	rddreg [dreg:$0xe];
	[sflag:s31] =	ssyncadd.s32 $0xFFFFF380  }
0xaf: {  	[hbm:s29], [sflag:s13] =	dma.local [spmem:s22], $0xC80  }
.Ltmp13:
0xb0: {  	_ = 	snop;
	(pc) =	sbr.rel @p2 .LBB2_17-.Ltmp13, $4  }
.Ltmp14:
0xb1: {  	_ = 	snop;
	(pc) =	sbr.rel @!p2 .LBB2_16-.Ltmp14, $4  }
0xb2: {  	_ =	swait.ge [sflag:s31], $0xC80  }
0xb3: {  	[sflag:s31] =	ssyncset.done $0x0  }
0xb4: {  	s1 =	rddreg [dreg:$0x5];
	[sflag:s31] =	ssyncadd.s32 $0xFFFFF380  }
0xb5: {  	_ = 	snop  }
.LBB2_14:
0xb6: {  	s1 =	rddreg [dreg:$0x9]  }
0xb7: {  	[hbm:s1], [sflag:s13] =	dma.local [spmem:s24], $0xC80  }
0xb8: {  	_ =	swait.ge [sflag:s31], $0xC80  }
0xb9: {  	[sflag:s31] =	ssyncset.done $0x0  }
0xba: {  	s28 =	rddreg [dreg:$0xb];
	[sflag:s31] =	ssyncadd.s32 $0xFFFFF380  }
0xbb: {  	[hbm:s28], [sflag:s13] =	dma.local [spmem:s23], $0xC80  }
0xbc: {  	_ =	swait.ge [sflag:s31], $0xC80  }
0xbd: {  	[sflag:s31] =	ssyncset.done $0x0  }
0xbe: {  	s29 =	rddreg [dreg:$0xd];
	[sflag:s31] =	ssyncadd.s32 $0xFFFFF380  }
0xbf: {  	[hbm:s29], [sflag:s13] =	dma.local [spmem:s22], $0xC80  }
.Ltmp15:
0xc0: {  	_ = 	snop;
	(pc) =	sbr.rel @p3 .LBB2_16-.Ltmp15, $4  }
.Ltmp16:
0xc1: {  	_ = 	snop;
	(pc) =	sbr.rel @!p3 .LBB2_17-.Ltmp16, $4  }
0xc2: {  	_ =	swait.ge [sflag:s31], $0xC80  }
0xc3: {  	[sflag:s31] =	ssyncset.done $0x0  }
0xc4: {  	s1 =	rddreg [dreg:$0x4];
	[sflag:s31] =	ssyncadd.s32 $0xFFFFF380  }
0xc5: {  	_ = 	snop  }
.LBB2_18:
0xc6: {  	_ =	sfence.sel $0x180000  }
0xc7: {  	[bflag:$0x0] =	sbarrier.arrive $0xFFFF  }
0xc8: {  	_ =	strace $0x9000004A  }
0xc9: {  	s0 =	stileid.u32;
	[bflag:$0x2] =	sbarrier.arrive $0xFFFF  }
0xca: {  	p0 =	sne.s32 s0, $0x0;
	s0 =	rddreg [dreg:$0x3]  }
0xcb: {  	s0 =	sadd.s32 @!p0 $0x100000, s0  }
0xcc: {  	[sflag:s0] =	ssyncadd.tile.s32 @!p0 $0x1;
	_ =	shalt  }
.Lfunc_end2:
_tile_overlayer_lowered:
.L_overlay_start_2:
0xcd: {  	(tag) =	ssettag $0x2  }
0xce: {  	s0 =	rddreg [dreg:$0x0];
	s2 =	stileid.u32  }
0xcf: {  	s1 =	rddreg [dreg:$0x1];
	p0 =	sne.s32 s2, $0x0  }
0xd0: {  	s3 =	rddreg [dreg:$0x2];
	[bflag:$0x3] =	sbarrier.arrive $0xFFFF;
	s2 =	simm.s32 @!p0 $0x1C09  }
0xd1: {  	[timem:s3], [sflag:s2] =	dma.local @!p0 [hbm:s0], s1  }
0xd2: {  	s0 =	simm.s32 @!p0 $0x9  }
0xd3: {  	_ =	swait.ge @!p0 [sflag:s0], s1  }
0xd4: {  	s1 =	ssub.s32 @!p0 $0x0, s1;
	[sflag:s0] =	ssyncset.done @!p0 $0x0  }
0xd5: {  	[sflag:s0] =	ssyncadd.s32 @!p0 s1  }
0xd6: {  	[bflag:$0x3] =	sbarrier.arrive $0xFFFF  }
0xd7: {  	_ =	shalt  }

// kernel: kernel.17.cloned.1.call-start
scs
__scs_entry_jumppad:
0x0: {  	(pc) =	sbr.rel $0x88, $3  }
0x1: {  	(tag) =	ssettag $0x0;
	lr =	simm.s32 $0x1  }
0x2: {  	[smem:$0x3F95] =	sst lr;
	_ =	strace $0xD0000000  }
0x3: {  	_ = 	snop  }
0x4: {  	_ = 	snop  }
0x5: {  	_ = 	snop  }
0x6: {  	_ = 	snop  }
0x7: {  	_ = 	snop  }
__scs_overlays_trampoline_lowered:
0x8: {  	[smem:$0x3FA4] =	sst s0  }
0x9: {  	[smem:$0x3FA5] =	sst s1  }
0xa: {  	[smem:$0x3FA6] =	sst s2  }
0xb: {  	[smem:$0x3FA7] =	sst s3  }
0xc: {  	[smem:$0x3FA8] =	sst s4  }
0xd: {  	[smem:$0x3FA9] =	sst s5  }
0xe: {  	[smem:$0x3FAA] =	sst s6  }
0xf: {  	[smem:$0x3FAB] =	sst s7  }
0x10: {  	[smem:$0x3FAC] =	sst s8  }
0x11: {  	[smem:$0x3FAD] =	sst s9;
	s0 =	simm.s32 @!p0 $0x0  }
0x12: {  	s1 =	sld [smem:$0x3F93];
	s0 =	simm.s32 @p0 $0x1  }
0x13: {  	[smem:$0x3FAE] =	sst s0;
	s0 =	simm.s32 @!p1 $0x0  }
0x14: {  	s2 =	sld [smem:$0x3F92];
	s0 =	simm.s32 @p1 $0x1  }
0x15: {  	[smem:$0x3FAF] =	sst s0;
	s0 =	simm.s32 @!p2 $0x0  }
0x16: {  	s3 =	sld [smem:$0x3FDB];
	s0 =	simm.s32 @p2 $0x1  }
0x17: {  	s4 =	simm.s32 $0x1BF5;
	[smem:$0x3FB1] =	sst s0  }
0x18: {  	s0 =	sld [smem:$0x3F94];
	_ =	swait.ge [sflag:s4], $0x0  }
0x19: {  	s7 =	sld [smem:$0x3F95]  }
0x1a: {  	s8 =	sadd.s32 $0xFFFFE003, lr  }
0x1b: {  	s9 =	sadd.s32 $0xFFFFFEF7, lr;
	s5 =	simm.s32 $0xFFFFFFFF;
	p2 =	slt.u32 s8, $0xFFFFF086  }
0x1c: {  	p1 =	slt.u32 s9, $0xF7A;
	s5 =	simm.s32 @!p2 $0x0  }
0x1d: {  	s5 =	simm.s32 @p1 $0x1;
	p0 =	seq.s32 s7, s2  }
0x1e: {  	s7 =	smul.u32 @!p0 $0xF7A, s2;
	p2 =	seq.s32 @!p0 s5, $0x0  }
0x1f: {  	s9 =	smul.u32 $0xF7A, s1;
	s8 =	simm.s32 @!p0 $0x1BF5;
	p2 =	por !p2, p0  }
0x20: {  	[sflag:s8] =	ssyncset.s32 @!p0 $0xFFFFF086;
	s6 =	sadd.s32 @!p0 s3, s7;
	s7 =	simm.s32 @!p0 $0x108  }
0x21: {  	s3 =	sadd.s32 s3, s9;
	s6 =	sadd.s32 @!p0 $0x88, s6;
	s7 =	simm.s32 @p2 $0x1082  }
0x22: {  	[simem:s7], [sflag:s8] =	dma.local @!p0 [hbm:s6], $0xF7A  }
0x23: {  	s9 =	sor.u32 $0xD0000000, s2;
	s6 =	simm.s32 $0x108;
	_ =	swait.ge @!p0 [sflag:s8], $0x0  }
0x24: {  	s3 =	sadd.s32 $0x88, s3;
	s6 =	simm.s32 @!p1 $0x1082;
	[sflag:s4] =	ssyncset.s32 $0xFFFFF086  }
0x25: {  	[simem:s6], [sflag:s4] =	dma.local [hbm:s3], $0xF7A  }
0x26: {  	[smem:$0x3F95] =	sst s1;
	(tag) =	ssettag s2;
	_ =	strace s9  }
0x27: {  	s1 =	sld [smem:$0x3FA5]  }
0x28: {  	s2 =	sld [smem:$0x3FA6]  }
0x29: {  	s4 =	sld [smem:$0x3FA8]  }
0x2a: {  	p0 =	seq.s32 s5, $0x0;
	s5 =	sld [smem:$0x3FA9]  }
0x2b: {  	s6 =	sld [smem:$0x3FAA]  }
0x2c: {  	s7 =	sld [smem:$0x3FAB]  }
0x2d: {  	s3 =	simm.s32 $0x108;
	s8 =	sld [smem:$0x3FAC]  }
0x2e: {  	s3 =	simm.s32 @!p0 $0x1082;
	s9 =	sld [smem:$0x3FAD]  }
0x2f: {  	lr =	sadd.s32 s0, s3;
	s0 =	sld [smem:$0x3FA4]  }
0x30: {  	s3 =	sld [smem:$0x3FA7]  }
0x31: {  	[smem:$0x3FB0] =	sst s10  }
0x32: {  	s10 =	sld [smem:$0x3FAE];
	_ =	sdelay $0x3  }
0x33: {  	p0 =	seq.s32 s10, $0x1;
	s10 =	sld [smem:$0x3FB0];
	_ =	sdelay $0x3  }
0x34: {  	[smem:$0x3FB0] =	sst s10  }
0x35: {  	s10 =	sld [smem:$0x3FAF];
	_ =	sdelay $0x3  }
0x36: {  	p1 =	seq.s32 s10, $0x1;
	s10 =	sld [smem:$0x3FB0];
	_ =	sdelay $0x3  }
0x37: {  	[smem:$0x3FB0] =	sst s10  }
0x38: {  	s10 =	sld [smem:$0x3FB1]  }
0x39: {  	_ = 	snop;
	(pc) =	sbr.ind lr, $3  }
0x3a: {  	_ = 	snop  }
0x3b: {  	_ = 	snop  }
0x3c: {  	p2 =	seq.s32 s10, $0x1;
	s10 =	sld [smem:$0x3FB0]  }
0x3d: {  	_ =	shalt  }
0x3e: {  	_ =	shalt  }
0x3f: {  	_ =	shalt  }
0x40: {  	_ =	shalt  }
0x41: {  	_ =	shalt  }
0x42: {  	_ =	shalt  }
0x43: {  	_ =	shalt  }
0x44: {  	_ =	shalt  }
0x45: {  	_ =	shalt  }
0x46: {  	_ =	shalt  }
0x47: {  	_ =	shalt  }
0x48: {  	_ =	shalt  }
0x49: {  	_ =	shalt  }
0x4a: {  	_ =	shalt  }
0x4b: {  	_ =	shalt  }
0x4c: {  	_ =	shalt  }
0x4d: {  	_ =	shalt  }
0x4e: {  	_ =	shalt  }
0x4f: {  	_ =	shalt  }
0x50: {  	_ =	shalt  }
0x51: {  	_ =	shalt  }
0x52: {  	_ =	shalt  }
0x53: {  	_ =	shalt  }
0x54: {  	_ =	shalt  }
0x55: {  	_ =	shalt  }
0x56: {  	_ =	shalt  }
0x57: {  	_ =	shalt  }
0x58: {  	_ =	shalt  }
0x59: {  	_ =	shalt  }
0x5a: {  	_ =	shalt  }
0x5b: {  	_ =	shalt  }
0x5c: {  	_ =	shalt  }
0x5d: {  	_ =	shalt  }
0x5e: {  	_ =	shalt  }
0x5f: {  	_ =	shalt  }
0x60: {  	_ =	shalt  }
0x61: {  	_ =	shalt  }
0x62: {  	_ =	shalt  }
0x63: {  	_ =	shalt  }
0x64: {  	_ =	shalt  }
0x65: {  	_ =	shalt  }
0x66: {  	_ =	shalt  }
0x67: {  	_ =	shalt  }
0x68: {  	_ =	shalt  }
0x69: {  	_ =	shalt  }
0x6a: {  	_ =	shalt  }
0x6b: {  	_ =	shalt  }
0x6c: {  	_ =	shalt  }
0x6d: {  	_ =	shalt  }
0x6e: {  	_ =	shalt  }
0x6f: {  	_ =	shalt  }
0x70: {  	_ =	shalt  }
0x71: {  	_ =	shalt  }
0x72: {  	_ =	shalt  }
0x73: {  	_ =	shalt  }
0x74: {  	_ =	shalt  }
0x75: {  	_ =	shalt  }
0x76: {  	_ =	shalt  }
0x77: {  	_ =	shalt  }
0x78: {  	_ =	shalt  }
0x79: {  	_ =	shalt  }
0x7a: {  	_ =	shalt  }
0x7b: {  	_ =	shalt  }
0x7c: {  	_ =	shalt  }
0x7d: {  	_ =	shalt  }
0x7e: {  	_ =	shalt  }
0x7f: {  	_ =	shalt  }
0x80: {  	_ =	shalt  }
0x81: {  	_ =	shalt  }
0x82: {  	_ =	shalt  }
0x83: {  	_ =	shalt  }
0x84: {  	_ =	shalt  }
0x85: {  	_ =	shalt  }
0x86: {  	_ =	shalt  }
0x87: {  	_ =	shalt  }
.Lfunc_end0:
.L_simem_size_0:
called_computation.2_lowered:
.L_overlay_start_0:
0x88: {  	s2 =	sld [smem:$0x3FD9]  }
0x89: {  	s3 =	sld [smem:$0x3FFE];
	_ =	sdelay $0x1  }
0x8a: {  	s1 =	srdreg.scid  }
0x8b: {  	s0 =	sand.u32 $0x1, s1  }
0x8c: {  	s14 =	sshll.u32 s0, $0xA;
	s2 =	sadd.s32 s3, s2  }
0x8d: {  	s2 =	sadd.s32 s2, s14  }
0x8e: {  	[smem:$0x3FBC] =	sst s2  }
0x8f: {  	_ = 	snop  }
0x90: {  	s2 =	sld [smem:$0x3FD0];
	_ =	sdelay $0x2  }
0x91: {  	s15 =	simm.s32 $0xA;
	s4 =	simm.s32 $0x10  }
0x92: {  	[smem:s4], [sflag:s15] =	dma.local [hbm:s2], $0x1  }
0x93: {  	_ =	swait.eq [sflag:s15], $0x1  }
0x94: {  	[sflag:s15] =	ssyncset.done $0x0  }
0x95: {  	[sflag:s15] =	ssyncadd.s32 $0xFFFFFFFF  }
0x96: {  	s16 =	sld [smem:$0x11];
	(tm) =	ssettm $0x1  }
0x97: {  	s17 =	sld [smem:$0x3FFB];
	_ =	sdelay $0x3  }
0x98: {  	_ =	strace s17  }
0x99: {  	s3 =	sld [smem:$0x3FFC];
	_ =	sdelay $0x3  }
0x9a: {  	_ =	strace s3  }
0x9b: {  	s3 =	sld [smem:$0x3FFD];
	_ =	sdelay $0x3  }
0x9c: {  	_ =	strace s3  }
0x9d: {  	_ =	strace $0x8FFFFFFF  }
0x9e: {  	s18 =	sld [smem:$0x3FDB];
	_ =	sdelay $0x1  }
0x9f: {  	s19 =	simm.s32 $_scs_section_size  }
0xa0: {  	s5 =	simm.s32 $_size__tile_overlayer_lowered;
	s6 =	simm.s32 $_tile_overlayer_lowered  }
0xa1: {  	s22 =	simm.s32 $0x1BFF;
	s21 =	sshll.u32 s6, $0x1;
	s3 =	sadd.s32 s19, s18  }
0xa2: {  	s7 =	simm.s32 $0x0;
	s20 =	sshll.u32 s5, $0x1;
	s5 =	sadd.s32 s21, s3  }
0xa3: {  	[timem:s7], [sflag:s22] =	dma.local [hbm:s5], s20  }
0xa4: {  	_ =	swait.ge [sflag:s22], s20  }
0xa5: {  	s4 =	ssub.s32 $0x0, s20;
	[sflag:s22] =	ssyncset.done $0x0  }
0xa6: {  	[sflag:s22] =	ssyncadd.s32 s4;
	_ =	sdelay $0x1  }
0xa7: {  	s23 =	simm.s32 $0x1B8B  }
0xa8: {  	_ =	swait.ge [sflag:s23], $0x1  }
0xa9: {  	[sflag:s23] =	ssyncset.done $0x0  }
0xaa: {  	s25 =	simm.s32 $0x1B8E;
	s24 =	sld [smem:$0x3FFE];
	[sflag:s23] =	ssyncadd.s32 $0xFFFFFFFF  }
0xab: {  	s26 =	simm.s32 $execute0_lowered;
	[smem:$0x3FD2] =	sst s25  }
0xac: {  	s5 =	sshll.u32 s26, $0x1;
	_ =	strace $0x8000004C;
	[dreg:$0x1] =	wrdreg $0xFFFFFFFF  }
0xad: {  	s28 =	simm.s32 $_size_execute0_lowered;
	s3 =	sadd.s32 s3, s5;
	[dreg:$0x0] =	wrdreg $0x0  }
0xae: {  	s5 =	sshll.u32 s28, $0x1;
	[dreg:$0x2] =	wrdreg s3  }
0xaf: {  	[dreg:$0x3] =	wrdreg s5  }
0xb0: {  	[dreg:$0x4] =	wrdreg $0xC0  }
0xb1: {  	_ =	task [dreg:s7], $0x5FFFF  }
0xb2: {  	[dreg:$0x1] =	wrdreg $0xFFFFFFFF  }
0xb3: {  	[dreg:$0x0] =	wrdreg $0x60  }
0xb4: {  	[dreg:$0x2] =	wrdreg s24  }
0xb5: {  	[dreg:$0x3] =	wrdreg s16  }
0xb6: {  	[dreg:$0x4] =	wrdreg $0xAC000  }
0xb7: {  	[dreg:$0x5] =	wrdreg $0x9  }
0xb8: {  	_ =	task.clear_ibuf [dreg:s7], $0x6FFFF;
	_ =	strace $0x9000004C  }
0xb9: {  	s29 =	simm.s32 $0x9;
	_ =	strace $0x8000004E  }
0xba: {  	_ =	swait.ge [sflag:s29], $0x1  }
0xbb: {  	[sflag:s29] =	ssyncadd.s32 $0xFFFFFFFF  }
0xbc: {  	_ =	strace $0x9000004E  }
0xbd: {  	_ =	sfence  }
0xbe: {  	s30 =	sld [smem:$0x0];
	_ =	sdelay $0x2  }
0xbf: {  	s31 =	sshll.u32 s1, $0xD;
	s1 =	sshrl.u32 s1, $0x2  }
0xc0: {  	s3 =	sand.u32 $0x4000, s31;
	s1 =	sadd.s32 s1, s30  }
0xc1: {  	s0 =	sor.u32 s3, s0;
	s1 =	sshll.u32 s1, $0x11  }
0xc2: {  	s0 =	sor.u32 s1, s0  }
0xc3: {  	s0 =	sadd.s32 $0x8F2B, s0  }
0xc4: {  	[sflag:s0] =	ssyncadd.remote.s32 $0x1  }
0xc5: {  	_ =	sfence.sel $0xFFFF  }
0xc6: {  	[dreg:$0x0] =	wrdreg $0xFFFFFFFF;
	(pc) =	sbr.abs _section_cstart, $3  }
0xc7: {  	[dreg:$0x1] =	wrdreg $0xFFFFFFFF  }
0xc8: {  	_ =	task.clear_ibuf [dreg:s7], $0x2FFFF;
	_ =	strace $0x9FFFFFFF  }
0xc9: {  	(tm) =	ssettm $0x7FFFFFFF  }
tec
execute0_lowered:
.L_overlay_start_1:
0x0: {  	(tag) =	ssettag $0x1  }
0x1: {  	s0 =	rddreg [dreg:$0x0]  }
0x2: {  	s1 =	rddreg [dreg:$0x1]  }
0x3: {  	s2 =	rddreg [dreg:$0x2]  }
0x4: {  	s3 =	simm.s32 $0x0;
	s5 =	srdreg.scid;
	s22 =	stileid.u32  }
0x5: {  	s28 =	simm.s32 $0x9;
	s30 =	simm.s32 $0x1;
	s31 =	simm.s32 $0x64  }
0x6: {  	s29 =	simm.s32 $0x7;
	[smem:$0x7FF] =	sst s3;
	s4 =	sadd.s32 $0x3BA00, s0  }
0x7: {  	s6 =	sadd.s32 $0xB1000, s0;
	s7 =	sadd.s32 $0x22A00, s0;
	s5 =	sand.u32 $0x1, s5  }
0x8: {  	s8 =	sadd.s32 $0x2F200, s0;
	s23 =	sadd.s32 $0xD8200, s0;
	s11 =	smul.u32 $0x19000, s22  }
0x9: {  	s24 =	sadd.s32 $0xFF400, s0;
	s26 =	sor.u32 $0x10, s22;
	s19 =	sor.u32 $0x20, s22  }
0xa: {  	s20 =	sor.u32 $0x30, s22;
	s13 =	sshll.u32 s22, $0x6;
	s21 =	smul.u32 $0xC80, s22  }
0xb: {  	s25 =	smul.u32 $0xC8, s22;
	p1 =	sgt.u32 s22, $0x1;
	p2 =	slt.u32 s22, $0x2  }
0xc: {  	_ =	strace $0x8000004D;
	s9 =	ssub.s32 $0x2, s5;
	s12 =	smul.u32 $0x19000, s26  }
0xd: {  	s16 =	smul.u32 $0x19000, s19;
	p0 =	seq.s32 s5, $0x1;
	[dreg:$0x4] =	wrdreg s23  }
0xe: {  	s26 =	smul.u32 $0xC80, s26;
	[dreg:$0x5] =	wrdreg s24;
	s10 =	sshrl.u32 s9, $0x1  }
0xf: {  	s15 =	sshrl.u32 s11, $0x2;
	s11 =	sadd.s32 s23, s21;
	s0 =	ssub.s32 s9, s10  }
0x10: {  	s10 =	sadd.s32 s15, s2;
	s14 =	sshrl.u32 s12, $0x2;
	s15 =	smul.u32 $0x19000, s20  }
0x11: {  	s12 =	sor.u32 $0x1C09, s13;
	[dreg:$0x8] =	wrdreg s11;
	s13 =	smul.u32 $0xC80, s19  }
0x12: {  	s19 =	sadd.s32 s23, s26;
	s20 =	smul.u32 $0xC80, s20;
	[dreg:$0x6] =	wrdreg s10  }
0x13: {  	s5 =	sadd.s32 s24, s26;
	s17 =	sadd.s32 s14, s2;
	[dreg:$0x9] =	wrdreg s19  }
0x14: {  	s10 =	sshrl.u32 s16, $0x2;
	s16 =	sadd.s32 s7, s21;
	[dreg:$0xc] =	wrdreg s5  }
0x15: {  	s5 =	simm.s32 $0x8;
	s19 =	simm.s32 $0x6;
	[dreg:$0x7] =	wrdreg s17  }
.Ltmp0:
0x16: {  	s14 =	sadd.s32 s10, s2;
	s18 =	sshrl.u32 s15, $0x2;
	(pc) =	sbr.rel .LBB2_1-.Ltmp0, $4  }
0x17: {  	s17 =	sadd.s32 s8, s21;
	[dreg:$0xa] =	wrdreg s20;
	s21 =	sadd.s32 s24, s21  }
0x18: {  	s26 =	sadd.s32 s24, s13;
	s15 =	sadd.s32 s18, s2;
	[dreg:$0xb] =	wrdreg s21  }
0x19: {  	s18 =	sadd.s32 $0x8, s25;
	s25 =	sadd.s32 s23, s13;
	[dreg:$0xe] =	wrdreg s26  }
0x1a: {  	s20 =	simm.s32 $0x0;
	s26 =	smax.u32 s0, $0x1;
	[dreg:$0xd] =	wrdreg s25  }
.LBB2_24:
0x1b: {  	s9 =	rddreg [dreg:$0xa]  }
0x1c: {  	s25 =	sshrl.u32 s15, $0x3;
	s0 =	sadd.s32 s0, s9  }
0x1d: {  	[hbm:s0], [sflag:s12] =	dma.local [spmem:s25], $0xC80  }
0x1e: {  	_ =	swait.ge [sflag:s28], $0xC80  }
0x1f: {  	[sflag:s28] =	ssyncset.done $0x0  }
0x20: {  	[sflag:s28] =	ssyncadd.s32 $0xFFFFF380  }
.LBB2_25:
0x21: {  	s20 =	sadd.s32 $0x1, s20  }
0x22: {  	p3 =	sne.s32 s20, s26  }
.Ltmp1:
0x23: {  	_ = 	snop;
	(pc) =	sbr.rel @!p3 .LBB2_26-.Ltmp1, $1  }
0x24: {  	_ =	sdelay $0x3  }
.LBB2_1:
0x25: {  	s0 =	rddreg [dreg:$0x6]  }
0x26: {  	s0 =	sshrl.u32 s0, $0x3  }
0x27: {  	[spmem:s0], [sflag:s12] =	dma.local [hbm:s1], $0xC80  }
0x28: {  	_ =	swait.ge [sflag:s28], $0xC80  }
0x29: {  	[sflag:s28] =	ssyncset.done $0x0;
	s9 =	rddreg [dreg:$0x7]  }
0x2a: {  	[sflag:s28] =	ssyncadd.s32 $0xFFFFF380;
	s22 =	sshrl.u32 s9, $0x3  }
0x2b: {  	[spmem:s22], [sflag:s12] =	dma.local [hbm:s1], $0xC80  }
0x2c: {  	_ =	swait.ge [sflag:s28], $0xC80  }
0x2d: {  	[sflag:s28] =	ssyncset.done $0x0  }
0x2e: {  	s21 =	sshrl.u32 s14, $0x3;
	[sflag:s28] =	ssyncadd.s32 $0xFFFFF380  }
0x2f: {  	[spmem:s21], [sflag:s12] =	dma.local [hbm:s1], $0xC80  }
0x30: {  	_ =	swait.ge [sflag:s28], $0xC80  }
0x31: {  	[sflag:s28] =	ssyncset.done $0x0  }
0x32: {  	s9 =	sshrl.u32 @!p1 s15, $0x3;
	[sflag:s28] =	ssyncadd.s32 $0xFFFFF380  }
0x33: {  	[spmem:s9], [sflag:s12] =	dma.local @!p1 [hbm:s1], $0xC80  }
0x34: {  	s9 =	simm.s32 @!p1 $0x9  }
0x35: {  	_ =	swait.ge @!p1 [sflag:s9], $0xC80  }
0x36: {  	[sflag:s9] =	ssyncset.done @!p1 $0x0  }
0x37: {  	[sflag:s9] =	ssyncadd.s32 @!p1 $0xFFFFF380  }
0x38: {  	[bflag:$0x0] =	sbarrier.arrive $0xFFFF  }
0x39: {  	[tilespmem:s3], [sflag:$0x1] =	stream.linear.gather [hbm4b:s16+s3], $0x400, $0x38;
	[tilespmem:$0x1E480] =	vst v63  }
0x3a: {  	s25 =	simm.s32 $0x800  }
0x3b: {  	[tilespmem:s25], [sflag:$0x1] =	stream.linear.gather [hbm4b:s17+s3], $0x400, $0x38;
	[tilespmem:$0x1E480] =	vst v63  }
0x3c: {  	_ =	swait.ge [sflag:s30], $0x400  }
.Ltmp2:
0x3d: {  	[sflag:s30] =	ssyncset.done $0x0;
	(pc) =	sbr.rel @!p0 .LBB2_2-.Ltmp2, $4  }
0x3e: {  	[sflag:s30] =	ssyncadd.s32 $0xFFFFFC00  }
0x3f: {  	_ =	swait.ge [sflag:s30], $0x400  }
0x40: {  	[sflag:s30] =	ssyncset.done $0x0  }
0x41: {  	s24 =	simm.s32 $0x0;
	s9 =	simm.s32 $0x1000;
	[sflag:s30] =	ssyncadd.s32 $0xFFFFFC00  }
0x42: {  	[tilespmem:s9], [sflag:$0x3] =	stream.indirect.gather [hbm4b:s6+s31], $0x80, s24, s31, $0xb8;
	[tilespmem:$0x1E480] =	vst v63  }
.LBB2_14:
0x43: {  	s23 =	sand.u32 $0x7, s24  }
0x44: {  	p3 =	sne.s32 s23, $0x2  }
0x45: {  	p4 =	sgt.u32 @!p3 s24, $0xBF  }
0x46: {  	p3 =	por p3, p4  }
.Ltmp3:
0x47: {  	_ = 	snop;
	(pc) =	sbr.rel @p3 .LBB2_16-.Ltmp3, $3  }
0x48: {  	_ =	sdelay $0x1  }
0x49: {  	s9 =	sshrl.u32 s24, $0x3  }
0x4a: {  	s25 =	sand.u32 $0x1, s9  }
0x4b: {  	s9 =	sand.u32 $0xF8, s24  }
0x4c: {  	s10 =	sxor.u32 $0x1, s25;
	s9 =	sadd.s32 s9, s18  }
0x4d: {  	s11 =	sadd.s32 $0x1, s10;
	s9 =	sshll.u32 s9, $0x4  }
.Ltmp4:
0x4e: {  	s10 =	sshll.u32 s10, $0xA;
	s13 =	sadd.s32 s7, s9;
	(pc) =	sbr.rel .LBB2_20-.Ltmp4, $4  }
0x4f: {  	[tilespmem:s10], [sflag:s11] =	stream.linear.gather [hbm4b:s13+s3], $0x400, $0x38;
	[tilespmem:$0x1E480] =	vst v63  }
0x50: {  	s9 =	sadd.s32 s8, s9;
	s10 =	sor.u32 $0x800, s10  }
0x51: {  	[tilespmem:s10], [sflag:s11] =	stream.linear.gather [hbm4b:s9+s3], $0x400, $0x38;
	[tilespmem:$0x1E480] =	vst v63  }
0x52: {  	s9 =	sor.u32 $0x1, s24  }
.LBB2_16:
0x53: {  	p3 =	seq.s32 s24, $0xC7  }
0x54: {  	p4 =	sne.s32 @!p3 s23, $0x7  }
0x55: {  	p4 =	por p3, p4  }
.Ltmp5:
0x56: {  	_ = 	snop;
	(pc) =	sbr.rel @p4 .LBB2_18-.Ltmp5, $2  }
0x57: {  	_ =	sdelay $0x2  }
0x58: {  	s9 =	sadd.s32 $0x1, s24  }
0x59: {  	s10 =	sxor.u32 $0x1, s25  }
0x5a: {  	s10 =	sadd.s32 $0x1, s10  }
0x5b: {  	_ =	swait.ge [sflag:s10], $0x400  }
0x5c: {  	[sflag:s10] =	ssyncset.done $0x0  }
0x5d: {  	[sflag:s10] =	ssyncadd.s32 $0xFFFFFC00  }
0x5e: {  	_ =	swait.ge [sflag:s10], $0x400  }
0x5f: {  	[sflag:s10] =	ssyncset.done $0x0  }
0x60: {  	[sflag:s10] =	ssyncadd.s32 $0xFFFFFC00  }
.LBB2_20:
0x61: {  	s10 =	sadd.s32 $0xFFFFFFFE, s24  }
0x62: {  	s11 =	sand.u32 $0xFF, s10  }
0x63: {  	s11 =	smul.u32 $0xAB, s11;
	_ =	sdelay $0x1  }
0x64: {  	s11 =	sshrl.u32 s11, $0x9  }
0x65: {  	s11 =	smul.u32 $0x3, s11;
	_ =	sdelay $0x1  }
0x66: {  	s10 =	ssub.s32 s10, s11  }
0x67: {  	s10 =	sand.u32 $0xFF, s10  }
0x68: {  	s10 =	sadd.s32 $0x6, s10  }
0x69: {  	_ =	swait.ge [sflag:s10], $0x3200  }
0x6a: {  	[sflag:s10] =	ssyncset.done $0x0  }
0x6b: {  	[sflag:s10] =	ssyncadd.s32 $0xFFFFCE00  }
.LBB2_21:
0x6c: {  	s10 =	sand.u32 $0xFF, s9  }
0x6d: {  	s10 =	smul.u32 $0xAB, s10;
	_ =	sdelay $0x1  }
0x6e: {  	s10 =	sshrl.u32 s10, $0x9  }
0x6f: {  	s10 =	smul.u32 $0x3, s10;
	_ =	sdelay $0x1  }
0x70: {  	s10 =	ssub.s32 s9, s10  }
0x71: {  	s10 =	sand.u32 $0xFF, s10  }
0x72: {  	s11 =	smul.u32 $0xD000, s10;
	_ =	sdelay $0x1  }
0x73: {  	s13 =	sshll.u32 s9, $0x7;
	s11 =	sshrl.u32 s11, $0x2  }
0x74: {  	s13 =	sand.u32 $0x780, s13;
	s10 =	sadd.s32 $0x3, s10;
	s11 =	sadd.s32 $0x1000, s11  }
0x75: {  	[tilespmem:s11], [sflag:s10] =	stream.indirect.gather [hbm4b:s6+s31], $0x80, s13, s31, $0xb8;
	[tilespmem:$0x1E480] =	vst v63  }
0x76: {  	s10 =	smov.u32 s9  }
.LBB2_22:
0x77: {  	s9 =	smul.u32 $0xAB, s24;
	_ =	sdelay $0x1  }
0x78: {  	s9 =	sshrl.u32 s9, $0x9  }
0x79: {  	s9 =	sand.u32 $0x7F, s9  }
0x7a: {  	s9 =	smul.u32 $0x3, s9;
	_ =	sdelay $0x1  }
0x7b: {  	s9 =	ssub.s32 s24, s9  }
0x7c: {  	s25 =	sshll.u32 s25, $0xA;
	s9 =	sand.u32 $0xFF, s9  }
0x7d: {  	s23 =	sshll.u32 s23, $0x7;
	p3 =	slt.u32 s10, $0xC8;
	s11 =	smul.u32 $0xD000, s9  }
.Ltmp6:
0x7e: {  	s23 =	sor.u32 s23, s25;
	s13 =	sadd.s32 $0x3, s9;
	(pc) =	sbr.rel @p3 .LBB2_14-.Ltmp6, $4  }
.Ltmp7:
0x7f: {  	s25 =	sor.u32 $0x800, s23;
	_ =	swait.ge [sflag:s13], $0x3200;
	(pc) =	sbr.rel @!p3 .LBB2_23-.Ltmp7, $4  }
0x80: {  	s24 =	smov.u32 s10;
	s11 =	sshrl.u32 s11, $0x2;
	[sflag:s13] =	ssyncset.done $0x0  }
0x81: {  	s9 =	sadd.s32 $0x6, s9;
	s11 =	sadd.s32 $0x1000, s11;
	[sflag:s13] =	ssyncadd.s32 $0xFFFFCE00  }
0x82: {  	[spmem:s2] =	stream.indirect.scatter.add.f32 [tilespmem:s11], [sflag:s9], $0x80, s25, s31, $0xb8;
	[tilespmem:$0x1E480] =	vst v63  }
0x83: {  	_ = 	snop  }
.LBB2_18:
.Ltmp8:
0x84: {  	(pc) =	sbr.rel @p3 .LBB2_22-.Ltmp8, $2  }
0x85: {  	_ =	sdelay $0x2  }
0x86: {  	s10 =	simm.s32 $0xC8  }
0x87: {  	p3 =	slt.u32 s24, $0x2  }
.Ltmp9:
0x88: {  	_ = 	snop;
	(pc) =	sbr.rel @p3 .LBB2_21-.Ltmp9, $4  }
.Ltmp10:
0x89: {  	_ = 	snop;
	(pc) =	sbr.rel @!p3 .LBB2_20-.Ltmp10, $4  }
0x8a: {  	_ = 	snop  }
0x8b: {  	_ = 	snop  }
0x8c: {  	_ = 	snop  }
0x8d: {  	_ = 	snop  }
.LBB2_2:
0x8e: {  	[tilespmem:s9], [sflag:$0x3] =	stream.indirect.gather [hbm4b:s4+s31], $0x80, s24, s31, $0xb8;
	[tilespmem:$0x1E480] =	vst v63  }
.LBB2_3:
0x8f: {  	s23 =	sand.u32 $0x7, s24  }
0x90: {  	p3 =	sne.s32 s23, $0x2  }
0x91: {  	p4 =	sgt.u32 @!p3 s24, $0xBF  }
0x92: {  	p3 =	por p3, p4  }
.Ltmp11:
0x93: {  	_ = 	snop;
	(pc) =	sbr.rel @p3 .LBB2_5-.Ltmp11, $3  }
0x94: {  	_ =	sdelay $0x1  }
0x95: {  	s9 =	sshrl.u32 s24, $0x3  }
0x96: {  	s25 =	sand.u32 $0x1, s9  }
0x97: {  	s9 =	sand.u32 $0xF8, s24  }
0x98: {  	s10 =	sxor.u32 $0x1, s25;
	s9 =	sadd.s32 s9, s18  }
0x99: {  	s11 =	sadd.s32 $0x1, s10;
	s9 =	sshll.u32 s9, $0x4  }
.Ltmp12:
0x9a: {  	s10 =	sshll.u32 s10, $0xA;
	s13 =	sadd.s32 s7, s9;
	(pc) =	sbr.rel .LBB2_9-.Ltmp12, $4  }
0x9b: {  	[tilespmem:s10], [sflag:s11] =	stream.linear.gather [hbm4b:s13+s3], $0x400, $0x38;
	[tilespmem:$0x1E480] =	vst v63  }
0x9c: {  	s9 =	sadd.s32 s8, s9;
	s10 =	sor.u32 $0x800, s10  }
0x9d: {  	[tilespmem:s10], [sflag:s11] =	stream.linear.gather [hbm4b:s9+s3], $0x400, $0x38;
	[tilespmem:$0x1E480] =	vst v63  }
0x9e: {  	s9 =	sor.u32 $0x1, s24  }
.LBB2_5:
0x9f: {  	p3 =	seq.s32 s24, $0xC7  }
0xa0: {  	p4 =	sne.s32 @!p3 s23, $0x7  }
0xa1: {  	p4 =	por p3, p4  }
.Ltmp13:
0xa2: {  	_ = 	snop;
	(pc) =	sbr.rel @p4 .LBB2_7-.Ltmp13, $2  }
0xa3: {  	_ =	sdelay $0x2  }
0xa4: {  	s9 =	sadd.s32 $0x1, s24  }
0xa5: {  	s10 =	sxor.u32 $0x1, s25  }
0xa6: {  	s10 =	sadd.s32 $0x1, s10  }
0xa7: {  	_ =	swait.ge [sflag:s10], $0x400  }
0xa8: {  	[sflag:s10] =	ssyncset.done $0x0  }
0xa9: {  	[sflag:s10] =	ssyncadd.s32 $0xFFFFFC00  }
0xaa: {  	_ =	swait.ge [sflag:s10], $0x400  }
0xab: {  	[sflag:s10] =	ssyncset.done $0x0  }
0xac: {  	[sflag:s10] =	ssyncadd.s32 $0xFFFFFC00  }
.LBB2_9:
0xad: {  	s10 =	sadd.s32 $0xFFFFFFFE, s24  }
0xae: {  	s11 =	sand.u32 $0xFF, s10  }
0xaf: {  	s11 =	smul.u32 $0xAB, s11;
	_ =	sdelay $0x1  }
0xb0: {  	s11 =	sshrl.u32 s11, $0x9  }
0xb1: {  	s11 =	smul.u32 $0x3, s11;
	_ =	sdelay $0x1  }
0xb2: {  	s10 =	ssub.s32 s10, s11  }
0xb3: {  	s10 =	sand.u32 $0xFF, s10  }
0xb4: {  	s10 =	sadd.s32 $0x6, s10  }
0xb5: {  	_ =	swait.ge [sflag:s10], $0x3200  }
0xb6: {  	[sflag:s10] =	ssyncset.done $0x0  }
0xb7: {  	[sflag:s10] =	ssyncadd.s32 $0xFFFFCE00  }
.LBB2_10:
0xb8: {  	s10 =	sand.u32 $0xFF, s9  }
0xb9: {  	s10 =	smul.u32 $0xAB, s10;
	_ =	sdelay $0x1  }
0xba: {  	s10 =	sshrl.u32 s10, $0x9  }
0xbb: {  	s10 =	smul.u32 $0x3, s10;
	_ =	sdelay $0x1  }
0xbc: {  	s10 =	ssub.s32 s9, s10  }
0xbd: {  	s10 =	sand.u32 $0xFF, s10  }
0xbe: {  	s11 =	smul.u32 $0xD000, s10;
	_ =	sdelay $0x1  }
0xbf: {  	s13 =	sshll.u32 s9, $0x7;
	s11 =	sshrl.u32 s11, $0x2  }
0xc0: {  	s13 =	sand.u32 $0x780, s13;
	s10 =	sadd.s32 $0x3, s10;
	s11 =	sadd.s32 $0x1000, s11  }
0xc1: {  	[tilespmem:s11], [sflag:s10] =	stream.indirect.gather [hbm4b:s4+s31], $0x80, s13, s31, $0xb8;
	[tilespmem:$0x1E480] =	vst v63  }
0xc2: {  	s10 =	smov.u32 s9  }
.LBB2_11:
0xc3: {  	s9 =	smul.u32 $0xAB, s24;
	_ =	sdelay $0x1  }
0xc4: {  	s9 =	sshrl.u32 s9, $0x9  }
0xc5: {  	s9 =	sand.u32 $0x7F, s9  }
0xc6: {  	s9 =	smul.u32 $0x3, s9;
	_ =	sdelay $0x1  }
0xc7: {  	s9 =	ssub.s32 s24, s9  }
0xc8: {  	s25 =	sshll.u32 s25, $0xA;
	s9 =	sand.u32 $0xFF, s9  }
0xc9: {  	s23 =	sshll.u32 s23, $0x7;
	p3 =	slt.u32 s10, $0xC8;
	s11 =	smul.u32 $0xD000, s9  }
.Ltmp14:
0xca: {  	s23 =	sor.u32 s23, s25;
	s13 =	sadd.s32 $0x3, s9;
	(pc) =	sbr.rel @p3 .LBB2_3-.Ltmp14, $4  }
.Ltmp15:
0xcb: {  	s25 =	sor.u32 $0x800, s23;
	_ =	swait.ge [sflag:s13], $0x3200;
	(pc) =	sbr.rel @!p3 .LBB2_12-.Ltmp15, $4  }
0xcc: {  	s24 =	smov.u32 s10;
	s11 =	sshrl.u32 s11, $0x2;
	[sflag:s13] =	ssyncset.done $0x0  }
0xcd: {  	s9 =	sadd.s32 $0x6, s9;
	s11 =	sadd.s32 $0x1000, s11;
	[sflag:s13] =	ssyncadd.s32 $0xFFFFCE00  }
0xce: {  	[spmem:s2] =	stream.indirect.scatter.add.f32 [tilespmem:s11], [sflag:s9], $0x80, s25, s31, $0xb8;
	[tilespmem:$0x1E480] =	vst v63  }
0xcf: {  	_ = 	snop  }
.LBB2_7:
.Ltmp16:
0xd0: {  	(pc) =	sbr.rel @p3 .LBB2_11-.Ltmp16, $2  }
0xd1: {  	_ =	sdelay $0x2  }
0xd2: {  	s10 =	simm.s32 $0xC8  }
0xd3: {  	p3 =	slt.u32 s24, $0x2  }
.Ltmp17:
0xd4: {  	_ = 	snop;
	(pc) =	sbr.rel @p3 .LBB2_10-.Ltmp17, $4  }
.Ltmp18:
0xd5: {  	_ = 	snop;
	(pc) =	sbr.rel @!p3 .LBB2_9-.Ltmp18, $4  }
0xd6: {  	_ = 	snop  }
0xd7: {  	_ = 	snop  }
0xd8: {  	_ = 	snop  }
0xd9: {  	_ = 	snop  }
.LBB2_23:
0xda: {  	_ =	swait.ge [sflag:s5], $0x3200  }
0xdb: {  	[sflag:s5] =	ssyncset.done $0x0  }
0xdc: {  	[sflag:s5] =	ssyncadd.s32 $0xFFFFCE00  }
0xdd: {  	_ =	swait.ge [sflag:s19], $0x3200  }
0xde: {  	[sflag:s19] =	ssyncset.done $0x0  }
0xdf: {  	[sflag:s19] =	ssyncadd.s32 $0xFFFFCE00  }
0xe0: {  	_ =	swait.ge [sflag:s29], $0x3200  }
0xe1: {  	[sflag:s29] =	ssyncset.done $0x0  }
0xe2: {  	[sflag:s29] =	ssyncadd.s32 $0xFFFFCE00  }
0xe3: {  	[bflag:$0x0] =	sbarrier.arrive $0xFFFF  }
0xe4: {  	s9 =	rddreg [dreg:$0xb]  }
0xe5: {  	[hbm:s9], [sflag:s12] =	dma.local [spmem:s0], $0xC80  }
0xe6: {  	_ =	swait.ge [sflag:s28], $0xC80  }
0xe7: {  	[sflag:s28] =	ssyncset.done $0x0  }
0xe8: {  	s24 =	rddreg [dreg:$0xc];
	[sflag:s28] =	ssyncadd.s32 $0xFFFFF380  }
0xe9: {  	[hbm:s24], [sflag:s12] =	dma.local [spmem:s22], $0xC80  }
0xea: {  	_ =	swait.ge [sflag:s28], $0xC80  }
0xeb: {  	[sflag:s28] =	ssyncset.done $0x0  }
0xec: {  	s25 =	rddreg [dreg:$0xe];
	[sflag:s28] =	ssyncadd.s32 $0xFFFFF380  }
0xed: {  	[hbm:s25], [sflag:s12] =	dma.local [spmem:s21], $0xC80  }
.Ltmp19:
0xee: {  	_ = 	snop;
	(pc) =	sbr.rel @p1 .LBB2_25-.Ltmp19, $4  }
.Ltmp20:
0xef: {  	_ = 	snop;
	(pc) =	sbr.rel @!p1 .LBB2_24-.Ltmp20, $4  }
0xf0: {  	_ =	swait.ge [sflag:s28], $0xC80  }
0xf1: {  	[sflag:s28] =	ssyncset.done $0x0  }
0xf2: {  	s0 =	rddreg [dreg:$0x5];
	[sflag:s28] =	ssyncadd.s32 $0xFFFFF380  }
0xf3: {  	_ = 	snop  }
.LBB2_12:
0xf4: {  	_ =	swait.ge [sflag:s5], $0x3200  }
0xf5: {  	[sflag:s5] =	ssyncset.done $0x0  }
0xf6: {  	[sflag:s5] =	ssyncadd.s32 $0xFFFFCE00  }
0xf7: {  	_ =	swait.ge [sflag:s19], $0x3200  }
0xf8: {  	[sflag:s19] =	ssyncset.done $0x0  }
0xf9: {  	[sflag:s19] =	ssyncadd.s32 $0xFFFFCE00  }
0xfa: {  	_ =	swait.ge [sflag:s29], $0x3200  }
0xfb: {  	[sflag:s29] =	ssyncset.done $0x0  }
0xfc: {  	[sflag:s29] =	ssyncadd.s32 $0xFFFFCE00  }
0xfd: {  	[bflag:$0x0] =	sbarrier.arrive $0xFFFF  }
0xfe: {  	s9 =	rddreg [dreg:$0x8]  }
0xff: {  	[hbm:s9], [sflag:s12] =	dma.local [spmem:s0], $0xC80  }
0x100: {  	_ =	swait.ge [sflag:s28], $0xC80  }
0x101: {  	[sflag:s28] =	ssyncset.done $0x0  }
0x102: {  	s24 =	rddreg [dreg:$0x9];
	[sflag:s28] =	ssyncadd.s32 $0xFFFFF380  }
0x103: {  	[hbm:s24], [sflag:s12] =	dma.local [spmem:s22], $0xC80  }
0x104: {  	_ =	swait.ge [sflag:s28], $0xC80  }
0x105: {  	[sflag:s28] =	ssyncset.done $0x0  }
0x106: {  	s25 =	rddreg [dreg:$0xd];
	[sflag:s28] =	ssyncadd.s32 $0xFFFFF380  }
0x107: {  	[hbm:s25], [sflag:s12] =	dma.local [spmem:s21], $0xC80  }
.Ltmp21:
0x108: {  	_ = 	snop;
	(pc) =	sbr.rel @p2 .LBB2_24-.Ltmp21, $4  }
.Ltmp22:
0x109: {  	_ = 	snop;
	(pc) =	sbr.rel @!p2 .LBB2_25-.Ltmp22, $4  }
0x10a: {  	_ =	swait.ge [sflag:s28], $0xC80  }
0x10b: {  	[sflag:s28] =	ssyncset.done $0x0  }
0x10c: {  	s0 =	rddreg [dreg:$0x4];
	[sflag:s28] =	ssyncadd.s32 $0xFFFFF380  }
0x10d: {  	_ = 	snop  }
.LBB2_26:
0x10e: {  	_ =	sfence.sel $0x180000  }
0x10f: {  	[bflag:$0x0] =	sbarrier.arrive $0xFFFF  }
0x110: {  	_ =	strace $0x9000004D  }
0x111: {  	s0 =	stileid.u32;
	[bflag:$0x2] =	sbarrier.arrive $0xFFFF  }
0x112: {  	p0 =	sne.s32 s0, $0x0;
	s0 =	rddreg [dreg:$0x3]  }
0x113: {  	s0 =	sadd.s32 @!p0 $0x100000, s0  }
0x114: {  	[sflag:s0] =	ssyncadd.tile.s32 @!p0 $0x1;
	_ =	shalt  }
.Lfunc_end2:
_tile_overlayer_lowered:
.L_overlay_start_2:
0x115: {  	(tag) =	ssettag $0x2  }
0x116: {  	s0 =	rddreg [dreg:$0x0];
	s2 =	stileid.u32  }
0x117: {  	s1 =	rddreg [dreg:$0x1];
	p0 =	sne.s32 s2, $0x0  }
0x118: {  	s3 =	rddreg [dreg:$0x2];
	[bflag:$0x3] =	sbarrier.arrive $0xFFFF;
	s2 =	simm.s32 @!p0 $0x1C09  }
0x119: {  	[timem:s3], [sflag:s2] =	dma.local @!p0 [hbm:s0], s1  }
0x11a: {  	s0 =	simm.s32 @!p0 $0x9  }
0x11b: {  	_ =	swait.ge @!p0 [sflag:s0], s1  }
0x11c: {  	s1 =	ssub.s32 @!p0 $0x0, s1;
	[sflag:s0] =	ssyncset.done @!p0 $0x0  }
0x11d: {  	[sflag:s0] =	ssyncadd.s32 @!p0 s1  }
0x11e: {  	[bflag:$0x3] =	sbarrier.arrive $0xFFFF  }
0x11f: {  	_ =	shalt  }

// kernel: kernel.20.cloned.1.call-start
scs
__scs_entry_jumppad:
0x0: {  	(pc) =	sbr.rel $0x88, $3  }
0x1: {  	(tag) =	ssettag $0x0;
	lr =	simm.s32 $0x1  }
0x2: {  	[smem:$0x3F95] =	sst lr;
	_ =	strace $0xD0000000  }
0x3: {  	_ = 	snop  }
0x4: {  	_ = 	snop  }
0x5: {  	_ = 	snop  }
0x6: {  	_ = 	snop  }
0x7: {  	_ = 	snop  }
__scs_overlays_trampoline_lowered:
0x8: {  	[smem:$0x3FA4] =	sst s0  }
0x9: {  	[smem:$0x3FA5] =	sst s1  }
0xa: {  	[smem:$0x3FA6] =	sst s2  }
0xb: {  	[smem:$0x3FA7] =	sst s3  }
0xc: {  	[smem:$0x3FA8] =	sst s4  }
0xd: {  	[smem:$0x3FA9] =	sst s5  }
0xe: {  	[smem:$0x3FAA] =	sst s6  }
0xf: {  	[smem:$0x3FAB] =	sst s7  }
0x10: {  	[smem:$0x3FAC] =	sst s8  }
0x11: {  	[smem:$0x3FAD] =	sst s9;
	s0 =	simm.s32 @!p0 $0x0  }
0x12: {  	s1 =	sld [smem:$0x3F93];
	s0 =	simm.s32 @p0 $0x1  }
0x13: {  	[smem:$0x3FAE] =	sst s0;
	s0 =	simm.s32 @!p1 $0x0  }
0x14: {  	s2 =	sld [smem:$0x3F92];
	s0 =	simm.s32 @p1 $0x1  }
0x15: {  	[smem:$0x3FAF] =	sst s0;
	s0 =	simm.s32 @!p2 $0x0  }
0x16: {  	s3 =	sld [smem:$0x3FDB];
	s0 =	simm.s32 @p2 $0x1  }
0x17: {  	s4 =	simm.s32 $0x1BF5;
	[smem:$0x3FB1] =	sst s0  }
0x18: {  	s0 =	sld [smem:$0x3F94];
	_ =	swait.ge [sflag:s4], $0x0  }
0x19: {  	s7 =	sld [smem:$0x3F95]  }
0x1a: {  	s8 =	sadd.s32 $0xFFFFE003, lr  }
0x1b: {  	s9 =	sadd.s32 $0xFFFFFEF7, lr;
	s5 =	simm.s32 $0xFFFFFFFF;
	p2 =	slt.u32 s8, $0xFFFFF086  }
0x1c: {  	p1 =	slt.u32 s9, $0xF7A;
	s5 =	simm.s32 @!p2 $0x0  }
0x1d: {  	s5 =	simm.s32 @p1 $0x1;
	p0 =	seq.s32 s7, s2  }
0x1e: {  	s7 =	smul.u32 @!p0 $0xF7A, s2;
	p2 =	seq.s32 @!p0 s5, $0x0  }
0x1f: {  	s9 =	smul.u32 $0xF7A, s1;
	s8 =	simm.s32 @!p0 $0x1BF5;
	p2 =	por !p2, p0  }
0x20: {  	[sflag:s8] =	ssyncset.s32 @!p0 $0xFFFFF086;
	s6 =	sadd.s32 @!p0 s3, s7;
	s7 =	simm.s32 @!p0 $0x108  }
0x21: {  	s3 =	sadd.s32 s3, s9;
	s6 =	sadd.s32 @!p0 $0x88, s6;
	s7 =	simm.s32 @p2 $0x1082  }
0x22: {  	[simem:s7], [sflag:s8] =	dma.local @!p0 [hbm:s6], $0xF7A  }
0x23: {  	s9 =	sor.u32 $0xD0000000, s2;
	s6 =	simm.s32 $0x108;
	_ =	swait.ge @!p0 [sflag:s8], $0x0  }
0x24: {  	s3 =	sadd.s32 $0x88, s3;
	s6 =	simm.s32 @!p1 $0x1082;
	[sflag:s4] =	ssyncset.s32 $0xFFFFF086  }
0x25: {  	[simem:s6], [sflag:s4] =	dma.local [hbm:s3], $0xF7A  }
0x26: {  	[smem:$0x3F95] =	sst s1;
	(tag) =	ssettag s2;
	_ =	strace s9  }
0x27: {  	s1 =	sld [smem:$0x3FA5]  }
0x28: {  	s2 =	sld [smem:$0x3FA6]  }
0x29: {  	s4 =	sld [smem:$0x3FA8]  }
0x2a: {  	p0 =	seq.s32 s5, $0x0;
	s5 =	sld [smem:$0x3FA9]  }
0x2b: {  	s6 =	sld [smem:$0x3FAA]  }
0x2c: {  	s7 =	sld [smem:$0x3FAB]  }
0x2d: {  	s3 =	simm.s32 $0x108;
	s8 =	sld [smem:$0x3FAC]  }
0x2e: {  	s3 =	simm.s32 @!p0 $0x1082;
	s9 =	sld [smem:$0x3FAD]  }
0x2f: {  	lr =	sadd.s32 s0, s3;
	s0 =	sld [smem:$0x3FA4]  }
0x30: {  	s3 =	sld [smem:$0x3FA7]  }
0x31: {  	[smem:$0x3FB0] =	sst s10  }
0x32: {  	s10 =	sld [smem:$0x3FAE];
	_ =	sdelay $0x3  }
0x33: {  	p0 =	seq.s32 s10, $0x1;
	s10 =	sld [smem:$0x3FB0];
	_ =	sdelay $0x3  }
0x34: {  	[smem:$0x3FB0] =	sst s10  }
0x35: {  	s10 =	sld [smem:$0x3FAF];
	_ =	sdelay $0x3  }
0x36: {  	p1 =	seq.s32 s10, $0x1;
	s10 =	sld [smem:$0x3FB0];
	_ =	sdelay $0x3  }
0x37: {  	[smem:$0x3FB0] =	sst s10  }
0x38: {  	s10 =	sld [smem:$0x3FB1]  }
0x39: {  	_ = 	snop;
	(pc) =	sbr.ind lr, $3  }
0x3a: {  	_ = 	snop  }
0x3b: {  	_ = 	snop  }
0x3c: {  	p2 =	seq.s32 s10, $0x1;
	s10 =	sld [smem:$0x3FB0]  }
0x3d: {  	_ =	shalt  }
0x3e: {  	_ =	shalt  }
0x3f: {  	_ =	shalt  }
0x40: {  	_ =	shalt  }
0x41: {  	_ =	shalt  }
0x42: {  	_ =	shalt  }
0x43: {  	_ =	shalt  }
0x44: {  	_ =	shalt  }
0x45: {  	_ =	shalt  }
0x46: {  	_ =	shalt  }
0x47: {  	_ =	shalt  }
0x48: {  	_ =	shalt  }
0x49: {  	_ =	shalt  }
0x4a: {  	_ =	shalt  }
0x4b: {  	_ =	shalt  }
0x4c: {  	_ =	shalt  }
0x4d: {  	_ =	shalt  }
0x4e: {  	_ =	shalt  }
0x4f: {  	_ =	shalt  }
0x50: {  	_ =	shalt  }
0x51: {  	_ =	shalt  }
0x52: {  	_ =	shalt  }
0x53: {  	_ =	shalt  }
0x54: {  	_ =	shalt  }
0x55: {  	_ =	shalt  }
0x56: {  	_ =	shalt  }
0x57: {  	_ =	shalt  }
0x58: {  	_ =	shalt  }
0x59: {  	_ =	shalt  }
0x5a: {  	_ =	shalt  }
0x5b: {  	_ =	shalt  }
0x5c: {  	_ =	shalt  }
0x5d: {  	_ =	shalt  }
0x5e: {  	_ =	shalt  }
0x5f: {  	_ =	shalt  }
0x60: {  	_ =	shalt  }
0x61: {  	_ =	shalt  }
0x62: {  	_ =	shalt  }
0x63: {  	_ =	shalt  }
0x64: {  	_ =	shalt  }
0x65: {  	_ =	shalt  }
0x66: {  	_ =	shalt  }
0x67: {  	_ =	shalt  }
0x68: {  	_ =	shalt  }
0x69: {  	_ =	shalt  }
0x6a: {  	_ =	shalt  }
0x6b: {  	_ =	shalt  }
0x6c: {  	_ =	shalt  }
0x6d: {  	_ =	shalt  }
0x6e: {  	_ =	shalt  }
0x6f: {  	_ =	shalt  }
0x70: {  	_ =	shalt  }
0x71: {  	_ =	shalt  }
0x72: {  	_ =	shalt  }
0x73: {  	_ =	shalt  }
0x74: {  	_ =	shalt  }
0x75: {  	_ =	shalt  }
0x76: {  	_ =	shalt  }
0x77: {  	_ =	shalt  }
0x78: {  	_ =	shalt  }
0x79: {  	_ =	shalt  }
0x7a: {  	_ =	shalt  }
0x7b: {  	_ =	shalt  }
0x7c: {  	_ =	shalt  }
0x7d: {  	_ =	shalt  }
0x7e: {  	_ =	shalt  }
0x7f: {  	_ =	shalt  }
0x80: {  	_ =	shalt  }
0x81: {  	_ =	shalt  }
0x82: {  	_ =	shalt  }
0x83: {  	_ =	shalt  }
0x84: {  	_ =	shalt  }
0x85: {  	_ =	shalt  }
0x86: {  	_ =	shalt  }
0x87: {  	_ =	shalt  }
.Lfunc_end0:
.L_simem_size_0:
called_computation.3_lowered:
.L_overlay_start_0:
0x88: {  	s2 =	sld [smem:$0x3FD9]  }
0x89: {  	s3 =	sld [smem:$0x3FFE];
	_ =	sdelay $0x1  }
0x8a: {  	s1 =	srdreg.scid  }
0x8b: {  	s0 =	sand.u32 $0x1, s1  }
0x8c: {  	s14 =	sshll.u32 s0, $0xA;
	s2 =	sadd.s32 s3, s2  }
0x8d: {  	s2 =	sadd.s32 s2, s14  }
0x8e: {  	[smem:$0x3FBC] =	sst s2  }
0x8f: {  	_ = 	snop  }
0x90: {  	s2 =	sld [smem:$0x3FD0];
	_ =	sdelay $0x2  }
0x91: {  	s15 =	simm.s32 $0xA;
	s4 =	simm.s32 $0x10  }
0x92: {  	[smem:s4], [sflag:s15] =	dma.local [hbm:s2], $0x1  }
0x93: {  	_ =	swait.eq [sflag:s15], $0x1  }
0x94: {  	[sflag:s15] =	ssyncset.done $0x0  }
0x95: {  	[sflag:s15] =	ssyncadd.s32 $0xFFFFFFFF  }
0x96: {  	s16 =	sld [smem:$0x11];
	(tm) =	ssettm $0x1  }
0x97: {  	s17 =	sld [smem:$0x3FFB];
	_ =	sdelay $0x3  }
0x98: {  	_ =	strace s17  }
0x99: {  	s3 =	sld [smem:$0x3FFC];
	_ =	sdelay $0x3  }
0x9a: {  	_ =	strace s3  }
0x9b: {  	s3 =	sld [smem:$0x3FFD];
	_ =	sdelay $0x3  }
0x9c: {  	_ =	strace s3  }
0x9d: {  	_ =	strace $0x8FFFFFFF  }
0x9e: {  	s18 =	sld [smem:$0x3FDB];
	_ =	sdelay $0x1  }
0x9f: {  	s19 =	simm.s32 $_scs_section_size  }
0xa0: {  	s5 =	simm.s32 $_size__tile_overlayer_lowered;
	s6 =	simm.s32 $_tile_overlayer_lowered  }
0xa1: {  	s22 =	simm.s32 $0x1BFF;
	s21 =	sshll.u32 s6, $0x1;
	s3 =	sadd.s32 s19, s18  }
0xa2: {  	s7 =	simm.s32 $0x0;
	s20 =	sshll.u32 s5, $0x1;
	s5 =	sadd.s32 s21, s3  }
0xa3: {  	[timem:s7], [sflag:s22] =	dma.local [hbm:s5], s20  }
0xa4: {  	_ =	swait.ge [sflag:s22], s20  }
0xa5: {  	s4 =	ssub.s32 $0x0, s20;
	[sflag:s22] =	ssyncset.done $0x0  }
0xa6: {  	[sflag:s22] =	ssyncadd.s32 s4;
	_ =	sdelay $0x1  }
0xa7: {  	s23 =	simm.s32 $0x1B8B  }
0xa8: {  	_ =	swait.ge [sflag:s23], $0x1  }
0xa9: {  	[sflag:s23] =	ssyncset.done $0x0  }
0xaa: {  	s25 =	simm.s32 $0x1B8E;
	s24 =	sld [smem:$0x3FFE];
	[sflag:s23] =	ssyncadd.s32 $0xFFFFFFFF  }
0xab: {  	s26 =	simm.s32 $execute0_lowered;
	[smem:$0x3FD2] =	sst s25  }
0xac: {  	s5 =	sshll.u32 s26, $0x1;
	_ =	strace $0x8000004F;
	[dreg:$0x1] =	wrdreg $0xFFFFFFFF  }
0xad: {  	s28 =	simm.s32 $_size_execute0_lowered;
	s3 =	sadd.s32 s3, s5;
	[dreg:$0x0] =	wrdreg $0x0  }
0xae: {  	s5 =	sshll.u32 s28, $0x1;
	[dreg:$0x2] =	wrdreg s3  }
0xaf: {  	[dreg:$0x3] =	wrdreg s5  }
0xb0: {  	[dreg:$0x4] =	wrdreg $0xC0  }
0xb1: {  	_ =	task [dreg:s7], $0x5FFFF  }
0xb2: {  	[dreg:$0x1] =	wrdreg $0xFFFFFFFF  }
0xb3: {  	[dreg:$0x0] =	wrdreg $0x60  }
0xb4: {  	[dreg:$0x2] =	wrdreg s24  }
0xb5: {  	[dreg:$0x3] =	wrdreg s16  }
0xb6: {  	[dreg:$0x4] =	wrdreg $0x45400  }
0xb7: {  	[dreg:$0x5] =	wrdreg $0x9  }
0xb8: {  	_ =	task.clear_ibuf [dreg:s7], $0x6FFFF;
	_ =	strace $0x9000004F  }
0xb9: {  	s29 =	simm.s32 $0x9;
	_ =	strace $0x80000051  }
0xba: {  	_ =	swait.ge [sflag:s29], $0x1  }
0xbb: {  	[sflag:s29] =	ssyncadd.s32 $0xFFFFFFFF  }
0xbc: {  	_ =	strace $0x90000051  }
0xbd: {  	_ =	sfence  }
0xbe: {  	s30 =	sld [smem:$0x0];
	_ =	sdelay $0x2  }
0xbf: {  	s31 =	sshll.u32 s1, $0xD;
	s1 =	sshrl.u32 s1, $0x2  }
0xc0: {  	s3 =	sand.u32 $0x4000, s31;
	s1 =	sadd.s32 s1, s30  }
0xc1: {  	s0 =	sor.u32 s3, s0;
	s1 =	sshll.u32 s1, $0x11  }
0xc2: {  	s0 =	sor.u32 s1, s0  }
0xc3: {  	s0 =	sadd.s32 $0x8F2B, s0  }
0xc4: {  	[sflag:s0] =	ssyncadd.remote.s32 $0x1  }
0xc5: {  	_ =	sfence.sel $0xFFFF  }
0xc6: {  	[dreg:$0x0] =	wrdreg $0xFFFFFFFF;
	(pc) =	sbr.abs _section_cstart, $3  }
0xc7: {  	[dreg:$0x1] =	wrdreg $0xFFFFFFFF  }
0xc8: {  	_ =	task.clear_ibuf [dreg:s7], $0x2FFFF;
	_ =	strace $0x9FFFFFFF  }
0xc9: {  	(tm) =	ssettm $0x7FFFFFFF  }
tec
execute0_lowered:
.L_overlay_start_1:
0x0: {  	(tag) =	ssettag $0x1  }
0x1: {  	s0 =	srdreg.scid;
	s11 =	rddreg [dreg:$0x0]  }
0x2: {  	s28 =	stileid.u32;
	s2 =	rddreg [dreg:$0x1];
	s0 =	sand.u32 $0x1, s0  }
0x3: {  	s3 =	rddreg [dreg:$0x2];
	s5 =	simm.s32 $0x0;
	s1 =	sshll.u32 s0, $0x4  }
0x4: {  	[smem:$0x7FF] =	sst s5;
	s10 =	sor.u32 s28, s1  }
0x5: {  	s6 =	sadd.s32 $0x19200, s11;
	s7 =	sadd.s32 $0xEE00, s11;
	s4 =	smul.u32 $0x68, s10  }
0x6: {  	s8 =	sadd.s32 $0x4A00, s11;
	s14 =	smul.u32 $0x9600, s28;
	s16 =	sor.u32 $0x10, s28  }
0x7: {  	s29 =	sadd.s32 $0x36A00, s11;
	s30 =	sadd.s32 $0x27E00, s11;
	s1 =	ssub.s32 $0xC80, s4  }
0x8: {  	p2 =	sgt.u32 s28, $0x1;
	p3 =	slt.u32 s28, $0x2;
	p0 =	sgt.s32 s1, $0x0  }
0x9: {  	_ =	strace $0x80000050;
	s12 =	ssub.s32 $0x2, s0;
	s1 =	simm.s32 @!p0 $0x0  }
0xa: {  	s17 =	smul.u32 $0x9600, s16;
	[dreg:$0x4] =	wrdreg s29;
	s9 =	smin.u32 s1, $0x68  }
0xb: {  	[dreg:$0x5] =	wrdreg s30;
	s13 =	sshrl.u32 s12, $0x1;
	s15 =	sadd.s32 $0xFFFFFFFD, s9  }
0xc: {  	s14 =	sshrl.u32 s14, $0x2;
	s18 =	sadd.s32 $0xFFFFFFFE, s9;
	s25 =	sshll.u32 s15, $0x18  }
0xd: {  	s20 =	sadd.s32 $0xFFFFFFFF, s9;
	s19 =	sshll.u32 s18, $0x18;
	s1 =	sshra.s32 s25, $0x18  }
0xe: {  	s22 =	sshll.u32 s20, $0x18;
	s19 =	sshra.s32 s19, $0x18;
	s21 =	smul.u32 $0x56, s1  }
0xf: {  	s23 =	sshra.s32 s22, $0x18;
	s22 =	sor.u32 $0x20, s28;
	s26 =	smul.u32 $0x56, s19  }
0x10: {  	s1 =	ssub.s32 s12, s13;
	s13 =	smul.u32 $0x56, s23;
	s24 =	sshrl.u32 s21, $0x1F  }
0x11: {  	s21 =	sshrl.u32 s21, $0x8;
	s25 =	sshrl.u32 s26, $0x1F;
	s12 =	sshrl.u32 s26, $0x8  }
0x12: {  	s23 =	sshrl.u32 s13, $0x1F;
	s26 =	smul.u32 $0x9600, s22;
	s19 =	sadd.s32 s24, s21  }
0x13: {  	s13 =	sshrl.u32 s13, $0x8;
	s12 =	sadd.s32 s25, s12;
	s19 =	smul.u32 $0x3, s19  }
0x14: {  	s11 =	sadd.s32 s14, s3;
	s13 =	sadd.s32 s23, s13;
	s12 =	smul.u32 $0x3, s12  }
0x15: {  	s17 =	sshrl.u32 s17, $0x2;
	p1 =	seq.s32 s10, $0x1F;
	s13 =	smul.u32 $0x3, s13  }
0x16: {  	p0 =	seq.s32 s0, $0x1;
	s21 =	sshrl.u32 s26, $0x2;
	s26 =	smul.u32 $0x548, s10  }
0x17: {  	s24 =	sshll.u32 s28, $0x6;
	s23 =	sadd.s32 s17, s3;
	s10 =	smul.u32 $0x2580, s16  }
0x18: {  	s31 =	sshrl.u32 s23, $0x3;
	s23 =	simm.s32 $0x1;
	s21 =	sadd.s32 s21, s3  }
0x19: {  	s14 =	ssub.s32 s15, s19;
	s18 =	ssub.s32 s18, s12;
	s19 =	sor.u32 $0x30, s28  }
0x1a: {  	s20 =	ssub.s32 s20, s13;
	s0 =	sadd.s32 s8, s26;
	s25 =	smul.u32 $0x9600, s19  }
0x1b: {  	s12 =	sor.u32 $0x1C09, s24;
	[dreg:$0x7] =	wrdreg s0;
	s18 =	sshll.u32 s18, $0x18  }
0x1c: {  	s0 =	sshra.s32 s18, $0x18;
	s13 =	sshrl.u32 s25, $0x2;
	s25 =	sshll.u32 s20, $0x18  }
0x1d: {  	s16 =	sadd.s32 $0x6, s0;
	s0 =	smul.u32 $0x2580, s19;
	s19 =	sadd.s32 s10, s3  }
0x1e: {  	s24 =	sadd.s32 s13, s3;
	s13 =	sshll.u32 s14, $0x18;
	s14 =	sadd.s32 s7, s26  }
0x1f: {  	s26 =	smul.u32 $0x2580, s28;
	[dreg:$0x6] =	wrdreg s14;
	s17 =	sshra.s32 s13, $0x18  }
0x20: {  	s13 =	sshra.s32 s25, $0x18;
	s14 =	smul.u32 $0x2580, s22;
	s25 =	sshrl.u32 s10, $0x3  }
0x21: {  	s15 =	sadd.s32 $0x6, s17;
	s22 =	sshrl.u32 s26, $0x3;
	s26 =	sadd.s32 s26, s3  }
0x22: {  	s17 =	sadd.s32 $0x6, s13;
	[dreg:$0x8] =	wrdreg s26;
	s10 =	sshrl.u32 s14, $0x3  }
0x23: {  	s20 =	sadd.s32 s14, s3;
	s14 =	sshrl.u32 s0, $0x3;
	s26 =	sadd.s32 s0, s3  }
0x24: {  	s18 =	sadd.s32 s29, s22;
	s13 =	sadd.s32 s30, s22;
	[dreg:$0x9] =	wrdreg s14  }
0x25: {  	s0 =	sshrl.u32 @!p2 s24, $0x3;
	s24 =	simm.s32 $0x64;
	[dreg:$0xa] =	wrdreg s18  }
0x26: {  	[dreg:$0xb] =	wrdreg s13;
	s14 =	sadd.s32 s29, s25;
	s18 =	sadd.s32 s30, s25  }
.Ltmp0:
0x27: {  	s22 =	sadd.s32 s29, s10;
	[dreg:$0xc] =	wrdreg s14;
	(pc) =	sbr.rel .LBB2_1-.Ltmp0, $4  }
0x28: {  	s25 =	sadd.s32 s30, s10;
	s29 =	smax.u32 s1, $0x1;
	[dreg:$0xd] =	wrdreg s18  }
0x29: {  	s30 =	sshrl.u32 s11, $0x3;
	s1 =	sshrl.u32 s21, $0x3;
	[dreg:$0xe] =	wrdreg s22  }
0x2a: {  	s26 =	sshrl.u32 s26, $0x3;
	s10 =	simm.s32 $0x9;
	[dreg:$0xf] =	wrdreg s25  }
0x2b: {  	s11 =	simm.s32 $0x0;
	[dreg:$0x10] =	wrdreg s26;
	s18 =	simm.s32 $0x680  }
.LBB2_16:
0x2c: {  	s13 =	rddreg [dreg:$0x9]  }
0x2d: {  	s14 =	rddreg [dreg:$0x10];
	s13 =	sadd.s32 s22, s13  }
0x2e: {  	[hbm:s13], [sflag:s12] =	dma.local [spmem:s14], $0x4B0  }
0x2f: {  	_ =	swait.ge [sflag:s10], $0x4B0  }
0x30: {  	[sflag:s10] =	ssyncset.done $0x0  }
0x31: {  	[sflag:s10] =	ssyncadd.s32 $0xFFFFFB50  }
.LBB2_17:
0x32: {  	s11 =	sadd.s32 $0x1, s11  }
0x33: {  	p4 =	sne.s32 s11, s29  }
.Ltmp1:
0x34: {  	_ = 	snop;
	(pc) =	sbr.rel @!p4 .LBB2_18-.Ltmp1, $1  }
0x35: {  	_ =	sdelay $0x3  }
.LBB2_1:
0x36: {  	[spmem:s30], [sflag:s12] =	dma.local [hbm:s2], $0x4B0  }
0x37: {  	_ =	swait.ge [sflag:s10], $0x4B0  }
0x38: {  	[sflag:s10] =	ssyncset.done $0x0  }
0x39: {  	[sflag:s10] =	ssyncadd.s32 $0xFFFFFB50  }
0x3a: {  	[spmem:s31], [sflag:s12] =	dma.local [hbm:s2], $0x4B0  }
0x3b: {  	_ =	swait.ge [sflag:s10], $0x4B0  }
0x3c: {  	[sflag:s10] =	ssyncset.done $0x0  }
0x3d: {  	[sflag:s10] =	ssyncadd.s32 $0xFFFFFB50  }
0x3e: {  	[spmem:s1], [sflag:s12] =	dma.local [hbm:s2], $0x4B0  }
0x3f: {  	_ =	swait.ge [sflag:s10], $0x4B0  }
0x40: {  	[sflag:s10] =	ssyncset.done $0x0  }
0x41: {  	s22 =	simm.s32 @!p2 $0x9;
	[sflag:s10] =	ssyncadd.s32 $0xFFFFFB50  }
0x42: {  	[spmem:s0], [sflag:s12] =	dma.local @!p2 [hbm:s2], $0x4B0  }
0x43: {  	_ =	swait.ge @!p2 [sflag:s22], $0x4B0  }
0x44: {  	[sflag:s22] =	ssyncset.done @!p2 $0x0  }
0x45: {  	[sflag:s22] =	ssyncadd.s32 @!p2 $0xFFFFFB50  }
0x46: {  	[bflag:$0x0] =	sbarrier.arrive $0xFFFF  }
0x47: {  	s13 =	rddreg [dreg:$0x6]  }
0x48: {  	[tilespmem:s5], [sflag:$0x1] =	stream.linear.gather [hbm4b:s13+s5], $0x340, $0x38;
	[tilespmem:$0xBA70] =	vst v63  }
0x49: {  	s28 =	rddreg [dreg:$0x7]  }
0x4a: {  	[tilespmem:s18], [sflag:$0x1] =	stream.linear.gather [hbm4b:s28+s5], $0x340, $0x38;
	[tilespmem:$0xBA70] =	vst v63  }
0x4b: {  	_ =	swait.ge [sflag:s23], $0x340  }
.Ltmp2:
0x4c: {  	[sflag:s23] =	ssyncset.done $0x0;
	(pc) =	sbr.rel @p1 .LBB2_13-.Ltmp2, $4  }
0x4d: {  	[sflag:s23] =	ssyncadd.s32 $0xFFFFFCC0  }
0x4e: {  	_ =	swait.ge [sflag:s23], $0x340  }
0x4f: {  	[sflag:s23] =	ssyncset.done $0x0  }
0x50: {  	[sflag:s23] =	ssyncadd.s32 $0xFFFFFCC0  }
.Ltmp3:
0x51: {  	(pc) =	sbr.rel .LBB2_3-.Ltmp3, $3  }
0x52: {  	_ =	sdelay $0x1  }
0x53: {  	s25 =	simm.s32 $0x0;
	s13 =	simm.s32 $0xD00  }
0x54: {  	[tilespmem:s13], [sflag:$0x3] =	stream.indirect.gather [hbm4b:s6+s24], $0x30, s25, s24, $0xb8;
	[tilespmem:$0xBA70] =	vst v63  }
.LBB2_5:
0x55: {  	p4 =	sne.s32 s26, $0x7;
	s22 =	sadd.s32 $0x1, s25  }
0x56: {  	p5 =	sge.u32 @!p4 s22, s9  }
0x57: {  	p4 =	por p4, p5  }
.Ltmp4:
0x58: {  	_ = 	snop;
	(pc) =	sbr.rel @p4 .LBB2_7-.Ltmp4, $1  }
0x59: {  	_ =	sdelay $0x3  }
0x5a: {  	s13 =	sxor.u32 $0x1, s28  }
0x5b: {  	s13 =	sadd.s32 $0x1, s13  }
0x5c: {  	_ =	swait.ge [sflag:s13], $0x340  }
0x5d: {  	[sflag:s13] =	ssyncset.done $0x0  }
0x5e: {  	[sflag:s13] =	ssyncadd.s32 $0xFFFFFCC0  }
0x5f: {  	_ =	swait.ge [sflag:s13], $0x340  }
0x60: {  	[sflag:s13] =	ssyncset.done $0x0  }
0x61: {  	[sflag:s13] =	ssyncadd.s32 $0xFFFFFCC0  }
.LBB2_9:
0x62: {  	s13 =	sadd.s32 $0xFFFFFFFE, s25  }
0x63: {  	s14 =	smulhi.u32 $0xAAAAAAAB, s13;
	_ =	sdelay $0x1  }
0x64: {  	s14 =	sshrl.u32 s14, $0x1  }
0x65: {  	s14 =	smul.u32 $0x3, s14;
	_ =	sdelay $0x1  }
0x66: {  	s13 =	ssub.s32 s13, s14  }
0x67: {  	s13 =	sadd.s32 $0x6, s13  }
0x68: {  	_ =	swait.ge [sflag:s13], $0x12C0  }
0x69: {  	[sflag:s13] =	ssyncset.done $0x0  }
0x6a: {  	[sflag:s13] =	ssyncadd.s32 $0xFFFFED40  }
.LBB2_10:
0x6b: {  	s13 =	smulhi.u32 $0xAAAAAAAB, s22;
	_ =	sdelay $0x1  }
0x6c: {  	s13 =	sshrl.u32 s13, $0x1  }
0x6d: {  	s13 =	smul.u32 $0x3, s13  }
0x6e: {  	s14 =	sand.u32 $0x7, s22  }
0x6f: {  	s14 =	smul.u32 $0x1A0, s14;
	s13 =	ssub.s32 s22, s13  }
0x70: {  	s18 =	sshll.u32 s22, $0x1C;
	s21 =	smul.u32 $0x4B00, s13  }
0x71: {  	s18 =	sshra.s32 s18, $0x1F  }
0x72: {  	s18 =	sand.u32 $0x340, s18;
	s14 =	sshrl.u32 s14, $0x2;
	s21 =	sshrl.u32 s21, $0x2  }
0x73: {  	s14 =	sadd.s32 s14, s18;
	s13 =	sadd.s32 $0x3, s13;
	s21 =	sadd.s32 $0xD00, s21  }
0x74: {  	[tilespmem:s21], [sflag:s13] =	stream.indirect.gather [hbm4b:s6+s24], $0x30, s14, s24, $0xb8;
	[tilespmem:$0xBA70] =	vst v63  }
.LBB2_11:
0x75: {  	s13 =	smulhi.u32 $0xAAAAAAAB, s25;
	_ =	sdelay $0x1  }
0x76: {  	s18 =	smul.u32 $0xD00, s28;
	s13 =	sshrl.u32 s13, $0x1  }
0x77: {  	s13 =	smul.u32 $0x3, s13  }
0x78: {  	s21 =	smul.u32 $0x1A0, s26  }
0x79: {  	p4 =	slt.u32 s22, s9;
	s13 =	ssub.s32 s25, s13  }
0x7a: {  	s18 =	sshrl.u32 s18, $0x2;
	s21 =	sshrl.u32 s21, $0x2;
	s14 =	smul.u32 $0x4B00, s13  }
.Ltmp5:
0x7b: {  	s18 =	sadd.s32 s21, s18;
	s25 =	sadd.s32 $0x3, s13;
	(pc) =	sbr.rel @!p4 .LBB2_12-.Ltmp5, $4  }
0x7c: {  	s18 =	sadd.s32 $0x680, s18;
	_ =	swait.ge [sflag:s25], $0x12C0  }
0x7d: {  	s13 =	sadd.s32 $0x6, s13;
	s14 =	sshrl.u32 s14, $0x2;
	[sflag:s25] =	ssyncset.done $0x0  }
0x7e: {  	s14 =	sadd.s32 $0xD00, s14;
	[sflag:s25] =	ssyncadd.s32 $0xFFFFED40;
	s25 =	smov.u32 s22  }
0x7f: {  	[spmem:s3] =	stream.indirect.scatter.add.f32 [tilespmem:s14], [sflag:s13], $0x30, s18, s24, $0xb8;
	[tilespmem:$0xBA70] =	vst v63  }
.LBB2_3:
0x80: {  	s26 =	sand.u32 $0x7, s25;
	s22 =	sand.u32 $0x7FFFFFF8, s25  }
0x81: {  	p4 =	sne.s32 s26, $0x2;
	s22 =	sadd.s32 $0x8, s22  }
0x82: {  	p5 =	sge.s32 @!p4 s22, s9  }
0x83: {  	p4 =	por p4, p5  }
.Ltmp6:
0x84: {  	_ = 	snop;
	(pc) =	sbr.rel @p4 .LBB2_5-.Ltmp6, $3  }
0x85: {  	_ =	sdelay $0x1  }
0x86: {  	s28 =	sshrl.u32 s25, $0x3  }
0x87: {  	s28 =	sand.u32 $0x1, s28  }
0x88: {  	s22 =	sadd.s32 s4, s22  }
0x89: {  	s22 =	smul.u32 $0x68, s22  }
0x8a: {  	s21 =	sxor.u32 $0x1, s28  }
0x8b: {  	s13 =	smul.u32 $0x340, s21;
	s22 =	sshrl.u32 s22, $0x3  }
0x8c: {  	s21 =	sadd.s32 $0x1, s21;
	s14 =	sadd.s32 s7, s22  }
0x8d: {  	[tilespmem:s13], [sflag:s21] =	stream.linear.gather [hbm4b:s14+s5], $0x340, $0x38;
	[tilespmem:$0xBA70] =	vst v63  }
0x8e: {  	s22 =	sadd.s32 s8, s22;
	s13 =	sadd.s32 $0x680, s13  }
0x8f: {  	[tilespmem:s13], [sflag:s21] =	stream.linear.gather [hbm4b:s22+s5], $0x340, $0x38;
	[tilespmem:$0xBA70] =	vst v63  }
0x90: {  	s22 =	sor.u32 $0x1, s25  }
0x91: {  	p4 =	slt.u32 s22, s9  }
.Ltmp7:
0x92: {  	_ = 	snop;
	(pc) =	sbr.rel @p4 .LBB2_9-.Ltmp7, $4  }
.Ltmp8:
0x93: {  	_ = 	snop;
	(pc) =	sbr.rel @!p4 .LBB2_11-.Ltmp8, $4  }
0x94: {  	_ = 	snop  }
0x95: {  	_ = 	snop  }
0x96: {  	_ = 	snop  }
0x97: {  	_ = 	snop  }
.LBB2_7:
0x98: {  	p4 =	sge.u32 s22, s9  }
.Ltmp9:
0x99: {  	_ = 	snop;
	(pc) =	sbr.rel @p4 .LBB2_11-.Ltmp9, $1  }
0x9a: {  	_ =	sdelay $0x3  }
0x9b: {  	p4 =	slt.u32 s25, $0x2  }
.Ltmp10:
0x9c: {  	_ = 	snop;
	(pc) =	sbr.rel @p4 .LBB2_10-.Ltmp10, $4  }
.Ltmp11:
0x9d: {  	_ = 	snop;
	(pc) =	sbr.rel @!p4 .LBB2_9-.Ltmp11, $4  }
0x9e: {  	_ = 	snop  }
0x9f: {  	_ = 	snop  }
0xa0: {  	_ = 	snop  }
0xa1: {  	_ = 	snop  }
.LBB2_12:
0xa2: {  	_ =	swait.ge [sflag:s15], $0x12C0  }
0xa3: {  	[sflag:s15] =	ssyncset.done $0x0  }
0xa4: {  	[sflag:s15] =	ssyncadd.s32 $0xFFFFED40  }
0xa5: {  	_ =	swait.ge [sflag:s16], $0x12C0  }
0xa6: {  	[sflag:s16] =	ssyncset.done $0x0  }
0xa7: {  	[sflag:s16] =	ssyncadd.s32 $0xFFFFED40  }
0xa8: {  	_ =	swait.ge [sflag:s17], $0x12C0  }
0xa9: {  	[sflag:s17] =	ssyncset.done $0x0  }
0xaa: {  	s18 =	simm.s32 $0x680;
	[sflag:s17] =	ssyncadd.s32 $0xFFFFED40  }
.LBB2_13:
.Ltmp12:
0xab: {  	(pc) =	sbr.rel @!p0 .LBB2_14-.Ltmp12, $4  }
0xac: {  	_ = 	snop  }
0xad: {  	[bflag:$0x0] =	sbarrier.arrive $0xFFFF  }
0xae: {  	s13 =	rddreg [dreg:$0x8]  }
0xaf: {  	s22 =	sshrl.u32 s13, $0x3  }
0xb0: {  	s13 =	rddreg [dreg:$0xb]  }
0xb1: {  	[hbm:s13], [sflag:s12] =	dma.local [spmem:s22], $0x4B0  }
0xb2: {  	_ =	swait.ge [sflag:s10], $0x4B0  }
0xb3: {  	[sflag:s10] =	ssyncset.done $0x0  }
0xb4: {  	s25 =	sshrl.u32 s19, $0x3;
	s14 =	rddreg [dreg:$0xd];
	[sflag:s10] =	ssyncadd.s32 $0xFFFFFB50  }
0xb5: {  	[hbm:s14], [sflag:s12] =	dma.local [spmem:s25], $0x4B0  }
0xb6: {  	_ =	swait.ge [sflag:s10], $0x4B0  }
0xb7: {  	[sflag:s10] =	ssyncset.done $0x0  }
0xb8: {  	s26 =	sshrl.u32 s20, $0x3;
	s28 =	rddreg [dreg:$0xf];
	[sflag:s10] =	ssyncadd.s32 $0xFFFFFB50  }
0xb9: {  	[hbm:s28], [sflag:s12] =	dma.local [spmem:s26], $0x4B0  }
.Ltmp13:
0xba: {  	_ = 	snop;
	(pc) =	sbr.rel @p2 .LBB2_17-.Ltmp13, $4  }
.Ltmp14:
0xbb: {  	_ = 	snop;
	(pc) =	sbr.rel @!p2 .LBB2_16-.Ltmp14, $4  }
0xbc: {  	_ =	swait.ge [sflag:s10], $0x4B0  }
0xbd: {  	[sflag:s10] =	ssyncset.done $0x0  }
0xbe: {  	s22 =	rddreg [dreg:$0x5];
	[sflag:s10] =	ssyncadd.s32 $0xFFFFFB50  }
0xbf: {  	_ = 	snop  }
.LBB2_14:
0xc0: {  	s13 =	rddreg [dreg:$0xa]  }
0xc1: {  	[hbm:s13], [sflag:s12] =	dma.local [spmem:s22], $0x4B0  }
0xc2: {  	_ =	swait.ge [sflag:s10], $0x4B0  }
0xc3: {  	[sflag:s10] =	ssyncset.done $0x0  }
0xc4: {  	s25 =	sshrl.u32 s19, $0x3;
	s14 =	rddreg [dreg:$0xc];
	[sflag:s10] =	ssyncadd.s32 $0xFFFFFB50  }
0xc5: {  	[hbm:s14], [sflag:s12] =	dma.local [spmem:s25], $0x4B0  }
0xc6: {  	_ =	swait.ge [sflag:s10], $0x4B0  }
0xc7: {  	[sflag:s10] =	ssyncset.done $0x0  }
0xc8: {  	s26 =	sshrl.u32 s20, $0x3;
	s28 =	rddreg [dreg:$0xe];
	[sflag:s10] =	ssyncadd.s32 $0xFFFFFB50  }
0xc9: {  	[hbm:s28], [sflag:s12] =	dma.local [spmem:s26], $0x4B0  }
.Ltmp15:
0xca: {  	_ = 	snop;
	(pc) =	sbr.rel @p3 .LBB2_16-.Ltmp15, $4  }
.Ltmp16:
0xcb: {  	_ = 	snop;
	(pc) =	sbr.rel @!p3 .LBB2_17-.Ltmp16, $4  }
0xcc: {  	_ =	swait.ge [sflag:s10], $0x4B0  }
0xcd: {  	[sflag:s10] =	ssyncset.done $0x0  }
0xce: {  	s22 =	rddreg [dreg:$0x4];
	[sflag:s10] =	ssyncadd.s32 $0xFFFFFB50  }
0xcf: {  	_ = 	snop  }
.LBB2_18:
0xd0: {  	_ =	sfence.sel $0x180000  }
0xd1: {  	[bflag:$0x0] =	sbarrier.arrive $0xFFFF  }
0xd2: {  	_ =	strace $0x90000050  }
0xd3: {  	s0 =	stileid.u32;
	[bflag:$0x2] =	sbarrier.arrive $0xFFFF  }
0xd4: {  	p0 =	sne.s32 s0, $0x0;
	s0 =	rddreg [dreg:$0x3]  }
0xd5: {  	s0 =	sadd.s32 @!p0 $0x100000, s0  }
0xd6: {  	[sflag:s0] =	ssyncadd.tile.s32 @!p0 $0x1;
	_ =	shalt  }
.Lfunc_end2:
_tile_overlayer_lowered:
.L_overlay_start_2:
0xd7: {  	(tag) =	ssettag $0x2  }
0xd8: {  	s0 =	rddreg [dreg:$0x0];
	s2 =	stileid.u32  }
0xd9: {  	s1 =	rddreg [dreg:$0x1];
	p0 =	sne.s32 s2, $0x0  }
0xda: {  	s3 =	rddreg [dreg:$0x2];
	[bflag:$0x3] =	sbarrier.arrive $0xFFFF;
	s2 =	simm.s32 @!p0 $0x1C09  }
0xdb: {  	[timem:s3], [sflag:s2] =	dma.local @!p0 [hbm:s0], s1  }
0xdc: {  	s0 =	simm.s32 @!p0 $0x9  }
0xdd: {  	_ =	swait.ge @!p0 [sflag:s0], s1  }
0xde: {  	s1 =	ssub.s32 @!p0 $0x0, s1;
	[sflag:s0] =	ssyncset.done @!p0 $0x0  }
0xdf: {  	[sflag:s0] =	ssyncadd.s32 @!p0 s1  }
0xe0: {  	[bflag:$0x3] =	sbarrier.arrive $0xFFFF  }
0xe1: {  	_ =	shalt  }

</sc_bundles>
